<compile_context>
chip_gen: v7x
topology: tpu7x:2x2x1
jax: 0.10.2.dev20260603
libtpu: 0.0.44.dev20260713+nightly
codegen_flags: <defaults>
</compile_context>

<pallas_src>
import functools

import jax
import jax.numpy as jnp
from jax import lax
from jax.experimental import pallas as pl
from jax.experimental.pallas import tpu as pltpu
from jax.experimental.pallas import tpu_sc as plsc

T, N, E, H = 3, 10000, 320000, 128
NC, NS = 2, 16
NPAD = 10240
RPS = NPAD // NS
K = 80
DK = 128
EPD = 327680
RB = 2000
NBLK = N // RB

_vmesh = plsc.VectorSubcoreMesh(core_axis_name="c", subcore_axis_name="s")



def _deg_body(dst_hbm, out_hbm, acc0, acc1, acc2, zbuf, ones, dstv):
    c = lax.axis_index("c")
    s = lax.axis_index("s")
    accs = [acc0, acc1, acc2]

    zero16 = jnp.zeros((16,), jnp.float32)
    one16 = jnp.ones((16,), jnp.float32)

    def fill_z(i, _):
        zbuf[i, :] = zero16
        return 0

    lax.fori_loop(0, 640, fill_z, 0)

    def fill_o(i, _):
        ones[i, :] = one16
        return 0

    lax.fori_loop(0, DK, fill_o, 0)

    for t in range(T):
        pltpu.sync_copy(zbuf, accs[t].at[pl.ds(s * 640, 640), :])
    plsc.subcore_barrier()

    per_sub = EPD // (NC * NS)
    base = c * (EPD // NC) + s * per_sub
    for t in range(T):
        acc = accs[t]
        tbase = t * EPD + base

        def body(g, _):
            pltpu.sync_copy(dst_hbm.at[pl.ds(tbase + g * DK, DK)], dstv)
            pltpu.sync_copy(ones, acc.at[dstv], add=True)
            return 0

        lax.fori_loop(0, per_sub // DK, body, 0)
    plsc.subcore_barrier()

    for t in range(T):
        pltpu.sync_copy(accs[t].at[pl.ds(s * 640, 640), :],
                        out_hbm.at[c * T + t, pl.ds(s * 640, 640), :])


def _zero_acc(acc, zbuf, s):
    zero16 = jnp.zeros((16,), jnp.float32)

    def fill_z(k, _):
        i = k // (H // 16)
        j = k % (H // 16)
        zbuf[i, pl.ds(j * 16, 16)] = zero16
        return 0

    lax.fori_loop(0, 128 * (H // 16), fill_z, 0)
    for r in range(RPS // 128):
        pltpu.sync_copy(zbuf, acc.at[pl.ds(s * RPS + r * 128, 128), :])


def _edge_loop(table_hbm, src_hbm, dst_hbm, acc, srcv, dstv, rows, sem,
               base, n_chunks):
    def body(g, _):
        off = base + g * K
        pltpu.sync_copy(src_hbm.at[pl.ds(off, K)], srcv)
        pltpu.sync_copy(dst_hbm.at[pl.ds(off, K)], dstv)
        pltpu.async_copy(table_hbm.at[srcv], rows, sem).wait()
        pltpu.sync_copy(rows, acc.at[dstv], add=True)
        return 0

    lax.fori_loop(0, n_chunks, body, 0)


def _prop1_body(u_hbm, src_hbm, dst_hbm, out_hbm, acc, zbuf, srcv, dstv, rows,
                sem):
    c = lax.axis_index("c")
    s = lax.axis_index("s")
    _zero_acc(acc, zbuf, s)
    plsc.subcore_barrier()
    per_sub = E // (NC * NS)
    base = c * (E // NC) + s * per_sub
    _edge_loop(u_hbm, src_hbm, dst_hbm, acc, srcv, dstv, rows, sem,
               base, per_sub // K)
    plsc.subcore_barrier()
    pltpu.sync_copy(acc.at[pl.ds(s * RPS, RPS), :],
                    out_hbm.at[c, pl.ds(s * RPS, RPS), :])


def _prop2_body(ua_hbm, ub_hbm, src_hbm, dst_hbm, out_hbm, acc, zbuf, srcv,
                dstv, rows, sem):
    c = lax.axis_index("c")
    s = lax.axis_index("s")
    _zero_acc(acc, zbuf, s)
    plsc.subcore_barrier()
    per_sub = E // NS
    base = s * per_sub

    @pl.when(c == 0)
    def _():
        _edge_loop(ua_hbm, src_hbm, dst_hbm, acc, srcv, dstv, rows, sem,
                   base, per_sub // K)

    @pl.when(c == 1)
    def _():
        _edge_loop(ub_hbm, src_hbm, dst_hbm, acc, srcv, dstv, rows, sem,
                   base, per_sub // K)

    plsc.subcore_barrier()
    pltpu.sync_copy(acc.at[pl.ds(s * RPS, RPS), :],
                    out_hbm.at[c, pl.ds(s * RPS, RPS), :])


_PROP_SCRATCH = [
    pltpu.VMEM_SHARED((NPAD, H), jnp.float32),
    pltpu.VMEM((128, H), jnp.float32),
    pltpu.VMEM((K,), jnp.int32),
    pltpu.VMEM((K,), jnp.int32),
    pltpu.VMEM((K, H), jnp.float32),
    pltpu.SemaphoreType.DMA,
]

_deg_kernel = functools.partial(
    pl.kernel,
    out_type=jax.ShapeDtypeStruct((NC * T, NPAD, 16), jnp.float32),
    mesh=_vmesh,
    scratch_types=[
        pltpu.VMEM_SHARED((NPAD, 16), jnp.float32),
        pltpu.VMEM_SHARED((NPAD, 16), jnp.float32),
        pltpu.VMEM_SHARED((NPAD, 16), jnp.float32),
        pltpu.VMEM((640, 16), jnp.float32),
        pltpu.VMEM((DK, 16), jnp.float32),
        pltpu.VMEM((DK,), jnp.int32),
    ],
)(_deg_body)

_prop1_kernel = functools.partial(
    pl.kernel,
    out_type=jax.ShapeDtypeStruct((NC, NPAD, H), jnp.float32),
    mesh=_vmesh,
    scratch_types=_PROP_SCRATCH,
)(_prop1_body)

_prop2_kernel = functools.partial(
    pl.kernel,
    out_type=jax.ShapeDtypeStruct((NC, NPAD, H), jnp.float32),
    mesh=_vmesh,
    scratch_types=_PROP_SCRATCH,
)(_prop2_body)



def _scale_body(dp_ref, xs_ref, ux_ref, db_ref):
    dp = dp_ref[...]
    deg = dp[0, 0, :, 0:1] + dp[1, 0, :, 0:1] + 1.0
    dinv = lax.rsqrt(deg)
    ux_ref[0] = xs_ref[0] * dinv
    db_ref[0] = jnp.broadcast_to(dinv, (RB, H))


def _tc_scale(dp, xs):
    return pl.pallas_call(
        _scale_body,
        grid=(T, NBLK),
        in_specs=[
            pl.BlockSpec((2, 1, RB, 16), lambda t, b: (0, t, b, 0)),
            pl.BlockSpec((1, RB, H), lambda t, b: (t, b, 0)),
        ],
        out_specs=[
            pl.BlockSpec((1, RB, H), lambda t, b: (t, b, 0)),
            pl.BlockSpec((1, RB, H), lambda t, b: (t, b, 0)),
        ],
        out_shape=[
            jax.ShapeDtypeStruct((T, N, H), jnp.float32),
            jax.ShapeDtypeStruct((T, N, H), jnp.float32),
        ],
    )(dp, xs)


def _gates0_body(pp_ref, ux_ref, db0_ref, db1_ref, wz_ref, wh_ref, bz_ref,
                 bh_ref, h_ref, uh_ref):
    p = (pp_ref[0] + pp_ref[1] + ux_ref[...]) * db0_ref[...]
    z = jax.nn.sigmoid(
        jnp.dot(p, wz_ref[...], preferred_element_type=jnp.float32)
        + bz_ref[...])
    hh = jnp.tanh(
        jnp.dot(p, wh_ref[...], preferred_element_type=jnp.float32)
        + bh_ref[...])
    h1 = (1.0 - z) * hh
    h_ref[...] = h1
    uh_ref[...] = h1 * db1_ref[...]


def _tc_gates0(pp, ux, db0, db1, wz, wh, bz, bh):
    row = pl.BlockSpec((RB, H), lambda b: (b, 0))
    full = pl.BlockSpec((H, H), lambda b: (0, 0))
    bias = pl.BlockSpec((1, H), lambda b: (0, 0))
    return pl.pallas_call(
        _gates0_body,
        grid=(NBLK,),
        in_specs=[pl.BlockSpec((2, RB, H), lambda b: (0, b, 0)),
                  row, row, row, full, full, bias, bias],
        out_specs=[row, row],
        out_shape=[jax.ShapeDtypeStruct((N, H), jnp.float32),
                   jax.ShapeDtypeStruct((N, H), jnp.float32)],
    )(pp, ux, db0, db1, wz, wh, bz, bh)


def _gates_body(pf_ref, qf_ref, ux_ref, uh_ref, db_ref, h_ref, wxz_ref,
                whz_ref, wxr_ref, whr_ref, wxh_ref, bz_ref, br_ref, bxh_ref,
                z_ref, xh_ref, ug_ref):
    db = db_ref[...]
    p = (pf_ref[...] + ux_ref[...]) * db
    q = (qf_ref[...] + uh_ref[...]) * db
    dot = lambda a, w: jnp.dot(a, w, preferred_element_type=jnp.float32)
    z = jax.nn.sigmoid(dot(p, wxz_ref[...]) + dot(q, whz_ref[...])
                       + bz_ref[...])
    r = jax.nn.sigmoid(dot(p, wxr_ref[...]) + dot(q, whr_ref[...])
                       + br_ref[...])
    z_ref[...] = z
    xh_ref[...] = dot(p, wxh_ref[...]) + bxh_ref[...]
    ug_ref[...] = r * h_ref[...] * db


def _tc_gates(pf, qf, ux, uh, db, h, wxz, whz, wxr, whr, wxh, bz, br, bxh):
    row = pl.BlockSpec((RB, H), lambda b: (b, 0))
    full = pl.BlockSpec((H, H), lambda b: (0, 0))
    bias = pl.BlockSpec((1, H), lambda b: (0, 0))
    return pl.pallas_call(
        _gates_body,
        grid=(NBLK,),
        in_specs=[row, row, row, row, row, row,
                  full, full, full, full, full, bias, bias, bias],
        out_specs=[row, row, row],
        out_shape=[jax.ShapeDtypeStruct((N, H), jnp.float32),
                   jax.ShapeDtypeStruct((N, H), jnp.float32),
                   jax.ShapeDtypeStruct((N, H), jnp.float32)],
    )(pf, qf, ux, uh, db, h, wxz, whz, wxr, whr, wxh, bz, br, bxh)


def _final_body(sp_ref, ug_ref, db_ref, xh_ref, z_ref, h0_ref, whh_ref,
                bhh_ref, dbn_ref, h_ref, uhn_ref):
    sv = (sp_ref[0] + sp_ref[1] + ug_ref[...]) * db_ref[...]
    hh = jnp.tanh(
        xh_ref[...]
        + jnp.dot(sv, whh_ref[...], preferred_element_type=jnp.float32)
        + bhh_ref[...])
    z = z_ref[...]
    hn = z * h0_ref[...] + (1.0 - z) * hh
    h_ref[...] = hn
    uhn_ref[...] = hn * dbn_ref[...]


def _tc_final(sp, ug, db, xh, z, h0, whh, bhh, dbn):
    row = pl.BlockSpec((RB, H), lambda b: (b, 0))
    full = pl.BlockSpec((H, H), lambda b: (0, 0))
    bias = pl.BlockSpec((1, H), lambda b: (0, 0))
    return pl.pallas_call(
        _final_body,
        grid=(NBLK,),
        in_specs=[pl.BlockSpec((2, RB, H), lambda b: (0, b, 0)),
                  row, row, row, row, bias, full, bias, row],
        out_specs=[row, row],
        out_shape=[jax.ShapeDtypeStruct((N, H), jnp.float32),
                   jax.ShapeDtypeStruct((N, H), jnp.float32)],
    )(sp, ug, db, xh, z, h0, whh, bhh, dbn)



def kernel(xs, eis, W_xz, b_xz, W_hz, b_hz, W_xr, b_xr, W_hr, b_hr,
           W_xh, b_xh, W_hh, b_hh):
    srcs = eis[:, 0, :]
    dsts = eis[:, 1, :]

    pad_dst = jnp.full((T, EPD - E), NPAD - 1, jnp.int32)
    dsts_pad = jnp.concatenate([dsts, pad_dst], axis=1)
    deg_parts = _deg_kernel(dsts_pad.reshape(-1))
    dp = deg_parts.reshape(NC, T, NPAD, 16)[:, :, :N, :]
    ux3, db3 = _tc_scale(dp, xs)

    bz = (b_xz + b_hz).reshape(1, H)
    br = (b_xr + b_hr).reshape(1, H)
    bh0 = (b_xh + b_hh).reshape(1, H)
    bxh = b_xh.reshape(1, H)
    bhh = b_hh.reshape(1, H)

    pp = _prop1_kernel(ux3[0], srcs[0], dsts[0])[:, :N, :]
    h, uh = _tc_gates0(pp, ux3[0], db3[0], db3[1], W_xz, W_xh, bz, bh0)
    hs = [h]
    for t in (1, 2):
        pq = _prop2_kernel(ux3[t], uh, srcs[t], dsts[t])[:, :N, :]
        z, xh, ug = _tc_gates(pq[0], pq[1], ux3[t], uh, db3[t], h,
                              W_xz, W_hz, W_xr, W_hr, W_xh, bz, br, bxh)
        sp = _prop1_kernel(ug, srcs[t], dsts[t])[:, :N, :]
        dbn = db3[t + 1] if t + 1 < T else db3[t]
        h, uh = _tc_final(sp, ug, db3[t], xh, z, h[0:1], W_hh, bhh, dbn)
        hs.append(h)
    return jnp.stack(hs)

# --- scband reference (transcript-rebuilt; emitter-appended) ---
"""Pipeline reference for scband-graph-gru-9174050144929 (READ-ONLY COPY).

The authoritative reference and input builder live on the scoring server;
editing this copy changes nothing except your own understanding.
"""

import jax, jax.numpy as jnp
import numpy as np

T, N, E = 3, 10000, 320000
IN_SIZE, HIDDEN = 128, 128


def _gcn_conv(x, ei, W, b):
    # PyG GCNConv with add_self_loops=True and symmetric normalization:
    # out = D^{-1/2} (A + I) D^{-1/2} (x W) + b
    n = x.shape[0]
    src = jnp.concatenate([ei[0], jnp.arange(n, dtype=ei.dtype)])
    dst = jnp.concatenate([ei[1], jnp.arange(n, dtype=ei.dtype)])
    deg = jnp.zeros((n,), dtype=x.dtype).at[dst].add(1.0)
    dinv = jnp.where(deg > 0, jax.lax.rsqrt(deg), 0.0)
    norm = dinv[src] * dinv[dst]
    xw = x @ W
    msg = jnp.take(xw, src, axis=0) * norm[:, None]
    out = jnp.zeros((n, W.shape[1]), dtype=x.dtype).at[dst].add(msg)
    return out + b


def setup_inputs(seed: int = 0) -> dict:
    key = jax.random.key(seed)
    ks = jax.random.split(key, 16)
    inp = {
        "xs": jax.random.normal(ks[0], (T, N, IN_SIZE), dtype=jnp.float32),
        "eis": jax.random.randint(ks[1], (T, 2, E), 0, N, dtype=jnp.int64 if jax.config.jax_enable_x64 else jnp.int32).astype(jnp.int32),
    }
    # 6 GCNConv layers (n_layers=1): xz, hz, xr, hr, xh, hh
    names = ["xz", "hz", "xr", "hr", "xh", "hh"]
    in_dims = {"xz": IN_SIZE, "xr": IN_SIZE, "xh": IN_SIZE, "hz": HIDDEN, "hr": HIDDEN, "hh": HIDDEN}
    for i, nm in enumerate(names):
        d_in = in_dims[nm]
        inp[f"W_{nm}"] = jax.random.normal(ks[2 + i], (d_in, HIDDEN), dtype=jnp.float32) * (1.0 / np.sqrt(d_in))
        inp[f"b_{nm}"] = jnp.zeros((HIDDEN,), dtype=jnp.float32)
    return inp


def reference(xs, eis, W_xz, b_xz, W_hz, b_hz, W_xr, b_xr, W_hr, b_hr, W_xh, b_xh, W_hh, b_hh):
    # Faithful translation of GraphGRU.forward with n_layers=1.
    # Dropout(0.25) treated as eval-mode identity.
    # Note: original code uses h[i] (i = layer index = 0) in the GRU update, which
    # broadcasts the first node's hidden state; reproduced faithfully here.
    n = xs.shape[1]
    h = jnp.zeros((n, HIDDEN), dtype=xs.dtype)
    h_out_list = []
    for t in range(xs.shape[0]):
        x = xs[t]
        ei = eis[t]
        z_g = jax.nn.sigmoid(_gcn_conv(x, ei, W_xz, b_xz) + _gcn_conv(h, ei, W_hz, b_hz))
        r_g = jax.nn.sigmoid(_gcn_conv(x, ei, W_xr, b_xr) + _gcn_conv(h, ei, W_hr, b_hr))
        h_hat = jnp.tanh(_gcn_conv(x, ei, W_xh, b_xh) + _gcn_conv(r_g * h, ei, W_hh, b_hh))
        h = z_g * h[0] + (1.0 - z_g) * h_hat
        h_out_list.append(h)
    return jnp.stack(h_out_list)

if __name__ == "__main__":
    import jax
    _d = setup_inputs()
    print(jax.jit(kernel)(*tuple(_d.values())))

</pallas_src>

<mosaic_0001>
#map = affine_map<(d0, d1) -> (0, 0)>
#map1 = affine_map<(d0, d1) -> (0)>
#map2 = affine_map<(d0, d1) -> (0, 0, 0)>
module attributes {stable_mosaic.version = 14 : i64} {
  func.func @_prop2_body(%arg0: i32, %arg1: i32, %arg2: memref<10000x128xf32, #tpu.memory_space<hbm>>, %arg3: memref<10000x128xf32, #tpu.memory_space<hbm>>, %arg4: memref<320000xi32, #tpu.memory_space<hbm>>, %arg5: memref<320000xi32, #tpu.memory_space<hbm>>, %arg6: memref<2x10240x128xf32, #tpu.memory_space<hbm>>, %arg7: memref<10240x128xf32, #tpu.memory_space<vmem_shared>>, %arg8: memref<128x128xf32, #tpu.memory_space<vmem>>, %arg9: memref<80xi32, #tpu.memory_space<vmem>>, %arg10: memref<80xi32, #tpu.memory_space<vmem>>, %arg11: memref<80x128xf32, #tpu.memory_space<vmem>>, %arg12: memref<!tpu.dma_semaphore, #tpu.memory_space<semaphore_mem>>) attributes {dimension_semantics = [#tpu.dimension_semantics<core_parallel>, #tpu.dimension_semantics<subcore_parallel>], iteration_bounds = array<i64: 2, 16>, scalar_prefetch = 0 : i64, scratch_operands = 6 : i64, tpu.core_type = #tpu.core_type<sc_vector_subcore>, window_params = [{transform_indices = #map}, {transform_indices = #map}, {transform_indices = #map1}, {transform_indices = #map1}, {transform_indices = #map2}]} {
    %broadcast_in_dim3A = arith.constant 0.000000e+00 : f32
    %broadcast_in_dim3A_0 = vector.broadcast %broadcast_in_dim3A : f32 to vector<16xf32>
    %scan3A = arith.constant 0 : i32
    %scan3A_1 = arith.constant 0 : i32
    %scan3A_2 = arith.constant 1024 : i32
    %scan3A_3 = arith.addi %scan3A_1, %scan3A_2 : i32
    %scan3A_4 = arith.constant 1 : i32
    %scan3A_5 = scf.for %scan3A_39 = %scan3A_1 to %scan3A_3 step %scan3A_4 iter_args(%scan3A_40 = %scan3A) -> (i32)  : i32 {
      %jit3A = arith.constant 8 : i32
      %div3A = arith.divsi %scan3A_39, %jit3A : i32
      %sign3A = arith.constant 0 : i32
      %sign3A_41 = arith.cmpi sgt, %scan3A_39, %sign3A : i32
      %sign3A_42 = arith.extui %sign3A_41 : i1 to i32
      %sign3A_43 = arith.constant 0 : i32
      %sign3A_44 = arith.cmpi slt, %scan3A_39, %sign3A_43 : i32
      %sign3A_45 = arith.extui %sign3A_44 : i1 to i32
      %sign3A_46 = arith.subi %sign3A_42, %sign3A_45 : i32
      %sign3A_47 = arith.constant 0 : i32
      %sign3A_48 = arith.cmpi sgt, %jit3A, %sign3A_47 : i32
      %sign3A_49 = arith.extui %sign3A_48 : i1 to i32
      %sign3A_50 = arith.constant 0 : i32
      %sign3A_51 = arith.cmpi slt, %jit3A, %sign3A_50 : i32
      %sign3A_52 = arith.extui %sign3A_51 : i1 to i32
      %sign3A_53 = arith.subi %sign3A_49, %sign3A_52 : i32
      %ne3A = arith.cmpi ne, %sign3A_46, %sign3A_53 : i32
      %rem3A = arith.remsi %scan3A_39, %jit3A : i32
      %ne3A_54 = arith.constant 0 : i32
      %ne3A_55 = arith.cmpi ne, %rem3A, %ne3A_54 : i32
      %and3A = arith.andi %ne3A, %ne3A_55 : i1
      %sub3A = arith.constant 1 : i32
      %sub3A_56 = arith.subi %div3A, %sub3A : i32
      %select_n3A = arith.select %and3A, %sub3A_56, %div3A : i32
      %jit3A_57 = arith.constant 8 : i32
      %eq3A_58 = arith.constant 0 : i32
      %eq3A_59 = arith.cmpi eq, %jit3A_57, %eq3A_58 : i32
      %jit3A_60 = arith.constant 1 : i32
      %select_n3A_61 = arith.select %eq3A_59, %jit3A_60, %jit3A_57 : i32
      %rem3A_62 = arith.remsi %scan3A_39, %select_n3A_61 : i32
      %ne3A_63 = arith.constant 0 : i32
      %ne3A_64 = arith.cmpi ne, %rem3A_62, %ne3A_63 : i32
      %lt3A = arith.constant 0 : i32
      %lt3A_65 = arith.cmpi slt, %rem3A_62, %lt3A : i32
      %lt3A_66 = arith.constant 0 : i32
      %lt3A_67 = arith.cmpi slt, %select_n3A_61, %lt3A_66 : i32
      %ne3A_68 = arith.xori %lt3A_65, %lt3A_67 : i1
      %and3A_69 = arith.andi %ne3A_68, %ne3A_64 : i1
      %add3A_70 = arith.addi %rem3A_62, %select_n3A_61 : i32
      %select_n3A_71 = arith.select %and3A_69, %add3A_70, %rem3A_62 : i32
      %mul3A_72 = arith.constant 16 : i32
      %mul3A_73 = arith.muli %select_n3A_71, %mul3A_72 : i32
      %swap3A = arith.index_cast %select_n3A : i32 to index
      %swap3A_74 = arith.index_cast %mul3A_73 : i32 to index
      %swap3A_75 = tpu.vector_load %arg8[%swap3A, %swap3A_74] {strides = array<i32>} : memref<128x128xf32, #tpu.memory_space<vmem>>, vector<1x16xf32>,
      %swap3A_76 = vector.shape_cast %swap3A_75 : vector<1x16xf32> to vector<16xf32>
      %swap3A_77 = vector.shape_cast %broadcast_in_dim3A_0 : vector<16xf32> to vector<1x16xf32>
      tpu.vector_store %arg8[%swap3A, %swap3A_74], %swap3A_77 {strides = array<i32>} : memref<128x128xf32, #tpu.memory_space<vmem>>, vector<1x16xf32>,
      %scan3A_78 = arith.constant 0 : i32
      scf.yield %scan3A_78 : i32
    }
    %scan3A_6 = arith.constant 1024 : i32
    %mul3A = arith.constant 640 : i32
    %mul3A_7 = arith.muli %arg1, %mul3A : i32
    %add3A = arith.constant 0 : i32
    %add3A_8 = arith.addi %mul3A_7, %add3A : i32
    "tpu.region"() ({
      %run_scoped3A = tpu.sem_alloc : memref<!tpu.dma_semaphore, #tpu.memory_space<semaphore_mem>>
      %dma_start3A = arith.constant 0 : i32
      %dma_start3A_39 = tpu.memref_slice %arg7[%add3A_8, %dma_start3A] : memref<10240x128xf32, #tpu.memory_space<vmem_shared>> -> memref<128x128xf32, #tpu.memory_space<vmem_shared>>
      %dma_start3A_40 = arith.constant 0 : i32
      %dma_start3A_41 = tpu.memref_slice %arg7[%add3A_8, %dma_start3A_40] : memref<10240x128xf32, #tpu.memory_space<vmem_shared>> -> memref<128x128xf32, #tpu.memory_space<vmem_shared>>
      tpu.enqueue_dma source(%arg8 : memref<128x128xf32, #tpu.memory_space<vmem>>) target(%dma_start3A_41 : memref<128x128xf32, #tpu.memory_space<vmem_shared>>) target_semaphore(%run_scoped3A : memref<!tpu.dma_semaphore, #tpu.memory_space<semaphore_mem>>)
      %dma_wait3A = arith.constant 0 : i32
      %dma_wait3A_42 = tpu.memref_slice %arg7[%add3A_8, %dma_wait3A] : memref<10240x128xf32, #tpu.memory_space<vmem_shared>> -> memref<128x128xf32, #tpu.memory_space<vmem_shared>>
      %dma_wait3A_43 = arith.constant 0 : i32
      %dma_wait3A_44 = tpu.memref_slice %arg7[%add3A_8, %dma_wait3A_43] : memref<10240x128xf32, #tpu.memory_space<vmem_shared>> -> memref<128x128xf32, #tpu.memory_space<vmem_shared>>
      tpu.wait_dma2 semaphore(%run_scoped3A : memref<!tpu.dma_semaphore, #tpu.memory_space<semaphore_mem>>) src(%arg8 : memref<128x128xf32, #tpu.memory_space<vmem>>) dst(%dma_wait3A_44 : memref<128x128xf32, #tpu.memory_space<vmem_shared>>)
      tpu.yield
    }) : () -> ()
    %mul3A_9 = arith.constant 640 : i32
    %mul3A_10 = arith.muli %arg1, %mul3A_9 : i32
    %add3A_11 = arith.constant 128 : i32
    %add3A_12 = arith.addi %mul3A_10, %add3A_11 : i32
    "tpu.region"() ({
      %run_scoped3A = tpu.sem_alloc : memref<!tpu.dma_semaphore, #tpu.memory_space<semaphore_mem>>
      %dma_start3A = arith.constant 0 : i32
      %dma_start3A_39 = tpu.memref_slice %arg7[%add3A_12, %dma_start3A] : memref<10240x128xf32, #tpu.memory_space<vmem_shared>> -> memref<128x128xf32, #tpu.memory_space<vmem_shared>>
      %dma_start3A_40 = arith.constant 0 : i32
      %dma_start3A_41 = tpu.memref_slice %arg7[%add3A_12, %dma_start3A_40] : memref<10240x128xf32, #tpu.memory_space<vmem_shared>> -> memref<128x128xf32, #tpu.memory_space<vmem_shared>>
      tpu.enqueue_dma source(%arg8 : memref<128x128xf32, #tpu.memory_space<vmem>>) target(%dma_start3A_41 : memref<128x128xf32, #tpu.memory_space<vmem_shared>>) target_semaphore(%run_scoped3A : memref<!tpu.dma_semaphore, #tpu.memory_space<semaphore_mem>>)
      %dma_wait3A = arith.constant 0 : i32
      %dma_wait3A_42 = tpu.memref_slice %arg7[%add3A_12, %dma_wait3A] : memref<10240x128xf32, #tpu.memory_space<vmem_shared>> -> memref<128x128xf32, #tpu.memory_space<vmem_shared>>
      %dma_wait3A_43 = arith.constant 0 : i32
      %dma_wait3A_44 = tpu.memref_slice %arg7[%add3A_12, %dma_wait3A_43] : memref<10240x128xf32, #tpu.memory_space<vmem_shared>> -> memref<128x128xf32, #tpu.memory_space<vmem_shared>>
      tpu.wait_dma2 semaphore(%run_scoped3A : memref<!tpu.dma_semaphore, #tpu.memory_space<semaphore_mem>>) src(%arg8 : memref<128x128xf32, #tpu.memory_space<vmem>>) dst(%dma_wait3A_44 : memref<128x128xf32, #tpu.memory_space<vmem_shared>>)
      tpu.yield
    }) : () -> ()
    %mul3A_13 = arith.constant 640 : i32
    %mul3A_14 = arith.muli %arg1, %mul3A_13 : i32
    %add3A_15 = arith.constant 256 : i32
    %add3A_16 = arith.addi %mul3A_14, %add3A_15 : i32
    "tpu.region"() ({
      %run_scoped3A = tpu.sem_alloc : memref<!tpu.dma_semaphore, #tpu.memory_space<semaphore_mem>>
      %dma_start3A = arith.constant 0 : i32
      %dma_start3A_39 = tpu.memref_slice %arg7[%add3A_16, %dma_start3A] : memref<10240x128xf32, #tpu.memory_space<vmem_shared>> -> memref<128x128xf32, #tpu.memory_space<vmem_shared>>
      %dma_start3A_40 = arith.constant 0 : i32
      %dma_start3A_41 = tpu.memref_slice %arg7[%add3A_16, %dma_start3A_40] : memref<10240x128xf32, #tpu.memory_space<vmem_shared>> -> memref<128x128xf32, #tpu.memory_space<vmem_shared>>
      tpu.enqueue_dma source(%arg8 : memref<128x128xf32, #tpu.memory_space<vmem>>) target(%dma_start3A_41 : memref<128x128xf32, #tpu.memory_space<vmem_shared>>) target_semaphore(%run_scoped3A : memref<!tpu.dma_semaphore, #tpu.memory_space<semaphore_mem>>)
      %dma_wait3A = arith.constant 0 : i32
      %dma_wait3A_42 = tpu.memref_slice %arg7[%add3A_16, %dma_wait3A] : memref<10240x128xf32, #tpu.memory_space<vmem_shared>> -> memref<128x128xf32, #tpu.memory_space<vmem_shared>>
      %dma_wait3A_43 = arith.constant 0 : i32
      %dma_wait3A_44 = tpu.memref_slice %arg7[%add3A_16, %dma_wait3A_43] : memref<10240x128xf32, #tpu.memory_space<vmem_shared>> -> memref<128x128xf32, #tpu.memory_space<vmem_shared>>
      tpu.wait_dma2 semaphore(%run_scoped3A : memref<!tpu.dma_semaphore, #tpu.memory_space<semaphore_mem>>) src(%arg8 : memref<128x128xf32, #tpu.memory_space<vmem>>) dst(%dma_wait3A_44 : memref<128x128xf32, #tpu.memory_space<vmem_shared>>)
      tpu.yield
    }) : () -> ()
    %mul3A_17 = arith.constant 640 : i32
    %mul3A_18 = arith.muli %arg1, %mul3A_17 : i32
    %add3A_19 = arith.constant 384 : i32
    %add3A_20 = arith.addi %mul3A_18, %add3A_19 : i32
    "tpu.region"() ({
      %run_scoped3A = tpu.sem_alloc : memref<!tpu.dma_semaphore, #tpu.memory_space<semaphore_mem>>
      %dma_start3A = arith.constant 0 : i32
      %dma_start3A_39 = tpu.memref_slice %arg7[%add3A_20, %dma_start3A] : memref<10240x128xf32, #tpu.memory_space<vmem_shared>> -> memref<128x128xf32, #tpu.memory_space<vmem_shared>>
      %dma_start3A_40 = arith.constant 0 : i32
      %dma_start3A_41 = tpu.memref_slice %arg7[%add3A_20, %dma_start3A_40] : memref<10240x128xf32, #tpu.memory_space<vmem_shared>> -> memref<128x128xf32, #tpu.memory_space<vmem_shared>>
      tpu.enqueue_dma source(%arg8 : memref<128x128xf32, #tpu.memory_space<vmem>>) target(%dma_start3A_41 : memref<128x128xf32, #tpu.memory_space<vmem_shared>>) target_semaphore(%run_scoped3A : memref<!tpu.dma_semaphore, #tpu.memory_space<semaphore_mem>>)
      %dma_wait3A = arith.constant 0 : i32
      %dma_wait3A_42 = tpu.memref_slice %arg7[%add3A_20, %dma_wait3A] : memref<10240x128xf32, #tpu.memory_space<vmem_shared>> -> memref<128x128xf32, #tpu.memory_space<vmem_shared>>
      %dma_wait3A_43 = arith.constant 0 : i32
      %dma_wait3A_44 = tpu.memref_slice %arg7[%add3A_20, %dma_wait3A_43] : memref<10240x128xf32, #tpu.memory_space<vmem_shared>> -> memref<128x128xf32, #tpu.memory_space<vmem_shared>>
      tpu.wait_dma2 semaphore(%run_scoped3A : memref<!tpu.dma_semaphore, #tpu.memory_space<semaphore_mem>>) src(%arg8 : memref<128x128xf32, #tpu.memory_space<vmem>>) dst(%dma_wait3A_44 : memref<128x128xf32, #tpu.memory_space<vmem_shared>>)
      tpu.yield
    }) : () -> ()
    %mul3A_21 = arith.constant 640 : i32
    %mul3A_22 = arith.muli %arg1, %mul3A_21 : i32
    %add3A_23 = arith.constant 512 : i32
    %add3A_24 = arith.addi %mul3A_22, %add3A_23 : i32
    "tpu.region"() ({
      %run_scoped3A = tpu.sem_alloc : memref<!tpu.dma_semaphore, #tpu.memory_space<semaphore_mem>>
      %dma_start3A = arith.constant 0 : i32
      %dma_start3A_39 = tpu.memref_slice %arg7[%add3A_24, %dma_start3A] : memref<10240x128xf32, #tpu.memory_space<vmem_shared>> -> memref<128x128xf32, #tpu.memory_space<vmem_shared>>
      %dma_start3A_40 = arith.constant 0 : i32
      %dma_start3A_41 = tpu.memref_slice %arg7[%add3A_24, %dma_start3A_40] : memref<10240x128xf32, #tpu.memory_space<vmem_shared>> -> memref<128x128xf32, #tpu.memory_space<vmem_shared>>
      tpu.enqueue_dma source(%arg8 : memref<128x128xf32, #tpu.memory_space<vmem>>) target(%dma_start3A_41 : memref<128x128xf32, #tpu.memory_space<vmem_shared>>) target_semaphore(%run_scoped3A : memref<!tpu.dma_semaphore, #tpu.memory_space<semaphore_mem>>)
      %dma_wait3A = arith.constant 0 : i32
      %dma_wait3A_42 = tpu.memref_slice %arg7[%add3A_24, %dma_wait3A] : memref<10240x128xf32, #tpu.memory_space<vmem_shared>> -> memref<128x128xf32, #tpu.memory_space<vmem_shared>>
      %dma_wait3A_43 = arith.constant 0 : i32
      %dma_wait3A_44 = tpu.memref_slice %arg7[%add3A_24, %dma_wait3A_43] : memref<10240x128xf32, #tpu.memory_space<vmem_shared>> -> memref<128x128xf32, #tpu.memory_space<vmem_shared>>
      tpu.wait_dma2 semaphore(%run_scoped3A : memref<!tpu.dma_semaphore, #tpu.memory_space<semaphore_mem>>) src(%arg8 : memref<128x128xf32, #tpu.memory_space<vmem>>) dst(%dma_wait3A_44 : memref<128x128xf32, #tpu.memory_space<vmem_shared>>)
      tpu.yield
    }) : () -> ()
    %barrier3A = arith.constant 0 : index
    tpu.barrier barrier_id(%barrier3A)
    %mul3A_25 = arith.constant 20000 : i32
    %mul3A_26 = arith.muli %arg1, %mul3A_25 : i32
    %eq3A = arith.constant 0 : i32
    %eq3A_27 = arith.cmpi eq, %arg0, %eq3A : i32
    %convert_element_type3A = arith.extui %eq3A_27 : i1 to i32
    %cond3A = arith.constant 0 : i32
    %cond3A_28 = arith.cmpi ne, %convert_element_type3A, %cond3A : i32
    scf.if %cond3A_28 {
      %scan3A_39 = arith.constant 0 : i32
      %scan3A_40 = arith.constant 0 : i32
      %scan3A_41 = arith.constant 250 : i32
      %scan3A_42 = arith.addi %scan3A_40, %scan3A_41 : i32
      %scan3A_43 = arith.constant 1 : i32
      %scan3A_44 = scf.for %scan3A_46 = %scan3A_40 to %scan3A_42 step %scan3A_43 iter_args(%scan3A_47 = %scan3A_39) -> (i32)  : i32 {
        %mul3A_48 = arith.constant 80 : i32
        %mul3A_49 = arith.muli %scan3A_46, %mul3A_48 : i32
        %add3A_50 = arith.addi %mul3A_26, %mul3A_49 : i32
        "tpu.region"() ({
          %run_scoped3A = tpu.sem_alloc : memref<!tpu.dma_semaphore, #tpu.memory_space<semaphore_mem>>
          %dma_start3A_56 = tpu.memref_slice %arg4[%add3A_50] : memref<320000xi32, #tpu.memory_space<hbm>> -> memref<80xi32, #tpu.memory_space<hbm>>
          %dma_start3A_57 = tpu.memref_slice %arg4[%add3A_50] : memref<320000xi32, #tpu.memory_space<hbm>> -> memref<80xi32, #tpu.memory_space<hbm>>
          tpu.enqueue_dma source(%dma_start3A_57 : memref<80xi32, #tpu.memory_space<hbm>>) target(%arg9 : memref<80xi32, #tpu.memory_space<vmem>>) target_semaphore(%run_scoped3A : memref<!tpu.dma_semaphore, #tpu.memory_space<semaphore_mem>>)
          %dma_wait3A_58 = tpu.memref_slice %arg4[%add3A_50] : memref<320000xi32, #tpu.memory_space<hbm>> -> memref<80xi32, #tpu.memory_space<hbm>>
          %dma_wait3A_59 = tpu.memref_slice %arg4[%add3A_50] : memref<320000xi32, #tpu.memory_space<hbm>> -> memref<80xi32, #tpu.memory_space<hbm>>
          tpu.wait_dma2 semaphore(%run_scoped3A : memref<!tpu.dma_semaphore, #tpu.memory_space<semaphore_mem>>) src(%dma_wait3A_59 : memref<80xi32, #tpu.memory_space<hbm>>) dst(%arg9 : memref<80xi32, #tpu.memory_space<vmem>>)
          tpu.yield
        }) : () -> ()
        "tpu.region"() ({
          %run_scoped3A = tpu.sem_alloc : memref<!tpu.dma_semaphore, #tpu.memory_space<semaphore_mem>>
          %dma_start3A_56 = tpu.memref_slice %arg5[%add3A_50] : memref<320000xi32, #tpu.memory_space<hbm>> -> memref<80xi32, #tpu.memory_space<hbm>>
          %dma_start3A_57 = tpu.memref_slice %arg5[%add3A_50] : memref<320000xi32, #tpu.memory_space<hbm>> -> memref<80xi32, #tpu.memory_space<hbm>>
          tpu.enqueue_dma source(%dma_start3A_57 : memref<80xi32, #tpu.memory_space<hbm>>) target(%arg10 : memref<80xi32, #tpu.memory_space<vmem>>) target_semaphore(%run_scoped3A : memref<!tpu.dma_semaphore, #tpu.memory_space<semaphore_mem>>)
          %dma_wait3A_58 = tpu.memref_slice %arg5[%add3A_50] : memref<320000xi32, #tpu.memory_space<hbm>> -> memref<80xi32, #tpu.memory_space<hbm>>
          %dma_wait3A_59 = tpu.memref_slice %arg5[%add3A_50] : memref<320000xi32, #tpu.memory_space<hbm>> -> memref<80xi32, #tpu.memory_space<hbm>>
          tpu.wait_dma2 semaphore(%run_scoped3A : memref<!tpu.dma_semaphore, #tpu.memory_space<semaphore_mem>>) src(%dma_wait3A_59 : memref<80xi32, #tpu.memory_space<hbm>>) dst(%arg10 : memref<80xi32, #tpu.memory_space<vmem>>)
          tpu.yield
        }) : () -> ()
        %dma_start3A = arith.constant 0 : i32
        %dma_start3A_51 = arith.constant 0 : i32
        %dma_start3A_52 = tpu.memref_slice %arg2[%dma_start3A, %dma_start3A_51] : memref<10000x128xf32, #tpu.memory_space<hbm>> -> memref<10000x128xf32, #tpu.memory_space<hbm>>
        tpu.enqueue_indirect_dma source(%dma_start3A_52 : memref<10000x128xf32, #tpu.memory_space<hbm>>) target(%arg11 : memref<80x128xf32, #tpu.memory_space<vmem>>) offsets(%arg9 : memref<80xi32, #tpu.memory_space<vmem>>) semaphore(%arg12 : memref<!tpu.dma_semaphore, #tpu.memory_space<semaphore_mem>>)
        %dma_wait3A = arith.constant 0 : i32
        %dma_wait3A_53 = arith.constant 0 : i32
        %dma_wait3A_54 = tpu.memref_slice %arg2[%dma_wait3A, %dma_wait3A_53] : memref<10000x128xf32, #tpu.memory_space<hbm>> -> memref<10000x128xf32, #tpu.memory_space<hbm>>
        tpu.wait_indirect_dma semaphore(%arg12 : memref<!tpu.dma_semaphore, #tpu.memory_space<semaphore_mem>>) src(%dma_wait3A_54 : memref<10000x128xf32, #tpu.memory_space<hbm>>) dst(%arg11 : memref<80x128xf32, #tpu.memory_space<vmem>>)
        "tpu.region"() ({
          %run_scoped3A = tpu.sem_alloc : memref<!tpu.dma_semaphore, #tpu.memory_space<semaphore_mem>>
          %dma_start3A_56 = arith.constant 0 : i32
          %dma_start3A_57 = arith.constant 0 : i32
          %dma_start3A_58 = tpu.memref_slice %arg7[%dma_start3A_56, %dma_start3A_57] : memref<10240x128xf32, #tpu.memory_space<vmem_shared>> -> memref<10240x128xf32, #tpu.memory_space<vmem_shared>>
          tpu.enqueue_indirect_dma source(%arg11 : memref<80x128xf32, #tpu.memory_space<vmem>>) target(%dma_start3A_58 : memref<10240x128xf32, #tpu.memory_space<vmem_shared>>) offsets(%arg10 : memref<80xi32, #tpu.memory_space<vmem>>) semaphore(%run_scoped3A : memref<!tpu.dma_semaphore, #tpu.memory_space<semaphore_mem>>) {add = true}
          %dma_wait3A_59 = arith.constant 0 : i32
          %dma_wait3A_60 = arith.constant 0 : i32
          %dma_wait3A_61 = tpu.memref_slice %arg7[%dma_wait3A_59, %dma_wait3A_60] : memref<10240x128xf32, #tpu.memory_space<vmem_shared>> -> memref<10240x128xf32, #tpu.memory_space<vmem_shared>>
          tpu.wait_indirect_dma semaphore(%run_scoped3A : memref<!tpu.dma_semaphore, #tpu.memory_space<semaphore_mem>>) src(%arg11 : memref<80x128xf32, #tpu.memory_space<vmem>>) dst(%dma_wait3A_61 : memref<10240x128xf32, #tpu.memory_space<vmem_shared>>)
          tpu.yield
        }) : () -> ()
        %scan3A_55 = arith.constant 0 : i32
        scf.yield %scan3A_55 : i32
      }
      %scan3A_45 = arith.constant 250 : i32
    } else {
    }
    %eq3A_29 = arith.constant 1 : i32
    %eq3A_30 = arith.cmpi eq, %arg0, %eq3A_29 : i32
    %convert_element_type3A_31 = arith.extui %eq3A_30 : i1 to i32
    %cond3A_32 = arith.constant 0 : i32
    %cond3A_33 = arith.cmpi ne, %convert_element_type3A_31, %cond3A_32 : i32
    scf.if %cond3A_33 {
      %scan3A_39 = arith.constant 0 : i32
      %scan3A_40 = arith.constant 0 : i32
      %scan3A_41 = arith.constant 250 : i32
      %scan3A_42 = arith.addi %scan3A_40, %scan3A_41 : i32
      %scan3A_43 = arith.constant 1 : i32
      %scan3A_44 = scf.for %scan3A_46 = %scan3A_40 to %scan3A_42 step %scan3A_43 iter_args(%scan3A_47 = %scan3A_39) -> (i32)  : i32 {
        %mul3A_48 = arith.constant 80 : i32
        %mul3A_49 = arith.muli %scan3A_46, %mul3A_48 : i32
        %add3A_50 = arith.addi %mul3A_26, %mul3A_49 : i32
        "tpu.region"() ({
          %run_scoped3A = tpu.sem_alloc : memref<!tpu.dma_semaphore, #tpu.memory_space<semaphore_mem>>
          %dma_start3A_56 = tpu.memref_slice %arg4[%add3A_50] : memref<320000xi32, #tpu.memory_space<hbm>> -> memref<80xi32, #tpu.memory_space<hbm>>
          %dma_start3A_57 = tpu.memref_slice %arg4[%add3A_50] : memref<320000xi32, #tpu.memory_space<hbm>> -> memref<80xi32, #tpu.memory_space<hbm>>
          tpu.enqueue_dma source(%dma_start3A_57 : memref<80xi32, #tpu.memory_space<hbm>>) target(%arg9 : memref<80xi32, #tpu.memory_space<vmem>>) target_semaphore(%run_scoped3A : memref<!tpu.dma_semaphore, #tpu.memory_space<semaphore_mem>>)
          %dma_wait3A_58 = tpu.memref_slice %arg4[%add3A_50] : memref<320000xi32, #tpu.memory_space<hbm>> -> memref<80xi32, #tpu.memory_space<hbm>>
          %dma_wait3A_59 = tpu.memref_slice %arg4[%add3A_50] : memref<320000xi32, #tpu.memory_space<hbm>> -> memref<80xi32, #tpu.memory_space<hbm>>
          tpu.wait_dma2 semaphore(%run_scoped3A : memref<!tpu.dma_semaphore, #tpu.memory_space<semaphore_mem>>) src(%dma_wait3A_59 : memref<80xi32, #tpu.memory_space<hbm>>) dst(%arg9 : memref<80xi32, #tpu.memory_space<vmem>>)
          tpu.yield
        }) : () -> ()
        "tpu.region"() ({
          %run_scoped3A = tpu.sem_alloc : memref<!tpu.dma_semaphore, #tpu.memory_space<semaphore_mem>>
          %dma_start3A_56 = tpu.memref_slice %arg5[%add3A_50] : memref<320000xi32, #tpu.memory_space<hbm>> -> memref<80xi32, #tpu.memory_space<hbm>>
          %dma_start3A_57 = tpu.memref_slice %arg5[%add3A_50] : memref<320000xi32, #tpu.memory_space<hbm>> -> memref<80xi32, #tpu.memory_space<hbm>>
          tpu.enqueue_dma source(%dma_start3A_57 : memref<80xi32, #tpu.memory_space<hbm>>) target(%arg10 : memref<80xi32, #tpu.memory_space<vmem>>) target_semaphore(%run_scoped3A : memref<!tpu.dma_semaphore, #tpu.memory_space<semaphore_mem>>)
          %dma_wait3A_58 = tpu.memref_slice %arg5[%add3A_50] : memref<320000xi32, #tpu.memory_space<hbm>> -> memref<80xi32, #tpu.memory_space<hbm>>
          %dma_wait3A_59 = tpu.memref_slice %arg5[%add3A_50] : memref<320000xi32, #tpu.memory_space<hbm>> -> memref<80xi32, #tpu.memory_space<hbm>>
          tpu.wait_dma2 semaphore(%run_scoped3A : memref<!tpu.dma_semaphore, #tpu.memory_space<semaphore_mem>>) src(%dma_wait3A_59 : memref<80xi32, #tpu.memory_space<hbm>>) dst(%arg10 : memref<80xi32, #tpu.memory_space<vmem>>)
          tpu.yield
        }) : () -> ()
        %dma_start3A = arith.constant 0 : i32
        %dma_start3A_51 = arith.constant 0 : i32
        %dma_start3A_52 = tpu.memref_slice %arg3[%dma_start3A, %dma_start3A_51] : memref<10000x128xf32, #tpu.memory_space<hbm>> -> memref<10000x128xf32, #tpu.memory_space<hbm>>
        tpu.enqueue_indirect_dma source(%dma_start3A_52 : memref<10000x128xf32, #tpu.memory_space<hbm>>) target(%arg11 : memref<80x128xf32, #tpu.memory_space<vmem>>) offsets(%arg9 : memref<80xi32, #tpu.memory_space<vmem>>) semaphore(%arg12 : memref<!tpu.dma_semaphore, #tpu.memory_space<semaphore_mem>>)
        %dma_wait3A = arith.constant 0 : i32
        %dma_wait3A_53 = arith.constant 0 : i32
        %dma_wait3A_54 = tpu.memref_slice %arg3[%dma_wait3A, %dma_wait3A_53] : memref<10000x128xf32, #tpu.memory_space<hbm>> -> memref<10000x128xf32, #tpu.memory_space<hbm>>
        tpu.wait_indirect_dma semaphore(%arg12 : memref<!tpu.dma_semaphore, #tpu.memory_space<semaphore_mem>>) src(%dma_wait3A_54 : memref<10000x128xf32, #tpu.memory_space<hbm>>) dst(%arg11 : memref<80x128xf32, #tpu.memory_space<vmem>>)
        "tpu.region"() ({
          %run_scoped3A = tpu.sem_alloc : memref<!tpu.dma_semaphore, #tpu.memory_space<semaphore_mem>>
          %dma_start3A_56 = arith.constant 0 : i32
          %dma_start3A_57 = arith.constant 0 : i32
          %dma_start3A_58 = tpu.memref_slice %arg7[%dma_start3A_56, %dma_start3A_57] : memref<10240x128xf32, #tpu.memory_space<vmem_shared>> -> memref<10240x128xf32, #tpu.memory_space<vmem_shared>>
          tpu.enqueue_indirect_dma source(%arg11 : memref<80x128xf32, #tpu.memory_space<vmem>>) target(%dma_start3A_58 : memref<10240x128xf32, #tpu.memory_space<vmem_shared>>) offsets(%arg10 : memref<80xi32, #tpu.memory_space<vmem>>) semaphore(%run_scoped3A : memref<!tpu.dma_semaphore, #tpu.memory_space<semaphore_mem>>) {add = true}
          %dma_wait3A_59 = arith.constant 0 : i32
          %dma_wait3A_60 = arith.constant 0 : i32
          %dma_wait3A_61 = tpu.memref_slice %arg7[%dma_wait3A_59, %dma_wait3A_60] : memref<10240x128xf32, #tpu.memory_space<vmem_shared>> -> memref<10240x128xf32, #tpu.memory_space<vmem_shared>>
          tpu.wait_indirect_dma semaphore(%run_scoped3A : memref<!tpu.dma_semaphore, #tpu.memory_space<semaphore_mem>>) src(%arg11 : memref<80x128xf32, #tpu.memory_space<vmem>>) dst(%dma_wait3A_61 : memref<10240x128xf32, #tpu.memory_space<vmem_shared>>)
          tpu.yield
        }) : () -> ()
        %scan3A_55 = arith.constant 0 : i32
        scf.yield %scan3A_55 : i32
      }
      %scan3A_45 = arith.constant 250 : i32
    } else {
    }
    %barrier3A_34 = arith.constant 0 : index
    tpu.barrier barrier_id(%barrier3A_34)
    %mul3A_35 = arith.constant 640 : i32
    %mul3A_36 = arith.muli %arg1, %mul3A_35 : i32
    %mul3A_37 = arith.constant 640 : i32
    %mul3A_38 = arith.muli %arg1, %mul3A_37 : i32
    "tpu.region"() ({
      %run_scoped3A = tpu.sem_alloc : memref<!tpu.dma_semaphore, #tpu.memory_space<semaphore_mem>>
      %dma_start3A = arith.constant 0 : i32
      %dma_start3A_39 = tpu.memref_slice %arg6[%arg0, %mul3A_38, %dma_start3A] : memref<2x10240x128xf32, #tpu.memory_space<hbm>> -> memref<1x640x128xf32, #tpu.memory_space<hbm>>
      %dma_start3A_40 = tpu.memref_squeeze %dma_start3A_39 : memref<1x640x128xf32, #tpu.memory_space<hbm>> -> memref<640x128xf32, #tpu.memory_space<hbm>>
      %dma_start3A_41 = arith.constant 0 : i32
      %dma_start3A_42 = tpu.memref_slice %arg7[%mul3A_36, %dma_start3A_41] : memref<10240x128xf32, #tpu.memory_space<vmem_shared>> -> memref<640x128xf32, #tpu.memory_space<vmem_shared>>
      tpu.enqueue_dma source(%dma_start3A_42 : memref<640x128xf32, #tpu.memory_space<vmem_shared>>) target(%dma_start3A_40 : memref<640x128xf32, #tpu.memory_space<hbm>>) target_semaphore(%run_scoped3A : memref<!tpu.dma_semaphore, #tpu.memory_space<semaphore_mem>>)
      %dma_wait3A = arith.constant 0 : i32
      %dma_wait3A_43 = tpu.memref_slice %arg6[%arg0, %mul3A_38, %dma_wait3A] : memref<2x10240x128xf32, #tpu.memory_space<hbm>> -> memref<1x640x128xf32, #tpu.memory_space<hbm>>
      %dma_wait3A_44 = tpu.memref_squeeze %dma_wait3A_43 : memref<1x640x128xf32, #tpu.memory_space<hbm>> -> memref<640x128xf32, #tpu.memory_space<hbm>>
      %dma_wait3A_45 = arith.constant 0 : i32
      %dma_wait3A_46 = tpu.memref_slice %arg7[%mul3A_36, %dma_wait3A_45] : memref<10240x128xf32, #tpu.memory_space<vmem_shared>> -> memref<640x128xf32, #tpu.memory_space<vmem_shared>>
      tpu.wait_dma2 semaphore(%run_scoped3A : memref<!tpu.dma_semaphore, #tpu.memory_space<semaphore_mem>>) src(%dma_wait3A_46 : memref<640x128xf32, #tpu.memory_space<vmem_shared>>) dst(%dma_wait3A_44 : memref<640x128xf32, #tpu.memory_space<hbm>>)
      tpu.yield
    }) : () -> ()
    return
  }
}

#map = affine_map<(d0, d1) -> (0, 0)>
#map1 = affine_map<(d0, d1) -> (0)>
#map2 = affine_map<(d0, d1) -> (0, 0, 0)>
module attributes {stable_mosaic.version = 14 : i64} {
  func.func @_prop1_body(%arg0: i32, %arg1: i32, %arg2: memref<10000x128xf32, #tpu.memory_space<hbm>>, %arg3: memref<320000xi32, #tpu.memory_space<hbm>>, %arg4: memref<320000xi32, #tpu.memory_space<hbm>>, %arg5: memref<2x10240x128xf32, #tpu.memory_space<hbm>>, %arg6: memref<10240x128xf32, #tpu.memory_space<vmem_shared>>, %arg7: memref<128x128xf32, #tpu.memory_space<vmem>>, %arg8: memref<80xi32, #tpu.memory_space<vmem>>, %arg9: memref<80xi32, #tpu.memory_space<vmem>>, %arg10: memref<80x128xf32, #tpu.memory_space<vmem>>, %arg11: memref<!tpu.dma_semaphore, #tpu.memory_space<semaphore_mem>>) attributes {dimension_semantics = [#tpu.dimension_semantics<core_parallel>, #tpu.dimension_semantics<subcore_parallel>], iteration_bounds = array<i64: 2, 16>, scalar_prefetch = 0 : i64, scratch_operands = 6 : i64, tpu.core_type = #tpu.core_type<sc_vector_subcore>, window_params = [{transform_indices = #map}, {transform_indices = #map1}, {transform_indices = #map1}, {transform_indices = #map2}]} {
    %broadcast_in_dim3A = arith.constant 0.000000e+00 : f32
    %broadcast_in_dim3A_0 = vector.broadcast %broadcast_in_dim3A : f32 to vector<16xf32>
    %scan3A = arith.constant 0 : i32
    %scan3A_1 = arith.constant 0 : i32
    %scan3A_2 = arith.constant 1024 : i32
    %scan3A_3 = arith.addi %scan3A_1, %scan3A_2 : i32
    %scan3A_4 = arith.constant 1 : i32
    %scan3A_5 = scf.for %scan3A_42 = %scan3A_1 to %scan3A_3 step %scan3A_4 iter_args(%scan3A_43 = %scan3A) -> (i32)  : i32 {
      %jit3A = arith.constant 8 : i32
      %div3A = arith.divsi %scan3A_42, %jit3A : i32
      %sign3A = arith.constant 0 : i32
      %sign3A_44 = arith.cmpi sgt, %scan3A_42, %sign3A : i32
      %sign3A_45 = arith.extui %sign3A_44 : i1 to i32
      %sign3A_46 = arith.constant 0 : i32
      %sign3A_47 = arith.cmpi slt, %scan3A_42, %sign3A_46 : i32
      %sign3A_48 = arith.extui %sign3A_47 : i1 to i32
      %sign3A_49 = arith.subi %sign3A_45, %sign3A_48 : i32
      %sign3A_50 = arith.constant 0 : i32
      %sign3A_51 = arith.cmpi sgt, %jit3A, %sign3A_50 : i32
      %sign3A_52 = arith.extui %sign3A_51 : i1 to i32
      %sign3A_53 = arith.constant 0 : i32
      %sign3A_54 = arith.cmpi slt, %jit3A, %sign3A_53 : i32
      %sign3A_55 = arith.extui %sign3A_54 : i1 to i32
      %sign3A_56 = arith.subi %sign3A_52, %sign3A_55 : i32
      %ne3A = arith.cmpi ne, %sign3A_49, %sign3A_56 : i32
      %rem3A = arith.remsi %scan3A_42, %jit3A : i32
      %ne3A_57 = arith.constant 0 : i32
      %ne3A_58 = arith.cmpi ne, %rem3A, %ne3A_57 : i32
      %and3A = arith.andi %ne3A, %ne3A_58 : i1
      %sub3A = arith.constant 1 : i32
      %sub3A_59 = arith.subi %div3A, %sub3A : i32
      %select_n3A = arith.select %and3A, %sub3A_59, %div3A : i32
      %jit3A_60 = arith.constant 8 : i32
      %eq3A = arith.constant 0 : i32
      %eq3A_61 = arith.cmpi eq, %jit3A_60, %eq3A : i32
      %jit3A_62 = arith.constant 1 : i32
      %select_n3A_63 = arith.select %eq3A_61, %jit3A_62, %jit3A_60 : i32
      %rem3A_64 = arith.remsi %scan3A_42, %select_n3A_63 : i32
      %ne3A_65 = arith.constant 0 : i32
      %ne3A_66 = arith.cmpi ne, %rem3A_64, %ne3A_65 : i32
      %lt3A = arith.constant 0 : i32
      %lt3A_67 = arith.cmpi slt, %rem3A_64, %lt3A : i32
      %lt3A_68 = arith.constant 0 : i32
      %lt3A_69 = arith.cmpi slt, %select_n3A_63, %lt3A_68 : i32
      %ne3A_70 = arith.xori %lt3A_67, %lt3A_69 : i1
      %and3A_71 = arith.andi %ne3A_70, %ne3A_66 : i1
      %add3A_72 = arith.addi %rem3A_64, %select_n3A_63 : i32
      %select_n3A_73 = arith.select %and3A_71, %add3A_72, %rem3A_64 : i32
      %mul3A_74 = arith.constant 16 : i32
      %mul3A_75 = arith.muli %select_n3A_73, %mul3A_74 : i32
      %swap3A = arith.index_cast %select_n3A : i32 to index
      %swap3A_76 = arith.index_cast %mul3A_75 : i32 to index
      %swap3A_77 = tpu.vector_load %arg7[%swap3A, %swap3A_76] {strides = array<i32>} : memref<128x128xf32, #tpu.memory_space<vmem>>, vector<1x16xf32>,
      %swap3A_78 = vector.shape_cast %swap3A_77 : vector<1x16xf32> to vector<16xf32>
      %swap3A_79 = vector.shape_cast %broadcast_in_dim3A_0 : vector<16xf32> to vector<1x16xf32>
      tpu.vector_store %arg7[%swap3A, %swap3A_76], %swap3A_79 {strides = array<i32>} : memref<128x128xf32, #tpu.memory_space<vmem>>, vector<1x16xf32>,
      %scan3A_80 = arith.constant 0 : i32
      scf.yield %scan3A_80 : i32
    }
    %scan3A_6 = arith.constant 1024 : i32
    %mul3A = arith.constant 640 : i32
    %mul3A_7 = arith.muli %arg1, %mul3A : i32
    %add3A = arith.constant 0 : i32
    %add3A_8 = arith.addi %mul3A_7, %add3A : i32
    "tpu.region"() ({
      %run_scoped3A = tpu.sem_alloc : memref<!tpu.dma_semaphore, #tpu.memory_space<semaphore_mem>>
      %dma_start3A = arith.constant 0 : i32
      %dma_start3A_42 = tpu.memref_slice %arg6[%add3A_8, %dma_start3A] : memref<10240x128xf32, #tpu.memory_space<vmem_shared>> -> memref<128x128xf32, #tpu.memory_space<vmem_shared>>
      %dma_start3A_43 = arith.constant 0 : i32
      %dma_start3A_44 = tpu.memref_slice %arg6[%add3A_8, %dma_start3A_43] : memref<10240x128xf32, #tpu.memory_space<vmem_shared>> -> memref<128x128xf32, #tpu.memory_space<vmem_shared>>
      tpu.enqueue_dma source(%arg7 : memref<128x128xf32, #tpu.memory_space<vmem>>) target(%dma_start3A_44 : memref<128x128xf32, #tpu.memory_space<vmem_shared>>) target_semaphore(%run_scoped3A : memref<!tpu.dma_semaphore, #tpu.memory_space<semaphore_mem>>)
      %dma_wait3A = arith.constant 0 : i32
      %dma_wait3A_45 = tpu.memref_slice %arg6[%add3A_8, %dma_wait3A] : memref<10240x128xf32, #tpu.memory_space<vmem_shared>> -> memref<128x128xf32, #tpu.memory_space<vmem_shared>>
      %dma_wait3A_46 = arith.constant 0 : i32
      %dma_wait3A_47 = tpu.memref_slice %arg6[%add3A_8, %dma_wait3A_46] : memref<10240x128xf32, #tpu.memory_space<vmem_shared>> -> memref<128x128xf32, #tpu.memory_space<vmem_shared>>
      tpu.wait_dma2 semaphore(%run_scoped3A : memref<!tpu.dma_semaphore, #tpu.memory_space<semaphore_mem>>) src(%arg7 : memref<128x128xf32, #tpu.memory_space<vmem>>) dst(%dma_wait3A_47 : memref<128x128xf32, #tpu.memory_space<vmem_shared>>)
      tpu.yield
    }) : () -> ()
    %mul3A_9 = arith.constant 640 : i32
    %mul3A_10 = arith.muli %arg1, %mul3A_9 : i32
    %add3A_11 = arith.constant 128 : i32
    %add3A_12 = arith.addi %mul3A_10, %add3A_11 : i32
    "tpu.region"() ({
      %run_scoped3A = tpu.sem_alloc : memref<!tpu.dma_semaphore, #tpu.memory_space<semaphore_mem>>
      %dma_start3A = arith.constant 0 : i32
      %dma_start3A_42 = tpu.memref_slice %arg6[%add3A_12, %dma_start3A] : memref<10240x128xf32, #tpu.memory_space<vmem_shared>> -> memref<128x128xf32, #tpu.memory_space<vmem_shared>>
      %dma_start3A_43 = arith.constant 0 : i32
      %dma_start3A_44 = tpu.memref_slice %arg6[%add3A_12, %dma_start3A_43] : memref<10240x128xf32, #tpu.memory_space<vmem_shared>> -> memref<128x128xf32, #tpu.memory_space<vmem_shared>>
      tpu.enqueue_dma source(%arg7 : memref<128x128xf32, #tpu.memory_space<vmem>>) target(%dma_start3A_44 : memref<128x128xf32, #tpu.memory_space<vmem_shared>>) target_semaphore(%run_scoped3A : memref<!tpu.dma_semaphore, #tpu.memory_space<semaphore_mem>>)
      %dma_wait3A = arith.constant 0 : i32
      %dma_wait3A_45 = tpu.memref_slice %arg6[%add3A_12, %dma_wait3A] : memref<10240x128xf32, #tpu.memory_space<vmem_shared>> -> memref<128x128xf32, #tpu.memory_space<vmem_shared>>
      %dma_wait3A_46 = arith.constant 0 : i32
      %dma_wait3A_47 = tpu.memref_slice %arg6[%add3A_12, %dma_wait3A_46] : memref<10240x128xf32, #tpu.memory_space<vmem_shared>> -> memref<128x128xf32, #tpu.memory_space<vmem_shared>>
      tpu.wait_dma2 semaphore(%run_scoped3A : memref<!tpu.dma_semaphore, #tpu.memory_space<semaphore_mem>>) src(%arg7 : memref<128x128xf32, #tpu.memory_space<vmem>>) dst(%dma_wait3A_47 : memref<128x128xf32, #tpu.memory_space<vmem_shared>>)
      tpu.yield
    }) : () -> ()
    %mul3A_13 = arith.constant 640 : i32
    %mul3A_14 = arith.muli %arg1, %mul3A_13 : i32
    %add3A_15 = arith.constant 256 : i32
    %add3A_16 = arith.addi %mul3A_14, %add3A_15 : i32
    "tpu.region"() ({
      %run_scoped3A = tpu.sem_alloc : memref<!tpu.dma_semaphore, #tpu.memory_space<semaphore_mem>>
      %dma_start3A = arith.constant 0 : i32
      %dma_start3A_42 = tpu.memref_slice %arg6[%add3A_16, %dma_start3A] : memref<10240x128xf32, #tpu.memory_space<vmem_shared>> -> memref<128x128xf32, #tpu.memory_space<vmem_shared>>
      %dma_start3A_43 = arith.constant 0 : i32
      %dma_start3A_44 = tpu.memref_slice %arg6[%add3A_16, %dma_start3A_43] : memref<10240x128xf32, #tpu.memory_space<vmem_shared>> -> memref<128x128xf32, #tpu.memory_space<vmem_shared>>
      tpu.enqueue_dma source(%arg7 : memref<128x128xf32, #tpu.memory_space<vmem>>) target(%dma_start3A_44 : memref<128x128xf32, #tpu.memory_space<vmem_shared>>) target_semaphore(%run_scoped3A : memref<!tpu.dma_semaphore, #tpu.memory_space<semaphore_mem>>)
      %dma_wait3A = arith.constant 0 : i32
      %dma_wait3A_45 = tpu.memref_slice %arg6[%add3A_16, %dma_wait3A] : memref<10240x128xf32, #tpu.memory_space<vmem_shared>> -> memref<128x128xf32, #tpu.memory_space<vmem_shared>>
      %dma_wait3A_46 = arith.constant 0 : i32
      %dma_wait3A_47 = tpu.memref_slice %arg6[%add3A_16, %dma_wait3A_46] : memref<10240x128xf32, #tpu.memory_space<vmem_shared>> -> memref<128x128xf32, #tpu.memory_space<vmem_shared>>
      tpu.wait_dma2 semaphore(%run_scoped3A : memref<!tpu.dma_semaphore, #tpu.memory_space<semaphore_mem>>) src(%arg7 : memref<128x128xf32, #tpu.memory_space<vmem>>) dst(%dma_wait3A_47 : memref<128x128xf32, #tpu.memory_space<vmem_shared>>)
      tpu.yield
    }) : () -> ()
    %mul3A_17 = arith.constant 640 : i32
    %mul3A_18 = arith.muli %arg1, %mul3A_17 : i32
    %add3A_19 = arith.constant 384 : i32
    %add3A_20 = arith.addi %mul3A_18, %add3A_19 : i32
    "tpu.region"() ({
      %run_scoped3A = tpu.sem_alloc : memref<!tpu.dma_semaphore, #tpu.memory_space<semaphore_mem>>
      %dma_start3A = arith.constant 0 : i32
      %dma_start3A_42 = tpu.memref_slice %arg6[%add3A_20, %dma_start3A] : memref<10240x128xf32, #tpu.memory_space<vmem_shared>> -> memref<128x128xf32, #tpu.memory_space<vmem_shared>>
      %dma_start3A_43 = arith.constant 0 : i32
      %dma_start3A_44 = tpu.memref_slice %arg6[%add3A_20, %dma_start3A_43] : memref<10240x128xf32, #tpu.memory_space<vmem_shared>> -> memref<128x128xf32, #tpu.memory_space<vmem_shared>>
      tpu.enqueue_dma source(%arg7 : memref<128x128xf32, #tpu.memory_space<vmem>>) target(%dma_start3A_44 : memref<128x128xf32, #tpu.memory_space<vmem_shared>>) target_semaphore(%run_scoped3A : memref<!tpu.dma_semaphore, #tpu.memory_space<semaphore_mem>>)
      %dma_wait3A = arith.constant 0 : i32
      %dma_wait3A_45 = tpu.memref_slice %arg6[%add3A_20, %dma_wait3A] : memref<10240x128xf32, #tpu.memory_space<vmem_shared>> -> memref<128x128xf32, #tpu.memory_space<vmem_shared>>
      %dma_wait3A_46 = arith.constant 0 : i32
      %dma_wait3A_47 = tpu.memref_slice %arg6[%add3A_20, %dma_wait3A_46] : memref<10240x128xf32, #tpu.memory_space<vmem_shared>> -> memref<128x128xf32, #tpu.memory_space<vmem_shared>>
      tpu.wait_dma2 semaphore(%run_scoped3A : memref<!tpu.dma_semaphore, #tpu.memory_space<semaphore_mem>>) src(%arg7 : memref<128x128xf32, #tpu.memory_space<vmem>>) dst(%dma_wait3A_47 : memref<128x128xf32, #tpu.memory_space<vmem_shared>>)
      tpu.yield
    }) : () -> ()
    %mul3A_21 = arith.constant 640 : i32
    %mul3A_22 = arith.muli %arg1, %mul3A_21 : i32
    %add3A_23 = arith.constant 512 : i32
    %add3A_24 = arith.addi %mul3A_22, %add3A_23 : i32
    "tpu.region"() ({
      %run_scoped3A = tpu.sem_alloc : memref<!tpu.dma_semaphore, #tpu.memory_space<semaphore_mem>>
      %dma_start3A = arith.constant 0 : i32
      %dma_start3A_42 = tpu.memref_slice %arg6[%add3A_24, %dma_start3A] : memref<10240x128xf32, #tpu.memory_space<vmem_shared>> -> memref<128x128xf32, #tpu.memory_space<vmem_shared>>
      %dma_start3A_43 = arith.constant 0 : i32
      %dma_start3A_44 = tpu.memref_slice %arg6[%add3A_24, %dma_start3A_43] : memref<10240x128xf32, #tpu.memory_space<vmem_shared>> -> memref<128x128xf32, #tpu.memory_space<vmem_shared>>
      tpu.enqueue_dma source(%arg7 : memref<128x128xf32, #tpu.memory_space<vmem>>) target(%dma_start3A_44 : memref<128x128xf32, #tpu.memory_space<vmem_shared>>) target_semaphore(%run_scoped3A : memref<!tpu.dma_semaphore, #tpu.memory_space<semaphore_mem>>)
      %dma_wait3A = arith.constant 0 : i32
      %dma_wait3A_45 = tpu.memref_slice %arg6[%add3A_24, %dma_wait3A] : memref<10240x128xf32, #tpu.memory_space<vmem_shared>> -> memref<128x128xf32, #tpu.memory_space<vmem_shared>>
      %dma_wait3A_46 = arith.constant 0 : i32
      %dma_wait3A_47 = tpu.memref_slice %arg6[%add3A_24, %dma_wait3A_46] : memref<10240x128xf32, #tpu.memory_space<vmem_shared>> -> memref<128x128xf32, #tpu.memory_space<vmem_shared>>
      tpu.wait_dma2 semaphore(%run_scoped3A : memref<!tpu.dma_semaphore, #tpu.memory_space<semaphore_mem>>) src(%arg7 : memref<128x128xf32, #tpu.memory_space<vmem>>) dst(%dma_wait3A_47 : memref<128x128xf32, #tpu.memory_space<vmem_shared>>)
      tpu.yield
    }) : () -> ()
    %barrier3A = arith.constant 0 : index
    tpu.barrier barrier_id(%barrier3A)
    %mul3A_25 = arith.constant 160000 : i32
    %mul3A_26 = arith.muli %arg0, %mul3A_25 : i32
    %mul3A_27 = arith.constant 10000 : i32
    %mul3A_28 = arith.muli %arg1, %mul3A_27 : i32
    %add3A_29 = arith.addi %mul3A_26, %mul3A_28 : i32
    %scan3A_30 = arith.constant 0 : i32
    %scan3A_31 = arith.constant 0 : i32
    %scan3A_32 = arith.constant 125 : i32
    %scan3A_33 = arith.addi %scan3A_31, %scan3A_32 : i32
    %scan3A_34 = arith.constant 1 : i32
    %scan3A_35 = scf.for %scan3A_42 = %scan3A_31 to %scan3A_33 step %scan3A_34 iter_args(%scan3A_43 = %scan3A_30) -> (i32)  : i32 {
      %mul3A_44 = arith.constant 80 : i32
      %mul3A_45 = arith.muli %scan3A_42, %mul3A_44 : i32
      %add3A_46 = arith.addi %add3A_29, %mul3A_45 : i32
      "tpu.region"() ({
        %run_scoped3A = tpu.sem_alloc : memref<!tpu.dma_semaphore, #tpu.memory_space<semaphore_mem>>
        %dma_start3A_52 = tpu.memref_slice %arg3[%add3A_46] : memref<320000xi32, #tpu.memory_space<hbm>> -> memref<80xi32, #tpu.memory_space<hbm>>
        %dma_start3A_53 = tpu.memref_slice %arg3[%add3A_46] : memref<320000xi32, #tpu.memory_space<hbm>> -> memref<80xi32, #tpu.memory_space<hbm>>
        tpu.enqueue_dma source(%dma_start3A_53 : memref<80xi32, #tpu.memory_space<hbm>>) target(%arg8 : memref<80xi32, #tpu.memory_space<vmem>>) target_semaphore(%run_scoped3A : memref<!tpu.dma_semaphore, #tpu.memory_space<semaphore_mem>>)
        %dma_wait3A_54 = tpu.memref_slice %arg3[%add3A_46] : memref<320000xi32, #tpu.memory_space<hbm>> -> memref<80xi32, #tpu.memory_space<hbm>>
        %dma_wait3A_55 = tpu.memref_slice %arg3[%add3A_46] : memref<320000xi32, #tpu.memory_space<hbm>> -> memref<80xi32, #tpu.memory_space<hbm>>
        tpu.wait_dma2 semaphore(%run_scoped3A : memref<!tpu.dma_semaphore, #tpu.memory_space<semaphore_mem>>) src(%dma_wait3A_55 : memref<80xi32, #tpu.memory_space<hbm>>) dst(%arg8 : memref<80xi32, #tpu.memory_space<vmem>>)
        tpu.yield
      }) : () -> ()
      "tpu.region"() ({
        %run_scoped3A = tpu.sem_alloc : memref<!tpu.dma_semaphore, #tpu.memory_space<semaphore_mem>>
        %dma_start3A_52 = tpu.memref_slice %arg4[%add3A_46] : memref<320000xi32, #tpu.memory_space<hbm>> -> memref<80xi32, #tpu.memory_space<hbm>>
        %dma_start3A_53 = tpu.memref_slice %arg4[%add3A_46] : memref<320000xi32, #tpu.memory_space<hbm>> -> memref<80xi32, #tpu.memory_space<hbm>>
        tpu.enqueue_dma source(%dma_start3A_53 : memref<80xi32, #tpu.memory_space<hbm>>) target(%arg9 : memref<80xi32, #tpu.memory_space<vmem>>) target_semaphore(%run_scoped3A : memref<!tpu.dma_semaphore, #tpu.memory_space<semaphore_mem>>)
        %dma_wait3A_54 = tpu.memref_slice %arg4[%add3A_46] : memref<320000xi32, #tpu.memory_space<hbm>> -> memref<80xi32, #tpu.memory_space<hbm>>
        %dma_wait3A_55 = tpu.memref_slice %arg4[%add3A_46] : memref<320000xi32, #tpu.memory_space<hbm>> -> memref<80xi32, #tpu.memory_space<hbm>>
        tpu.wait_dma2 semaphore(%run_scoped3A : memref<!tpu.dma_semaphore, #tpu.memory_space<semaphore_mem>>) src(%dma_wait3A_55 : memref<80xi32, #tpu.memory_space<hbm>>) dst(%arg9 : memref<80xi32, #tpu.memory_space<vmem>>)
        tpu.yield
      }) : () -> ()
      %dma_start3A = arith.constant 0 : i32
      %dma_start3A_47 = arith.constant 0 : i32
      %dma_start3A_48 = tpu.memref_slice %arg2[%dma_start3A, %dma_start3A_47] : memref<10000x128xf32, #tpu.memory_space<hbm>> -> memref<10000x128xf32, #tpu.memory_space<hbm>>
      tpu.enqueue_indirect_dma source(%dma_start3A_48 : memref<10000x128xf32, #tpu.memory_space<hbm>>) target(%arg10 : memref<80x128xf32, #tpu.memory_space<vmem>>) offsets(%arg8 : memref<80xi32, #tpu.memory_space<vmem>>) semaphore(%arg11 : memref<!tpu.dma_semaphore, #tpu.memory_space<semaphore_mem>>)
      %dma_wait3A = arith.constant 0 : i32
      %dma_wait3A_49 = arith.constant 0 : i32
      %dma_wait3A_50 = tpu.memref_slice %arg2[%dma_wait3A, %dma_wait3A_49] : memref<10000x128xf32, #tpu.memory_space<hbm>> -> memref<10000x128xf32, #tpu.memory_space<hbm>>
      tpu.wait_indirect_dma semaphore(%arg11 : memref<!tpu.dma_semaphore, #tpu.memory_space<semaphore_mem>>) src(%dma_wait3A_50 : memref<10000x128xf32, #tpu.memory_space<hbm>>) dst(%arg10 : memref<80x128xf32, #tpu.memory_space<vmem>>)
      "tpu.region"() ({
        %run_scoped3A = tpu.sem_alloc : memref<!tpu.dma_semaphore, #tpu.memory_space<semaphore_mem>>
        %dma_start3A_52 = arith.constant 0 : i32
        %dma_start3A_53 = arith.constant 0 : i32
        %dma_start3A_54 = tpu.memref_slice %arg6[%dma_start3A_52, %dma_start3A_53] : memref<10240x128xf32, #tpu.memory_space<vmem_shared>> -> memref<10240x128xf32, #tpu.memory_space<vmem_shared>>
        tpu.enqueue_indirect_dma source(%arg10 : memref<80x128xf32, #tpu.memory_space<vmem>>) target(%dma_start3A_54 : memref<10240x128xf32, #tpu.memory_space<vmem_shared>>) offsets(%arg9 : memref<80xi32, #tpu.memory_space<vmem>>) semaphore(%run_scoped3A : memref<!tpu.dma_semaphore, #tpu.memory_space<semaphore_mem>>) {add = true}
        %dma_wait3A_55 = arith.constant 0 : i32
        %dma_wait3A_56 = arith.constant 0 : i32
        %dma_wait3A_57 = tpu.memref_slice %arg6[%dma_wait3A_55, %dma_wait3A_56] : memref<10240x128xf32, #tpu.memory_space<vmem_shared>> -> memref<10240x128xf32, #tpu.memory_space<vmem_shared>>
        tpu.wait_indirect_dma semaphore(%run_scoped3A : memref<!tpu.dma_semaphore, #tpu.memory_space<semaphore_mem>>) src(%arg10 : memref<80x128xf32, #tpu.memory_space<vmem>>) dst(%dma_wait3A_57 : memref<10240x128xf32, #tpu.memory_space<vmem_shared>>)
        tpu.yield
      }) : () -> ()
      %scan3A_51 = arith.constant 0 : i32
      scf.yield %scan3A_51 : i32
    }
    %scan3A_36 = arith.constant 125 : i32
    %barrier3A_37 = arith.constant 0 : index
    tpu.barrier barrier_id(%barrier3A_37)
    %mul3A_38 = arith.constant 640 : i32
    %mul3A_39 = arith.muli %arg1, %mul3A_38 : i32
    %mul3A_40 = arith.constant 640 : i32
    %mul3A_41 = arith.muli %arg1, %mul3A_40 : i32
    "tpu.region"() ({
      %run_scoped3A = tpu.sem_alloc : memref<!tpu.dma_semaphore, #tpu.memory_space<semaphore_mem>>
      %dma_start3A = arith.constant 0 : i32
      %dma_start3A_42 = tpu.memref_slice %arg5[%arg0, %mul3A_41, %dma_start3A] : memref<2x10240x128xf32, #tpu.memory_space<hbm>> -> memref<1x640x128xf32, #tpu.memory_space<hbm>>
      %dma_start3A_43 = tpu.memref_squeeze %dma_start3A_42 : memref<1x640x128xf32, #tpu.memory_space<hbm>> -> memref<640x128xf32, #tpu.memory_space<hbm>>
      %dma_start3A_44 = arith.constant 0 : i32
      %dma_start3A_45 = tpu.memref_slice %arg6[%mul3A_39, %dma_start3A_44] : memref<10240x128xf32, #tpu.memory_space<vmem_shared>> -> memref<640x128xf32, #tpu.memory_space<vmem_shared>>
      tpu.enqueue_dma source(%dma_start3A_45 : memref<640x128xf32, #tpu.memory_space<vmem_shared>>) target(%dma_start3A_43 : memref<640x128xf32, #tpu.memory_space<hbm>>) target_semaphore(%run_scoped3A : memref<!tpu.dma_semaphore, #tpu.memory_space<semaphore_mem>>)
      %dma_wait3A = arith.constant 0 : i32
      %dma_wait3A_46 = tpu.memref_slice %arg5[%arg0, %mul3A_41, %dma_wait3A] : memref<2x10240x128xf32, #tpu.memory_space<hbm>> -> memref<1x640x128xf32, #tpu.memory_space<hbm>>
      %dma_wait3A_47 = tpu.memref_squeeze %dma_wait3A_46 : memref<1x640x128xf32, #tpu.memory_space<hbm>> -> memref<640x128xf32, #tpu.memory_space<hbm>>
      %dma_wait3A_48 = arith.constant 0 : i32
      %dma_wait3A_49 = tpu.memref_slice %arg6[%mul3A_39, %dma_wait3A_48] : memref<10240x128xf32, #tpu.memory_space<vmem_shared>> -> memref<640x128xf32, #tpu.memory_space<vmem_shared>>
      tpu.wait_dma2 semaphore(%run_scoped3A : memref<!tpu.dma_semaphore, #tpu.memory_space<semaphore_mem>>) src(%dma_wait3A_49 : memref<640x128xf32, #tpu.memory_space<vmem_shared>>) dst(%dma_wait3A_47 : memref<640x128xf32, #tpu.memory_space<hbm>>)
      tpu.yield
    }) : () -> ()
    return
  }
}

#map = affine_map<(d0, d1) -> (0)>
#map1 = affine_map<(d0, d1) -> (0, 0, 0)>
module attributes {stable_mosaic.version = 14 : i64} {
  func.func @_deg_body(%arg0: i32, %arg1: i32, %arg2: memref<983040xi32, #tpu.memory_space<hbm>>, %arg3: memref<6x10240x16xf32, #tpu.memory_space<hbm>>, %arg4: memref<10240x16xf32, #tpu.memory_space<vmem_shared>>, %arg5: memref<10240x16xf32, #tpu.memory_space<vmem_shared>>, %arg6: memref<10240x16xf32, #tpu.memory_space<vmem_shared>>, %arg7: memref<640x16xf32, #tpu.memory_space<vmem>>, %arg8: memref<128x16xf32, #tpu.memory_space<vmem>>, %arg9: memref<128xi32, #tpu.memory_space<vmem>>) attributes {dimension_semantics = [#tpu.dimension_semantics<core_parallel>, #tpu.dimension_semantics<subcore_parallel>], iteration_bounds = array<i64: 2, 16>, scalar_prefetch = 0 : i64, scratch_operands = 6 : i64, tpu.core_type = #tpu.core_type<sc_vector_subcore>, window_params = [{transform_indices = #map}, {transform_indices = #map1}]} {
    %broadcast_in_dim3A = arith.constant 0.000000e+00 : f32
    %broadcast_in_dim3A_0 = vector.broadcast %broadcast_in_dim3A : f32 to vector<16xf32>
    %broadcast_in_dim3A_1 = arith.constant 1.000000e+00 : f32
    %broadcast_in_dim3A_2 = vector.broadcast %broadcast_in_dim3A_1 : f32 to vector<16xf32>
    %scan3A = arith.constant 0 : i32
    %scan3A_3 = arith.constant 0 : i32
    %scan3A_4 = arith.constant 640 : i32
    %scan3A_5 = arith.addi %scan3A_3, %scan3A_4 : i32
    %scan3A_6 = arith.constant 1 : i32
    %scan3A_7 = scf.for %scan3A_77 = %scan3A_3 to %scan3A_5 step %scan3A_6 iter_args(%scan3A_78 = %scan3A) -> (i32)  : i32 {
      %swap3A = arith.index_cast %scan3A_77 : i32 to index
      %swap3A_79 = arith.constant 0 : index
      %swap3A_80 = tpu.vector_load %arg7[%swap3A, %swap3A_79] {strides = array<i32>} : memref<640x16xf32, #tpu.memory_space<vmem>>, vector<1x16xf32>,
      %swap3A_81 = vector.shape_cast %swap3A_80 : vector<1x16xf32> to vector<16xf32>
      %swap3A_82 = vector.shape_cast %broadcast_in_dim3A_0 : vector<16xf32> to vector<1x16xf32>
      tpu.vector_store %arg7[%swap3A, %swap3A_79], %swap3A_82 {strides = array<i32>} : memref<640x16xf32, #tpu.memory_space<vmem>>, vector<1x16xf32>,
      %scan3A_83 = arith.constant 0 : i32
      scf.yield %scan3A_83 : i32
    }
    %scan3A_8 = arith.constant 640 : i32
    %scan3A_9 = arith.constant 0 : i32
    %scan3A_10 = arith.constant 0 : i32
    %scan3A_11 = arith.constant 128 : i32
    %scan3A_12 = arith.addi %scan3A_10, %scan3A_11 : i32
    %scan3A_13 = arith.constant 1 : i32
    %scan3A_14 = scf.for %scan3A_77 = %scan3A_10 to %scan3A_12 step %scan3A_13 iter_args(%scan3A_78 = %scan3A_9) -> (i32)  : i32 {
      %swap3A = arith.index_cast %scan3A_77 : i32 to index
      %swap3A_79 = arith.constant 0 : index
      %swap3A_80 = tpu.vector_load %arg8[%swap3A, %swap3A_79] {strides = array<i32>} : memref<128x16xf32, #tpu.memory_space<vmem>>, vector<1x16xf32>,
      %swap3A_81 = vector.shape_cast %swap3A_80 : vector<1x16xf32> to vector<16xf32>
      %swap3A_82 = vector.shape_cast %broadcast_in_dim3A_2 : vector<16xf32> to vector<1x16xf32>
      tpu.vector_store %arg8[%swap3A, %swap3A_79], %swap3A_82 {strides = array<i32>} : memref<128x16xf32, #tpu.memory_space<vmem>>, vector<1x16xf32>,
      %scan3A_83 = arith.constant 0 : i32
      scf.yield %scan3A_83 : i32
    }
    %scan3A_15 = arith.constant 128 : i32
    %mul3A = arith.constant 640 : i32
    %mul3A_16 = arith.muli %arg1, %mul3A : i32
    "tpu.region"() ({
      %run_scoped3A = tpu.sem_alloc : memref<!tpu.dma_semaphore, #tpu.memory_space<semaphore_mem>>
      %dma_start3A = arith.constant 0 : i32
      %dma_start3A_77 = tpu.memref_slice %arg4[%mul3A_16, %dma_start3A] : memref<10240x16xf32, #tpu.memory_space<vmem_shared>> -> memref<640x16xf32, #tpu.memory_space<vmem_shared>>
      %dma_start3A_78 = arith.constant 0 : i32
      %dma_start3A_79 = tpu.memref_slice %arg4[%mul3A_16, %dma_start3A_78] : memref<10240x16xf32, #tpu.memory_space<vmem_shared>> -> memref<640x16xf32, #tpu.memory_space<vmem_shared>>
      tpu.enqueue_dma source(%arg7 : memref<640x16xf32, #tpu.memory_space<vmem>>) target(%dma_start3A_79 : memref<640x16xf32, #tpu.memory_space<vmem_shared>>) target_semaphore(%run_scoped3A : memref<!tpu.dma_semaphore, #tpu.memory_space<semaphore_mem>>)
      %dma_wait3A = arith.constant 0 : i32
      %dma_wait3A_80 = tpu.memref_slice %arg4[%mul3A_16, %dma_wait3A] : memref<10240x16xf32, #tpu.memory_space<vmem_shared>> -> memref<640x16xf32, #tpu.memory_space<vmem_shared>>
      %dma_wait3A_81 = arith.constant 0 : i32
      %dma_wait3A_82 = tpu.memref_slice %arg4[%mul3A_16, %dma_wait3A_81] : memref<10240x16xf32, #tpu.memory_space<vmem_shared>> -> memref<640x16xf32, #tpu.memory_space<vmem_shared>>
      tpu.wait_dma2 semaphore(%run_scoped3A : memref<!tpu.dma_semaphore, #tpu.memory_space<semaphore_mem>>) src(%arg7 : memref<640x16xf32, #tpu.memory_space<vmem>>) dst(%dma_wait3A_82 : memref<640x16xf32, #tpu.memory_space<vmem_shared>>)
      tpu.yield
    }) : () -> ()
    %mul3A_17 = arith.constant 640 : i32
    %mul3A_18 = arith.muli %arg1, %mul3A_17 : i32
    "tpu.region"() ({
      %run_scoped3A = tpu.sem_alloc : memref<!tpu.dma_semaphore, #tpu.memory_space<semaphore_mem>>
      %dma_start3A = arith.constant 0 : i32
      %dma_start3A_77 = tpu.memref_slice %arg5[%mul3A_18, %dma_start3A] : memref<10240x16xf32, #tpu.memory_space<vmem_shared>> -> memref<640x16xf32, #tpu.memory_space<vmem_shared>>
      %dma_start3A_78 = arith.constant 0 : i32
      %dma_start3A_79 = tpu.memref_slice %arg5[%mul3A_18, %dma_start3A_78] : memref<10240x16xf32, #tpu.memory_space<vmem_shared>> -> memref<640x16xf32, #tpu.memory_space<vmem_shared>>
      tpu.enqueue_dma source(%arg7 : memref<640x16xf32, #tpu.memory_space<vmem>>) target(%dma_start3A_79 : memref<640x16xf32, #tpu.memory_space<vmem_shared>>) target_semaphore(%run_scoped3A : memref<!tpu.dma_semaphore, #tpu.memory_space<semaphore_mem>>)
      %dma_wait3A = arith.constant 0 : i32
      %dma_wait3A_80 = tpu.memref_slice %arg5[%mul3A_18, %dma_wait3A] : memref<10240x16xf32, #tpu.memory_space<vmem_shared>> -> memref<640x16xf32, #tpu.memory_space<vmem_shared>>
      %dma_wait3A_81 = arith.constant 0 : i32
      %dma_wait3A_82 = tpu.memref_slice %arg5[%mul3A_18, %dma_wait3A_81] : memref<10240x16xf32, #tpu.memory_space<vmem_shared>> -> memref<640x16xf32, #tpu.memory_space<vmem_shared>>
      tpu.wait_dma2 semaphore(%run_scoped3A : memref<!tpu.dma_semaphore, #tpu.memory_space<semaphore_mem>>) src(%arg7 : memref<640x16xf32, #tpu.memory_space<vmem>>) dst(%dma_wait3A_82 : memref<640x16xf32, #tpu.memory_space<vmem_shared>>)
      tpu.yield
    }) : () -> ()
    %mul3A_19 = arith.constant 640 : i32
    %mul3A_20 = arith.muli %arg1, %mul3A_19 : i32
    "tpu.region"() ({
      %run_scoped3A = tpu.sem_alloc : memref<!tpu.dma_semaphore, #tpu.memory_space<semaphore_mem>>
      %dma_start3A = arith.constant 0 : i32
      %dma_start3A_77 = tpu.memref_slice %arg6[%mul3A_20, %dma_start3A] : memref<10240x16xf32, #tpu.memory_space<vmem_shared>> -> memref<640x16xf32, #tpu.memory_space<vmem_shared>>
      %dma_start3A_78 = arith.constant 0 : i32
      %dma_start3A_79 = tpu.memref_slice %arg6[%mul3A_20, %dma_start3A_78] : memref<10240x16xf32, #tpu.memory_space<vmem_shared>> -> memref<640x16xf32, #tpu.memory_space<vmem_shared>>
      tpu.enqueue_dma source(%arg7 : memref<640x16xf32, #tpu.memory_space<vmem>>) target(%dma_start3A_79 : memref<640x16xf32, #tpu.memory_space<vmem_shared>>) target_semaphore(%run_scoped3A : memref<!tpu.dma_semaphore, #tpu.memory_space<semaphore_mem>>)
      %dma_wait3A = arith.constant 0 : i32
      %dma_wait3A_80 = tpu.memref_slice %arg6[%mul3A_20, %dma_wait3A] : memref<10240x16xf32, #tpu.memory_space<vmem_shared>> -> memref<640x16xf32, #tpu.memory_space<vmem_shared>>
      %dma_wait3A_81 = arith.constant 0 : i32
      %dma_wait3A_82 = tpu.memref_slice %arg6[%mul3A_20, %dma_wait3A_81] : memref<10240x16xf32, #tpu.memory_space<vmem_shared>> -> memref<640x16xf32, #tpu.memory_space<vmem_shared>>
      tpu.wait_dma2 semaphore(%run_scoped3A : memref<!tpu.dma_semaphore, #tpu.memory_space<semaphore_mem>>) src(%arg7 : memref<640x16xf32, #tpu.memory_space<vmem>>) dst(%dma_wait3A_82 : memref<640x16xf32, #tpu.memory_space<vmem_shared>>)
      tpu.yield
    }) : () -> ()
    %barrier3A = arith.constant 0 : index
    tpu.barrier barrier_id(%barrier3A)
    %mul3A_21 = arith.constant 163840 : i32
    %mul3A_22 = arith.muli %arg0, %mul3A_21 : i32
    %mul3A_23 = arith.constant 10240 : i32
    %mul3A_24 = arith.muli %arg1, %mul3A_23 : i32
    %add3A = arith.addi %mul3A_22, %mul3A_24 : i32
    %add3A_25 = arith.constant 0 : i32
    %add3A_26 = arith.addi %add3A_25, %add3A : i32
    %scan3A_27 = arith.constant 0 : i32
    %scan3A_28 = arith.constant 0 : i32
    %scan3A_29 = arith.constant 80 : i32
    %scan3A_30 = arith.addi %scan3A_28, %scan3A_29 : i32
    %scan3A_31 = arith.constant 1 : i32
    %scan3A_32 = scf.for %scan3A_77 = %scan3A_28 to %scan3A_30 step %scan3A_31 iter_args(%scan3A_78 = %scan3A_27) -> (i32)  : i32 {
      %mul3A_79 = arith.constant 128 : i32
      %mul3A_80 = arith.muli %scan3A_77, %mul3A_79 : i32
      %add3A_81 = arith.addi %add3A_26, %mul3A_80 : i32
      "tpu.region"() ({
        %run_scoped3A = tpu.sem_alloc : memref<!tpu.dma_semaphore, #tpu.memory_space<semaphore_mem>>
        %dma_start3A = tpu.memref_slice %arg2[%add3A_81] : memref<983040xi32, #tpu.memory_space<hbm>> -> memref<128xi32, #tpu.memory_space<hbm>>
        %dma_start3A_83 = tpu.memref_slice %arg2[%add3A_81] : memref<983040xi32, #tpu.memory_space<hbm>> -> memref<128xi32, #tpu.memory_space<hbm>>
        tpu.enqueue_dma source(%dma_start3A_83 : memref<128xi32, #tpu.memory_space<hbm>>) target(%arg9 : memref<128xi32, #tpu.memory_space<vmem>>) target_semaphore(%run_scoped3A : memref<!tpu.dma_semaphore, #tpu.memory_space<semaphore_mem>>)
        %dma_wait3A = tpu.memref_slice %arg2[%add3A_81] : memref<983040xi32, #tpu.memory_space<hbm>> -> memref<128xi32, #tpu.memory_space<hbm>>
        %dma_wait3A_84 = tpu.memref_slice %arg2[%add3A_81] : memref<983040xi32, #tpu.memory_space<hbm>> -> memref<128xi32, #tpu.memory_space<hbm>>
        tpu.wait_dma2 semaphore(%run_scoped3A : memref<!tpu.dma_semaphore, #tpu.memory_space<semaphore_mem>>) src(%dma_wait3A_84 : memref<128xi32, #tpu.memory_space<hbm>>) dst(%arg9 : memref<128xi32, #tpu.memory_space<vmem>>)
        tpu.yield
      }) : () -> ()
      "tpu.region"() ({
        %run_scoped3A = tpu.sem_alloc : memref<!tpu.dma_semaphore, #tpu.memory_space<semaphore_mem>>
        %dma_start3A = arith.constant 0 : i32
        %dma_start3A_83 = arith.constant 0 : i32
        %dma_start3A_84 = tpu.memref_slice %arg4[%dma_start3A, %dma_start3A_83] : memref<10240x16xf32, #tpu.memory_space<vmem_shared>> -> memref<10240x16xf32, #tpu.memory_space<vmem_shared>>
        tpu.enqueue_indirect_dma source(%arg8 : memref<128x16xf32, #tpu.memory_space<vmem>>) target(%dma_start3A_84 : memref<10240x16xf32, #tpu.memory_space<vmem_shared>>) offsets(%arg9 : memref<128xi32, #tpu.memory_space<vmem>>) semaphore(%run_scoped3A : memref<!tpu.dma_semaphore, #tpu.memory_space<semaphore_mem>>) {add = true}
        %dma_wait3A = arith.constant 0 : i32
        %dma_wait3A_85 = arith.constant 0 : i32
        %dma_wait3A_86 = tpu.memref_slice %arg4[%dma_wait3A, %dma_wait3A_85] : memref<10240x16xf32, #tpu.memory_space<vmem_shared>> -> memref<10240x16xf32, #tpu.memory_space<vmem_shared>>
        tpu.wait_indirect_dma semaphore(%run_scoped3A : memref<!tpu.dma_semaphore, #tpu.memory_space<semaphore_mem>>) src(%arg8 : memref<128x16xf32, #tpu.memory_space<vmem>>) dst(%dma_wait3A_86 : memref<10240x16xf32, #tpu.memory_space<vmem_shared>>)
        tpu.yield
      }) : () -> ()
      %scan3A_82 = arith.constant 0 : i32
      scf.yield %scan3A_82 : i32
    }
    %scan3A_33 = arith.constant 80 : i32
    %add3A_34 = arith.constant 327680 : i32
    %add3A_35 = arith.addi %add3A_34, %add3A : i32
    %scan3A_36 = arith.constant 0 : i32
    %scan3A_37 = arith.constant 0 : i32
    %scan3A_38 = arith.constant 80 : i32
    %scan3A_39 = arith.addi %scan3A_37, %scan3A_38 : i32
    %scan3A_40 = arith.constant 1 : i32
    %scan3A_41 = scf.for %scan3A_77 = %scan3A_37 to %scan3A_39 step %scan3A_40 iter_args(%scan3A_78 = %scan3A_36) -> (i32)  : i32 {
      %mul3A_79 = arith.constant 128 : i32
      %mul3A_80 = arith.muli %scan3A_77, %mul3A_79 : i32
      %add3A_81 = arith.addi %add3A_35, %mul3A_80 : i32
      "tpu.region"() ({
        %run_scoped3A = tpu.sem_alloc : memref<!tpu.dma_semaphore, #tpu.memory_space<semaphore_mem>>
        %dma_start3A = tpu.memref_slice %arg2[%add3A_81] : memref<983040xi32, #tpu.memory_space<hbm>> -> memref<128xi32, #tpu.memory_space<hbm>>
        %dma_start3A_83 = tpu.memref_slice %arg2[%add3A_81] : memref<983040xi32, #tpu.memory_space<hbm>> -> memref<128xi32, #tpu.memory_space<hbm>>
        tpu.enqueue_dma source(%dma_start3A_83 : memref<128xi32, #tpu.memory_space<hbm>>) target(%arg9 : memref<128xi32, #tpu.memory_space<vmem>>) target_semaphore(%run_scoped3A : memref<!tpu.dma_semaphore, #tpu.memory_space<semaphore_mem>>)
        %dma_wait3A = tpu.memref_slice %arg2[%add3A_81] : memref<983040xi32, #tpu.memory_space<hbm>> -> memref<128xi32, #tpu.memory_space<hbm>>
        %dma_wait3A_84 = tpu.memref_slice %arg2[%add3A_81] : memref<983040xi32, #tpu.memory_space<hbm>> -> memref<128xi32, #tpu.memory_space<hbm>>
        tpu.wait_dma2 semaphore(%run_scoped3A : memref<!tpu.dma_semaphore, #tpu.memory_space<semaphore_mem>>) src(%dma_wait3A_84 : memref<128xi32, #tpu.memory_space<hbm>>) dst(%arg9 : memref<128xi32, #tpu.memory_space<vmem>>)
        tpu.yield
      }) : () -> ()
      "tpu.region"() ({
        %run_scoped3A = tpu.sem_alloc : memref<!tpu.dma_semaphore, #tpu.memory_space<semaphore_mem>>
        %dma_start3A = arith.constant 0 : i32
        %dma_start3A_83 = arith.constant 0 : i32
        %dma_start3A_84 = tpu.memref_slice %arg5[%dma_start3A, %dma_start3A_83] : memref<10240x16xf32, #tpu.memory_space<vmem_shared>> -> memref<10240x16xf32, #tpu.memory_space<vmem_shared>>
        tpu.enqueue_indirect_dma source(%arg8 : memref<128x16xf32, #tpu.memory_space<vmem>>) target(%dma_start3A_84 : memref<10240x16xf32, #tpu.memory_space<vmem_shared>>) offsets(%arg9 : memref<128xi32, #tpu.memory_space<vmem>>) semaphore(%run_scoped3A : memref<!tpu.dma_semaphore, #tpu.memory_space<semaphore_mem>>) {add = true}
        %dma_wait3A = arith.constant 0 : i32
        %dma_wait3A_85 = arith.constant 0 : i32
        %dma_wait3A_86 = tpu.memref_slice %arg5[%dma_wait3A, %dma_wait3A_85] : memref<10240x16xf32, #tpu.memory_space<vmem_shared>> -> memref<10240x16xf32, #tpu.memory_space<vmem_shared>>
        tpu.wait_indirect_dma semaphore(%run_scoped3A : memref<!tpu.dma_semaphore, #tpu.memory_space<semaphore_mem>>) src(%arg8 : memref<128x16xf32, #tpu.memory_space<vmem>>) dst(%dma_wait3A_86 : memref<10240x16xf32, #tpu.memory_space<vmem_shared>>)
        tpu.yield
      }) : () -> ()
      %scan3A_82 = arith.constant 0 : i32
      scf.yield %scan3A_82 : i32
    }
    %scan3A_42 = arith.constant 80 : i32
    %add3A_43 = arith.constant 655360 : i32
    %add3A_44 = arith.addi %add3A_43, %add3A : i32
    %scan3A_45 = arith.constant 0 : i32
    %scan3A_46 = arith.constant 0 : i32
    %scan3A_47 = arith.constant 80 : i32
    %scan3A_48 = arith.addi %scan3A_46, %scan3A_47 : i32
    %scan3A_49 = arith.constant 1 : i32
    %scan3A_50 = scf.for %scan3A_77 = %scan3A_46 to %scan3A_48 step %scan3A_49 iter_args(%scan3A_78 = %scan3A_45) -> (i32)  : i32 {
      %mul3A_79 = arith.constant 128 : i32
      %mul3A_80 = arith.muli %scan3A_77, %mul3A_79 : i32
      %add3A_81 = arith.addi %add3A_44, %mul3A_80 : i32
      "tpu.region"() ({
        %run_scoped3A = tpu.sem_alloc : memref<!tpu.dma_semaphore, #tpu.memory_space<semaphore_mem>>
        %dma_start3A = tpu.memref_slice %arg2[%add3A_81] : memref<983040xi32, #tpu.memory_space<hbm>> -> memref<128xi32, #tpu.memory_space<hbm>>
        %dma_start3A_83 = tpu.memref_slice %arg2[%add3A_81] : memref<983040xi32, #tpu.memory_space<hbm>> -> memref<128xi32, #tpu.memory_space<hbm>>
        tpu.enqueue_dma source(%dma_start3A_83 : memref<128xi32, #tpu.memory_space<hbm>>) target(%arg9 : memref<128xi32, #tpu.memory_space<vmem>>) target_semaphore(%run_scoped3A : memref<!tpu.dma_semaphore, #tpu.memory_space<semaphore_mem>>)
        %dma_wait3A = tpu.memref_slice %arg2[%add3A_81] : memref<983040xi32, #tpu.memory_space<hbm>> -> memref<128xi32, #tpu.memory_space<hbm>>
        %dma_wait3A_84 = tpu.memref_slice %arg2[%add3A_81] : memref<983040xi32, #tpu.memory_space<hbm>> -> memref<128xi32, #tpu.memory_space<hbm>>
        tpu.wait_dma2 semaphore(%run_scoped3A : memref<!tpu.dma_semaphore, #tpu.memory_space<semaphore_mem>>) src(%dma_wait3A_84 : memref<128xi32, #tpu.memory_space<hbm>>) dst(%arg9 : memref<128xi32, #tpu.memory_space<vmem>>)
        tpu.yield
      }) : () -> ()
      "tpu.region"() ({
        %run_scoped3A = tpu.sem_alloc : memref<!tpu.dma_semaphore, #tpu.memory_space<semaphore_mem>>
        %dma_start3A = arith.constant 0 : i32
        %dma_start3A_83 = arith.constant 0 : i32
        %dma_start3A_84 = tpu.memref_slice %arg6[%dma_start3A, %dma_start3A_83] : memref<10240x16xf32, #tpu.memory_space<vmem_shared>> -> memref<10240x16xf32, #tpu.memory_space<vmem_shared>>
        tpu.enqueue_indirect_dma source(%arg8 : memref<128x16xf32, #tpu.memory_space<vmem>>) target(%dma_start3A_84 : memref<10240x16xf32, #tpu.memory_space<vmem_shared>>) offsets(%arg9 : memref<128xi32, #tpu.memory_space<vmem>>) semaphore(%run_scoped3A : memref<!tpu.dma_semaphore, #tpu.memory_space<semaphore_mem>>) {add = true}
        %dma_wait3A = arith.constant 0 : i32
        %dma_wait3A_85 = arith.constant 0 : i32
        %dma_wait3A_86 = tpu.memref_slice %arg6[%dma_wait3A, %dma_wait3A_85] : memref<10240x16xf32, #tpu.memory_space<vmem_shared>> -> memref<10240x16xf32, #tpu.memory_space<vmem_shared>>
        tpu.wait_indirect_dma semaphore(%run_scoped3A : memref<!tpu.dma_semaphore, #tpu.memory_space<semaphore_mem>>) src(%arg8 : memref<128x16xf32, #tpu.memory_space<vmem>>) dst(%dma_wait3A_86 : memref<10240x16xf32, #tpu.memory_space<vmem_shared>>)
        tpu.yield
      }) : () -> ()
      %scan3A_82 = arith.constant 0 : i32
      scf.yield %scan3A_82 : i32
    }
    %scan3A_51 = arith.constant 80 : i32
    %barrier3A_52 = arith.constant 0 : index
    tpu.barrier barrier_id(%barrier3A_52)
    %mul3A_53 = arith.constant 640 : i32
    %mul3A_54 = arith.muli %arg1, %mul3A_53 : i32
    %mul3A_55 = arith.constant 3 : i32
    %mul3A_56 = arith.muli %arg0, %mul3A_55 : i32
    %add3A_57 = arith.constant 0 : i32
    %add3A_58 = arith.addi %mul3A_56, %add3A_57 : i32
    %mul3A_59 = arith.constant 640 : i32
    %mul3A_60 = arith.muli %arg1, %mul3A_59 : i32
    "tpu.region"() ({
      %run_scoped3A = tpu.sem_alloc : memref<!tpu.dma_semaphore, #tpu.memory_space<semaphore_mem>>
      %dma_start3A = arith.constant 0 : i32
      %dma_start3A_77 = tpu.memref_slice %arg3[%add3A_58, %mul3A_60, %dma_start3A] : memref<6x10240x16xf32, #tpu.memory_space<hbm>> -> memref<1x640x16xf32, #tpu.memory_space<hbm>>
      %dma_start3A_78 = tpu.memref_squeeze %dma_start3A_77 : memref<1x640x16xf32, #tpu.memory_space<hbm>> -> memref<640x16xf32, #tpu.memory_space<hbm>>
      %dma_start3A_79 = arith.constant 0 : i32
      %dma_start3A_80 = tpu.memref_slice %arg4[%mul3A_54, %dma_start3A_79] : memref<10240x16xf32, #tpu.memory_space<vmem_shared>> -> memref<640x16xf32, #tpu.memory_space<vmem_shared>>
      tpu.enqueue_dma source(%dma_start3A_80 : memref<640x16xf32, #tpu.memory_space<vmem_shared>>) target(%dma_start3A_78 : memref<640x16xf32, #tpu.memory_space<hbm>>) target_semaphore(%run_scoped3A : memref<!tpu.dma_semaphore, #tpu.memory_space<semaphore_mem>>)
      %dma_wait3A = arith.constant 0 : i32
      %dma_wait3A_81 = tpu.memref_slice %arg3[%add3A_58, %mul3A_60, %dma_wait3A] : memref<6x10240x16xf32, #tpu.memory_space<hbm>> -> memref<1x640x16xf32, #tpu.memory_space<hbm>>
      %dma_wait3A_82 = tpu.memref_squeeze %dma_wait3A_81 : memref<1x640x16xf32, #tpu.memory_space<hbm>> -> memref<640x16xf32, #tpu.memory_space<hbm>>
      %dma_wait3A_83 = arith.constant 0 : i32
      %dma_wait3A_84 = tpu.memref_slice %arg4[%mul3A_54, %dma_wait3A_83] : memref<10240x16xf32, #tpu.memory_space<vmem_shared>> -> memref<640x16xf32, #tpu.memory_space<vmem_shared>>
      tpu.wait_dma2 semaphore(%run_scoped3A : memref<!tpu.dma_semaphore, #tpu.memory_space<semaphore_mem>>) src(%dma_wait3A_84 : memref<640x16xf32, #tpu.memory_space<vmem_shared>>) dst(%dma_wait3A_82 : memref<640x16xf32, #tpu.memory_space<hbm>>)
      tpu.yield
    }) : () -> ()
    %mul3A_61 = arith.constant 640 : i32
    %mul3A_62 = arith.muli %arg1, %mul3A_61 : i32
    %mul3A_63 = arith.constant 3 : i32
    %mul3A_64 = arith.muli %arg0, %mul3A_63 : i32
    %add3A_65 = arith.constant 1 : i32
    %add3A_66 = arith.addi %mul3A_64, %add3A_65 : i32
    %mul3A_67 = arith.constant 640 : i32
    %mul3A_68 = arith.muli %arg1, %mul3A_67 : i32
    "tpu.region"() ({
      %run_scoped3A = tpu.sem_alloc : memref<!tpu.dma_semaphore, #tpu.memory_space<semaphore_mem>>
      %dma_start3A = arith.constant 0 : i32
      %dma_start3A_77 = tpu.memref_slice %arg3[%add3A_66, %mul3A_68, %dma_start3A] : memref<6x10240x16xf32, #tpu.memory_space<hbm>> -> memref<1x640x16xf32, #tpu.memory_space<hbm>>
      %dma_start3A_78 = tpu.memref_squeeze %dma_start3A_77 : memref<1x640x16xf32, #tpu.memory_space<hbm>> -> memref<640x16xf32, #tpu.memory_space<hbm>>
      %dma_start3A_79 = arith.constant 0 : i32
      %dma_start3A_80 = tpu.memref_slice %arg5[%mul3A_62, %dma_start3A_79] : memref<10240x16xf32, #tpu.memory_space<vmem_shared>> -> memref<640x16xf32, #tpu.memory_space<vmem_shared>>
      tpu.enqueue_dma source(%dma_start3A_80 : memref<640x16xf32, #tpu.memory_space<vmem_shared>>) target(%dma_start3A_78 : memref<640x16xf32, #tpu.memory_space<hbm>>) target_semaphore(%run_scoped3A : memref<!tpu.dma_semaphore, #tpu.memory_space<semaphore_mem>>)
      %dma_wait3A = arith.constant 0 : i32
      %dma_wait3A_81 = tpu.memref_slice %arg3[%add3A_66, %mul3A_68, %dma_wait3A] : memref<6x10240x16xf32, #tpu.memory_space<hbm>> -> memref<1x640x16xf32, #tpu.memory_space<hbm>>
      %dma_wait3A_82 = tpu.memref_squeeze %dma_wait3A_81 : memref<1x640x16xf32, #tpu.memory_space<hbm>> -> memref<640x16xf32, #tpu.memory_space<hbm>>
      %dma_wait3A_83 = arith.constant 0 : i32
      %dma_wait3A_84 = tpu.memref_slice %arg5[%mul3A_62, %dma_wait3A_83] : memref<10240x16xf32, #tpu.memory_space<vmem_shared>> -> memref<640x16xf32, #tpu.memory_space<vmem_shared>>
      tpu.wait_dma2 semaphore(%run_scoped3A : memref<!tpu.dma_semaphore, #tpu.memory_space<semaphore_mem>>) src(%dma_wait3A_84 : memref<640x16xf32, #tpu.memory_space<vmem_shared>>) dst(%dma_wait3A_82 : memref<640x16xf32, #tpu.memory_space<hbm>>)
      tpu.yield
    }) : () -> ()
    %mul3A_69 = arith.constant 640 : i32
    %mul3A_70 = arith.muli %arg1, %mul3A_69 : i32
    %mul3A_71 = arith.constant 3 : i32
    %mul3A_72 = arith.muli %arg0, %mul3A_71 : i32
    %add3A_73 = arith.constant 2 : i32
    %add3A_74 = arith.addi %mul3A_72, %add3A_73 : i32
    %mul3A_75 = arith.constant 640 : i32
    %mul3A_76 = arith.muli %arg1, %mul3A_75 : i32
    "tpu.region"() ({
      %run_scoped3A = tpu.sem_alloc : memref<!tpu.dma_semaphore, #tpu.memory_space<semaphore_mem>>
      %dma_start3A = arith.constant 0 : i32
      %dma_start3A_77 = tpu.memref_slice %arg3[%add3A_74, %mul3A_76, %dma_start3A] : memref<6x10240x16xf32, #tpu.memory_space<hbm>> -> memref<1x640x16xf32, #tpu.memory_space<hbm>>
      %dma_start3A_78 = tpu.memref_squeeze %dma_start3A_77 : memref<1x640x16xf32, #tpu.memory_space<hbm>> -> memref<640x16xf32, #tpu.memory_space<hbm>>
      %dma_start3A_79 = arith.constant 0 : i32
      %dma_start3A_80 = tpu.memref_slice %arg6[%mul3A_70, %dma_start3A_79] : memref<10240x16xf32, #tpu.memory_space<vmem_shared>> -> memref<640x16xf32, #tpu.memory_space<vmem_shared>>
      tpu.enqueue_dma source(%dma_start3A_80 : memref<640x16xf32, #tpu.memory_space<vmem_shared>>) target(%dma_start3A_78 : memref<640x16xf32, #tpu.memory_space<hbm>>) target_semaphore(%run_scoped3A : memref<!tpu.dma_semaphore, #tpu.memory_space<semaphore_mem>>)
      %dma_wait3A = arith.constant 0 : i32
      %dma_wait3A_81 = tpu.memref_slice %arg3[%add3A_74, %mul3A_76, %dma_wait3A] : memref<6x10240x16xf32, #tpu.memory_space<hbm>> -> memref<1x640x16xf32, #tpu.memory_space<hbm>>
      %dma_wait3A_82 = tpu.memref_squeeze %dma_wait3A_81 : memref<1x640x16xf32, #tpu.memory_space<hbm>> -> memref<640x16xf32, #tpu.memory_space<hbm>>
      %dma_wait3A_83 = arith.constant 0 : i32
      %dma_wait3A_84 = tpu.memref_slice %arg6[%mul3A_70, %dma_wait3A_83] : memref<10240x16xf32, #tpu.memory_space<vmem_shared>> -> memref<640x16xf32, #tpu.memory_space<vmem_shared>>
      tpu.wait_dma2 semaphore(%run_scoped3A : memref<!tpu.dma_semaphore, #tpu.memory_space<semaphore_mem>>) src(%dma_wait3A_84 : memref<640x16xf32, #tpu.memory_space<vmem_shared>>) dst(%dma_wait3A_82 : memref<640x16xf32, #tpu.memory_space<hbm>>)
      tpu.yield
    }) : () -> ()
    return
  }
}

#map = affine_map<(d0, d1) -> (0, 0)>
#map1 = affine_map<(d0, d1) -> (0)>
#map2 = affine_map<(d0, d1) -> (0, 0, 0)>
module attributes {stable_mosaic.version = 14 : i64} {
  func.func @_prop1_body(%arg0: i32, %arg1: i32, %arg2: memref<10000x128xf32, #tpu.memory_space<hbm>>, %arg3: memref<320000xi32, #tpu.memory_space<hbm>>, %arg4: memref<320000xi32, #tpu.memory_space<hbm>>, %arg5: memref<2x10240x128xf32, #tpu.memory_space<hbm>>, %arg6: memref<10240x128xf32, #tpu.memory_space<vmem_shared>>, %arg7: memref<128x128xf32, #tpu.memory_space<vmem>>, %arg8: memref<80xi32, #tpu.memory_space<vmem>>, %arg9: memref<80xi32, #tpu.memory_space<vmem>>, %arg10: memref<80x128xf32, #tpu.memory_space<vmem>>, %arg11: memref<!tpu.dma_semaphore, #tpu.memory_space<semaphore_mem>>) attributes {dimension_semantics = [#tpu.dimension_semantics<core_parallel>, #tpu.dimension_semantics<subcore_parallel>], iteration_bounds = array<i64: 2, 16>, scalar_prefetch = 0 : i64, scratch_operands = 6 : i64, tpu.core_type = #tpu.core_type<sc_vector_subcore>, window_params = [{transform_indices = #map}, {transform_indices = #map1}, {transform_indices = #map1}, {transform_indices = #map2}]} {
    %broadcast_in_dim3A = arith.constant 0.000000e+00 : f32
    %broadcast_in_dim3A_0 = vector.broadcast %broadcast_in_dim3A : f32 to vector<16xf32>
    %scan3A = arith.constant 0 : i32
    %scan3A_1 = arith.constant 0 : i32
    %scan3A_2 = arith.constant 1024 : i32
    %scan3A_3 = arith.addi %scan3A_1, %scan3A_2 : i32
    %scan3A_4 = arith.constant 1 : i32
    %scan3A_5 = scf.for %scan3A_42 = %scan3A_1 to %scan3A_3 step %scan3A_4 iter_args(%scan3A_43 = %scan3A) -> (i32)  : i32 {
      %jit3A = arith.constant 8 : i32
      %div3A = arith.divsi %scan3A_42, %jit3A : i32
      %sign3A = arith.constant 0 : i32
      %sign3A_44 = arith.cmpi sgt, %scan3A_42, %sign3A : i32
      %sign3A_45 = arith.extui %sign3A_44 : i1 to i32
      %sign3A_46 = arith.constant 0 : i32
      %sign3A_47 = arith.cmpi slt, %scan3A_42, %sign3A_46 : i32
      %sign3A_48 = arith.extui %sign3A_47 : i1 to i32
      %sign3A_49 = arith.subi %sign3A_45, %sign3A_48 : i32
      %sign3A_50 = arith.constant 0 : i32
      %sign3A_51 = arith.cmpi sgt, %jit3A, %sign3A_50 : i32
      %sign3A_52 = arith.extui %sign3A_51 : i1 to i32
      %sign3A_53 = arith.constant 0 : i32
      %sign3A_54 = arith.cmpi slt, %jit3A, %sign3A_53 : i32
      %sign3A_55 = arith.extui %sign3A_54 : i1 to i32
      %sign3A_56 = arith.subi %sign3A_52, %sign3A_55 : i32
      %ne3A = arith.cmpi ne, %sign3A_49, %sign3A_56 : i32
      %rem3A = arith.remsi %scan3A_42, %jit3A : i32
      %ne3A_57 = arith.constant 0 : i32
      %ne3A_58 = arith.cmpi ne, %rem3A, %ne3A_57 : i32
      %and3A = arith.andi %ne3A, %ne3A_58 : i1
      %sub3A = arith.constant 1 : i32
      %sub3A_59 = arith.subi %div3A, %sub3A : i32
      %select_n3A = arith.select %and3A, %sub3A_59, %div3A : i32
      %jit3A_60 = arith.constant 8 : i32
      %eq3A = arith.constant 0 : i32
      %eq3A_61 = arith.cmpi eq, %jit3A_60, %eq3A : i32
      %jit3A_62 = arith.constant 1 : i32
      %select_n3A_63 = arith.select %eq3A_61, %jit3A_62, %jit3A_60 : i32
      %rem3A_64 = arith.remsi %scan3A_42, %select_n3A_63 : i32
      %ne3A_65 = arith.constant 0 : i32
      %ne3A_66 = arith.cmpi ne, %rem3A_64, %ne3A_65 : i32
      %lt3A = arith.constant 0 : i32
      %lt3A_67 = arith.cmpi slt, %rem3A_64, %lt3A : i32
      %lt3A_68 = arith.constant 0 : i32
      %lt3A_69 = arith.cmpi slt, %select_n3A_63, %lt3A_68 : i32
      %ne3A_70 = arith.xori %lt3A_67, %lt3A_69 : i1
      %and3A_71 = arith.andi %ne3A_70, %ne3A_66 : i1
      %add3A_72 = arith.addi %rem3A_64, %select_n3A_63 : i32
      %select_n3A_73 = arith.select %and3A_71, %add3A_72, %rem3A_64 : i32
      %mul3A_74 = arith.constant 16 : i32
      %mul3A_75 = arith.muli %select_n3A_73, %mul3A_74 : i32
      %swap3A = arith.index_cast %select_n3A : i32 to index
      %swap3A_76 = arith.index_cast %mul3A_75 : i32 to index
      %swap3A_77 = tpu.vector_load %arg7[%swap3A, %swap3A_76] {strides = array<i32>} : memref<128x128xf32, #tpu.memory_space<vmem>>, vector<1x16xf32>,
      %swap3A_78 = vector.shape_cast %swap3A_77 : vector<1x16xf32> to vector<16xf32>
      %swap3A_79 = vector.shape_cast %broadcast_in_dim3A_0 : vector<16xf32> to vector<1x16xf32>
      tpu.vector_store %arg7[%swap3A, %swap3A_76], %swap3A_79 {strides = array<i32>} : memref<128x128xf32, #tpu.memory_space<vmem>>, vector<1x16xf32>,
      %scan3A_80 = arith.constant 0 : i32
      scf.yield %scan3A_80 : i32
    }
    %scan3A_6 = arith.constant 1024 : i32
    %mul3A = arith.constant 640 : i32
    %mul3A_7 = arith.muli %arg1, %mul3A : i32
    %add3A = arith.constant 0 : i32
    %add3A_8 = arith.addi %mul3A_7, %add3A : i32
    "tpu.region"() ({
      %run_scoped3A = tpu.sem_alloc : memref<!tpu.dma_semaphore, #tpu.memory_space<semaphore_mem>>
      %dma_start3A = arith.constant 0 : i32
      %dma_start3A_42 = tpu.memref_slice %arg6[%add3A_8, %dma_start3A] : memref<10240x128xf32, #tpu.memory_space<vmem_shared>> -> memref<128x128xf32, #tpu.memory_space<vmem_shared>>
      %dma_start3A_43 = arith.constant 0 : i32
      %dma_start3A_44 = tpu.memref_slice %arg6[%add3A_8, %dma_start3A_43] : memref<10240x128xf32, #tpu.memory_space<vmem_shared>> -> memref<128x128xf32, #tpu.memory_space<vmem_shared>>
      tpu.enqueue_dma source(%arg7 : memref<128x128xf32, #tpu.memory_space<vmem>>) target(%dma_start3A_44 : memref<128x128xf32, #tpu.memory_space<vmem_shared>>) target_semaphore(%run_scoped3A : memref<!tpu.dma_semaphore, #tpu.memory_space<semaphore_mem>>)
      %dma_wait3A = arith.constant 0 : i32
      %dma_wait3A_45 = tpu.memref_slice %arg6[%add3A_8, %dma_wait3A] : memref<10240x128xf32, #tpu.memory_space<vmem_shared>> -> memref<128x128xf32, #tpu.memory_space<vmem_shared>>
      %dma_wait3A_46 = arith.constant 0 : i32
      %dma_wait3A_47 = tpu.memref_slice %arg6[%add3A_8, %dma_wait3A_46] : memref<10240x128xf32, #tpu.memory_space<vmem_shared>> -> memref<128x128xf32, #tpu.memory_space<vmem_shared>>
      tpu.wait_dma2 semaphore(%run_scoped3A : memref<!tpu.dma_semaphore, #tpu.memory_space<semaphore_mem>>) src(%arg7 : memref<128x128xf32, #tpu.memory_space<vmem>>) dst(%dma_wait3A_47 : memref<128x128xf32, #tpu.memory_space<vmem_shared>>)
      tpu.yield
    }) : () -> ()
    %mul3A_9 = arith.constant 640 : i32
    %mul3A_10 = arith.muli %arg1, %mul3A_9 : i32
    %add3A_11 = arith.constant 128 : i32
    %add3A_12 = arith.addi %mul3A_10, %add3A_11 : i32
    "tpu.region"() ({
      %run_scoped3A = tpu.sem_alloc : memref<!tpu.dma_semaphore, #tpu.memory_space<semaphore_mem>>
      %dma_start3A = arith.constant 0 : i32
      %dma_start3A_42 = tpu.memref_slice %arg6[%add3A_12, %dma_start3A] : memref<10240x128xf32, #tpu.memory_space<vmem_shared>> -> memref<128x128xf32, #tpu.memory_space<vmem_shared>>
      %dma_start3A_43 = arith.constant 0 : i32
      %dma_start3A_44 = tpu.memref_slice %arg6[%add3A_12, %dma_start3A_43] : memref<10240x128xf32, #tpu.memory_space<vmem_shared>> -> memref<128x128xf32, #tpu.memory_space<vmem_shared>>
      tpu.enqueue_dma source(%arg7 : memref<128x128xf32, #tpu.memory_space<vmem>>) target(%dma_start3A_44 : memref<128x128xf32, #tpu.memory_space<vmem_shared>>) target_semaphore(%run_scoped3A : memref<!tpu.dma_semaphore, #tpu.memory_space<semaphore_mem>>)
      %dma_wait3A = arith.constant 0 : i32
      %dma_wait3A_45 = tpu.memref_slice %arg6[%add3A_12, %dma_wait3A] : memref<10240x128xf32, #tpu.memory_space<vmem_shared>> -> memref<128x128xf32, #tpu.memory_space<vmem_shared>>
      %dma_wait3A_46 = arith.constant 0 : i32
      %dma_wait3A_47 = tpu.memref_slice %arg6[%add3A_12, %dma_wait3A_46] : memref<10240x128xf32, #tpu.memory_space<vmem_shared>> -> memref<128x128xf32, #tpu.memory_space<vmem_shared>>
      tpu.wait_dma2 semaphore(%run_scoped3A : memref<!tpu.dma_semaphore, #tpu.memory_space<semaphore_mem>>) src(%arg7 : memref<128x128xf32, #tpu.memory_space<vmem>>) dst(%dma_wait3A_47 : memref<128x128xf32, #tpu.memory_space<vmem_shared>>)
      tpu.yield
    }) : () -> ()
    %mul3A_13 = arith.constant 640 : i32
    %mul3A_14 = arith.muli %arg1, %mul3A_13 : i32
    %add3A_15 = arith.constant 256 : i32
    %add3A_16 = arith.addi %mul3A_14, %add3A_15 : i32
    "tpu.region"() ({
      %run_scoped3A = tpu.sem_alloc : memref<!tpu.dma_semaphore, #tpu.memory_space<semaphore_mem>>
      %dma_start3A = arith.constant 0 : i32
      %dma_start3A_42 = tpu.memref_slice %arg6[%add3A_16, %dma_start3A] : memref<10240x128xf32, #tpu.memory_space<vmem_shared>> -> memref<128x128xf32, #tpu.memory_space<vmem_shared>>
      %dma_start3A_43 = arith.constant 0 : i32
      %dma_start3A_44 = tpu.memref_slice %arg6[%add3A_16, %dma_start3A_43] : memref<10240x128xf32, #tpu.memory_space<vmem_shared>> -> memref<128x128xf32, #tpu.memory_space<vmem_shared>>
      tpu.enqueue_dma source(%arg7 : memref<128x128xf32, #tpu.memory_space<vmem>>) target(%dma_start3A_44 : memref<128x128xf32, #tpu.memory_space<vmem_shared>>) target_semaphore(%run_scoped3A : memref<!tpu.dma_semaphore, #tpu.memory_space<semaphore_mem>>)
      %dma_wait3A = arith.constant 0 : i32
      %dma_wait3A_45 = tpu.memref_slice %arg6[%add3A_16, %dma_wait3A] : memref<10240x128xf32, #tpu.memory_space<vmem_shared>> -> memref<128x128xf32, #tpu.memory_space<vmem_shared>>
      %dma_wait3A_46 = arith.constant 0 : i32
      %dma_wait3A_47 = tpu.memref_slice %arg6[%add3A_16, %dma_wait3A_46] : memref<10240x128xf32, #tpu.memory_space<vmem_shared>> -> memref<128x128xf32, #tpu.memory_space<vmem_shared>>
      tpu.wait_dma2 semaphore(%run_scoped3A : memref<!tpu.dma_semaphore, #tpu.memory_space<semaphore_mem>>) src(%arg7 : memref<128x128xf32, #tpu.memory_space<vmem>>) dst(%dma_wait3A_47 : memref<128x128xf32, #tpu.memory_space<vmem_shared>>)
      tpu.yield
    }) : () -> ()
    %mul3A_17 = arith.constant 640 : i32
    %mul3A_18 = arith.muli %arg1, %mul3A_17 : i32
    %add3A_19 = arith.constant 384 : i32
    %add3A_20 = arith.addi %mul3A_18, %add3A_19 : i32
    "tpu.region"() ({
      %run_scoped3A = tpu.sem_alloc : memref<!tpu.dma_semaphore, #tpu.memory_space<semaphore_mem>>
      %dma_start3A = arith.constant 0 : i32
      %dma_start3A_42 = tpu.memref_slice %arg6[%add3A_20, %dma_start3A] : memref<10240x128xf32, #tpu.memory_space<vmem_shared>> -> memref<128x128xf32, #tpu.memory_space<vmem_shared>>
      %dma_start3A_43 = arith.constant 0 : i32
      %dma_start3A_44 = tpu.memref_slice %arg6[%add3A_20, %dma_start3A_43] : memref<10240x128xf32, #tpu.memory_space<vmem_shared>> -> memref<128x128xf32, #tpu.memory_space<vmem_shared>>
      tpu.enqueue_dma source(%arg7 : memref<128x128xf32, #tpu.memory_space<vmem>>) target(%dma_start3A_44 : memref<128x128xf32, #tpu.memory_space<vmem_shared>>) target_semaphore(%run_scoped3A : memref<!tpu.dma_semaphore, #tpu.memory_space<semaphore_mem>>)
      %dma_wait3A = arith.constant 0 : i32
      %dma_wait3A_45 = tpu.memref_slice %arg6[%add3A_20, %dma_wait3A] : memref<10240x128xf32, #tpu.memory_space<vmem_shared>> -> memref<128x128xf32, #tpu.memory_space<vmem_shared>>
      %dma_wait3A_46 = arith.constant 0 : i32
      %dma_wait3A_47 = tpu.memref_slice %arg6[%add3A_20, %dma_wait3A_46] : memref<10240x128xf32, #tpu.memory_space<vmem_shared>> -> memref<128x128xf32, #tpu.memory_space<vmem_shared>>
      tpu.wait_dma2 semaphore(%run_scoped3A : memref<!tpu.dma_semaphore, #tpu.memory_space<semaphore_mem>>) src(%arg7 : memref<128x128xf32, #tpu.memory_space<vmem>>) dst(%dma_wait3A_47 : memref<128x128xf32, #tpu.memory_space<vmem_shared>>)
      tpu.yield
    }) : () -> ()
    %mul3A_21 = arith.constant 640 : i32
    %mul3A_22 = arith.muli %arg1, %mul3A_21 : i32
    %add3A_23 = arith.constant 512 : i32
    %add3A_24 = arith.addi %mul3A_22, %add3A_23 : i32
    "tpu.region"() ({
      %run_scoped3A = tpu.sem_alloc : memref<!tpu.dma_semaphore, #tpu.memory_space<semaphore_mem>>
      %dma_start3A = arith.constant 0 : i32
      %dma_start3A_42 = tpu.memref_slice %arg6[%add3A_24, %dma_start3A] : memref<10240x128xf32, #tpu.memory_space<vmem_shared>> -> memref<128x128xf32, #tpu.memory_space<vmem_shared>>
      %dma_start3A_43 = arith.constant 0 : i32
      %dma_start3A_44 = tpu.memref_slice %arg6[%add3A_24, %dma_start3A_43] : memref<10240x128xf32, #tpu.memory_space<vmem_shared>> -> memref<128x128xf32, #tpu.memory_space<vmem_shared>>
      tpu.enqueue_dma source(%arg7 : memref<128x128xf32, #tpu.memory_space<vmem>>) target(%dma_start3A_44 : memref<128x128xf32, #tpu.memory_space<vmem_shared>>) target_semaphore(%run_scoped3A : memref<!tpu.dma_semaphore, #tpu.memory_space<semaphore_mem>>)
      %dma_wait3A = arith.constant 0 : i32
      %dma_wait3A_45 = tpu.memref_slice %arg6[%add3A_24, %dma_wait3A] : memref<10240x128xf32, #tpu.memory_space<vmem_shared>> -> memref<128x128xf32, #tpu.memory_space<vmem_shared>>
      %dma_wait3A_46 = arith.constant 0 : i32
      %dma_wait3A_47 = tpu.memref_slice %arg6[%add3A_24, %dma_wait3A_46] : memref<10240x128xf32, #tpu.memory_space<vmem_shared>> -> memref<128x128xf32, #tpu.memory_space<vmem_shared>>
      tpu.wait_dma2 semaphore(%run_scoped3A : memref<!tpu.dma_semaphore, #tpu.memory_space<semaphore_mem>>) src(%arg7 : memref<128x128xf32, #tpu.memory_space<vmem>>) dst(%dma_wait3A_47 : memref<128x128xf32, #tpu.memory_space<vmem_shared>>)
      tpu.yield
    }) : () -> ()
    %barrier3A = arith.constant 0 : index
    tpu.barrier barrier_id(%barrier3A)
    %mul3A_25 = arith.constant 160000 : i32
    %mul3A_26 = arith.muli %arg0, %mul3A_25 : i32
    %mul3A_27 = arith.constant 10000 : i32
    %mul3A_28 = arith.muli %arg1, %mul3A_27 : i32
    %add3A_29 = arith.addi %mul3A_26, %mul3A_28 : i32
    %scan3A_30 = arith.constant 0 : i32
    %scan3A_31 = arith.constant 0 : i32
    %scan3A_32 = arith.constant 125 : i32
    %scan3A_33 = arith.addi %scan3A_31, %scan3A_32 : i32
    %scan3A_34 = arith.constant 1 : i32
    %scan3A_35 = scf.for %scan3A_42 = %scan3A_31 to %scan3A_33 step %scan3A_34 iter_args(%scan3A_43 = %scan3A_30) -> (i32)  : i32 {
      %mul3A_44 = arith.constant 80 : i32
      %mul3A_45 = arith.muli %scan3A_42, %mul3A_44 : i32
      %add3A_46 = arith.addi %add3A_29, %mul3A_45 : i32
      "tpu.region"() ({
        %run_scoped3A = tpu.sem_alloc : memref<!tpu.dma_semaphore, #tpu.memory_space<semaphore_mem>>
        %dma_start3A_52 = tpu.memref_slice %arg3[%add3A_46] : memref<320000xi32, #tpu.memory_space<hbm>> -> memref<80xi32, #tpu.memory_space<hbm>>
        %dma_start3A_53 = tpu.memref_slice %arg3[%add3A_46] : memref<320000xi32, #tpu.memory_space<hbm>> -> memref<80xi32, #tpu.memory_space<hbm>>
        tpu.enqueue_dma source(%dma_start3A_53 : memref<80xi32, #tpu.memory_space<hbm>>) target(%arg8 : memref<80xi32, #tpu.memory_space<vmem>>) target_semaphore(%run_scoped3A : memref<!tpu.dma_semaphore, #tpu.memory_space<semaphore_mem>>)
        %dma_wait3A_54 = tpu.memref_slice %arg3[%add3A_46] : memref<320000xi32, #tpu.memory_space<hbm>> -> memref<80xi32, #tpu.memory_space<hbm>>
        %dma_wait3A_55 = tpu.memref_slice %arg3[%add3A_46] : memref<320000xi32, #tpu.memory_space<hbm>> -> memref<80xi32, #tpu.memory_space<hbm>>
        tpu.wait_dma2 semaphore(%run_scoped3A : memref<!tpu.dma_semaphore, #tpu.memory_space<semaphore_mem>>) src(%dma_wait3A_55 : memref<80xi32, #tpu.memory_space<hbm>>) dst(%arg8 : memref<80xi32, #tpu.memory_space<vmem>>)
        tpu.yield
      }) : () -> ()
      "tpu.region"() ({
        %run_scoped3A = tpu.sem_alloc : memref<!tpu.dma_semaphore, #tpu.memory_space<semaphore_mem>>
        %dma_start3A_52 = tpu.memref_slice %arg4[%add3A_46] : memref<320000xi32, #tpu.memory_space<hbm>> -> memref<80xi32, #tpu.memory_space<hbm>>
        %dma_start3A_53 = tpu.memref_slice %arg4[%add3A_46] : memref<320000xi32, #tpu.memory_space<hbm>> -> memref<80xi32, #tpu.memory_space<hbm>>
        tpu.enqueue_dma source(%dma_start3A_53 : memref<80xi32, #tpu.memory_space<hbm>>) target(%arg9 : memref<80xi32, #tpu.memory_space<vmem>>) target_semaphore(%run_scoped3A : memref<!tpu.dma_semaphore, #tpu.memory_space<semaphore_mem>>)
        %dma_wait3A_54 = tpu.memref_slice %arg4[%add3A_46] : memref<320000xi32, #tpu.memory_space<hbm>> -> memref<80xi32, #tpu.memory_space<hbm>>
        %dma_wait3A_55 = tpu.memref_slice %arg4[%add3A_46] : memref<320000xi32, #tpu.memory_space<hbm>> -> memref<80xi32, #tpu.memory_space<hbm>>
        tpu.wait_dma2 semaphore(%run_scoped3A : memref<!tpu.dma_semaphore, #tpu.memory_space<semaphore_mem>>) src(%dma_wait3A_55 : memref<80xi32, #tpu.memory_space<hbm>>) dst(%arg9 : memref<80xi32, #tpu.memory_space<vmem>>)
        tpu.yield
      }) : () -> ()
      %dma_start3A = arith.constant 0 : i32
      %dma_start3A_47 = arith.constant 0 : i32
      %dma_start3A_48 = tpu.memref_slice %arg2[%dma_start3A, %dma_start3A_47] : memref<10000x128xf32, #tpu.memory_space<hbm>> -> memref<10000x128xf32, #tpu.memory_space<hbm>>
      tpu.enqueue_indirect_dma source(%dma_start3A_48 : memref<10000x128xf32, #tpu.memory_space<hbm>>) target(%arg10 : memref<80x128xf32, #tpu.memory_space<vmem>>) offsets(%arg8 : memref<80xi32, #tpu.memory_space<vmem>>) semaphore(%arg11 : memref<!tpu.dma_semaphore, #tpu.memory_space<semaphore_mem>>)
      %dma_wait3A = arith.constant 0 : i32
      %dma_wait3A_49 = arith.constant 0 : i32
      %dma_wait3A_50 = tpu.memref_slice %arg2[%dma_wait3A, %dma_wait3A_49] : memref<10000x128xf32, #tpu.memory_space<hbm>> -> memref<10000x128xf32, #tpu.memory_space<hbm>>
      tpu.wait_indirect_dma semaphore(%arg11 : memref<!tpu.dma_semaphore, #tpu.memory_space<semaphore_mem>>) src(%dma_wait3A_50 : memref<10000x128xf32, #tpu.memory_space<hbm>>) dst(%arg10 : memref<80x128xf32, #tpu.memory_space<vmem>>)
      "tpu.region"() ({
        %run_scoped3A = tpu.sem_alloc : memref<!tpu.dma_semaphore, #tpu.memory_space<semaphore_mem>>
        %dma_start3A_52 = arith.constant 0 : i32
        %dma_start3A_53 = arith.constant 0 : i32
        %dma_start3A_54 = tpu.memref_slice %arg6[%dma_start3A_52, %dma_start3A_53] : memref<10240x128xf32, #tpu.memory_space<vmem_shared>> -> memref<10240x128xf32, #tpu.memory_space<vmem_shared>>
        tpu.enqueue_indirect_dma source(%arg10 : memref<80x128xf32, #tpu.memory_space<vmem>>) target(%dma_start3A_54 : memref<10240x128xf32, #tpu.memory_space<vmem_shared>>) offsets(%arg9 : memref<80xi32, #tpu.memory_space<vmem>>) semaphore(%run_scoped3A : memref<!tpu.dma_semaphore, #tpu.memory_space<semaphore_mem>>) {add = true}
        %dma_wait3A_55 = arith.constant 0 : i32
        %dma_wait3A_56 = arith.constant 0 : i32
        %dma_wait3A_57 = tpu.memref_slice %arg6[%dma_wait3A_55, %dma_wait3A_56] : memref<10240x128xf32, #tpu.memory_space<vmem_shared>> -> memref<10240x128xf32, #tpu.memory_space<vmem_shared>>
        tpu.wait_indirect_dma semaphore(%run_scoped3A : memref<!tpu.dma_semaphore, #tpu.memory_space<semaphore_mem>>) src(%arg10 : memref<80x128xf32, #tpu.memory_space<vmem>>) dst(%dma_wait3A_57 : memref<10240x128xf32, #tpu.memory_space<vmem_shared>>)
        tpu.yield
      }) : () -> ()
      %scan3A_51 = arith.constant 0 : i32
      scf.yield %scan3A_51 : i32
    }
    %scan3A_36 = arith.constant 125 : i32
    %barrier3A_37 = arith.constant 0 : index
    tpu.barrier barrier_id(%barrier3A_37)
    %mul3A_38 = arith.constant 640 : i32
    %mul3A_39 = arith.muli %arg1, %mul3A_38 : i32
    %mul3A_40 = arith.constant 640 : i32
    %mul3A_41 = arith.muli %arg1, %mul3A_40 : i32
    "tpu.region"() ({
      %run_scoped3A = tpu.sem_alloc : memref<!tpu.dma_semaphore, #tpu.memory_space<semaphore_mem>>
      %dma_start3A = arith.constant 0 : i32
      %dma_start3A_42 = tpu.memref_slice %arg5[%arg0, %mul3A_41, %dma_start3A] : memref<2x10240x128xf32, #tpu.memory_space<hbm>> -> memref<1x640x128xf32, #tpu.memory_space<hbm>>
      %dma_start3A_43 = tpu.memref_squeeze %dma_start3A_42 : memref<1x640x128xf32, #tpu.memory_space<hbm>> -> memref<640x128xf32, #tpu.memory_space<hbm>>
      %dma_start3A_44 = arith.constant 0 : i32
      %dma_start3A_45 = tpu.memref_slice %arg6[%mul3A_39, %dma_start3A_44] : memref<10240x128xf32, #tpu.memory_space<vmem_shared>> -> memref<640x128xf32, #tpu.memory_space<vmem_shared>>
      tpu.enqueue_dma source(%dma_start3A_45 : memref<640x128xf32, #tpu.memory_space<vmem_shared>>) target(%dma_start3A_43 : memref<640x128xf32, #tpu.memory_space<hbm>>) target_semaphore(%run_scoped3A : memref<!tpu.dma_semaphore, #tpu.memory_space<semaphore_mem>>)
      %dma_wait3A = arith.constant 0 : i32
      %dma_wait3A_46 = tpu.memref_slice %arg5[%arg0, %mul3A_41, %dma_wait3A] : memref<2x10240x128xf32, #tpu.memory_space<hbm>> -> memref<1x640x128xf32, #tpu.memory_space<hbm>>
      %dma_wait3A_47 = tpu.memref_squeeze %dma_wait3A_46 : memref<1x640x128xf32, #tpu.memory_space<hbm>> -> memref<640x128xf32, #tpu.memory_space<hbm>>
      %dma_wait3A_48 = arith.constant 0 : i32
      %dma_wait3A_49 = tpu.memref_slice %arg6[%mul3A_39, %dma_wait3A_48] : memref<10240x128xf32, #tpu.memory_space<vmem_shared>> -> memref<640x128xf32, #tpu.memory_space<vmem_shared>>
      tpu.wait_dma2 semaphore(%run_scoped3A : memref<!tpu.dma_semaphore, #tpu.memory_space<semaphore_mem>>) src(%dma_wait3A_49 : memref<640x128xf32, #tpu.memory_space<vmem_shared>>) dst(%dma_wait3A_47 : memref<640x128xf32, #tpu.memory_space<hbm>>)
      tpu.yield
    }) : () -> ()
    return
  }
}

#map = affine_map<(d0, d1) -> (0, 0)>
#map1 = affine_map<(d0, d1) -> (0)>
#map2 = affine_map<(d0, d1) -> (0, 0, 0)>
module attributes {stable_mosaic.version = 14 : i64} {
  func.func @_prop2_body(%arg0: i32, %arg1: i32, %arg2: memref<10000x128xf32, #tpu.memory_space<hbm>>, %arg3: memref<10000x128xf32, #tpu.memory_space<hbm>>, %arg4: memref<320000xi32, #tpu.memory_space<hbm>>, %arg5: memref<320000xi32, #tpu.memory_space<hbm>>, %arg6: memref<2x10240x128xf32, #tpu.memory_space<hbm>>, %arg7: memref<10240x128xf32, #tpu.memory_space<vmem_shared>>, %arg8: memref<128x128xf32, #tpu.memory_space<vmem>>, %arg9: memref<80xi32, #tpu.memory_space<vmem>>, %arg10: memref<80xi32, #tpu.memory_space<vmem>>, %arg11: memref<80x128xf32, #tpu.memory_space<vmem>>, %arg12: memref<!tpu.dma_semaphore, #tpu.memory_space<semaphore_mem>>) attributes {dimension_semantics = [#tpu.dimension_semantics<core_parallel>, #tpu.dimension_semantics<subcore_parallel>], iteration_bounds = array<i64: 2, 16>, scalar_prefetch = 0 : i64, scratch_operands = 6 : i64, tpu.core_type = #tpu.core_type<sc_vector_subcore>, window_params = [{transform_indices = #map}, {transform_indices = #map}, {transform_indices = #map1}, {transform_indices = #map1}, {transform_indices = #map2}]} {
    %broadcast_in_dim3A = arith.constant 0.000000e+00 : f32
    %broadcast_in_dim3A_0 = vector.broadcast %broadcast_in_dim3A : f32 to vector<16xf32>
    %scan3A = arith.constant 0 : i32
    %scan3A_1 = arith.constant 0 : i32
    %scan3A_2 = arith.constant 1024 : i32
    %scan3A_3 = arith.addi %scan3A_1, %scan3A_2 : i32
    %scan3A_4 = arith.constant 1 : i32
    %scan3A_5 = scf.for %scan3A_39 = %scan3A_1 to %scan3A_3 step %scan3A_4 iter_args(%scan3A_40 = %scan3A) -> (i32)  : i32 {
      %jit3A = arith.constant 8 : i32
      %div3A = arith.divsi %scan3A_39, %jit3A : i32
      %sign3A = arith.constant 0 : i32
      %sign3A_41 = arith.cmpi sgt, %scan3A_39, %sign3A : i32
      %sign3A_42 = arith.extui %sign3A_41 : i1 to i32
      %sign3A_43 = arith.constant 0 : i32
      %sign3A_44 = arith.cmpi slt, %scan3A_39, %sign3A_43 : i32
      %sign3A_45 = arith.extui %sign3A_44 : i1 to i32
      %sign3A_46 = arith.subi %sign3A_42, %sign3A_45 : i32
      %sign3A_47 = arith.constant 0 : i32
      %sign3A_48 = arith.cmpi sgt, %jit3A, %sign3A_47 : i32
      %sign3A_49 = arith.extui %sign3A_48 : i1 to i32
      %sign3A_50 = arith.constant 0 : i32
      %sign3A_51 = arith.cmpi slt, %jit3A, %sign3A_50 : i32
      %sign3A_52 = arith.extui %sign3A_51 : i1 to i32
      %sign3A_53 = arith.subi %sign3A_49, %sign3A_52 : i32
      %ne3A = arith.cmpi ne, %sign3A_46, %sign3A_53 : i32
      %rem3A = arith.remsi %scan3A_39, %jit3A : i32
      %ne3A_54 = arith.constant 0 : i32
      %ne3A_55 = arith.cmpi ne, %rem3A, %ne3A_54 : i32
      %and3A = arith.andi %ne3A, %ne3A_55 : i1
      %sub3A = arith.constant 1 : i32
      %sub3A_56 = arith.subi %div3A, %sub3A : i32
      %select_n3A = arith.select %and3A, %sub3A_56, %div3A : i32
      %jit3A_57 = arith.constant 8 : i32
      %eq3A_58 = arith.constant 0 : i32
      %eq3A_59 = arith.cmpi eq, %jit3A_57, %eq3A_58 : i32
      %jit3A_60 = arith.constant 1 : i32
      %select_n3A_61 = arith.select %eq3A_59, %jit3A_60, %jit3A_57 : i32
      %rem3A_62 = arith.remsi %scan3A_39, %select_n3A_61 : i32
      %ne3A_63 = arith.constant 0 : i32
      %ne3A_64 = arith.cmpi ne, %rem3A_62, %ne3A_63 : i32
      %lt3A = arith.constant 0 : i32
      %lt3A_65 = arith.cmpi slt, %rem3A_62, %lt3A : i32
      %lt3A_66 = arith.constant 0 : i32
      %lt3A_67 = arith.cmpi slt, %select_n3A_61, %lt3A_66 : i32
      %ne3A_68 = arith.xori %lt3A_65, %lt3A_67 : i1
      %and3A_69 = arith.andi %ne3A_68, %ne3A_64 : i1
      %add3A_70 = arith.addi %rem3A_62, %select_n3A_61 : i32
      %select_n3A_71 = arith.select %and3A_69, %add3A_70, %rem3A_62 : i32
      %mul3A_72 = arith.constant 16 : i32
      %mul3A_73 = arith.muli %select_n3A_71, %mul3A_72 : i32
      %swap3A = arith.index_cast %select_n3A : i32 to index
      %swap3A_74 = arith.index_cast %mul3A_73 : i32 to index
      %swap3A_75 = tpu.vector_load %arg8[%swap3A, %swap3A_74] {strides = array<i32>} : memref<128x128xf32, #tpu.memory_space<vmem>>, vector<1x16xf32>,
      %swap3A_76 = vector.shape_cast %swap3A_75 : vector<1x16xf32> to vector<16xf32>
      %swap3A_77 = vector.shape_cast %broadcast_in_dim3A_0 : vector<16xf32> to vector<1x16xf32>
      tpu.vector_store %arg8[%swap3A, %swap3A_74], %swap3A_77 {strides = array<i32>} : memref<128x128xf32, #tpu.memory_space<vmem>>, vector<1x16xf32>,
      %scan3A_78 = arith.constant 0 : i32
      scf.yield %scan3A_78 : i32
    }
    %scan3A_6 = arith.constant 1024 : i32
    %mul3A = arith.constant 640 : i32
    %mul3A_7 = arith.muli %arg1, %mul3A : i32
    %add3A = arith.constant 0 : i32
    %add3A_8 = arith.addi %mul3A_7, %add3A : i32
    "tpu.region"() ({
      %run_scoped3A = tpu.sem_alloc : memref<!tpu.dma_semaphore, #tpu.memory_space<semaphore_mem>>
      %dma_start3A = arith.constant 0 : i32
      %dma_start3A_39 = tpu.memref_slice %arg7[%add3A_8, %dma_start3A] : memref<10240x128xf32, #tpu.memory_space<vmem_shared>> -> memref<128x128xf32, #tpu.memory_space<vmem_shared>>
      %dma_start3A_40 = arith.constant 0 : i32
      %dma_start3A_41 = tpu.memref_slice %arg7[%add3A_8, %dma_start3A_40] : memref<10240x128xf32, #tpu.memory_space<vmem_shared>> -> memref<128x128xf32, #tpu.memory_space<vmem_shared>>
      tpu.enqueue_dma source(%arg8 : memref<128x128xf32, #tpu.memory_space<vmem>>) target(%dma_start3A_41 : memref<128x128xf32, #tpu.memory_space<vmem_shared>>) target_semaphore(%run_scoped3A : memref<!tpu.dma_semaphore, #tpu.memory_space<semaphore_mem>>)
      %dma_wait3A = arith.constant 0 : i32
      %dma_wait3A_42 = tpu.memref_slice %arg7[%add3A_8, %dma_wait3A] : memref<10240x128xf32, #tpu.memory_space<vmem_shared>> -> memref<128x128xf32, #tpu.memory_space<vmem_shared>>
      %dma_wait3A_43 = arith.constant 0 : i32
      %dma_wait3A_44 = tpu.memref_slice %arg7[%add3A_8, %dma_wait3A_43] : memref<10240x128xf32, #tpu.memory_space<vmem_shared>> -> memref<128x128xf32, #tpu.memory_space<vmem_shared>>
      tpu.wait_dma2 semaphore(%run_scoped3A : memref<!tpu.dma_semaphore, #tpu.memory_space<semaphore_mem>>) src(%arg8 : memref<128x128xf32, #tpu.memory_space<vmem>>) dst(%dma_wait3A_44 : memref<128x128xf32, #tpu.memory_space<vmem_shared>>)
      tpu.yield
    }) : () -> ()
    %mul3A_9 = arith.constant 640 : i32
    %mul3A_10 = arith.muli %arg1, %mul3A_9 : i32
    %add3A_11 = arith.constant 128 : i32
    %add3A_12 = arith.addi %mul3A_10, %add3A_11 : i32
    "tpu.region"() ({
      %run_scoped3A = tpu.sem_alloc : memref<!tpu.dma_semaphore, #tpu.memory_space<semaphore_mem>>
      %dma_start3A = arith.constant 0 : i32
      %dma_start3A_39 = tpu.memref_slice %arg7[%add3A_12, %dma_start3A] : memref<10240x128xf32, #tpu.memory_space<vmem_shared>> -> memref<128x128xf32, #tpu.memory_space<vmem_shared>>
      %dma_start3A_40 = arith.constant 0 : i32
      %dma_start3A_41 = tpu.memref_slice %arg7[%add3A_12, %dma_start3A_40] : memref<10240x128xf32, #tpu.memory_space<vmem_shared>> -> memref<128x128xf32, #tpu.memory_space<vmem_shared>>
      tpu.enqueue_dma source(%arg8 : memref<128x128xf32, #tpu.memory_space<vmem>>) target(%dma_start3A_41 : memref<128x128xf32, #tpu.memory_space<vmem_shared>>) target_semaphore(%run_scoped3A : memref<!tpu.dma_semaphore, #tpu.memory_space<semaphore_mem>>)
      %dma_wait3A = arith.constant 0 : i32
      %dma_wait3A_42 = tpu.memref_slice %arg7[%add3A_12, %dma_wait3A] : memref<10240x128xf32, #tpu.memory_space<vmem_shared>> -> memref<128x128xf32, #tpu.memory_space<vmem_shared>>
      %dma_wait3A_43 = arith.constant 0 : i32
      %dma_wait3A_44 = tpu.memref_slice %arg7[%add3A_12, %dma_wait3A_43] : memref<10240x128xf32, #tpu.memory_space<vmem_shared>> -> memref<128x128xf32, #tpu.memory_space<vmem_shared>>
      tpu.wait_dma2 semaphore(%run_scoped3A : memref<!tpu.dma_semaphore, #tpu.memory_space<semaphore_mem>>) src(%arg8 : memref<128x128xf32, #tpu.memory_space<vmem>>) dst(%dma_wait3A_44 : memref<128x128xf32, #tpu.memory_space<vmem_shared>>)
      tpu.yield
    }) : () -> ()
    %mul3A_13 = arith.constant 640 : i32
    %mul3A_14 = arith.muli %arg1, %mul3A_13 : i32
    %add3A_15 = arith.constant 256 : i32
    %add3A_16 = arith.addi %mul3A_14, %add3A_15 : i32
    "tpu.region"() ({
      %run_scoped3A = tpu.sem_alloc : memref<!tpu.dma_semaphore, #tpu.memory_space<semaphore_mem>>
      %dma_start3A = arith.constant 0 : i32
      %dma_start3A_39 = tpu.memref_slice %arg7[%add3A_16, %dma_start3A] : memref<10240x128xf32, #tpu.memory_space<vmem_shared>> -> memref<128x128xf32, #tpu.memory_space<vmem_shared>>
      %dma_start3A_40 = arith.constant 0 : i32
      %dma_start3A_41 = tpu.memref_slice %arg7[%add3A_16, %dma_start3A_40] : memref<10240x128xf32, #tpu.memory_space<vmem_shared>> -> memref<128x128xf32, #tpu.memory_space<vmem_shared>>
      tpu.enqueue_dma source(%arg8 : memref<128x128xf32, #tpu.memory_space<vmem>>) target(%dma_start3A_41 : memref<128x128xf32, #tpu.memory_space<vmem_shared>>) target_semaphore(%run_scoped3A : memref<!tpu.dma_semaphore, #tpu.memory_space<semaphore_mem>>)
      %dma_wait3A = arith.constant 0 : i32
      %dma_wait3A_42 = tpu.memref_slice %arg7[%add3A_16, %dma_wait3A] : memref<10240x128xf32, #tpu.memory_space<vmem_shared>> -> memref<128x128xf32, #tpu.memory_space<vmem_shared>>
      %dma_wait3A_43 = arith.constant 0 : i32
      %dma_wait3A_44 = tpu.memref_slice %arg7[%add3A_16, %dma_wait3A_43] : memref<10240x128xf32, #tpu.memory_space<vmem_shared>> -> memref<128x128xf32, #tpu.memory_space<vmem_shared>>
      tpu.wait_dma2 semaphore(%run_scoped3A : memref<!tpu.dma_semaphore, #tpu.memory_space<semaphore_mem>>) src(%arg8 : memref<128x128xf32, #tpu.memory_space<vmem>>) dst(%dma_wait3A_44 : memref<128x128xf32, #tpu.memory_space<vmem_shared>>)
      tpu.yield
    }) : () -> ()
    %mul3A_17 = arith.constant 640 : i32
    %mul3A_18 = arith.muli %arg1, %mul3A_17 : i32
    %add3A_19 = arith.constant 384 : i32
    %add3A_20 = arith.addi %mul3A_18, %add3A_19 : i32
    "tpu.region"() ({
      %run_scoped3A = tpu.sem_alloc : memref<!tpu.dma_semaphore, #tpu.memory_space<semaphore_mem>>
      %dma_start3A = arith.constant 0 : i32
      %dma_start3A_39 = tpu.memref_slice %arg7[%add3A_20, %dma_start3A] : memref<10240x128xf32, #tpu.memory_space<vmem_shared>> -> memref<128x128xf32, #tpu.memory_space<vmem_shared>>
      %dma_start3A_40 = arith.constant 0 : i32
      %dma_start3A_41 = tpu.memref_slice %arg7[%add3A_20, %dma_start3A_40] : memref<10240x128xf32, #tpu.memory_space<vmem_shared>> -> memref<128x128xf32, #tpu.memory_space<vmem_shared>>
      tpu.enqueue_dma source(%arg8 : memref<128x128xf32, #tpu.memory_space<vmem>>) target(%dma_start3A_41 : memref<128x128xf32, #tpu.memory_space<vmem_shared>>) target_semaphore(%run_scoped3A : memref<!tpu.dma_semaphore, #tpu.memory_space<semaphore_mem>>)
      %dma_wait3A = arith.constant 0 : i32
      %dma_wait3A_42 = tpu.memref_slice %arg7[%add3A_20, %dma_wait3A] : memref<10240x128xf32, #tpu.memory_space<vmem_shared>> -> memref<128x128xf32, #tpu.memory_space<vmem_shared>>
      %dma_wait3A_43 = arith.constant 0 : i32
      %dma_wait3A_44 = tpu.memref_slice %arg7[%add3A_20, %dma_wait3A_43] : memref<10240x128xf32, #tpu.memory_space<vmem_shared>> -> memref<128x128xf32, #tpu.memory_space<vmem_shared>>
      tpu.wait_dma2 semaphore(%run_scoped3A : memref<!tpu.dma_semaphore, #tpu.memory_space<semaphore_mem>>) src(%arg8 : memref<128x128xf32, #tpu.memory_space<vmem>>) dst(%dma_wait3A_44 : memref<128x128xf32, #tpu.memory_space<vmem_shared>>)
      tpu.yield
    }) : () -> ()
    %mul3A_21 = arith.constant 640 : i32
    %mul3A_22 = arith.muli %arg1, %mul3A_21 : i32
    %add3A_23 = arith.constant 512 : i32
    %add3A_24 = arith.addi %mul3A_22, %add3A_23 : i32
    "tpu.region"() ({
      %run_scoped3A = tpu.sem_alloc : memref<!tpu.dma_semaphore, #tpu.memory_space<semaphore_mem>>
      %dma_start3A = arith.constant 0 : i32
      %dma_start3A_39 = tpu.memref_slice %arg7[%add3A_24, %dma_start3A] : memref<10240x128xf32, #tpu.memory_space<vmem_shared>> -> memref<128x128xf32, #tpu.memory_space<vmem_shared>>
      %dma_start3A_40 = arith.constant 0 : i32
      %dma_start3A_41 = tpu.memref_slice %arg7[%add3A_24, %dma_start3A_40] : memref<10240x128xf32, #tpu.memory_space<vmem_shared>> -> memref<128x128xf32, #tpu.memory_space<vmem_shared>>
      tpu.enqueue_dma source(%arg8 : memref<128x128xf32, #tpu.memory_space<vmem>>) target(%dma_start3A_41 : memref<128x128xf32, #tpu.memory_space<vmem_shared>>) target_semaphore(%run_scoped3A : memref<!tpu.dma_semaphore, #tpu.memory_space<semaphore_mem>>)
      %dma_wait3A = arith.constant 0 : i32
      %dma_wait3A_42 = tpu.memref_slice %arg7[%add3A_24, %dma_wait3A] : memref<10240x128xf32, #tpu.memory_space<vmem_shared>> -> memref<128x128xf32, #tpu.memory_space<vmem_shared>>
      %dma_wait3A_43 = arith.constant 0 : i32
      %dma_wait3A_44 = tpu.memref_slice %arg7[%add3A_24, %dma_wait3A_43] : memref<10240x128xf32, #tpu.memory_space<vmem_shared>> -> memref<128x128xf32, #tpu.memory_space<vmem_shared>>
      tpu.wait_dma2 semaphore(%run_scoped3A : memref<!tpu.dma_semaphore, #tpu.memory_space<semaphore_mem>>) src(%arg8 : memref<128x128xf32, #tpu.memory_space<vmem>>) dst(%dma_wait3A_44 : memref<128x128xf32, #tpu.memory_space<vmem_shared>>)
      tpu.yield
    }) : () -> ()
    %barrier3A = arith.constant 0 : index
    tpu.barrier barrier_id(%barrier3A)
    %mul3A_25 = arith.constant 20000 : i32
    %mul3A_26 = arith.muli %arg1, %mul3A_25 : i32
    %eq3A = arith.constant 0 : i32
    %eq3A_27 = arith.cmpi eq, %arg0, %eq3A : i32
    %convert_element_type3A = arith.extui %eq3A_27 : i1 to i32
    %cond3A = arith.constant 0 : i32
    %cond3A_28 = arith.cmpi ne, %convert_element_type3A, %cond3A : i32
    scf.if %cond3A_28 {
      %scan3A_39 = arith.constant 0 : i32
      %scan3A_40 = arith.constant 0 : i32
      %scan3A_41 = arith.constant 250 : i32
      %scan3A_42 = arith.addi %scan3A_40, %scan3A_41 : i32
      %scan3A_43 = arith.constant 1 : i32
      %scan3A_44 = scf.for %scan3A_46 = %scan3A_40 to %scan3A_42 step %scan3A_43 iter_args(%scan3A_47 = %scan3A_39) -> (i32)  : i32 {
        %mul3A_48 = arith.constant 80 : i32
        %mul3A_49 = arith.muli %scan3A_46, %mul3A_48 : i32
        %add3A_50 = arith.addi %mul3A_26, %mul3A_49 : i32
        "tpu.region"() ({
          %run_scoped3A = tpu.sem_alloc : memref<!tpu.dma_semaphore, #tpu.memory_space<semaphore_mem>>
          %dma_start3A_56 = tpu.memref_slice %arg4[%add3A_50] : memref<320000xi32, #tpu.memory_space<hbm>> -> memref<80xi32, #tpu.memory_space<hbm>>
          %dma_start3A_57 = tpu.memref_slice %arg4[%add3A_50] : memref<320000xi32, #tpu.memory_space<hbm>> -> memref<80xi32, #tpu.memory_space<hbm>>
          tpu.enqueue_dma source(%dma_start3A_57 : memref<80xi32, #tpu.memory_space<hbm>>) target(%arg9 : memref<80xi32, #tpu.memory_space<vmem>>) target_semaphore(%run_scoped3A : memref<!tpu.dma_semaphore, #tpu.memory_space<semaphore_mem>>)
          %dma_wait3A_58 = tpu.memref_slice %arg4[%add3A_50] : memref<320000xi32, #tpu.memory_space<hbm>> -> memref<80xi32, #tpu.memory_space<hbm>>
          %dma_wait3A_59 = tpu.memref_slice %arg4[%add3A_50] : memref<320000xi32, #tpu.memory_space<hbm>> -> memref<80xi32, #tpu.memory_space<hbm>>
          tpu.wait_dma2 semaphore(%run_scoped3A : memref<!tpu.dma_semaphore, #tpu.memory_space<semaphore_mem>>) src(%dma_wait3A_59 : memref<80xi32, #tpu.memory_space<hbm>>) dst(%arg9 : memref<80xi32, #tpu.memory_space<vmem>>)
          tpu.yield
        }) : () -> ()
        "tpu.region"() ({
          %run_scoped3A = tpu.sem_alloc : memref<!tpu.dma_semaphore, #tpu.memory_space<semaphore_mem>>
          %dma_start3A_56 = tpu.memref_slice %arg5[%add3A_50] : memref<320000xi32, #tpu.memory_space<hbm>> -> memref<80xi32, #tpu.memory_space<hbm>>
          %dma_start3A_57 = tpu.memref_slice %arg5[%add3A_50] : memref<320000xi32, #tpu.memory_space<hbm>> -> memref<80xi32, #tpu.memory_space<hbm>>
          tpu.enqueue_dma source(%dma_start3A_57 : memref<80xi32, #tpu.memory_space<hbm>>) target(%arg10 : memref<80xi32, #tpu.memory_space<vmem>>) target_semaphore(%run_scoped3A : memref<!tpu.dma_semaphore, #tpu.memory_space<semaphore_mem>>)
          %dma_wait3A_58 = tpu.memref_slice %arg5[%add3A_50] : memref<320000xi32, #tpu.memory_space<hbm>> -> memref<80xi32, #tpu.memory_space<hbm>>
          %dma_wait3A_59 = tpu.memref_slice %arg5[%add3A_50] : memref<320000xi32, #tpu.memory_space<hbm>> -> memref<80xi32, #tpu.memory_space<hbm>>
          tpu.wait_dma2 semaphore(%run_scoped3A : memref<!tpu.dma_semaphore, #tpu.memory_space<semaphore_mem>>) src(%dma_wait3A_59 : memref<80xi32, #tpu.memory_space<hbm>>) dst(%arg10 : memref<80xi32, #tpu.memory_space<vmem>>)
          tpu.yield
        }) : () -> ()
        %dma_start3A = arith.constant 0 : i32
        %dma_start3A_51 = arith.constant 0 : i32
        %dma_start3A_52 = tpu.memref_slice %arg2[%dma_start3A, %dma_start3A_51] : memref<10000x128xf32, #tpu.memory_space<hbm>> -> memref<10000x128xf32, #tpu.memory_space<hbm>>
        tpu.enqueue_indirect_dma source(%dma_start3A_52 : memref<10000x128xf32, #tpu.memory_space<hbm>>) target(%arg11 : memref<80x128xf32, #tpu.memory_space<vmem>>) offsets(%arg9 : memref<80xi32, #tpu.memory_space<vmem>>) semaphore(%arg12 : memref<!tpu.dma_semaphore, #tpu.memory_space<semaphore_mem>>)
        %dma_wait3A = arith.constant 0 : i32
        %dma_wait3A_53 = arith.constant 0 : i32
        %dma_wait3A_54 = tpu.memref_slice %arg2[%dma_wait3A, %dma_wait3A_53] : memref<10000x128xf32, #tpu.memory_space<hbm>> -> memref<10000x128xf32, #tpu.memory_space<hbm>>
        tpu.wait_indirect_dma semaphore(%arg12 : memref<!tpu.dma_semaphore, #tpu.memory_space<semaphore_mem>>) src(%dma_wait3A_54 : memref<10000x128xf32, #tpu.memory_space<hbm>>) dst(%arg11 : memref<80x128xf32, #tpu.memory_space<vmem>>)
        "tpu.region"() ({
          %run_scoped3A = tpu.sem_alloc : memref<!tpu.dma_semaphore, #tpu.memory_space<semaphore_mem>>
          %dma_start3A_56 = arith.constant 0 : i32
          %dma_start3A_57 = arith.constant 0 : i32
          %dma_start3A_58 = tpu.memref_slice %arg7[%dma_start3A_56, %dma_start3A_57] : memref<10240x128xf32, #tpu.memory_space<vmem_shared>> -> memref<10240x128xf32, #tpu.memory_space<vmem_shared>>
          tpu.enqueue_indirect_dma source(%arg11 : memref<80x128xf32, #tpu.memory_space<vmem>>) target(%dma_start3A_58 : memref<10240x128xf32, #tpu.memory_space<vmem_shared>>) offsets(%arg10 : memref<80xi32, #tpu.memory_space<vmem>>) semaphore(%run_scoped3A : memref<!tpu.dma_semaphore, #tpu.memory_space<semaphore_mem>>) {add = true}
          %dma_wait3A_59 = arith.constant 0 : i32
          %dma_wait3A_60 = arith.constant 0 : i32
          %dma_wait3A_61 = tpu.memref_slice %arg7[%dma_wait3A_59, %dma_wait3A_60] : memref<10240x128xf32, #tpu.memory_space<vmem_shared>> -> memref<10240x128xf32, #tpu.memory_space<vmem_shared>>
          tpu.wait_indirect_dma semaphore(%run_scoped3A : memref<!tpu.dma_semaphore, #tpu.memory_space<semaphore_mem>>) src(%arg11 : memref<80x128xf32, #tpu.memory_space<vmem>>) dst(%dma_wait3A_61 : memref<10240x128xf32, #tpu.memory_space<vmem_shared>>)
          tpu.yield
        }) : () -> ()
        %scan3A_55 = arith.constant 0 : i32
        scf.yield %scan3A_55 : i32
      }
      %scan3A_45 = arith.constant 250 : i32
    } else {
    }
    %eq3A_29 = arith.constant 1 : i32
    %eq3A_30 = arith.cmpi eq, %arg0, %eq3A_29 : i32
    %convert_element_type3A_31 = arith.extui %eq3A_30 : i1 to i32
    %cond3A_32 = arith.constant 0 : i32
    %cond3A_33 = arith.cmpi ne, %convert_element_type3A_31, %cond3A_32 : i32
    scf.if %cond3A_33 {
      %scan3A_39 = arith.constant 0 : i32
      %scan3A_40 = arith.constant 0 : i32
      %scan3A_41 = arith.constant 250 : i32
      %scan3A_42 = arith.addi %scan3A_40, %scan3A_41 : i32
      %scan3A_43 = arith.constant 1 : i32
      %scan3A_44 = scf.for %scan3A_46 = %scan3A_40 to %scan3A_42 step %scan3A_43 iter_args(%scan3A_47 = %scan3A_39) -> (i32)  : i32 {
        %mul3A_48 = arith.constant 80 : i32
        %mul3A_49 = arith.muli %scan3A_46, %mul3A_48 : i32
        %add3A_50 = arith.addi %mul3A_26, %mul3A_49 : i32
        "tpu.region"() ({
          %run_scoped3A = tpu.sem_alloc : memref<!tpu.dma_semaphore, #tpu.memory_space<semaphore_mem>>
          %dma_start3A_56 = tpu.memref_slice %arg4[%add3A_50] : memref<320000xi32, #tpu.memory_space<hbm>> -> memref<80xi32, #tpu.memory_space<hbm>>
          %dma_start3A_57 = tpu.memref_slice %arg4[%add3A_50] : memref<320000xi32, #tpu.memory_space<hbm>> -> memref<80xi32, #tpu.memory_space<hbm>>
          tpu.enqueue_dma source(%dma_start3A_57 : memref<80xi32, #tpu.memory_space<hbm>>) target(%arg9 : memref<80xi32, #tpu.memory_space<vmem>>) target_semaphore(%run_scoped3A : memref<!tpu.dma_semaphore, #tpu.memory_space<semaphore_mem>>)
          %dma_wait3A_58 = tpu.memref_slice %arg4[%add3A_50] : memref<320000xi32, #tpu.memory_space<hbm>> -> memref<80xi32, #tpu.memory_space<hbm>>
          %dma_wait3A_59 = tpu.memref_slice %arg4[%add3A_50] : memref<320000xi32, #tpu.memory_space<hbm>> -> memref<80xi32, #tpu.memory_space<hbm>>
          tpu.wait_dma2 semaphore(%run_scoped3A : memref<!tpu.dma_semaphore, #tpu.memory_space<semaphore_mem>>) src(%dma_wait3A_59 : memref<80xi32, #tpu.memory_space<hbm>>) dst(%arg9 : memref<80xi32, #tpu.memory_space<vmem>>)
          tpu.yield
        }) : () -> ()
        "tpu.region"() ({
          %run_scoped3A = tpu.sem_alloc : memref<!tpu.dma_semaphore, #tpu.memory_space<semaphore_mem>>
          %dma_start3A_56 = tpu.memref_slice %arg5[%add3A_50] : memref<320000xi32, #tpu.memory_space<hbm>> -> memref<80xi32, #tpu.memory_space<hbm>>
          %dma_start3A_57 = tpu.memref_slice %arg5[%add3A_50] : memref<320000xi32, #tpu.memory_space<hbm>> -> memref<80xi32, #tpu.memory_space<hbm>>
          tpu.enqueue_dma source(%dma_start3A_57 : memref<80xi32, #tpu.memory_space<hbm>>) target(%arg10 : memref<80xi32, #tpu.memory_space<vmem>>) target_semaphore(%run_scoped3A : memref<!tpu.dma_semaphore, #tpu.memory_space<semaphore_mem>>)
          %dma_wait3A_58 = tpu.memref_slice %arg5[%add3A_50] : memref<320000xi32, #tpu.memory_space<hbm>> -> memref<80xi32, #tpu.memory_space<hbm>>
          %dma_wait3A_59 = tpu.memref_slice %arg5[%add3A_50] : memref<320000xi32, #tpu.memory_space<hbm>> -> memref<80xi32, #tpu.memory_space<hbm>>
          tpu.wait_dma2 semaphore(%run_scoped3A : memref<!tpu.dma_semaphore, #tpu.memory_space<semaphore_mem>>) src(%dma_wait3A_59 : memref<80xi32, #tpu.memory_space<hbm>>) dst(%arg10 : memref<80xi32, #tpu.memory_space<vmem>>)
          tpu.yield
        }) : () -> ()
        %dma_start3A = arith.constant 0 : i32
        %dma_start3A_51 = arith.constant 0 : i32
        %dma_start3A_52 = tpu.memref_slice %arg3[%dma_start3A, %dma_start3A_51] : memref<10000x128xf32, #tpu.memory_space<hbm>> -> memref<10000x128xf32, #tpu.memory_space<hbm>>
        tpu.enqueue_indirect_dma source(%dma_start3A_52 : memref<10000x128xf32, #tpu.memory_space<hbm>>) target(%arg11 : memref<80x128xf32, #tpu.memory_space<vmem>>) offsets(%arg9 : memref<80xi32, #tpu.memory_space<vmem>>) semaphore(%arg12 : memref<!tpu.dma_semaphore, #tpu.memory_space<semaphore_mem>>)
        %dma_wait3A = arith.constant 0 : i32
        %dma_wait3A_53 = arith.constant 0 : i32
        %dma_wait3A_54 = tpu.memref_slice %arg3[%dma_wait3A, %dma_wait3A_53] : memref<10000x128xf32, #tpu.memory_space<hbm>> -> memref<10000x128xf32, #tpu.memory_space<hbm>>
        tpu.wait_indirect_dma semaphore(%arg12 : memref<!tpu.dma_semaphore, #tpu.memory_space<semaphore_mem>>) src(%dma_wait3A_54 : memref<10000x128xf32, #tpu.memory_space<hbm>>) dst(%arg11 : memref<80x128xf32, #tpu.memory_space<vmem>>)
        "tpu.region"() ({
          %run_scoped3A = tpu.sem_alloc : memref<!tpu.dma_semaphore, #tpu.memory_space<semaphore_mem>>
          %dma_start3A_56 = arith.constant 0 : i32
          %dma_start3A_57 = arith.constant 0 : i32
          %dma_start3A_58 = tpu.memref_slice %arg7[%dma_start3A_56, %dma_start3A_57] : memref<10240x128xf32, #tpu.memory_space<vmem_shared>> -> memref<10240x128xf32, #tpu.memory_space<vmem_shared>>
          tpu.enqueue_indirect_dma source(%arg11 : memref<80x128xf32, #tpu.memory_space<vmem>>) target(%dma_start3A_58 : memref<10240x128xf32, #tpu.memory_space<vmem_shared>>) offsets(%arg10 : memref<80xi32, #tpu.memory_space<vmem>>) semaphore(%run_scoped3A : memref<!tpu.dma_semaphore, #tpu.memory_space<semaphore_mem>>) {add = true}
          %dma_wait3A_59 = arith.constant 0 : i32
          %dma_wait3A_60 = arith.constant 0 : i32
          %dma_wait3A_61 = tpu.memref_slice %arg7[%dma_wait3A_59, %dma_wait3A_60] : memref<10240x128xf32, #tpu.memory_space<vmem_shared>> -> memref<10240x128xf32, #tpu.memory_space<vmem_shared>>
          tpu.wait_indirect_dma semaphore(%run_scoped3A : memref<!tpu.dma_semaphore, #tpu.memory_space<semaphore_mem>>) src(%arg11 : memref<80x128xf32, #tpu.memory_space<vmem>>) dst(%dma_wait3A_61 : memref<10240x128xf32, #tpu.memory_space<vmem_shared>>)
          tpu.yield
        }) : () -> ()
        %scan3A_55 = arith.constant 0 : i32
        scf.yield %scan3A_55 : i32
      }
      %scan3A_45 = arith.constant 250 : i32
    } else {
    }
    %barrier3A_34 = arith.constant 0 : index
    tpu.barrier barrier_id(%barrier3A_34)
    %mul3A_35 = arith.constant 640 : i32
    %mul3A_36 = arith.muli %arg1, %mul3A_35 : i32
    %mul3A_37 = arith.constant 640 : i32
    %mul3A_38 = arith.muli %arg1, %mul3A_37 : i32
    "tpu.region"() ({
      %run_scoped3A = tpu.sem_alloc : memref<!tpu.dma_semaphore, #tpu.memory_space<semaphore_mem>>
      %dma_start3A = arith.constant 0 : i32
      %dma_start3A_39 = tpu.memref_slice %arg6[%arg0, %mul3A_38, %dma_start3A] : memref<2x10240x128xf32, #tpu.memory_space<hbm>> -> memref<1x640x128xf32, #tpu.memory_space<hbm>>
      %dma_start3A_40 = tpu.memref_squeeze %dma_start3A_39 : memref<1x640x128xf32, #tpu.memory_space<hbm>> -> memref<640x128xf32, #tpu.memory_space<hbm>>
      %dma_start3A_41 = arith.constant 0 : i32
      %dma_start3A_42 = tpu.memref_slice %arg7[%mul3A_36, %dma_start3A_41] : memref<10240x128xf32, #tpu.memory_space<vmem_shared>> -> memref<640x128xf32, #tpu.memory_space<vmem_shared>>
      tpu.enqueue_dma source(%dma_start3A_42 : memref<640x128xf32, #tpu.memory_space<vmem_shared>>) target(%dma_start3A_40 : memref<640x128xf32, #tpu.memory_space<hbm>>) target_semaphore(%run_scoped3A : memref<!tpu.dma_semaphore, #tpu.memory_space<semaphore_mem>>)
      %dma_wait3A = arith.constant 0 : i32
      %dma_wait3A_43 = tpu.memref_slice %arg6[%arg0, %mul3A_38, %dma_wait3A] : memref<2x10240x128xf32, #tpu.memory_space<hbm>> -> memref<1x640x128xf32, #tpu.memory_space<hbm>>
      %dma_wait3A_44 = tpu.memref_squeeze %dma_wait3A_43 : memref<1x640x128xf32, #tpu.memory_space<hbm>> -> memref<640x128xf32, #tpu.memory_space<hbm>>
      %dma_wait3A_45 = arith.constant 0 : i32
      %dma_wait3A_46 = tpu.memref_slice %arg7[%mul3A_36, %dma_wait3A_45] : memref<10240x128xf32, #tpu.memory_space<vmem_shared>> -> memref<640x128xf32, #tpu.memory_space<vmem_shared>>
      tpu.wait_dma2 semaphore(%run_scoped3A : memref<!tpu.dma_semaphore, #tpu.memory_space<semaphore_mem>>) src(%dma_wait3A_46 : memref<640x128xf32, #tpu.memory_space<vmem_shared>>) dst(%dma_wait3A_44 : memref<640x128xf32, #tpu.memory_space<hbm>>)
      tpu.yield
    }) : () -> ()
    return
  }
}

#map = affine_map<(d0, d1) -> (0, 0)>
#map1 = affine_map<(d0, d1) -> (0)>
#map2 = affine_map<(d0, d1) -> (0, 0, 0)>
module attributes {stable_mosaic.version = 14 : i64} {
  func.func @_prop1_body(%arg0: i32, %arg1: i32, %arg2: memref<10000x128xf32, #tpu.memory_space<hbm>>, %arg3: memref<320000xi32, #tpu.memory_space<hbm>>, %arg4: memref<320000xi32, #tpu.memory_space<hbm>>, %arg5: memref<2x10240x128xf32, #tpu.memory_space<hbm>>, %arg6: memref<10240x128xf32, #tpu.memory_space<vmem_shared>>, %arg7: memref<128x128xf32, #tpu.memory_space<vmem>>, %arg8: memref<80xi32, #tpu.memory_space<vmem>>, %arg9: memref<80xi32, #tpu.memory_space<vmem>>, %arg10: memref<80x128xf32, #tpu.memory_space<vmem>>, %arg11: memref<!tpu.dma_semaphore, #tpu.memory_space<semaphore_mem>>) attributes {dimension_semantics = [#tpu.dimension_semantics<core_parallel>, #tpu.dimension_semantics<subcore_parallel>], iteration_bounds = array<i64: 2, 16>, scalar_prefetch = 0 : i64, scratch_operands = 6 : i64, tpu.core_type = #tpu.core_type<sc_vector_subcore>, window_params = [{transform_indices = #map}, {transform_indices = #map1}, {transform_indices = #map1}, {transform_indices = #map2}]} {
    %broadcast_in_dim3A = arith.constant 0.000000e+00 : f32
    %broadcast_in_dim3A_0 = vector.broadcast %broadcast_in_dim3A : f32 to vector<16xf32>
    %scan3A = arith.constant 0 : i32
    %scan3A_1 = arith.constant 0 : i32
    %scan3A_2 = arith.constant 1024 : i32
    %scan3A_3 = arith.addi %scan3A_1, %scan3A_2 : i32
    %scan3A_4 = arith.constant 1 : i32
    %scan3A_5 = scf.for %scan3A_42 = %scan3A_1 to %scan3A_3 step %scan3A_4 iter_args(%scan3A_43 = %scan3A) -> (i32)  : i32 {
      %jit3A = arith.constant 8 : i32
      %div3A = arith.divsi %scan3A_42, %jit3A : i32
      %sign3A = arith.constant 0 : i32
      %sign3A_44 = arith.cmpi sgt, %scan3A_42, %sign3A : i32
      %sign3A_45 = arith.extui %sign3A_44 : i1 to i32
      %sign3A_46 = arith.constant 0 : i32
      %sign3A_47 = arith.cmpi slt, %scan3A_42, %sign3A_46 : i32
      %sign3A_48 = arith.extui %sign3A_47 : i1 to i32
      %sign3A_49 = arith.subi %sign3A_45, %sign3A_48 : i32
      %sign3A_50 = arith.constant 0 : i32
      %sign3A_51 = arith.cmpi sgt, %jit3A, %sign3A_50 : i32
      %sign3A_52 = arith.extui %sign3A_51 : i1 to i32
      %sign3A_53 = arith.constant 0 : i32
      %sign3A_54 = arith.cmpi slt, %jit3A, %sign3A_53 : i32
      %sign3A_55 = arith.extui %sign3A_54 : i1 to i32
      %sign3A_56 = arith.subi %sign3A_52, %sign3A_55 : i32
      %ne3A = arith.cmpi ne, %sign3A_49, %sign3A_56 : i32
      %rem3A = arith.remsi %scan3A_42, %jit3A : i32
      %ne3A_57 = arith.constant 0 : i32
      %ne3A_58 = arith.cmpi ne, %rem3A, %ne3A_57 : i32
      %and3A = arith.andi %ne3A, %ne3A_58 : i1
      %sub3A = arith.constant 1 : i32
      %sub3A_59 = arith.subi %div3A, %sub3A : i32
      %select_n3A = arith.select %and3A, %sub3A_59, %div3A : i32
      %jit3A_60 = arith.constant 8 : i32
      %eq3A = arith.constant 0 : i32
      %eq3A_61 = arith.cmpi eq, %jit3A_60, %eq3A : i32
      %jit3A_62 = arith.constant 1 : i32
      %select_n3A_63 = arith.select %eq3A_61, %jit3A_62, %jit3A_60 : i32
      %rem3A_64 = arith.remsi %scan3A_42, %select_n3A_63 : i32
      %ne3A_65 = arith.constant 0 : i32
      %ne3A_66 = arith.cmpi ne, %rem3A_64, %ne3A_65 : i32
      %lt3A = arith.constant 0 : i32
      %lt3A_67 = arith.cmpi slt, %rem3A_64, %lt3A : i32
      %lt3A_68 = arith.constant 0 : i32
      %lt3A_69 = arith.cmpi slt, %select_n3A_63, %lt3A_68 : i32
      %ne3A_70 = arith.xori %lt3A_67, %lt3A_69 : i1
      %and3A_71 = arith.andi %ne3A_70, %ne3A_66 : i1
      %add3A_72 = arith.addi %rem3A_64, %select_n3A_63 : i32
      %select_n3A_73 = arith.select %and3A_71, %add3A_72, %rem3A_64 : i32
      %mul3A_74 = arith.constant 16 : i32
      %mul3A_75 = arith.muli %select_n3A_73, %mul3A_74 : i32
      %swap3A = arith.index_cast %select_n3A : i32 to index
      %swap3A_76 = arith.index_cast %mul3A_75 : i32 to index
      %swap3A_77 = tpu.vector_load %arg7[%swap3A, %swap3A_76] {strides = array<i32>} : memref<128x128xf32, #tpu.memory_space<vmem>>, vector<1x16xf32>,
      %swap3A_78 = vector.shape_cast %swap3A_77 : vector<1x16xf32> to vector<16xf32>
      %swap3A_79 = vector.shape_cast %broadcast_in_dim3A_0 : vector<16xf32> to vector<1x16xf32>
      tpu.vector_store %arg7[%swap3A, %swap3A_76], %swap3A_79 {strides = array<i32>} : memref<128x128xf32, #tpu.memory_space<vmem>>, vector<1x16xf32>,
      %scan3A_80 = arith.constant 0 : i32
      scf.yield %scan3A_80 : i32
    }
    %scan3A_6 = arith.constant 1024 : i32
    %mul3A = arith.constant 640 : i32
    %mul3A_7 = arith.muli %arg1, %mul3A : i32
    %add3A = arith.constant 0 : i32
    %add3A_8 = arith.addi %mul3A_7, %add3A : i32
    "tpu.region"() ({
      %run_scoped3A = tpu.sem_alloc : memref<!tpu.dma_semaphore, #tpu.memory_space<semaphore_mem>>
      %dma_start3A = arith.constant 0 : i32
      %dma_start3A_42 = tpu.memref_slice %arg6[%add3A_8, %dma_start3A] : memref<10240x128xf32, #tpu.memory_space<vmem_shared>> -> memref<128x128xf32, #tpu.memory_space<vmem_shared>>
      %dma_start3A_43 = arith.constant 0 : i32
      %dma_start3A_44 = tpu.memref_slice %arg6[%add3A_8, %dma_start3A_43] : memref<10240x128xf32, #tpu.memory_space<vmem_shared>> -> memref<128x128xf32, #tpu.memory_space<vmem_shared>>
      tpu.enqueue_dma source(%arg7 : memref<128x128xf32, #tpu.memory_space<vmem>>) target(%dma_start3A_44 : memref<128x128xf32, #tpu.memory_space<vmem_shared>>) target_semaphore(%run_scoped3A : memref<!tpu.dma_semaphore, #tpu.memory_space<semaphore_mem>>)
      %dma_wait3A = arith.constant 0 : i32
      %dma_wait3A_45 = tpu.memref_slice %arg6[%add3A_8, %dma_wait3A] : memref<10240x128xf32, #tpu.memory_space<vmem_shared>> -> memref<128x128xf32, #tpu.memory_space<vmem_shared>>
      %dma_wait3A_46 = arith.constant 0 : i32
      %dma_wait3A_47 = tpu.memref_slice %arg6[%add3A_8, %dma_wait3A_46] : memref<10240x128xf32, #tpu.memory_space<vmem_shared>> -> memref<128x128xf32, #tpu.memory_space<vmem_shared>>
      tpu.wait_dma2 semaphore(%run_scoped3A : memref<!tpu.dma_semaphore, #tpu.memory_space<semaphore_mem>>) src(%arg7 : memref<128x128xf32, #tpu.memory_space<vmem>>) dst(%dma_wait3A_47 : memref<128x128xf32, #tpu.memory_space<vmem_shared>>)
      tpu.yield
    }) : () -> ()
    %mul3A_9 = arith.constant 640 : i32
    %mul3A_10 = arith.muli %arg1, %mul3A_9 : i32
    %add3A_11 = arith.constant 128 : i32
    %add3A_12 = arith.addi %mul3A_10, %add3A_11 : i32
    "tpu.region"() ({
      %run_scoped3A = tpu.sem_alloc : memref<!tpu.dma_semaphore, #tpu.memory_space<semaphore_mem>>
      %dma_start3A = arith.constant 0 : i32
      %dma_start3A_42 = tpu.memref_slice %arg6[%add3A_12, %dma_start3A] : memref<10240x128xf32, #tpu.memory_space<vmem_shared>> -> memref<128x128xf32, #tpu.memory_space<vmem_shared>>
      %dma_start3A_43 = arith.constant 0 : i32
      %dma_start3A_44 = tpu.memref_slice %arg6[%add3A_12, %dma_start3A_43] : memref<10240x128xf32, #tpu.memory_space<vmem_shared>> -> memref<128x128xf32, #tpu.memory_space<vmem_shared>>
      tpu.enqueue_dma source(%arg7 : memref<128x128xf32, #tpu.memory_space<vmem>>) target(%dma_start3A_44 : memref<128x128xf32, #tpu.memory_space<vmem_shared>>) target_semaphore(%run_scoped3A : memref<!tpu.dma_semaphore, #tpu.memory_space<semaphore_mem>>)
      %dma_wait3A = arith.constant 0 : i32
      %dma_wait3A_45 = tpu.memref_slice %arg6[%add3A_12, %dma_wait3A] : memref<10240x128xf32, #tpu.memory_space<vmem_shared>> -> memref<128x128xf32, #tpu.memory_space<vmem_shared>>
      %dma_wait3A_46 = arith.constant 0 : i32
      %dma_wait3A_47 = tpu.memref_slice %arg6[%add3A_12, %dma_wait3A_46] : memref<10240x128xf32, #tpu.memory_space<vmem_shared>> -> memref<128x128xf32, #tpu.memory_space<vmem_shared>>
      tpu.wait_dma2 semaphore(%run_scoped3A : memref<!tpu.dma_semaphore, #tpu.memory_space<semaphore_mem>>) src(%arg7 : memref<128x128xf32, #tpu.memory_space<vmem>>) dst(%dma_wait3A_47 : memref<128x128xf32, #tpu.memory_space<vmem_shared>>)
      tpu.yield
    }) : () -> ()
    %mul3A_13 = arith.constant 640 : i32
    %mul3A_14 = arith.muli %arg1, %mul3A_13 : i32
    %add3A_15 = arith.constant 256 : i32
    %add3A_16 = arith.addi %mul3A_14, %add3A_15 : i32
    "tpu.region"() ({
      %run_scoped3A = tpu.sem_alloc : memref<!tpu.dma_semaphore, #tpu.memory_space<semaphore_mem>>
      %dma_start3A = arith.constant 0 : i32
      %dma_start3A_42 = tpu.memref_slice %arg6[%add3A_16, %dma_start3A] : memref<10240x128xf32, #tpu.memory_space<vmem_shared>> -> memref<128x128xf32, #tpu.memory_space<vmem_shared>>
      %dma_start3A_43 = arith.constant 0 : i32
      %dma_start3A_44 = tpu.memref_slice %arg6[%add3A_16, %dma_start3A_43] : memref<10240x128xf32, #tpu.memory_space<vmem_shared>> -> memref<128x128xf32, #tpu.memory_space<vmem_shared>>
      tpu.enqueue_dma source(%arg7 : memref<128x128xf32, #tpu.memory_space<vmem>>) target(%dma_start3A_44 : memref<128x128xf32, #tpu.memory_space<vmem_shared>>) target_semaphore(%run_scoped3A : memref<!tpu.dma_semaphore, #tpu.memory_space<semaphore_mem>>)
      %dma_wait3A = arith.constant 0 : i32
      %dma_wait3A_45 = tpu.memref_slice %arg6[%add3A_16, %dma_wait3A] : memref<10240x128xf32, #tpu.memory_space<vmem_shared>> -> memref<128x128xf32, #tpu.memory_space<vmem_shared>>
      %dma_wait3A_46 = arith.constant 0 : i32
      %dma_wait3A_47 = tpu.memref_slice %arg6[%add3A_16, %dma_wait3A_46] : memref<10240x128xf32, #tpu.memory_space<vmem_shared>> -> memref<128x128xf32, #tpu.memory_space<vmem_shared>>
      tpu.wait_dma2 semaphore(%run_scoped3A : memref<!tpu.dma_semaphore, #tpu.memory_space<semaphore_mem>>) src(%arg7 : memref<128x128xf32, #tpu.memory_space<vmem>>) dst(%dma_wait3A_47 : memref<128x128xf32, #tpu.memory_space<vmem_shared>>)
      tpu.yield
    }) : () -> ()
    %mul3A_17 = arith.constant 640 : i32
    %mul3A_18 = arith.muli %arg1, %mul3A_17 : i32
    %add3A_19 = arith.constant 384 : i32
    %add3A_20 = arith.addi %mul3A_18, %add3A_19 : i32
    "tpu.region"() ({
      %run_scoped3A = tpu.sem_alloc : memref<!tpu.dma_semaphore, #tpu.memory_space<semaphore_mem>>
      %dma_start3A = arith.constant 0 : i32
      %dma_start3A_42 = tpu.memref_slice %arg6[%add3A_20, %dma_start3A] : memref<10240x128xf32, #tpu.memory_space<vmem_shared>> -> memref<128x128xf32, #tpu.memory_space<vmem_shared>>
      %dma_start3A_43 = arith.constant 0 : i32
      %dma_start3A_44 = tpu.memref_slice %arg6[%add3A_20, %dma_start3A_43] : memref<10240x128xf32, #tpu.memory_space<vmem_shared>> -> memref<128x128xf32, #tpu.memory_space<vmem_shared>>
      tpu.enqueue_dma source(%arg7 : memref<128x128xf32, #tpu.memory_space<vmem>>) target(%dma_start3A_44 : memref<128x128xf32, #tpu.memory_space<vmem_shared>>) target_semaphore(%run_scoped3A : memref<!tpu.dma_semaphore, #tpu.memory_space<semaphore_mem>>)
      %dma_wait3A = arith.constant 0 : i32
      %dma_wait3A_45 = tpu.memref_slice %arg6[%add3A_20, %dma_wait3A] : memref<10240x128xf32, #tpu.memory_space<vmem_shared>> -> memref<128x128xf32, #tpu.memory_space<vmem_shared>>
      %dma_wait3A_46 = arith.constant 0 : i32
      %dma_wait3A_47 = tpu.memref_slice %arg6[%add3A_20, %dma_wait3A_46] : memref<10240x128xf32, #tpu.memory_space<vmem_shared>> -> memref<128x128xf32, #tpu.memory_space<vmem_shared>>
      tpu.wait_dma2 semaphore(%run_scoped3A : memref<!tpu.dma_semaphore, #tpu.memory_space<semaphore_mem>>) src(%arg7 : memref<128x128xf32, #tpu.memory_space<vmem>>) dst(%dma_wait3A_47 : memref<128x128xf32, #tpu.memory_space<vmem_shared>>)
      tpu.yield
    }) : () -> ()
    %mul3A_21 = arith.constant 640 : i32
    %mul3A_22 = arith.muli %arg1, %mul3A_21 : i32
    %add3A_23 = arith.constant 512 : i32
    %add3A_24 = arith.addi %mul3A_22, %add3A_23 : i32
    "tpu.region"() ({
      %run_scoped3A = tpu.sem_alloc : memref<!tpu.dma_semaphore, #tpu.memory_space<semaphore_mem>>
      %dma_start3A = arith.constant 0 : i32
      %dma_start3A_42 = tpu.memref_slice %arg6[%add3A_24, %dma_start3A] : memref<10240x128xf32, #tpu.memory_space<vmem_shared>> -> memref<128x128xf32, #tpu.memory_space<vmem_shared>>
      %dma_start3A_43 = arith.constant 0 : i32
      %dma_start3A_44 = tpu.memref_slice %arg6[%add3A_24, %dma_start3A_43] : memref<10240x128xf32, #tpu.memory_space<vmem_shared>> -> memref<128x128xf32, #tpu.memory_space<vmem_shared>>
      tpu.enqueue_dma source(%arg7 : memref<128x128xf32, #tpu.memory_space<vmem>>) target(%dma_start3A_44 : memref<128x128xf32, #tpu.memory_space<vmem_shared>>) target_semaphore(%run_scoped3A : memref<!tpu.dma_semaphore, #tpu.memory_space<semaphore_mem>>)
      %dma_wait3A = arith.constant 0 : i32
      %dma_wait3A_45 = tpu.memref_slice %arg6[%add3A_24, %dma_wait3A] : memref<10240x128xf32, #tpu.memory_space<vmem_shared>> -> memref<128x128xf32, #tpu.memory_space<vmem_shared>>
      %dma_wait3A_46 = arith.constant 0 : i32
      %dma_wait3A_47 = tpu.memref_slice %arg6[%add3A_24, %dma_wait3A_46] : memref<10240x128xf32, #tpu.memory_space<vmem_shared>> -> memref<128x128xf32, #tpu.memory_space<vmem_shared>>
      tpu.wait_dma2 semaphore(%run_scoped3A : memref<!tpu.dma_semaphore, #tpu.memory_space<semaphore_mem>>) src(%arg7 : memref<128x128xf32, #tpu.memory_space<vmem>>) dst(%dma_wait3A_47 : memref<128x128xf32, #tpu.memory_space<vmem_shared>>)
      tpu.yield
    }) : () -> ()
    %barrier3A = arith.constant 0 : index
    tpu.barrier barrier_id(%barrier3A)
    %mul3A_25 = arith.constant 160000 : i32
    %mul3A_26 = arith.muli %arg0, %mul3A_25 : i32
    %mul3A_27 = arith.constant 10000 : i32
    %mul3A_28 = arith.muli %arg1, %mul3A_27 : i32
    %add3A_29 = arith.addi %mul3A_26, %mul3A_28 : i32
    %scan3A_30 = arith.constant 0 : i32
    %scan3A_31 = arith.constant 0 : i32
    %scan3A_32 = arith.constant 125 : i32
    %scan3A_33 = arith.addi %scan3A_31, %scan3A_32 : i32
    %scan3A_34 = arith.constant 1 : i32
    %scan3A_35 = scf.for %scan3A_42 = %scan3A_31 to %scan3A_33 step %scan3A_34 iter_args(%scan3A_43 = %scan3A_30) -> (i32)  : i32 {
      %mul3A_44 = arith.constant 80 : i32
      %mul3A_45 = arith.muli %scan3A_42, %mul3A_44 : i32
      %add3A_46 = arith.addi %add3A_29, %mul3A_45 : i32
      "tpu.region"() ({
        %run_scoped3A = tpu.sem_alloc : memref<!tpu.dma_semaphore, #tpu.memory_space<semaphore_mem>>
        %dma_start3A_52 = tpu.memref_slice %arg3[%add3A_46] : memref<320000xi32, #tpu.memory_space<hbm>> -> memref<80xi32, #tpu.memory_space<hbm>>
        %dma_start3A_53 = tpu.memref_slice %arg3[%add3A_46] : memref<320000xi32, #tpu.memory_space<hbm>> -> memref<80xi32, #tpu.memory_space<hbm>>
        tpu.enqueue_dma source(%dma_start3A_53 : memref<80xi32, #tpu.memory_space<hbm>>) target(%arg8 : memref<80xi32, #tpu.memory_space<vmem>>) target_semaphore(%run_scoped3A : memref<!tpu.dma_semaphore, #tpu.memory_space<semaphore_mem>>)
        %dma_wait3A_54 = tpu.memref_slice %arg3[%add3A_46] : memref<320000xi32, #tpu.memory_space<hbm>> -> memref<80xi32, #tpu.memory_space<hbm>>
        %dma_wait3A_55 = tpu.memref_slice %arg3[%add3A_46] : memref<320000xi32, #tpu.memory_space<hbm>> -> memref<80xi32, #tpu.memory_space<hbm>>
        tpu.wait_dma2 semaphore(%run_scoped3A : memref<!tpu.dma_semaphore, #tpu.memory_space<semaphore_mem>>) src(%dma_wait3A_55 : memref<80xi32, #tpu.memory_space<hbm>>) dst(%arg8 : memref<80xi32, #tpu.memory_space<vmem>>)
        tpu.yield
      }) : () -> ()
      "tpu.region"() ({
        %run_scoped3A = tpu.sem_alloc : memref<!tpu.dma_semaphore, #tpu.memory_space<semaphore_mem>>
        %dma_start3A_52 = tpu.memref_slice %arg4[%add3A_46] : memref<320000xi32, #tpu.memory_space<hbm>> -> memref<80xi32, #tpu.memory_space<hbm>>
        %dma_start3A_53 = tpu.memref_slice %arg4[%add3A_46] : memref<320000xi32, #tpu.memory_space<hbm>> -> memref<80xi32, #tpu.memory_space<hbm>>
        tpu.enqueue_dma source(%dma_start3A_53 : memref<80xi32, #tpu.memory_space<hbm>>) target(%arg9 : memref<80xi32, #tpu.memory_space<vmem>>) target_semaphore(%run_scoped3A : memref<!tpu.dma_semaphore, #tpu.memory_space<semaphore_mem>>)
        %dma_wait3A_54 = tpu.memref_slice %arg4[%add3A_46] : memref<320000xi32, #tpu.memory_space<hbm>> -> memref<80xi32, #tpu.memory_space<hbm>>
        %dma_wait3A_55 = tpu.memref_slice %arg4[%add3A_46] : memref<320000xi32, #tpu.memory_space<hbm>> -> memref<80xi32, #tpu.memory_space<hbm>>
        tpu.wait_dma2 semaphore(%run_scoped3A : memref<!tpu.dma_semaphore, #tpu.memory_space<semaphore_mem>>) src(%dma_wait3A_55 : memref<80xi32, #tpu.memory_space<hbm>>) dst(%arg9 : memref<80xi32, #tpu.memory_space<vmem>>)
        tpu.yield
      }) : () -> ()
      %dma_start3A = arith.constant 0 : i32
      %dma_start3A_47 = arith.constant 0 : i32
      %dma_start3A_48 = tpu.memref_slice %arg2[%dma_start3A, %dma_start3A_47] : memref<10000x128xf32, #tpu.memory_space<hbm>> -> memref<10000x128xf32, #tpu.memory_space<hbm>>
      tpu.enqueue_indirect_dma source(%dma_start3A_48 : memref<10000x128xf32, #tpu.memory_space<hbm>>) target(%arg10 : memref<80x128xf32, #tpu.memory_space<vmem>>) offsets(%arg8 : memref<80xi32, #tpu.memory_space<vmem>>) semaphore(%arg11 : memref<!tpu.dma_semaphore, #tpu.memory_space<semaphore_mem>>)
      %dma_wait3A = arith.constant 0 : i32
      %dma_wait3A_49 = arith.constant 0 : i32
      %dma_wait3A_50 = tpu.memref_slice %arg2[%dma_wait3A, %dma_wait3A_49] : memref<10000x128xf32, #tpu.memory_space<hbm>> -> memref<10000x128xf32, #tpu.memory_space<hbm>>
      tpu.wait_indirect_dma semaphore(%arg11 : memref<!tpu.dma_semaphore, #tpu.memory_space<semaphore_mem>>) src(%dma_wait3A_50 : memref<10000x128xf32, #tpu.memory_space<hbm>>) dst(%arg10 : memref<80x128xf32, #tpu.memory_space<vmem>>)
      "tpu.region"() ({
        %run_scoped3A = tpu.sem_alloc : memref<!tpu.dma_semaphore, #tpu.memory_space<semaphore_mem>>
        %dma_start3A_52 = arith.constant 0 : i32
        %dma_start3A_53 = arith.constant 0 : i32
        %dma_start3A_54 = tpu.memref_slice %arg6[%dma_start3A_52, %dma_start3A_53] : memref<10240x128xf32, #tpu.memory_space<vmem_shared>> -> memref<10240x128xf32, #tpu.memory_space<vmem_shared>>
        tpu.enqueue_indirect_dma source(%arg10 : memref<80x128xf32, #tpu.memory_space<vmem>>) target(%dma_start3A_54 : memref<10240x128xf32, #tpu.memory_space<vmem_shared>>) offsets(%arg9 : memref<80xi32, #tpu.memory_space<vmem>>) semaphore(%run_scoped3A : memref<!tpu.dma_semaphore, #tpu.memory_space<semaphore_mem>>) {add = true}
        %dma_wait3A_55 = arith.constant 0 : i32
        %dma_wait3A_56 = arith.constant 0 : i32
        %dma_wait3A_57 = tpu.memref_slice %arg6[%dma_wait3A_55, %dma_wait3A_56] : memref<10240x128xf32, #tpu.memory_space<vmem_shared>> -> memref<10240x128xf32, #tpu.memory_space<vmem_shared>>
        tpu.wait_indirect_dma semaphore(%run_scoped3A : memref<!tpu.dma_semaphore, #tpu.memory_space<semaphore_mem>>) src(%arg10 : memref<80x128xf32, #tpu.memory_space<vmem>>) dst(%dma_wait3A_57 : memref<10240x128xf32, #tpu.memory_space<vmem_shared>>)
        tpu.yield
      }) : () -> ()
      %scan3A_51 = arith.constant 0 : i32
      scf.yield %scan3A_51 : i32
    }
    %scan3A_36 = arith.constant 125 : i32
    %barrier3A_37 = arith.constant 0 : index
    tpu.barrier barrier_id(%barrier3A_37)
    %mul3A_38 = arith.constant 640 : i32
    %mul3A_39 = arith.muli %arg1, %mul3A_38 : i32
    %mul3A_40 = arith.constant 640 : i32
    %mul3A_41 = arith.muli %arg1, %mul3A_40 : i32
    "tpu.region"() ({
      %run_scoped3A = tpu.sem_alloc : memref<!tpu.dma_semaphore, #tpu.memory_space<semaphore_mem>>
      %dma_start3A = arith.constant 0 : i32
      %dma_start3A_42 = tpu.memref_slice %arg5[%arg0, %mul3A_41, %dma_start3A] : memref<2x10240x128xf32, #tpu.memory_space<hbm>> -> memref<1x640x128xf32, #tpu.memory_space<hbm>>
      %dma_start3A_43 = tpu.memref_squeeze %dma_start3A_42 : memref<1x640x128xf32, #tpu.memory_space<hbm>> -> memref<640x128xf32, #tpu.memory_space<hbm>>
      %dma_start3A_44 = arith.constant 0 : i32
      %dma_start3A_45 = tpu.memref_slice %arg6[%mul3A_39, %dma_start3A_44] : memref<10240x128xf32, #tpu.memory_space<vmem_shared>> -> memref<640x128xf32, #tpu.memory_space<vmem_shared>>
      tpu.enqueue_dma source(%dma_start3A_45 : memref<640x128xf32, #tpu.memory_space<vmem_shared>>) target(%dma_start3A_43 : memref<640x128xf32, #tpu.memory_space<hbm>>) target_semaphore(%run_scoped3A : memref<!tpu.dma_semaphore, #tpu.memory_space<semaphore_mem>>)
      %dma_wait3A = arith.constant 0 : i32
      %dma_wait3A_46 = tpu.memref_slice %arg5[%arg0, %mul3A_41, %dma_wait3A] : memref<2x10240x128xf32, #tpu.memory_space<hbm>> -> memref<1x640x128xf32, #tpu.memory_space<hbm>>
      %dma_wait3A_47 = tpu.memref_squeeze %dma_wait3A_46 : memref<1x640x128xf32, #tpu.memory_space<hbm>> -> memref<640x128xf32, #tpu.memory_space<hbm>>
      %dma_wait3A_48 = arith.constant 0 : i32
      %dma_wait3A_49 = tpu.memref_slice %arg6[%mul3A_39, %dma_wait3A_48] : memref<10240x128xf32, #tpu.memory_space<vmem_shared>> -> memref<640x128xf32, #tpu.memory_space<vmem_shared>>
      tpu.wait_dma2 semaphore(%run_scoped3A : memref<!tpu.dma_semaphore, #tpu.memory_space<semaphore_mem>>) src(%dma_wait3A_49 : memref<640x128xf32, #tpu.memory_space<vmem_shared>>) dst(%dma_wait3A_47 : memref<640x128xf32, #tpu.memory_space<hbm>>)
      tpu.yield
    }) : () -> ()
    return
  }
}

module attributes {stable_mosaic.version = 14 : i64} {
  func.func @_scale_body(%arg0: i32, %arg1: i32, %arg2: memref<2x1x2000x16xf32, #tpu.memory_space<vmem>>, %arg3: memref<1x2000x128xf32, #tpu.memory_space<vmem>>, %arg4: memref<1x2000x128xf32, #tpu.memory_space<vmem>>, %arg5: memref<1x2000x128xf32, #tpu.memory_space<vmem>>) attributes {dimension_semantics = [#tpu.dimension_semantics<arbitrary>, #tpu.dimension_semantics<arbitrary>], iteration_bounds = array<i64: 3, 5>, scalar_prefetch = 0 : i64, scratch_operands = 0 : i64, tpu.core_type = #tpu.core_type<tc>, window_params = [{transform_indices = @transform_0, window_bounds = array<i64: 2, 1, 2000, 16>}, {transform_indices = @transform_1, window_bounds = array<i64: 1, 2000, 128>}, {transform_indices = @transform_2, window_bounds = array<i64: 1, 2000, 128>}, {transform_indices = @transform_3, window_bounds = array<i64: 1, 2000, 128>}]} {
    %get3A = arith.constant 0 : index
    %get3A_0 = arith.constant 0 : index
    %get3A_1 = arith.constant 0 : index
    %get3A_2 = arith.constant 0 : index
    %get3A_3 = vector.load %arg2[%get3A, %get3A_0, %get3A_1, %get3A_2] : memref<2x1x2000x16xf32, #tpu.memory_space<vmem>>, vector<2x1x2000x16xf32>
    %slice3A = vector.extract_strided_slice %get3A_3 {offsets = [0, 0, 0, 0], sizes = [1, 1, 2000, 1], strides = [1, 1, 1, 1]} : vector<2x1x2000x16xf32> to vector<1x1x2000x1xf32>
    %squeeze3A = vector.shape_cast %slice3A : vector<1x1x2000x1xf32> to vector<2000x1xf32>
    %slice3A_4 = vector.extract_strided_slice %get3A_3 {offsets = [1, 0, 0, 0], sizes = [1, 1, 2000, 1], strides = [1, 1, 1, 1]} : vector<2x1x2000x16xf32> to vector<1x1x2000x1xf32>
    %squeeze3A_5 = vector.shape_cast %slice3A_4 : vector<1x1x2000x1xf32> to vector<2000x1xf32>
    %add3A = arith.addf %squeeze3A, %squeeze3A_5 : vector<2000x1xf32>
    %add3A_6 = arith.constant 1.000000e+00 : f32
    %add3A_7 = vector.broadcast %add3A_6 : f32 to vector<2000x1xf32>
    %add3A_8 = arith.addf %add3A, %add3A_7 : vector<2000x1xf32>
    %rsqrt3A = math.rsqrt %add3A_8 : vector<2000x1xf32>
    %get3A_9 = arith.constant 0 : index
    %get3A_10 = arith.constant 0 : index
    %get3A_11 = arith.constant 0 : index
    %get3A_12 = vector.load %arg3[%get3A_9, %get3A_10, %get3A_11] : memref<1x2000x128xf32, #tpu.memory_space<vmem>>, vector<1x2000x128xf32>
    %get3A_13 = vector.shape_cast %get3A_12 : vector<1x2000x128xf32> to vector<2000x128xf32>
    %mul3A = vector.broadcast %rsqrt3A : vector<2000x1xf32> to vector<2000x128xf32>
    %mul3A_14 = arith.mulf %get3A_13, %mul3A : vector<2000x128xf32>
    %swap3A = arith.constant 0 : index
    %swap3A_15 = arith.constant 0 : index
    %swap3A_16 = arith.constant 0 : index
    %swap3A_17 = vector.load %arg4[%swap3A, %swap3A_15, %swap3A_16] : memref<1x2000x128xf32, #tpu.memory_space<vmem>>, vector<1x2000x128xf32>
    %swap3A_18 = vector.shape_cast %swap3A_17 : vector<1x2000x128xf32> to vector<2000x128xf32>
    %swap3A_19 = vector.shape_cast %mul3A_14 : vector<2000x128xf32> to vector<1x2000x128xf32>
    tpu.vector_store %arg4[%swap3A, %swap3A_15, %swap3A_16], %swap3A_19 {strides = array<i32>} : memref<1x2000x128xf32, #tpu.memory_space<vmem>>, vector<1x2000x128xf32>,
    %broadcast_in_dim3A = vector.shape_cast %rsqrt3A : vector<2000x1xf32> to vector<2000x1xf32>
    %broadcast_in_dim3A_20 = vector.broadcast %broadcast_in_dim3A : vector<2000x1xf32> to vector<2000x128xf32>
    %swap3A_21 = arith.constant 0 : index
    %swap3A_22 = arith.constant 0 : index
    %swap3A_23 = arith.constant 0 : index
    %swap3A_24 = vector.load %arg5[%swap3A_21, %swap3A_22, %swap3A_23] : memref<1x2000x128xf32, #tpu.memory_space<vmem>>, vector<1x2000x128xf32>
    %swap3A_25 = vector.shape_cast %swap3A_24 : vector<1x2000x128xf32> to vector<2000x128xf32>
    %swap3A_26 = vector.shape_cast %broadcast_in_dim3A_20 : vector<2000x128xf32> to vector<1x2000x128xf32>
    tpu.vector_store %arg5[%swap3A_21, %swap3A_22, %swap3A_23], %swap3A_26 {strides = array<i32>} : memref<1x2000x128xf32, #tpu.memory_space<vmem>>, vector<1x2000x128xf32>,
    return
  }
  func.func @transform_0(%arg0: i32, %arg1: i32) -> (i32, i32, i32, i32) {
    %c0_i32 = arith.constant 0 : i32
    %c0_i32_0 = arith.constant 0 : i32
    %c0_i32_1 = arith.constant 0 : i32
    return %c0_i32, %arg0, %arg1, %c0_i32_0 : i32, i32, i32, i32
  }
  func.func @transform_1(%arg0: i32, %arg1: i32) -> (i32, i32, i32) {
    %c0_i32 = arith.constant 0 : i32
    %c0_i32_0 = arith.constant 0 : i32
    return %arg0, %arg1, %c0_i32 : i32, i32, i32
  }
  func.func @transform_2(%arg0: i32, %arg1: i32) -> (i32, i32, i32) {
    %c0_i32 = arith.constant 0 : i32
    %c0_i32_0 = arith.constant 0 : i32
    return %arg0, %arg1, %c0_i32 : i32, i32, i32
  }
  func.func @transform_3(%arg0: i32, %arg1: i32) -> (i32, i32, i32) {
    %c0_i32 = arith.constant 0 : i32
    %c0_i32_0 = arith.constant 0 : i32
    return %arg0, %arg1, %c0_i32 : i32, i32, i32
  }
}

module attributes {stable_mosaic.version = 14 : i64} {
  func.func @_gates0_body(%arg0: i32, %arg1: memref<2x2000x128xf32, #tpu.memory_space<vmem>>, %arg2: memref<2000x128xf32, #tpu.memory_space<vmem>>, %arg3: memref<2000x128xf32, #tpu.memory_space<vmem>>, %arg4: memref<2000x128xf32, #tpu.memory_space<vmem>>, %arg5: memref<128x128xf32, #tpu.memory_space<vmem>>, %arg6: memref<128x128xf32, #tpu.memory_space<vmem>>, %arg7: memref<1x128xf32, #tpu.memory_space<vmem>>, %arg8: memref<1x128xf32, #tpu.memory_space<vmem>>, %arg9: memref<2000x128xf32, #tpu.memory_space<vmem>>, %arg10: memref<2000x128xf32, #tpu.memory_space<vmem>>) attributes {dimension_semantics = [#tpu.dimension_semantics<arbitrary>], iteration_bounds = array<i64: 5>, scalar_prefetch = 0 : i64, scratch_operands = 0 : i64, tpu.core_type = #tpu.core_type<tc>, window_params = [{transform_indices = @transform_0, window_bounds = array<i64: 2, 2000, 128>}, {transform_indices = @transform_1, window_bounds = array<i64: 2000, 128>}, {transform_indices = @transform_2, window_bounds = array<i64: 2000, 128>}, {transform_indices = @transform_3, window_bounds = array<i64: 2000, 128>}, {pipeline_mode = #tpu.pipeline_mode<synchronous>, transform_indices = @transform_4, window_bounds = array<i64: 128, 128>}, {pipeline_mode = #tpu.pipeline_mode<synchronous>, transform_indices = @transform_5, window_bounds = array<i64: 128, 128>}, {pipeline_mode = #tpu.pipeline_mode<synchronous>, transform_indices = @transform_6, window_bounds = array<i64: 1, 128>}, {pipeline_mode = #tpu.pipeline_mode<synchronous>, transform_indices = @transform_7, window_bounds = array<i64: 1, 128>}, {transform_indices = @transform_8, window_bounds = array<i64: 2000, 128>}, {transform_indices = @transform_9, window_bounds = array<i64: 2000, 128>}]} {
    %get3A = arith.constant 0 : index
    %get3A_0 = arith.constant 0 : index
    %get3A_1 = arith.constant 0 : index
    %get3A_2 = vector.load %arg1[%get3A, %get3A_0, %get3A_1] : memref<2x2000x128xf32, #tpu.memory_space<vmem>>, vector<1x2000x128xf32>
    %get3A_3 = vector.shape_cast %get3A_2 : vector<1x2000x128xf32> to vector<2000x128xf32>
    %get3A_4 = arith.constant 1 : index
    %get3A_5 = arith.constant 0 : index
    %get3A_6 = arith.constant 0 : index
    %get3A_7 = vector.load %arg1[%get3A_4, %get3A_5, %get3A_6] : memref<2x2000x128xf32, #tpu.memory_space<vmem>>, vector<1x2000x128xf32>
    %get3A_8 = vector.shape_cast %get3A_7 : vector<1x2000x128xf32> to vector<2000x128xf32>
    %add3A = arith.addf %get3A_3, %get3A_8 : vector<2000x128xf32>
    %get3A_9 = arith.constant 0 : index
    %get3A_10 = arith.constant 0 : index
    %get3A_11 = vector.load %arg2[%get3A_9, %get3A_10] : memref<2000x128xf32, #tpu.memory_space<vmem>>, vector<2000x128xf32>
    %add3A_12 = arith.addf %add3A, %get3A_11 : vector<2000x128xf32>
    %get3A_13 = arith.constant 0 : index
    %get3A_14 = arith.constant 0 : index
    %get3A_15 = vector.load %arg3[%get3A_13, %get3A_14] : memref<2000x128xf32, #tpu.memory_space<vmem>>, vector<2000x128xf32>
    %mul3A = arith.mulf %add3A_12, %get3A_15 : vector<2000x128xf32>
    %get3A_16 = arith.constant 0 : index
    %get3A_17 = arith.constant 0 : index
    %get3A_18 = vector.load %arg5[%get3A_16, %get3A_17] : memref<128x128xf32, #tpu.memory_space<vmem>>, vector<128x128xf32>
    %dot_general3A = arith.constant dense<0.000000e+00> : vector<2000x128xf32>
    %dot_general3A_19 = tpu.matmul %mul3A, %get3A_18, %dot_general3A {dimension_numbers = #tpu.dot_dimension_numbers<[1], [0], [0], [1], [0, 0, 1, 1], [], []>, transpose_lhs_hint = false} : vector<2000x128xf32>, vector<128x128xf32>, vector<2000x128xf32> -> vector<2000x128xf32>
    %get3A_20 = arith.constant 0 : index
    %get3A_21 = arith.constant 0 : index
    %get3A_22 = vector.load %arg7[%get3A_20, %get3A_21] : memref<1x128xf32, #tpu.memory_space<vmem>>, vector<1x128xf32>
    %add3A_23 = vector.broadcast %get3A_22 : vector<1x128xf32> to vector<2000x128xf32>
    %add3A_24 = arith.addf %dot_general3A_19, %add3A_23 : vector<2000x128xf32>
    %logistic3A = arith.negf %add3A_24 : vector<2000x128xf32>
    %logistic3A_25 = math.exp %logistic3A : vector<2000x128xf32>
    %logistic3A_26 = arith.constant 1.000000e+00 : f32
    %logistic3A_27 = vector.broadcast %logistic3A_26 : f32 to vector<2000x128xf32>
    %logistic3A_28 = arith.addf %logistic3A_27, %logistic3A_25 : vector<2000x128xf32>
    %logistic3A_29 = arith.divf %logistic3A_27, %logistic3A_28 : vector<2000x128xf32>
    %get3A_30 = arith.constant 0 : index
    %get3A_31 = arith.constant 0 : index
    %get3A_32 = vector.load %arg6[%get3A_30, %get3A_31] : memref<128x128xf32, #tpu.memory_space<vmem>>, vector<128x128xf32>
    %dot_general3A_33 = arith.constant dense<0.000000e+00> : vector<2000x128xf32>
    %dot_general3A_34 = tpu.matmul %mul3A, %get3A_32, %dot_general3A_33 {dimension_numbers = #tpu.dot_dimension_numbers<[1], [0], [0], [1], [0, 0, 1, 1], [], []>, transpose_lhs_hint = false} : vector<2000x128xf32>, vector<128x128xf32>, vector<2000x128xf32> -> vector<2000x128xf32>
    %get3A_35 = arith.constant 0 : index
    %get3A_36 = arith.constant 0 : index
    %get3A_37 = vector.load %arg8[%get3A_35, %get3A_36] : memref<1x128xf32, #tpu.memory_space<vmem>>, vector<1x128xf32>
    %add3A_38 = vector.broadcast %get3A_37 : vector<1x128xf32> to vector<2000x128xf32>
    %add3A_39 = arith.addf %dot_general3A_34, %add3A_38 : vector<2000x128xf32>
    %tanh3A = math.tanh %add3A_39 : vector<2000x128xf32>
    %sub3A = arith.constant 1.000000e+00 : f32
    %sub3A_40 = vector.broadcast %sub3A : f32 to vector<2000x128xf32>
    %sub3A_41 = arith.subf %sub3A_40, %logistic3A_29 : vector<2000x128xf32>
    %mul3A_42 = arith.mulf %sub3A_41, %tanh3A : vector<2000x128xf32>
    %swap3A = arith.constant 0 : index
    %swap3A_43 = arith.constant 0 : index
    %swap3A_44 = vector.load %arg9[%swap3A, %swap3A_43] : memref<2000x128xf32, #tpu.memory_space<vmem>>, vector<2000x128xf32>
    tpu.vector_store %arg9[%swap3A, %swap3A_43], %mul3A_42 {strides = array<i32>} : memref<2000x128xf32, #tpu.memory_space<vmem>>, vector<2000x128xf32>,
    %get3A_45 = arith.constant 0 : index
    %get3A_46 = arith.constant 0 : index
    %get3A_47 = vector.load %arg4[%get3A_45, %get3A_46] : memref<2000x128xf32, #tpu.memory_space<vmem>>, vector<2000x128xf32>
    %mul3A_48 = arith.mulf %mul3A_42, %get3A_47 : vector<2000x128xf32>
    %swap3A_49 = arith.constant 0 : index
    %swap3A_50 = arith.constant 0 : index
    %swap3A_51 = vector.load %arg10[%swap3A_49, %swap3A_50] : memref<2000x128xf32, #tpu.memory_space<vmem>>, vector<2000x128xf32>
    tpu.vector_store %arg10[%swap3A_49, %swap3A_50], %mul3A_48 {strides = array<i32>} : memref<2000x128xf32, #tpu.memory_space<vmem>>, vector<2000x128xf32>,
    return
  }
  func.func @transform_0(%arg0: i32) -> (i32, i32, i32) {
    %c0_i32 = arith.constant 0 : i32
    %c0_i32_0 = arith.constant 0 : i32
    %c0_i32_1 = arith.constant 0 : i32
    return %c0_i32, %arg0, %c0_i32_0 : i32, i32, i32
  }
  func.func @transform_1(%arg0: i32) -> (i32, i32) {
    %c0_i32 = arith.constant 0 : i32
    %c0_i32_0 = arith.constant 0 : i32
    return %arg0, %c0_i32 : i32, i32
  }
  func.func @transform_2(%arg0: i32) -> (i32, i32) {
    %c0_i32 = arith.constant 0 : i32
    %c0_i32_0 = arith.constant 0 : i32
    return %arg0, %c0_i32 : i32, i32
  }
  func.func @transform_3(%arg0: i32) -> (i32, i32) {
    %c0_i32 = arith.constant 0 : i32
    %c0_i32_0 = arith.constant 0 : i32
    return %arg0, %c0_i32 : i32, i32
  }
  func.func @transform_4(%arg0: i32) -> (i32, i32) {
    %c0_i32 = arith.constant 0 : i32
    %c0_i32_0 = arith.constant 0 : i32
    %c0_i32_1 = arith.constant 0 : i32
    return %c0_i32, %c0_i32_0 : i32, i32
  }
  func.func @transform_5(%arg0: i32) -> (i32, i32) {
    %c0_i32 = arith.constant 0 : i32
    %c0_i32_0 = arith.constant 0 : i32
    %c0_i32_1 = arith.constant 0 : i32
    return %c0_i32, %c0_i32_0 : i32, i32
  }
  func.func @transform_6(%arg0: i32) -> (i32, i32) {
    %c0_i32 = arith.constant 0 : i32
    %c0_i32_0 = arith.constant 0 : i32
    %c0_i32_1 = arith.constant 0 : i32
    return %c0_i32, %c0_i32_0 : i32, i32
  }
  func.func @transform_7(%arg0: i32) -> (i32, i32) {
    %c0_i32 = arith.constant 0 : i32
    %c0_i32_0 = arith.constant 0 : i32
    %c0_i32_1 = arith.constant 0 : i32
    return %c0_i32, %c0_i32_0 : i32, i32
  }
  func.func @transform_8(%arg0: i32) -> (i32, i32) {
    %c0_i32 = arith.constant 0 : i32
    %c0_i32_0 = arith.constant 0 : i32
    return %arg0, %c0_i32 : i32, i32
  }
  func.func @transform_9(%arg0: i32) -> (i32, i32) {
    %c0_i32 = arith.constant 0 : i32
    %c0_i32_0 = arith.constant 0 : i32
    return %arg0, %c0_i32 : i32, i32
  }
}

module attributes {stable_mosaic.version = 14 : i64} {
  func.func @_gates_body(%arg0: i32, %arg1: memref<2000x128xf32, #tpu.memory_space<vmem>>, %arg2: memref<2000x128xf32, #tpu.memory_space<vmem>>, %arg3: memref<2000x128xf32, #tpu.memory_space<vmem>>, %arg4: memref<2000x128xf32, #tpu.memory_space<vmem>>, %arg5: memref<2000x128xf32, #tpu.memory_space<vmem>>, %arg6: memref<2000x128xf32, #tpu.memory_space<vmem>>, %arg7: memref<128x128xf32, #tpu.memory_space<vmem>>, %arg8: memref<128x128xf32, #tpu.memory_space<vmem>>, %arg9: memref<128x128xf32, #tpu.memory_space<vmem>>, %arg10: memref<128x128xf32, #tpu.memory_space<vmem>>, %arg11: memref<128x128xf32, #tpu.memory_space<vmem>>, %arg12: memref<1x128xf32, #tpu.memory_space<vmem>>, %arg13: memref<1x128xf32, #tpu.memory_space<vmem>>, %arg14: memref<1x128xf32, #tpu.memory_space<vmem>>, %arg15: memref<2000x128xf32, #tpu.memory_space<vmem>>, %arg16: memref<2000x128xf32, #tpu.memory_space<vmem>>, %arg17: memref<2000x128xf32, #tpu.memory_space<vmem>>) attributes {dimension_semantics = [#tpu.dimension_semantics<arbitrary>], iteration_bounds = array<i64: 5>, scalar_prefetch = 0 : i64, scratch_operands = 0 : i64, tpu.core_type = #tpu.core_type<tc>, window_params = [{transform_indices = @transform_0, window_bounds = array<i64: 2000, 128>}, {transform_indices = @transform_1, window_bounds = array<i64: 2000, 128>}, {transform_indices = @transform_2, window_bounds = array<i64: 2000, 128>}, {transform_indices = @transform_3, window_bounds = array<i64: 2000, 128>}, {transform_indices = @transform_4, window_bounds = array<i64: 2000, 128>}, {transform_indices = @transform_5, window_bounds = array<i64: 2000, 128>}, {pipeline_mode = #tpu.pipeline_mode<synchronous>, transform_indices = @transform_6, window_bounds = array<i64: 128, 128>}, {pipeline_mode = #tpu.pipeline_mode<synchronous>, transform_indices = @transform_7, window_bounds = array<i64: 128, 128>}, {pipeline_mode = #tpu.pipeline_mode<synchronous>, transform_indices = @transform_8, window_bounds = array<i64: 128, 128>}, {pipeline_mode = #tpu.pipeline_mode<synchronous>, transform_indices = @transform_9, window_bounds = array<i64: 128, 128>}, {pipeline_mode = #tpu.pipeline_mode<synchronous>, transform_indices = @transform_10, window_bounds = array<i64: 128, 128>}, {pipeline_mode = #tpu.pipeline_mode<synchronous>, transform_indices = @transform_11, window_bounds = array<i64: 1, 128>}, {pipeline_mode = #tpu.pipeline_mode<synchronous>, transform_indices = @transform_12, window_bounds = array<i64: 1, 128>}, {pipeline_mode = #tpu.pipeline_mode<synchronous>, transform_indices = @transform_13, window_bounds = array<i64: 1, 128>}, {transform_indices = @transform_14, window_bounds = array<i64: 2000, 128>}, {transform_indices = @transform_15, window_bounds = array<i64: 2000, 128>}, {transform_indices = @transform_16, window_bounds = array<i64: 2000, 128>}]} {
    %get3A = arith.constant 0 : index
    %get3A_0 = arith.constant 0 : index
    %get3A_1 = vector.load %arg5[%get3A, %get3A_0] : memref<2000x128xf32, #tpu.memory_space<vmem>>, vector<2000x128xf32>
    %get3A_2 = arith.constant 0 : index
    %get3A_3 = arith.constant 0 : index
    %get3A_4 = vector.load %arg1[%get3A_2, %get3A_3] : memref<2000x128xf32, #tpu.memory_space<vmem>>, vector<2000x128xf32>
    %get3A_5 = arith.constant 0 : index
    %get3A_6 = arith.constant 0 : index
    %get3A_7 = vector.load %arg3[%get3A_5, %get3A_6] : memref<2000x128xf32, #tpu.memory_space<vmem>>, vector<2000x128xf32>
    %add3A = arith.addf %get3A_4, %get3A_7 : vector<2000x128xf32>
    %mul3A = arith.mulf %add3A, %get3A_1 : vector<2000x128xf32>
    %get3A_8 = arith.constant 0 : index
    %get3A_9 = arith.constant 0 : index
    %get3A_10 = vector.load %arg2[%get3A_8, %get3A_9] : memref<2000x128xf32, #tpu.memory_space<vmem>>, vector<2000x128xf32>
    %get3A_11 = arith.constant 0 : index
    %get3A_12 = arith.constant 0 : index
    %get3A_13 = vector.load %arg4[%get3A_11, %get3A_12] : memref<2000x128xf32, #tpu.memory_space<vmem>>, vector<2000x128xf32>
    %add3A_14 = arith.addf %get3A_10, %get3A_13 : vector<2000x128xf32>
    %mul3A_15 = arith.mulf %add3A_14, %get3A_1 : vector<2000x128xf32>
    %get3A_16 = arith.constant 0 : index
    %get3A_17 = arith.constant 0 : index
    %get3A_18 = vector.load %arg7[%get3A_16, %get3A_17] : memref<128x128xf32, #tpu.memory_space<vmem>>, vector<128x128xf32>
    %dot_general3A = arith.constant dense<0.000000e+00> : vector<2000x128xf32>
    %dot_general3A_19 = tpu.matmul %mul3A, %get3A_18, %dot_general3A {dimension_numbers = #tpu.dot_dimension_numbers<[1], [0], [0], [1], [0, 0, 1, 1], [], []>, transpose_lhs_hint = false} : vector<2000x128xf32>, vector<128x128xf32>, vector<2000x128xf32> -> vector<2000x128xf32>
    %get3A_20 = arith.constant 0 : index
    %get3A_21 = arith.constant 0 : index
    %get3A_22 = vector.load %arg8[%get3A_20, %get3A_21] : memref<128x128xf32, #tpu.memory_space<vmem>>, vector<128x128xf32>
    %dot_general3A_23 = arith.constant dense<0.000000e+00> : vector<2000x128xf32>
    %dot_general3A_24 = tpu.matmul %mul3A_15, %get3A_22, %dot_general3A_23 {dimension_numbers = #tpu.dot_dimension_numbers<[1], [0], [0], [1], [0, 0, 1, 1], [], []>, transpose_lhs_hint = false} : vector<2000x128xf32>, vector<128x128xf32>, vector<2000x128xf32> -> vector<2000x128xf32>
    %add3A_25 = arith.addf %dot_general3A_19, %dot_general3A_24 : vector<2000x128xf32>
    %get3A_26 = arith.constant 0 : index
    %get3A_27 = arith.constant 0 : index
    %get3A_28 = vector.load %arg12[%get3A_26, %get3A_27] : memref<1x128xf32, #tpu.memory_space<vmem>>, vector<1x128xf32>
    %add3A_29 = vector.broadcast %get3A_28 : vector<1x128xf32> to vector<2000x128xf32>
    %add3A_30 = arith.addf %add3A_25, %add3A_29 : vector<2000x128xf32>
    %logistic3A = arith.negf %add3A_30 : vector<2000x128xf32>
    %logistic3A_31 = math.exp %logistic3A : vector<2000x128xf32>
    %logistic3A_32 = arith.constant 1.000000e+00 : f32
    %logistic3A_33 = vector.broadcast %logistic3A_32 : f32 to vector<2000x128xf32>
    %logistic3A_34 = arith.addf %logistic3A_33, %logistic3A_31 : vector<2000x128xf32>
    %logistic3A_35 = arith.divf %logistic3A_33, %logistic3A_34 : vector<2000x128xf32>
    %get3A_36 = arith.constant 0 : index
    %get3A_37 = arith.constant 0 : index
    %get3A_38 = vector.load %arg9[%get3A_36, %get3A_37] : memref<128x128xf32, #tpu.memory_space<vmem>>, vector<128x128xf32>
    %dot_general3A_39 = arith.constant dense<0.000000e+00> : vector<2000x128xf32>
    %dot_general3A_40 = tpu.matmul %mul3A, %get3A_38, %dot_general3A_39 {dimension_numbers = #tpu.dot_dimension_numbers<[1], [0], [0], [1], [0, 0, 1, 1], [], []>, transpose_lhs_hint = false} : vector<2000x128xf32>, vector<128x128xf32>, vector<2000x128xf32> -> vector<2000x128xf32>
    %get3A_41 = arith.constant 0 : index
    %get3A_42 = arith.constant 0 : index
    %get3A_43 = vector.load %arg10[%get3A_41, %get3A_42] : memref<128x128xf32, #tpu.memory_space<vmem>>, vector<128x128xf32>
    %dot_general3A_44 = arith.constant dense<0.000000e+00> : vector<2000x128xf32>
    %dot_general3A_45 = tpu.matmul %mul3A_15, %get3A_43, %dot_general3A_44 {dimension_numbers = #tpu.dot_dimension_numbers<[1], [0], [0], [1], [0, 0, 1, 1], [], []>, transpose_lhs_hint = false} : vector<2000x128xf32>, vector<128x128xf32>, vector<2000x128xf32> -> vector<2000x128xf32>
    %add3A_46 = arith.addf %dot_general3A_40, %dot_general3A_45 : vector<2000x128xf32>
    %get3A_47 = arith.constant 0 : index
    %get3A_48 = arith.constant 0 : index
    %get3A_49 = vector.load %arg13[%get3A_47, %get3A_48] : memref<1x128xf32, #tpu.memory_space<vmem>>, vector<1x128xf32>
    %add3A_50 = vector.broadcast %get3A_49 : vector<1x128xf32> to vector<2000x128xf32>
    %add3A_51 = arith.addf %add3A_46, %add3A_50 : vector<2000x128xf32>
    %logistic3A_52 = arith.negf %add3A_51 : vector<2000x128xf32>
    %logistic3A_53 = math.exp %logistic3A_52 : vector<2000x128xf32>
    %logistic3A_54 = arith.constant 1.000000e+00 : f32
    %logistic3A_55 = vector.broadcast %logistic3A_54 : f32 to vector<2000x128xf32>
    %logistic3A_56 = arith.addf %logistic3A_55, %logistic3A_53 : vector<2000x128xf32>
    %logistic3A_57 = arith.divf %logistic3A_55, %logistic3A_56 : vector<2000x128xf32>
    %swap3A = arith.constant 0 : index
    %swap3A_58 = arith.constant 0 : index
    %swap3A_59 = vector.load %arg15[%swap3A, %swap3A_58] : memref<2000x128xf32, #tpu.memory_space<vmem>>, vector<2000x128xf32>
    tpu.vector_store %arg15[%swap3A, %swap3A_58], %logistic3A_35 {strides = array<i32>} : memref<2000x128xf32, #tpu.memory_space<vmem>>, vector<2000x128xf32>,
    %get3A_60 = arith.constant 0 : index
    %get3A_61 = arith.constant 0 : index
    %get3A_62 = vector.load %arg11[%get3A_60, %get3A_61] : memref<128x128xf32, #tpu.memory_space<vmem>>, vector<128x128xf32>
    %dot_general3A_63 = arith.constant dense<0.000000e+00> : vector<2000x128xf32>
    %dot_general3A_64 = tpu.matmul %mul3A, %get3A_62, %dot_general3A_63 {dimension_numbers = #tpu.dot_dimension_numbers<[1], [0], [0], [1], [0, 0, 1, 1], [], []>, transpose_lhs_hint = false} : vector<2000x128xf32>, vector<128x128xf32>, vector<2000x128xf32> -> vector<2000x128xf32>
    %get3A_65 = arith.constant 0 : index
    %get3A_66 = arith.constant 0 : index
    %get3A_67 = vector.load %arg14[%get3A_65, %get3A_66] : memref<1x128xf32, #tpu.memory_space<vmem>>, vector<1x128xf32>
    %add3A_68 = vector.broadcast %get3A_67 : vector<1x128xf32> to vector<2000x128xf32>
    %add3A_69 = arith.addf %dot_general3A_64, %add3A_68 : vector<2000x128xf32>
    %swap3A_70 = arith.constant 0 : index
    %swap3A_71 = arith.constant 0 : index
    %swap3A_72 = vector.load %arg16[%swap3A_70, %swap3A_71] : memref<2000x128xf32, #tpu.memory_space<vmem>>, vector<2000x128xf32>
    tpu.vector_store %arg16[%swap3A_70, %swap3A_71], %add3A_69 {strides = array<i32>} : memref<2000x128xf32, #tpu.memory_space<vmem>>, vector<2000x128xf32>,
    %get3A_73 = arith.constant 0 : index
    %get3A_74 = arith.constant 0 : index
    %get3A_75 = vector.load %arg6[%get3A_73, %get3A_74] : memref<2000x128xf32, #tpu.memory_space<vmem>>, vector<2000x128xf32>
    %mul3A_76 = arith.mulf %logistic3A_57, %get3A_75 : vector<2000x128xf32>
    %mul3A_77 = arith.mulf %mul3A_76, %get3A_1 : vector<2000x128xf32>
    %swap3A_78 = arith.constant 0 : index
    %swap3A_79 = arith.constant 0 : index
    %swap3A_80 = vector.load %arg17[%swap3A_78, %swap3A_79] : memref<2000x128xf32, #tpu.memory_space<vmem>>, vector<2000x128xf32>
    tpu.vector_store %arg17[%swap3A_78, %swap3A_79], %mul3A_77 {strides = array<i32>} : memref<2000x128xf32, #tpu.memory_space<vmem>>, vector<2000x128xf32>,
    return
  }
  func.func @transform_0(%arg0: i32) -> (i32, i32) {
    %c0_i32 = arith.constant 0 : i32
    %c0_i32_0 = arith.constant 0 : i32
    return %arg0, %c0_i32 : i32, i32
  }
  func.func @transform_1(%arg0: i32) -> (i32, i32) {
    %c0_i32 = arith.constant 0 : i32
    %c0_i32_0 = arith.constant 0 : i32
    return %arg0, %c0_i32 : i32, i32
  }
  func.func @transform_2(%arg0: i32) -> (i32, i32) {
    %c0_i32 = arith.constant 0 : i32
    %c0_i32_0 = arith.constant 0 : i32
    return %arg0, %c0_i32 : i32, i32
  }
  func.func @transform_3(%arg0: i32) -> (i32, i32) {
    %c0_i32 = arith.constant 0 : i32
    %c0_i32_0 = arith.constant 0 : i32
    return %arg0, %c0_i32 : i32, i32
  }
  func.func @transform_4(%arg0: i32) -> (i32, i32) {
    %c0_i32 = arith.constant 0 : i32
    %c0_i32_0 = arith.constant 0 : i32
    return %arg0, %c0_i32 : i32, i32
  }
  func.func @transform_5(%arg0: i32) -> (i32, i32) {
    %c0_i32 = arith.constant 0 : i32
    %c0_i32_0 = arith.constant 0 : i32
    return %arg0, %c0_i32 : i32, i32
  }
  func.func @transform_6(%arg0: i32) -> (i32, i32) {
    %c0_i32 = arith.constant 0 : i32
    %c0_i32_0 = arith.constant 0 : i32
    %c0_i32_1 = arith.constant 0 : i32
    return %c0_i32, %c0_i32_0 : i32, i32
  }
  func.func @transform_7(%arg0: i32) -> (i32, i32) {
    %c0_i32 = arith.constant 0 : i32
    %c0_i32_0 = arith.constant 0 : i32
    %c0_i32_1 = arith.constant 0 : i32
    return %c0_i32, %c0_i32_0 : i32, i32
  }
  func.func @transform_8(%arg0: i32) -> (i32, i32) {
    %c0_i32 = arith.constant 0 : i32
    %c0_i32_0 = arith.constant 0 : i32
    %c0_i32_1 = arith.constant 0 : i32
    return %c0_i32, %c0_i32_0 : i32, i32
  }
  func.func @transform_9(%arg0: i32) -> (i32, i32) {
    %c0_i32 = arith.constant 0 : i32
    %c0_i32_0 = arith.constant 0 : i32
    %c0_i32_1 = arith.constant 0 : i32
    return %c0_i32, %c0_i32_0 : i32, i32
  }
  func.func @transform_10(%arg0: i32) -> (i32, i32) {
    %c0_i32 = arith.constant 0 : i32
    %c0_i32_0 = arith.constant 0 : i32
    %c0_i32_1 = arith.constant 0 : i32
    return %c0_i32, %c0_i32_0 : i32, i32
  }
  func.func @transform_11(%arg0: i32) -> (i32, i32) {
    %c0_i32 = arith.constant 0 : i32
    %c0_i32_0 = arith.constant 0 : i32
    %c0_i32_1 = arith.constant 0 : i32
    return %c0_i32, %c0_i32_0 : i32, i32
  }
  func.func @transform_12(%arg0: i32) -> (i32, i32) {
    %c0_i32 = arith.constant 0 : i32
    %c0_i32_0 = arith.constant 0 : i32
    %c0_i32_1 = arith.constant 0 : i32
    return %c0_i32, %c0_i32_0 : i32, i32
  }
  func.func @transform_13(%arg0: i32) -> (i32, i32) {
    %c0_i32 = arith.constant 0 : i32
    %c0_i32_0 = arith.constant 0 : i32
    %c0_i32_1 = arith.constant 0 : i32
    return %c0_i32, %c0_i32_0 : i32, i32
  }
  func.func @transform_14(%arg0: i32) -> (i32, i32) {
    %c0_i32 = arith.constant 0 : i32
    %c0_i32_0 = arith.constant 0 : i32
    return %arg0, %c0_i32 : i32, i32
  }
  func.func @transform_15(%arg0: i32) -> (i32, i32) {
    %c0_i32 = arith.constant 0 : i32
    %c0_i32_0 = arith.constant 0 : i32
    return %arg0, %c0_i32 : i32, i32
  }
  func.func @transform_16(%arg0: i32) -> (i32, i32) {
    %c0_i32 = arith.constant 0 : i32
    %c0_i32_0 = arith.constant 0 : i32
    return %arg0, %c0_i32 : i32, i32
  }
}

module attributes {stable_mosaic.version = 14 : i64} {
  func.func @_final_body(%arg0: i32, %arg1: memref<2x2000x128xf32, #tpu.memory_space<vmem>>, %arg2: memref<2000x128xf32, #tpu.memory_space<vmem>>, %arg3: memref<2000x128xf32, #tpu.memory_space<vmem>>, %arg4: memref<2000x128xf32, #tpu.memory_space<vmem>>, %arg5: memref<2000x128xf32, #tpu.memory_space<vmem>>, %arg6: memref<1x128xf32, #tpu.memory_space<vmem>>, %arg7: memref<128x128xf32, #tpu.memory_space<vmem>>, %arg8: memref<1x128xf32, #tpu.memory_space<vmem>>, %arg9: memref<2000x128xf32, #tpu.memory_space<vmem>>, %arg10: memref<2000x128xf32, #tpu.memory_space<vmem>>, %arg11: memref<2000x128xf32, #tpu.memory_space<vmem>>) attributes {dimension_semantics = [#tpu.dimension_semantics<arbitrary>], iteration_bounds = array<i64: 5>, scalar_prefetch = 0 : i64, scratch_operands = 0 : i64, tpu.core_type = #tpu.core_type<tc>, window_params = [{transform_indices = @transform_0, window_bounds = array<i64: 2, 2000, 128>}, {transform_indices = @transform_1, window_bounds = array<i64: 2000, 128>}, {transform_indices = @transform_2, window_bounds = array<i64: 2000, 128>}, {transform_indices = @transform_3, window_bounds = array<i64: 2000, 128>}, {transform_indices = @transform_4, window_bounds = array<i64: 2000, 128>}, {pipeline_mode = #tpu.pipeline_mode<synchronous>, transform_indices = @transform_5, window_bounds = array<i64: 1, 128>}, {pipeline_mode = #tpu.pipeline_mode<synchronous>, transform_indices = @transform_6, window_bounds = array<i64: 128, 128>}, {pipeline_mode = #tpu.pipeline_mode<synchronous>, transform_indices = @transform_7, window_bounds = array<i64: 1, 128>}, {transform_indices = @transform_8, window_bounds = array<i64: 2000, 128>}, {transform_indices = @transform_9, window_bounds = array<i64: 2000, 128>}, {transform_indices = @transform_10, window_bounds = array<i64: 2000, 128>}]} {
    %get3A = arith.constant 0 : index
    %get3A_0 = arith.constant 0 : index
    %get3A_1 = arith.constant 0 : index
    %get3A_2 = vector.load %arg1[%get3A, %get3A_0, %get3A_1] : memref<2x2000x128xf32, #tpu.memory_space<vmem>>, vector<1x2000x128xf32>
    %get3A_3 = vector.shape_cast %get3A_2 : vector<1x2000x128xf32> to vector<2000x128xf32>
    %get3A_4 = arith.constant 1 : index
    %get3A_5 = arith.constant 0 : index
    %get3A_6 = arith.constant 0 : index
    %get3A_7 = vector.load %arg1[%get3A_4, %get3A_5, %get3A_6] : memref<2x2000x128xf32, #tpu.memory_space<vmem>>, vector<1x2000x128xf32>
    %get3A_8 = vector.shape_cast %get3A_7 : vector<1x2000x128xf32> to vector<2000x128xf32>
    %add3A = arith.addf %get3A_3, %get3A_8 : vector<2000x128xf32>
    %get3A_9 = arith.constant 0 : index
    %get3A_10 = arith.constant 0 : index
    %get3A_11 = vector.load %arg2[%get3A_9, %get3A_10] : memref<2000x128xf32, #tpu.memory_space<vmem>>, vector<2000x128xf32>
    %add3A_12 = arith.addf %add3A, %get3A_11 : vector<2000x128xf32>
    %get3A_13 = arith.constant 0 : index
    %get3A_14 = arith.constant 0 : index
    %get3A_15 = vector.load %arg3[%get3A_13, %get3A_14] : memref<2000x128xf32, #tpu.memory_space<vmem>>, vector<2000x128xf32>
    %mul3A = arith.mulf %add3A_12, %get3A_15 : vector<2000x128xf32>
    %get3A_16 = arith.constant 0 : index
    %get3A_17 = arith.constant 0 : index
    %get3A_18 = vector.load %arg4[%get3A_16, %get3A_17] : memref<2000x128xf32, #tpu.memory_space<vmem>>, vector<2000x128xf32>
    %get3A_19 = arith.constant 0 : index
    %get3A_20 = arith.constant 0 : index
    %get3A_21 = vector.load %arg7[%get3A_19, %get3A_20] : memref<128x128xf32, #tpu.memory_space<vmem>>, vector<128x128xf32>
    %dot_general3A = arith.constant dense<0.000000e+00> : vector<2000x128xf32>
    %dot_general3A_22 = tpu.matmul %mul3A, %get3A_21, %dot_general3A {dimension_numbers = #tpu.dot_dimension_numbers<[1], [0], [0], [1], [0, 0, 1, 1], [], []>, transpose_lhs_hint = false} : vector<2000x128xf32>, vector<128x128xf32>, vector<2000x128xf32> -> vector<2000x128xf32>
    %add3A_23 = arith.addf %get3A_18, %dot_general3A_22 : vector<2000x128xf32>
    %get3A_24 = arith.constant 0 : index
    %get3A_25 = arith.constant 0 : index
    %get3A_26 = vector.load %arg8[%get3A_24, %get3A_25] : memref<1x128xf32, #tpu.memory_space<vmem>>, vector<1x128xf32>
    %add3A_27 = vector.broadcast %get3A_26 : vector<1x128xf32> to vector<2000x128xf32>
    %add3A_28 = arith.addf %add3A_23, %add3A_27 : vector<2000x128xf32>
    %tanh3A = math.tanh %add3A_28 : vector<2000x128xf32>
    %get3A_29 = arith.constant 0 : index
    %get3A_30 = arith.constant 0 : index
    %get3A_31 = vector.load %arg5[%get3A_29, %get3A_30] : memref<2000x128xf32, #tpu.memory_space<vmem>>, vector<2000x128xf32>
    %get3A_32 = arith.constant 0 : index
    %get3A_33 = arith.constant 0 : index
    %get3A_34 = vector.load %arg6[%get3A_32, %get3A_33] : memref<1x128xf32, #tpu.memory_space<vmem>>, vector<1x128xf32>
    %mul3A_35 = vector.broadcast %get3A_34 : vector<1x128xf32> to vector<2000x128xf32>
    %mul3A_36 = arith.mulf %get3A_31, %mul3A_35 : vector<2000x128xf32>
    %sub3A = arith.constant 1.000000e+00 : f32
    %sub3A_37 = vector.broadcast %sub3A : f32 to vector<2000x128xf32>
    %sub3A_38 = arith.subf %sub3A_37, %get3A_31 : vector<2000x128xf32>
    %mul3A_39 = arith.mulf %sub3A_38, %tanh3A : vector<2000x128xf32>
    %add3A_40 = arith.addf %mul3A_36, %mul3A_39 : vector<2000x128xf32>
    %swap3A = arith.constant 0 : index
    %swap3A_41 = arith.constant 0 : index
    %swap3A_42 = vector.load %arg10[%swap3A, %swap3A_41] : memref<2000x128xf32, #tpu.memory_space<vmem>>, vector<2000x128xf32>
    tpu.vector_store %arg10[%swap3A, %swap3A_41], %add3A_40 {strides = array<i32>} : memref<2000x128xf32, #tpu.memory_space<vmem>>, vector<2000x128xf32>,
    %get3A_43 = arith.constant 0 : index
    %get3A_44 = arith.constant 0 : index
    %get3A_45 = vector.load %arg9[%get3A_43, %get3A_44] : memref<2000x128xf32, #tpu.memory_space<vmem>>, vector<2000x128xf32>
    %mul3A_46 = arith.mulf %add3A_40, %get3A_45 : vector<2000x128xf32>
    %swap3A_47 = arith.constant 0 : index
    %swap3A_48 = arith.constant 0 : index
    %swap3A_49 = vector.load %arg11[%swap3A_47, %swap3A_48] : memref<2000x128xf32, #tpu.memory_space<vmem>>, vector<2000x128xf32>
    tpu.vector_store %arg11[%swap3A_47, %swap3A_48], %mul3A_46 {strides = array<i32>} : memref<2000x128xf32, #tpu.memory_space<vmem>>, vector<2000x128xf32>,
    return
  }
  func.func @transform_0(%arg0: i32) -> (i32, i32, i32) {
    %c0_i32 = arith.constant 0 : i32
    %c0_i32_0 = arith.constant 0 : i32
    %c0_i32_1 = arith.constant 0 : i32
    return %c0_i32, %arg0, %c0_i32_0 : i32, i32, i32
  }
  func.func @transform_1(%arg0: i32) -> (i32, i32) {
    %c0_i32 = arith.constant 0 : i32
    %c0_i32_0 = arith.constant 0 : i32
    return %arg0, %c0_i32 : i32, i32
  }
  func.func @transform_2(%arg0: i32) -> (i32, i32) {
    %c0_i32 = arith.constant 0 : i32
    %c0_i32_0 = arith.constant 0 : i32
    return %arg0, %c0_i32 : i32, i32
  }
  func.func @transform_3(%arg0: i32) -> (i32, i32) {
    %c0_i32 = arith.constant 0 : i32
    %c0_i32_0 = arith.constant 0 : i32
    return %arg0, %c0_i32 : i32, i32
  }
  func.func @transform_4(%arg0: i32) -> (i32, i32) {
    %c0_i32 = arith.constant 0 : i32
    %c0_i32_0 = arith.constant 0 : i32
    return %arg0, %c0_i32 : i32, i32
  }
  func.func @transform_5(%arg0: i32) -> (i32, i32) {
    %c0_i32 = arith.constant 0 : i32
    %c0_i32_0 = arith.constant 0 : i32
    %c0_i32_1 = arith.constant 0 : i32
    return %c0_i32, %c0_i32_0 : i32, i32
  }
  func.func @transform_6(%arg0: i32) -> (i32, i32) {
    %c0_i32 = arith.constant 0 : i32
    %c0_i32_0 = arith.constant 0 : i32
    %c0_i32_1 = arith.constant 0 : i32
    return %c0_i32, %c0_i32_0 : i32, i32
  }
  func.func @transform_7(%arg0: i32) -> (i32, i32) {
    %c0_i32 = arith.constant 0 : i32
    %c0_i32_0 = arith.constant 0 : i32
    %c0_i32_1 = arith.constant 0 : i32
    return %c0_i32, %c0_i32_0 : i32, i32
  }
  func.func @transform_8(%arg0: i32) -> (i32, i32) {
    %c0_i32 = arith.constant 0 : i32
    %c0_i32_0 = arith.constant 0 : i32
    return %arg0, %c0_i32 : i32, i32
  }
  func.func @transform_9(%arg0: i32) -> (i32, i32) {
    %c0_i32 = arith.constant 0 : i32
    %c0_i32_0 = arith.constant 0 : i32
    return %arg0, %c0_i32 : i32, i32
  }
  func.func @transform_10(%arg0: i32) -> (i32, i32) {
    %c0_i32 = arith.constant 0 : i32
    %c0_i32_0 = arith.constant 0 : i32
    return %arg0, %c0_i32 : i32, i32
  }
}

module attributes {stable_mosaic.version = 14 : i64} {
  func.func @_final_body(%arg0: i32, %arg1: memref<2x2000x128xf32, #tpu.memory_space<vmem>>, %arg2: memref<2000x128xf32, #tpu.memory_space<vmem>>, %arg3: memref<2000x128xf32, #tpu.memory_space<vmem>>, %arg4: memref<2000x128xf32, #tpu.memory_space<vmem>>, %arg5: memref<2000x128xf32, #tpu.memory_space<vmem>>, %arg6: memref<1x128xf32, #tpu.memory_space<vmem>>, %arg7: memref<128x128xf32, #tpu.memory_space<vmem>>, %arg8: memref<1x128xf32, #tpu.memory_space<vmem>>, %arg9: memref<2000x128xf32, #tpu.memory_space<vmem>>, %arg10: memref<2000x128xf32, #tpu.memory_space<vmem>>, %arg11: memref<2000x128xf32, #tpu.memory_space<vmem>>) attributes {dimension_semantics = [#tpu.dimension_semantics<arbitrary>], iteration_bounds = array<i64: 5>, scalar_prefetch = 0 : i64, scratch_operands = 0 : i64, tpu.core_type = #tpu.core_type<tc>, window_params = [{transform_indices = @transform_0, window_bounds = array<i64: 2, 2000, 128>}, {transform_indices = @transform_1, window_bounds = array<i64: 2000, 128>}, {transform_indices = @transform_2, window_bounds = array<i64: 2000, 128>}, {transform_indices = @transform_3, window_bounds = array<i64: 2000, 128>}, {transform_indices = @transform_4, window_bounds = array<i64: 2000, 128>}, {pipeline_mode = #tpu.pipeline_mode<synchronous>, transform_indices = @transform_5, window_bounds = array<i64: 1, 128>}, {pipeline_mode = #tpu.pipeline_mode<synchronous>, transform_indices = @transform_6, window_bounds = array<i64: 128, 128>}, {pipeline_mode = #tpu.pipeline_mode<synchronous>, transform_indices = @transform_7, window_bounds = array<i64: 1, 128>}, {transform_indices = @transform_8, window_bounds = array<i64: 2000, 128>}, {transform_indices = @transform_9, window_bounds = array<i64: 2000, 128>}, {transform_indices = @transform_10, window_bounds = array<i64: 2000, 128>}]} {
    %get3A = arith.constant 0 : index
    %get3A_0 = arith.constant 0 : index
    %get3A_1 = arith.constant 0 : index
    %get3A_2 = vector.load %arg1[%get3A, %get3A_0, %get3A_1] : memref<2x2000x128xf32, #tpu.memory_space<vmem>>, vector<1x2000x128xf32>
    %get3A_3 = vector.shape_cast %get3A_2 : vector<1x2000x128xf32> to vector<2000x128xf32>
    %get3A_4 = arith.constant 1 : index
    %get3A_5 = arith.constant 0 : index
    %get3A_6 = arith.constant 0 : index
    %get3A_7 = vector.load %arg1[%get3A_4, %get3A_5, %get3A_6] : memref<2x2000x128xf32, #tpu.memory_space<vmem>>, vector<1x2000x128xf32>
    %get3A_8 = vector.shape_cast %get3A_7 : vector<1x2000x128xf32> to vector<2000x128xf32>
    %add3A = arith.addf %get3A_3, %get3A_8 : vector<2000x128xf32>
    %get3A_9 = arith.constant 0 : index
    %get3A_10 = arith.constant 0 : index
    %get3A_11 = vector.load %arg2[%get3A_9, %get3A_10] : memref<2000x128xf32, #tpu.memory_space<vmem>>, vector<2000x128xf32>
    %add3A_12 = arith.addf %add3A, %get3A_11 : vector<2000x128xf32>
    %get3A_13 = arith.constant 0 : index
    %get3A_14 = arith.constant 0 : index
    %get3A_15 = vector.load %arg3[%get3A_13, %get3A_14] : memref<2000x128xf32, #tpu.memory_space<vmem>>, vector<2000x128xf32>
    %mul3A = arith.mulf %add3A_12, %get3A_15 : vector<2000x128xf32>
    %get3A_16 = arith.constant 0 : index
    %get3A_17 = arith.constant 0 : index
    %get3A_18 = vector.load %arg4[%get3A_16, %get3A_17] : memref<2000x128xf32, #tpu.memory_space<vmem>>, vector<2000x128xf32>
    %get3A_19 = arith.constant 0 : index
    %get3A_20 = arith.constant 0 : index
    %get3A_21 = vector.load %arg7[%get3A_19, %get3A_20] : memref<128x128xf32, #tpu.memory_space<vmem>>, vector<128x128xf32>
    %dot_general3A = arith.constant dense<0.000000e+00> : vector<2000x128xf32>
    %dot_general3A_22 = tpu.matmul %mul3A, %get3A_21, %dot_general3A {dimension_numbers = #tpu.dot_dimension_numbers<[1], [0], [0], [1], [0, 0, 1, 1], [], []>, transpose_lhs_hint = false} : vector<2000x128xf32>, vector<128x128xf32>, vector<2000x128xf32> -> vector<2000x128xf32>
    %add3A_23 = arith.addf %get3A_18, %dot_general3A_22 : vector<2000x128xf32>
    %get3A_24 = arith.constant 0 : index
    %get3A_25 = arith.constant 0 : index
    %get3A_26 = vector.load %arg8[%get3A_24, %get3A_25] : memref<1x128xf32, #tpu.memory_space<vmem>>, vector<1x128xf32>
    %add3A_27 = vector.broadcast %get3A_26 : vector<1x128xf32> to vector<2000x128xf32>
    %add3A_28 = arith.addf %add3A_23, %add3A_27 : vector<2000x128xf32>
    %tanh3A = math.tanh %add3A_28 : vector<2000x128xf32>
    %get3A_29 = arith.constant 0 : index
    %get3A_30 = arith.constant 0 : index
    %get3A_31 = vector.load %arg5[%get3A_29, %get3A_30] : memref<2000x128xf32, #tpu.memory_space<vmem>>, vector<2000x128xf32>
    %get3A_32 = arith.constant 0 : index
    %get3A_33 = arith.constant 0 : index
    %get3A_34 = vector.load %arg6[%get3A_32, %get3A_33] : memref<1x128xf32, #tpu.memory_space<vmem>>, vector<1x128xf32>
    %mul3A_35 = vector.broadcast %get3A_34 : vector<1x128xf32> to vector<2000x128xf32>
    %mul3A_36 = arith.mulf %get3A_31, %mul3A_35 : vector<2000x128xf32>
    %sub3A = arith.constant 1.000000e+00 : f32
    %sub3A_37 = vector.broadcast %sub3A : f32 to vector<2000x128xf32>
    %sub3A_38 = arith.subf %sub3A_37, %get3A_31 : vector<2000x128xf32>
    %mul3A_39 = arith.mulf %sub3A_38, %tanh3A : vector<2000x128xf32>
    %add3A_40 = arith.addf %mul3A_36, %mul3A_39 : vector<2000x128xf32>
    %swap3A = arith.constant 0 : index
    %swap3A_41 = arith.constant 0 : index
    %swap3A_42 = vector.load %arg10[%swap3A, %swap3A_41] : memref<2000x128xf32, #tpu.memory_space<vmem>>, vector<2000x128xf32>
    tpu.vector_store %arg10[%swap3A, %swap3A_41], %add3A_40 {strides = array<i32>} : memref<2000x128xf32, #tpu.memory_space<vmem>>, vector<2000x128xf32>,
    %get3A_43 = arith.constant 0 : index
    %get3A_44 = arith.constant 0 : index
    %get3A_45 = vector.load %arg9[%get3A_43, %get3A_44] : memref<2000x128xf32, #tpu.memory_space<vmem>>, vector<2000x128xf32>
    %mul3A_46 = arith.mulf %add3A_40, %get3A_45 : vector<2000x128xf32>
    %swap3A_47 = arith.constant 0 : index
    %swap3A_48 = arith.constant 0 : index
    %swap3A_49 = vector.load %arg11[%swap3A_47, %swap3A_48] : memref<2000x128xf32, #tpu.memory_space<vmem>>, vector<2000x128xf32>
    tpu.vector_store %arg11[%swap3A_47, %swap3A_48], %mul3A_46 {strides = array<i32>} : memref<2000x128xf32, #tpu.memory_space<vmem>>, vector<2000x128xf32>,
    return
  }
  func.func @transform_0(%arg0: i32) -> (i32, i32, i32) {
    %c0_i32 = arith.constant 0 : i32
    %c0_i32_0 = arith.constant 0 : i32
    %c0_i32_1 = arith.constant 0 : i32
    return %c0_i32, %arg0, %c0_i32_0 : i32, i32, i32
  }
  func.func @transform_1(%arg0: i32) -> (i32, i32) {
    %c0_i32 = arith.constant 0 : i32
    %c0_i32_0 = arith.constant 0 : i32
    return %arg0, %c0_i32 : i32, i32
  }
  func.func @transform_2(%arg0: i32) -> (i32, i32) {
    %c0_i32 = arith.constant 0 : i32
    %c0_i32_0 = arith.constant 0 : i32
    return %arg0, %c0_i32 : i32, i32
  }
  func.func @transform_3(%arg0: i32) -> (i32, i32) {
    %c0_i32 = arith.constant 0 : i32
    %c0_i32_0 = arith.constant 0 : i32
    return %arg0, %c0_i32 : i32, i32
  }
  func.func @transform_4(%arg0: i32) -> (i32, i32) {
    %c0_i32 = arith.constant 0 : i32
    %c0_i32_0 = arith.constant 0 : i32
    return %arg0, %c0_i32 : i32, i32
  }
  func.func @transform_5(%arg0: i32) -> (i32, i32) {
    %c0_i32 = arith.constant 0 : i32
    %c0_i32_0 = arith.constant 0 : i32
    %c0_i32_1 = arith.constant 0 : i32
    return %c0_i32, %c0_i32_0 : i32, i32
  }
  func.func @transform_6(%arg0: i32) -> (i32, i32) {
    %c0_i32 = arith.constant 0 : i32
    %c0_i32_0 = arith.constant 0 : i32
    %c0_i32_1 = arith.constant 0 : i32
    return %c0_i32, %c0_i32_0 : i32, i32
  }
  func.func @transform_7(%arg0: i32) -> (i32, i32) {
    %c0_i32 = arith.constant 0 : i32
    %c0_i32_0 = arith.constant 0 : i32
    %c0_i32_1 = arith.constant 0 : i32
    return %c0_i32, %c0_i32_0 : i32, i32
  }
  func.func @transform_8(%arg0: i32) -> (i32, i32) {
    %c0_i32 = arith.constant 0 : i32
    %c0_i32_0 = arith.constant 0 : i32
    return %arg0, %c0_i32 : i32, i32
  }
  func.func @transform_9(%arg0: i32) -> (i32, i32) {
    %c0_i32 = arith.constant 0 : i32
    %c0_i32_0 = arith.constant 0 : i32
    return %arg0, %c0_i32 : i32, i32
  }
  func.func @transform_10(%arg0: i32) -> (i32, i32) {
    %c0_i32 = arith.constant 0 : i32
    %c0_i32_0 = arith.constant 0 : i32
    return %arg0, %c0_i32 : i32, i32
  }
}

</mosaic_0001>

<sc_bundles>
// kernel: kernel.14.cloned.1.call-start
scs
__scs_entry_jumppad:
0x0: {  	(pc) =	sbr.rel $0x88, $3  }
0x1: {  	(tag) =	ssettag $0x0;
	lr =	simm.s32 $0x1  }
0x2: {  	[smem:$0x3F93] =	sst lr;
	_ =	strace $0xD0000000  }
0x3: {  	_ = 	snop  }
0x4: {  	_ = 	snop  }
0x5: {  	_ = 	snop  }
0x6: {  	_ = 	snop  }
0x7: {  	_ = 	snop  }
__scs_overlays_trampoline_lowered:
0x8: {  	[smem:$0x3FA2] =	sst s0  }
0x9: {  	[smem:$0x3FA3] =	sst s1  }
0xa: {  	[smem:$0x3FA4] =	sst s2  }
0xb: {  	[smem:$0x3FA5] =	sst s3  }
0xc: {  	[smem:$0x3FA6] =	sst s4  }
0xd: {  	[smem:$0x3FA7] =	sst s5  }
0xe: {  	[smem:$0x3FA8] =	sst s6  }
0xf: {  	[smem:$0x3FA9] =	sst s7  }
0x10: {  	[smem:$0x3FAA] =	sst s8  }
0x11: {  	[smem:$0x3FAB] =	sst s9;
	s0 =	simm.s32 @!p0 $0x0  }
0x12: {  	s1 =	sld [smem:$0x3F91];
	s0 =	simm.s32 @p0 $0x1  }
0x13: {  	[smem:$0x3FAC] =	sst s0;
	s0 =	simm.s32 @!p1 $0x0  }
0x14: {  	s2 =	sld [smem:$0x3F90];
	s0 =	simm.s32 @p1 $0x1  }
0x15: {  	[smem:$0x3FAD] =	sst s0;
	s0 =	simm.s32 @!p2 $0x0  }
0x16: {  	s3 =	sld [smem:$0x3FDB];
	s0 =	simm.s32 @p2 $0x1  }
0x17: {  	s4 =	simm.s32 $0x1BF5;
	[smem:$0x3FAF] =	sst s0  }
0x18: {  	s0 =	sld [smem:$0x3F92];
	_ =	swait.ge [sflag:s4], $0x0  }
0x19: {  	s7 =	sld [smem:$0x3F93]  }
0x1a: {  	s8 =	sadd.s32 $0xFFFFE003, lr  }
0x1b: {  	s9 =	sadd.s32 $0xFFFFFEF7, lr;
	s5 =	simm.s32 $0xFFFFFFFF;
	p2 =	slt.u32 s8, $0xFFFFF086  }
0x1c: {  	p1 =	slt.u32 s9, $0xF7A;
	s5 =	simm.s32 @!p2 $0x0  }
0x1d: {  	s5 =	simm.s32 @p1 $0x1;
	p0 =	seq.s32 s7, s2  }
0x1e: {  	s7 =	smul.u32 @!p0 $0xF7A, s2;
	p2 =	seq.s32 @!p0 s5, $0x0  }
0x1f: {  	s9 =	smul.u32 $0xF7A, s1;
	s8 =	simm.s32 @!p0 $0x1BF5;
	p2 =	por !p2, p0  }
0x20: {  	[sflag:s8] =	ssyncset.s32 @!p0 $0xFFFFF086;
	s6 =	sadd.s32 @!p0 s3, s7;
	s7 =	simm.s32 @!p0 $0x108  }
0x21: {  	s3 =	sadd.s32 s3, s9;
	s6 =	sadd.s32 @!p0 $0x88, s6;
	s7 =	simm.s32 @p2 $0x1082  }
0x22: {  	[simem:s7], [sflag:s8] =	dma.local @!p0 [hbm:s6], $0xF7A  }
0x23: {  	s9 =	sor.u32 $0xD0000000, s2;
	s6 =	simm.s32 $0x108;
	_ =	swait.ge @!p0 [sflag:s8], $0x0  }
0x24: {  	s3 =	sadd.s32 $0x88, s3;
	s6 =	simm.s32 @!p1 $0x1082;
	[sflag:s4] =	ssyncset.s32 $0xFFFFF086  }
0x25: {  	[simem:s6], [sflag:s4] =	dma.local [hbm:s3], $0xF7A  }
0x26: {  	[smem:$0x3F93] =	sst s1;
	(tag) =	ssettag s2;
	_ =	strace s9  }
0x27: {  	s1 =	sld [smem:$0x3FA3]  }
0x28: {  	s2 =	sld [smem:$0x3FA4]  }
0x29: {  	s4 =	sld [smem:$0x3FA6]  }
0x2a: {  	p0 =	seq.s32 s5, $0x0;
	s5 =	sld [smem:$0x3FA7]  }
0x2b: {  	s6 =	sld [smem:$0x3FA8]  }
0x2c: {  	s7 =	sld [smem:$0x3FA9]  }
0x2d: {  	s3 =	simm.s32 $0x108;
	s8 =	sld [smem:$0x3FAA]  }
0x2e: {  	s3 =	simm.s32 @!p0 $0x1082;
	s9 =	sld [smem:$0x3FAB]  }
0x2f: {  	lr =	sadd.s32 s0, s3;
	s0 =	sld [smem:$0x3FA2]  }
0x30: {  	s3 =	sld [smem:$0x3FA5]  }
0x31: {  	[smem:$0x3FAE] =	sst s10  }
0x32: {  	s10 =	sld [smem:$0x3FAC];
	_ =	sdelay $0x3  }
0x33: {  	p0 =	seq.s32 s10, $0x1;
	s10 =	sld [smem:$0x3FAE];
	_ =	sdelay $0x3  }
0x34: {  	[smem:$0x3FAE] =	sst s10  }
0x35: {  	s10 =	sld [smem:$0x3FAD];
	_ =	sdelay $0x3  }
0x36: {  	p1 =	seq.s32 s10, $0x1;
	s10 =	sld [smem:$0x3FAE];
	_ =	sdelay $0x3  }
0x37: {  	[smem:$0x3FAE] =	sst s10  }
0x38: {  	s10 =	sld [smem:$0x3FAF]  }
0x39: {  	_ = 	snop;
	(pc) =	sbr.ind lr, $3  }
0x3a: {  	_ = 	snop  }
0x3b: {  	_ = 	snop  }
0x3c: {  	p2 =	seq.s32 s10, $0x1;
	s10 =	sld [smem:$0x3FAE]  }
0x3d: {  	_ =	shalt  }
0x3e: {  	_ =	shalt  }
0x3f: {  	_ =	shalt  }
0x40: {  	_ =	shalt  }
0x41: {  	_ =	shalt  }
0x42: {  	_ =	shalt  }
0x43: {  	_ =	shalt  }
0x44: {  	_ =	shalt  }
0x45: {  	_ =	shalt  }
0x46: {  	_ =	shalt  }
0x47: {  	_ =	shalt  }
0x48: {  	_ =	shalt  }
0x49: {  	_ =	shalt  }
0x4a: {  	_ =	shalt  }
0x4b: {  	_ =	shalt  }
0x4c: {  	_ =	shalt  }
0x4d: {  	_ =	shalt  }
0x4e: {  	_ =	shalt  }
0x4f: {  	_ =	shalt  }
0x50: {  	_ =	shalt  }
0x51: {  	_ =	shalt  }
0x52: {  	_ =	shalt  }
0x53: {  	_ =	shalt  }
0x54: {  	_ =	shalt  }
0x55: {  	_ =	shalt  }
0x56: {  	_ =	shalt  }
0x57: {  	_ =	shalt  }
0x58: {  	_ =	shalt  }
0x59: {  	_ =	shalt  }
0x5a: {  	_ =	shalt  }
0x5b: {  	_ =	shalt  }
0x5c: {  	_ =	shalt  }
0x5d: {  	_ =	shalt  }
0x5e: {  	_ =	shalt  }
0x5f: {  	_ =	shalt  }
0x60: {  	_ =	shalt  }
0x61: {  	_ =	shalt  }
0x62: {  	_ =	shalt  }
0x63: {  	_ =	shalt  }
0x64: {  	_ =	shalt  }
0x65: {  	_ =	shalt  }
0x66: {  	_ =	shalt  }
0x67: {  	_ =	shalt  }
0x68: {  	_ =	shalt  }
0x69: {  	_ =	shalt  }
0x6a: {  	_ =	shalt  }
0x6b: {  	_ =	shalt  }
0x6c: {  	_ =	shalt  }
0x6d: {  	_ =	shalt  }
0x6e: {  	_ =	shalt  }
0x6f: {  	_ =	shalt  }
0x70: {  	_ =	shalt  }
0x71: {  	_ =	shalt  }
0x72: {  	_ =	shalt  }
0x73: {  	_ =	shalt  }
0x74: {  	_ =	shalt  }
0x75: {  	_ =	shalt  }
0x76: {  	_ =	shalt  }
0x77: {  	_ =	shalt  }
0x78: {  	_ =	shalt  }
0x79: {  	_ =	shalt  }
0x7a: {  	_ =	shalt  }
0x7b: {  	_ =	shalt  }
0x7c: {  	_ =	shalt  }
0x7d: {  	_ =	shalt  }
0x7e: {  	_ =	shalt  }
0x7f: {  	_ =	shalt  }
0x80: {  	_ =	shalt  }
0x81: {  	_ =	shalt  }
0x82: {  	_ =	shalt  }
0x83: {  	_ =	shalt  }
0x84: {  	_ =	shalt  }
0x85: {  	_ =	shalt  }
0x86: {  	_ =	shalt  }
0x87: {  	_ =	shalt  }
.Lfunc_end0:
.L_simem_size_0:
called_computation_lowered:
.L_overlay_start_0:
0x88: {  	s2 =	sld [smem:$0x3FD9]  }
0x89: {  	s3 =	sld [smem:$0x3FFE];
	_ =	sdelay $0x1  }
0x8a: {  	s1 =	srdreg.scid  }
0x8b: {  	s0 =	sand.u32 $0x1, s1  }
0x8c: {  	s17 =	sshll.u32 s0, $0xA;
	s2 =	sadd.s32 s3, s2  }
0x8d: {  	s2 =	sadd.s32 s2, s17  }
0x8e: {  	[smem:$0x3FBA] =	sst s2  }
0x8f: {  	_ = 	snop  }
0x90: {  	s2 =	sld [smem:$0x3FD0];
	(tm) =	ssettm $0x1  }
0x91: {  	s18 =	sld [smem:$0x3FFB];
	_ =	sdelay $0x3  }
0x92: {  	_ =	strace s18  }
0x93: {  	s3 =	sld [smem:$0x3FFC];
	_ =	sdelay $0x3  }
0x94: {  	_ =	strace s3  }
0x95: {  	s3 =	sld [smem:$0x3FFD];
	_ =	sdelay $0x3  }
0x96: {  	_ =	strace s3  }
0x97: {  	_ =	strace $0x8FFFFFFF  }
0x98: {  	s19 =	sld [smem:$0x3FDB];
	_ =	sdelay $0x1  }
0x99: {  	s4 =	simm.s32 $_scs_section_size  }
0x9a: {  	s5 =	simm.s32 $_size__tile_overlayer_lowered;
	s6 =	simm.s32 $_tile_overlayer_lowered  }
0x9b: {  	s22 =	simm.s32 $0x1BFF;
	s21 =	sshll.u32 s6, $0x1;
	s3 =	sadd.s32 s4, s19  }
0x9c: {  	s7 =	simm.s32 $0x0;
	s20 =	sshll.u32 s5, $0x1;
	s5 =	sadd.s32 s21, s3  }
0x9d: {  	[timem:s7], [sflag:s22] =	dma.local [hbm:s5], s20  }
0x9e: {  	_ =	swait.ge [sflag:s22], s20  }
0x9f: {  	s4 =	ssub.s32 $0x0, s20;
	[sflag:s22] =	ssyncset.done $0x0  }
0xa0: {  	[sflag:s22] =	ssyncadd.s32 s4;
	_ =	sdelay $0x1  }
0xa1: {  	s23 =	simm.s32 $0x1B8B  }
0xa2: {  	_ =	swait.ge [sflag:s23], $0x1  }
0xa3: {  	[sflag:s23] =	ssyncset.done $0x0  }
0xa4: {  	s25 =	simm.s32 $0x1B8E;
	s24 =	sld [smem:$0x3FFE];
	[sflag:s23] =	ssyncadd.s32 $0xFFFFFFFF  }
0xa5: {  	s26 =	simm.s32 $execute0_lowered;
	[smem:$0x3FD2] =	sst s25  }
0xa6: {  	s5 =	sshll.u32 s26, $0x1;
	_ =	strace $0x80000046;
	[dreg:$0x1] =	wrdreg $0xFFFFFFFF  }
0xa7: {  	s28 =	simm.s32 $_size_execute0_lowered;
	s3 =	sadd.s32 s3, s5;
	[dreg:$0x0] =	wrdreg $0x0  }
0xa8: {  	s5 =	sshll.u32 s28, $0x1;
	[dreg:$0x2] =	wrdreg s3  }
0xa9: {  	[dreg:$0x3] =	wrdreg s5  }
0xaa: {  	[dreg:$0x4] =	wrdreg $0xC0  }
0xab: {  	_ =	task [dreg:s7], $0x5FFFF  }
0xac: {  	[dreg:$0x1] =	wrdreg $0xFFFFFFFF  }
0xad: {  	[dreg:$0x0] =	wrdreg $0x60  }
0xae: {  	[dreg:$0x2] =	wrdreg s2  }
0xaf: {  	[dreg:$0x3] =	wrdreg s24  }
0xb0: {  	[dreg:$0x4] =	wrdreg $0x0  }
0xb1: {  	[dreg:$0x5] =	wrdreg $0x28000  }
0xb2: {  	[dreg:$0x6] =	wrdreg $0x50000  }
0xb3: {  	[dreg:$0x7] =	wrdreg $0x9  }
0xb4: {  	_ =	task.clear_ibuf [dreg:s7], $0x8FFFF;
	_ =	strace $0x90000046  }
0xb5: {  	s29 =	simm.s32 $0x9;
	_ =	strace $0x80000048  }
0xb6: {  	_ =	swait.ge [sflag:s29], $0x1  }
0xb7: {  	[sflag:s29] =	ssyncadd.s32 $0xFFFFFFFF  }
0xb8: {  	_ =	strace $0x90000048  }
0xb9: {  	_ =	sfence  }
0xba: {  	s30 =	sld [smem:$0x0];
	_ =	sdelay $0x2  }
0xbb: {  	s31 =	sshll.u32 s1, $0xD;
	s1 =	sshrl.u32 s1, $0x2  }
0xbc: {  	s3 =	sand.u32 $0x4000, s31;
	s1 =	sadd.s32 s1, s30  }
0xbd: {  	s0 =	sor.u32 s3, s0;
	s1 =	sshll.u32 s1, $0x11  }
0xbe: {  	s0 =	sor.u32 s1, s0  }
0xbf: {  	s0 =	sadd.s32 $0x8F2B, s0  }
0xc0: {  	[sflag:s0] =	ssyncadd.remote.s32 $0x1  }
0xc1: {  	_ =	sfence.sel $0xFFFF  }
0xc2: {  	[dreg:$0x0] =	wrdreg $0xFFFFFFFF;
	(pc) =	sbr.abs _section_cstart, $3  }
0xc3: {  	[dreg:$0x1] =	wrdreg $0xFFFFFFFF  }
0xc4: {  	_ =	task.clear_ibuf [dreg:s7], $0x2FFFF;
	_ =	strace $0x9FFFFFFF  }
0xc5: {  	(tm) =	ssettm $0x7FFFFFFF  }
tec
execute0_lowered:
.L_overlay_start_1:
0x0: {  	(tag) =	ssettag $0x1  }
0x1: {  	s15 =	rddreg [dreg:$0x0]  }
0x2: {  	s6 =	rddreg [dreg:$0x1]  }
0x3: {  	s1 =	rddreg [dreg:$0x2]  }
0x4: {  	s3 =	rddreg [dreg:$0x3]  }
0x5: {  	s4 =	rddreg [dreg:$0x4]  }
0x6: {  	s0 =	rddreg [dreg:$0x5]  }
0x7: {  	s7 =	srdreg.scid;
	s2 =	stileid.u32  }
0x8: {  	s5 =	simm.s32 $0x0;
	s19 =	simm.s32 $0x80;
	s8 =	smul.u32 $0x14000, s2  }
0x9: {  	s20 =	simm.s32 $0x1B800;
	s7 =	sand.u32 $0x1, s7;
	s12 =	smul.u32 $0x2800, s2  }
0xa: {  	s21 =	simm.s32 $0x0;
	[smem:$0x7FF] =	sst s5;
	s9 =	smul.u32 $0x3C0000, s7  }
0xb: {  	_ =	strace $0x80000047;
	s10 =	ssub.s32 $0x2, s7;
	s11 =	smul.u32 $0x28000, s7  }
0xc: {  	s29 =	sshrl.u32 s10, $0x1;
	s7 =	sadd.s32 s8, s3;
	s9 =	sadd.s32 s8, s9  }
0xd: {  	s14 =	ssub.s32 s10, s29;
	s16 =	sadd.s32 s12, s11;
	s28 =	sshrl.u32 s9, $0x3  }
0xe: {  	s12 =	smax.u32 s14, $0x1;
	s30 =	sadd.s32 $0x50000, s16;
	s31 =	sadd.s32 $0xA0000, s16  }
0xf: {  	s16 =	sshrl.u32 s16, $0x3;
	s13 =	sadd.s32 s28, s6;
	s6 =	sadd.s32 s8, s1  }
0x10: {  	s8 =	sadd.s32 s8, s4;
	s17 =	sshrl.u32 s30, $0x3;
	s18 =	sshrl.u32 s31, $0x3  }
0x11: {  	s9 =	sadd.s32 $0x7A00, s13;
	s10 =	sadd.s32 $0x2FA00, s13;
	s11 =	sadd.s32 $0x57A00, s13  }
0x12: {  	s13 =	sadd.s32 s16, s15;
	s14 =	sadd.s32 s17, s15;
	s15 =	sadd.s32 s18, s15  }
0x13: {  	v0 =	vimm.f32 $0.0e+00;
	v1 =	vimm.f32 $1.000000000e+00;
	s16 =	simm.s32 $0x7800;
	s17 =	simm.s32 $0x1;
	s18 =	simm.s32 $0x1F800  }
.LBB2_1:
0x14: {  	s22 =	simm.s32 $0x0  }
.LBB2_2:
0x15: {  	p0 =	sne.s32 s22, $0x4FE00  }
.Ltmp0:
0x16: {  	_ = 	snop;
	(pc) =	sbr.rel @p0 .LBB2_2-.Ltmp0, $3  }
0x17: {  	_ =	sdelay $0x1  }
0x18: {  	s23 =	sshra.s32 s22, $0x2  }
0x19: {  	s22 =	sadd.s32 $0x200, s22;
	[tilespmem:s23+$0x7800] =	vst v0  }
0x1a: {  	s22 =	simm.s32 $0x200;
	s23 =	simm.s32 $0x0  }
.LBB2_4:
0x1b: {  	p0 =	sne.s32 s22, $0xFE00;
	[tilespmem:s23+$0x1B800] =	vst v1;
	s23 =	smov.u32 s22;
	s22 =	sadd.s32 $0x200, s22  }
.Ltmp1:
0x1c: {  	(pc) =	sbr.rel @p0 .LBB2_4-.Ltmp1, $2  }
0x1d: {  	_ =	sdelay $0x2  }
0x1e: {  	s23 =	sshra.s32 s23, $0x2  }
0x1f: {  	[tilespmem:s23+$0x1B800] =	vst v1  }
0x20: {  	[spmem:s6] =	stream.linear.scatter [tilespmem:s16], [sflag:$0x1], $0x14000, $0x38;
	[tilespmem:$0x1F880] =	vst v63  }
0x21: {  	_ =	swait.ge [sflag:s17], $0x14000  }
0x22: {  	[sflag:s17] =	ssyncset.done $0x0  }
0x23: {  	[sflag:s17] =	ssyncadd.s32 $0xFFFEC000  }
0x24: {  	[spmem:s7] =	stream.linear.scatter [tilespmem:s16], [sflag:$0x1], $0x14000, $0x38;
	[tilespmem:$0x1F880] =	vst v63  }
0x25: {  	_ =	swait.ge [sflag:s17], $0x14000  }
0x26: {  	[sflag:s17] =	ssyncset.done $0x0  }
0x27: {  	[sflag:s17] =	ssyncadd.s32 $0xFFFEC000  }
0x28: {  	[spmem:s8] =	stream.linear.scatter [tilespmem:s16], [sflag:$0x1], $0x14000, $0x38;
	[tilespmem:$0x1F880] =	vst v63  }
0x29: {  	_ =	swait.ge [sflag:s17], $0x14000  }
0x2a: {  	[sflag:s17] =	ssyncset.done $0x0  }
0x2b: {  	[sflag:s17] =	ssyncadd.s32 $0xFFFEC000  }
0x2c: {  	s22 =	simm.s32 $0x0;
	s31 =	sadd.s32 $0x0, s13;
	[bflag:$0x0] =	sbarrier.arrive $0xFFFF  }
0x2d: {  	[tilespmem:s18], [sflag:$0x1] =	stream.linear.gather [hbm4b:s31+s22], $0x80, $0x38;
	[tilespmem:$0x1F880] =	vst v63  }
0x2e: {  	_ =	swait.ge [sflag:s17], $0x80  }
0x2f: {  	[sflag:s17] =	ssyncset.done $0x0  }
0x30: {  	[sflag:s17] =	ssyncadd.s32 $0xFFFFFF80  }
0x31: {  	[spmem:s1] =	stream.indirect.scatter.add.f32 [tilespmem:s20], [sflag:$0x1], $0x10, s18, s19, $0xb8;
	[tilespmem:$0x1F880] =	vst v63  }
0x32: {  	_ =	swait.ge [sflag:s17], $0x800  }
0x33: {  	s23 =	simm.s32 $0x10;
	s24 =	simm.s32 $0x20;
	[sflag:s17] =	ssyncset.done $0x0  }
.LBB2_6:
0x34: {  	s25 =	sadd.s32 s23, s13  }
0x35: {  	[sflag:s17] =	ssyncadd.s32 $0xFFFFF800;
	s23 =	smov.u32 s24;
	s26 =	sadd.s32 $0x10, s24  }
0x36: {  	[tilespmem:s18], [sflag:$0x1] =	stream.linear.gather [hbm4b:s25+s22], $0x80, $0x38;
	[tilespmem:$0x1F880] =	vst v63  }
0x37: {  	p0 =	sne.s32 s24, $0x4F0;
	_ =	swait.ge [sflag:s17], $0x80  }
.Ltmp2:
0x38: {  	[sflag:s17] =	ssyncset.done $0x0;
	(pc) =	sbr.rel @p0 .LBB2_6-.Ltmp2, $4  }
0x39: {  	[sflag:s17] =	ssyncadd.s32 $0xFFFFFF80  }
0x3a: {  	[spmem:s1] =	stream.indirect.scatter.add.f32 [tilespmem:s20], [sflag:$0x1], $0x10, s18, s19, $0xb8;
	[tilespmem:$0x1F880] =	vst v63  }
0x3b: {  	_ =	swait.ge [sflag:s17], $0x800  }
0x3c: {  	s24 =	smov.u32 s26;
	[sflag:s17] =	ssyncset.done $0x0  }
0x3d: {  	s23 =	sadd.s32 s23, s13;
	[sflag:s17] =	ssyncadd.s32 $0xFFFFF800  }
0x3e: {  	[tilespmem:s18], [sflag:$0x1] =	stream.linear.gather [hbm4b:s23+s22], $0x80, $0x38;
	[tilespmem:$0x1F880] =	vst v63  }
0x3f: {  	_ =	swait.ge [sflag:s17], $0x80  }
0x40: {  	[sflag:s17] =	ssyncset.done $0x0  }
0x41: {  	[sflag:s17] =	ssyncadd.s32 $0xFFFFFF80  }
0x42: {  	[spmem:s1] =	stream.indirect.scatter.add.f32 [tilespmem:s20], [sflag:$0x1], $0x10, s18, s19, $0xb8;
	[tilespmem:$0x1F880] =	vst v63  }
0x43: {  	_ =	swait.ge [sflag:s17], $0x800  }
0x44: {  	[sflag:s17] =	ssyncset.done $0x0  }
0x45: {  	s31 =	sadd.s32 $0x0, s14;
	s22 =	simm.s32 $0x0;
	[sflag:s17] =	ssyncadd.s32 $0xFFFFF800  }
0x46: {  	[tilespmem:s18], [sflag:$0x1] =	stream.linear.gather [hbm4b:s31+s22], $0x80, $0x38;
	[tilespmem:$0x1F880] =	vst v63  }
0x47: {  	_ =	swait.ge [sflag:s17], $0x80  }
0x48: {  	[sflag:s17] =	ssyncset.done $0x0  }
0x49: {  	[sflag:s17] =	ssyncadd.s32 $0xFFFFFF80  }
0x4a: {  	[spmem:s3] =	stream.indirect.scatter.add.f32 [tilespmem:s20], [sflag:$0x1], $0x10, s18, s19, $0xb8;
	[tilespmem:$0x1F880] =	vst v63  }
0x4b: {  	_ =	swait.ge [sflag:s17], $0x800  }
0x4c: {  	s24 =	sadd.s32 $0x10, s14;
	s23 =	simm.s32 $0x20;
	[sflag:s17] =	ssyncset.done $0x0  }
.LBB2_8:
0x4d: {  	s25 =	sadd.s32 s23, s14;
	[sflag:s17] =	ssyncadd.s32 $0xFFFFF800  }
0x4e: {  	[tilespmem:s18], [sflag:$0x1] =	stream.linear.gather [hbm4b:s24+s22], $0x80, $0x38;
	[tilespmem:$0x1F880] =	vst v63  }
0x4f: {  	p0 =	sne.s32 s23, $0x4F0;
	s23 =	sadd.s32 $0x10, s23;
	_ =	swait.ge [sflag:s17], $0x80  }
.Ltmp3:
0x50: {  	s24 =	smov.u32 s25;
	[sflag:s17] =	ssyncset.done $0x0;
	(pc) =	sbr.rel @p0 .LBB2_8-.Ltmp3, $4  }
0x51: {  	[sflag:s17] =	ssyncadd.s32 $0xFFFFFF80  }
0x52: {  	[spmem:s3] =	stream.indirect.scatter.add.f32 [tilespmem:s20], [sflag:$0x1], $0x10, s18, s19, $0xb8;
	[tilespmem:$0x1F880] =	vst v63  }
0x53: {  	_ =	swait.ge [sflag:s17], $0x800  }
0x54: {  	[sflag:s17] =	ssyncset.done $0x0  }
0x55: {  	s23 =	simm.s32 $0x0;
	[sflag:s17] =	ssyncadd.s32 $0xFFFFF800  }
0x56: {  	[tilespmem:s18], [sflag:$0x1] =	stream.linear.gather [hbm4b:s24+s23], $0x80, $0x38;
	[tilespmem:$0x1F880] =	vst v63  }
0x57: {  	_ =	swait.ge [sflag:s17], $0x80  }
0x58: {  	p1 =	por $0x1, $0x1;
	[sflag:s17] =	ssyncset.done $0x0  }
.Ltmp4:
0x59: {  	[sflag:s17] =	ssyncadd.s32 $0xFFFFFF80;
	(pc) =	sbr.rel @!p1 .LBB2_14-.Ltmp4, $4  }
0x5a: {  	[spmem:s3] =	stream.indirect.scatter.add.f32 [tilespmem:s20], [sflag:$0x1], $0x10, s18, s19, $0xb8;
	[tilespmem:$0x1F880] =	vst v63  }
0x5b: {  	_ =	swait.ge [sflag:s17], $0x800  }
0x5c: {  	[sflag:s17] =	ssyncset.done $0x0  }
0x5d: {  	s22 =	simm.s32 $0x10;
	p0 =	por $0x0, $0x0;
	[sflag:s17] =	ssyncadd.s32 $0xFFFFF800  }
0x5e: {  	s23 =	sadd.s32 $0x0, s15  }
0x5f: {  	[tilespmem:s18], [sflag:$0x1] =	stream.linear.gather [hbm4b:s23+s5], $0x80, $0x38;
	[tilespmem:$0x1F880] =	vst v63  }
0x60: {  	p1 =	por $0x1, $0x1;
	_ =	swait.ge [sflag:s17], $0x80  }
.Ltmp5:
0x61: {  	[sflag:s17] =	ssyncset.done $0x0;
	(pc) =	sbr.rel @!p1 .LBB2_11-.Ltmp5, $4  }
0x62: {  	[sflag:s17] =	ssyncadd.s32 $0xFFFFFF80  }
0x63: {  	[spmem:s4] =	stream.indirect.scatter.add.f32 [tilespmem:s20], [sflag:$0x1], $0x10, s18, s19, $0xb8;
	[tilespmem:$0x1F880] =	vst v63  }
0x64: {  	_ =	swait.ge [sflag:s17], $0x800  }
0x65: {  	p0 =	por $0x1, $0x1;
	s23 =	simm.s32 $0x20;
	[sflag:s17] =	ssyncset.done $0x0  }
.LBB2_12:
0x66: {  	s24 =	sadd.s32 s22, s15  }
0x67: {  	[sflag:s17] =	ssyncadd.s32 $0xFFFFF800;
	s22 =	smov.u32 s23;
	s25 =	sadd.s32 $0x10, s23  }
0x68: {  	[tilespmem:s18], [sflag:$0x1] =	stream.linear.gather [hbm4b:s24+s5], $0x80, $0x38;
	[tilespmem:$0x1F880] =	vst v63  }
0x69: {  	p1 =	sne.s32 s23, $0x4F0;
	_ =	swait.ge [sflag:s17], $0x80  }
.Ltmp6:
0x6a: {  	[sflag:s17] =	ssyncset.done $0x0;
	(pc) =	sbr.rel @p1 .LBB2_12-.Ltmp6, $4  }
0x6b: {  	[sflag:s17] =	ssyncadd.s32 $0xFFFFFF80  }
0x6c: {  	[spmem:s4] =	stream.indirect.scatter.add.f32 [tilespmem:s20], [sflag:$0x1], $0x10, s18, s19, $0xb8;
	[tilespmem:$0x1F880] =	vst v63  }
0x6d: {  	_ =	swait.ge [sflag:s17], $0x800  }
0x6e: {  	s23 =	smov.u32 s25;
	[sflag:s17] =	ssyncset.done $0x0  }
0x6f: {  	s23 =	smov.u32 s22  }
.LBB2_14:
0x70: {  	s22 =	sadd.s32 s23, s15;
	[sflag:s17] =	ssyncadd.s32 @p0 $0xFFFFF800  }
0x71: {  	[tilespmem:s18], [sflag:$0x1] =	stream.linear.gather [hbm4b:s22+s5], $0x80, $0x38;
	[tilespmem:$0x1F880] =	vst v63  }
0x72: {  	_ =	swait.ge [sflag:s17], $0x80  }
0x73: {  	[sflag:s17] =	ssyncset.done $0x0  }
0x74: {  	[sflag:s17] =	ssyncadd.s32 $0xFFFFFF80  }
0x75: {  	[spmem:s4] =	stream.indirect.scatter.add.f32 [tilespmem:s20], [sflag:$0x1], $0x10, s18, s19, $0xb8;
	[tilespmem:$0x1F880] =	vst v63  }
0x76: {  	_ =	swait.ge [sflag:s17], $0x800  }
0x77: {  	[sflag:s17] =	ssyncset.done $0x0  }
0x78: {  	s28 =	sshll.u32 s2, $0x6;
	[sflag:s17] =	ssyncadd.s32 $0xFFFFF800  }
0x79: {  	s29 =	sshrl.u32 s6, $0x3;
	s22 =	sor.u32 $0x1C01, s28;
	[bflag:$0x0] =	sbarrier.arrive $0xFFFF  }
0x7a: {  	[hbm:s9], [sflag:s22] =	dma.local [spmem:s29], $0x2800  }
0x7b: {  	_ =	swait.ge [sflag:s17], $0x2800  }
0x7c: {  	[sflag:s17] =	ssyncset.done $0x0  }
0x7d: {  	s30 =	sshrl.u32 s7, $0x3;
	[sflag:s17] =	ssyncadd.s32 $0xFFFFD800  }
0x7e: {  	[hbm:s10], [sflag:s22] =	dma.local [spmem:s30], $0x2800  }
0x7f: {  	_ =	swait.ge [sflag:s17], $0x2800  }
0x80: {  	s21 =	sadd.s32 $0x1, s21;
	[sflag:s17] =	ssyncset.done $0x0  }
0x81: {  	s31 =	sshrl.u32 s8, $0x3;
	p0 =	sne.s32 s21, s12;
	[sflag:s17] =	ssyncadd.s32 $0xFFFFD800  }
0x82: {  	[hbm:s11], [sflag:s22] =	dma.local [spmem:s31], $0x2800  }
.Ltmp7:
0x83: {  	_ = 	snop;
	(pc) =	sbr.rel @p0 .LBB2_1-.Ltmp7, $4  }
.Ltmp8:
0x84: {  	_ = 	snop;
	(pc) =	sbr.rel @!p0 .LBB2_15-.Ltmp8, $4  }
0x85: {  	_ =	swait.ge [sflag:s17], $0x2800  }
0x86: {  	[sflag:s17] =	ssyncset.done $0x0  }
0x87: {  	[sflag:s17] =	ssyncadd.s32 $0xFFFFD800  }
0x88: {  	_ = 	snop  }
.LBB2_11:
.Ltmp9:
0x89: {  	(pc) =	sbr.rel .LBB2_14-.Ltmp9, $2  }
0x8a: {  	_ =	sdelay $0x2  }
0x8b: {  	s23 =	simm.s32 $0x10  }
.LBB2_15:
0x8c: {  	_ =	sfence.sel $0x180000  }
0x8d: {  	[bflag:$0x0] =	sbarrier.arrive $0xFFFF  }
0x8e: {  	p0 =	sne.s32 s2, $0x0;
	_ =	strace $0x90000047  }
0x8f: {  	s0 =	sadd.s32 @!p0 $0x100000, s0;
	[bflag:$0x2] =	sbarrier.arrive $0xFFFF  }
0x90: {  	[sflag:s0] =	ssyncadd.tile.s32 @!p0 $0x1;
	_ =	shalt  }
.Lfunc_end2:
_tile_overlayer_lowered:
.L_overlay_start_2:
0x91: {  	(tag) =	ssettag $0x2  }
0x92: {  	s0 =	rddreg [dreg:$0x0];
	s2 =	stileid.u32  }
0x93: {  	s1 =	rddreg [dreg:$0x1];
	p0 =	sne.s32 s2, $0x0  }
0x94: {  	s3 =	rddreg [dreg:$0x2];
	[bflag:$0x3] =	sbarrier.arrive $0xFFFF;
	s2 =	simm.s32 @!p0 $0x1C01  }
0x95: {  	[timem:s3], [sflag:s2] =	dma.local @!p0 [hbm:s0], s1  }
0x96: {  	s0 =	simm.s32 @!p0 $0x1  }
0x97: {  	_ =	swait.ge @!p0 [sflag:s0], s1  }
0x98: {  	s1 =	ssub.s32 @!p0 $0x0, s1;
	[sflag:s0] =	ssyncset.done @!p0 $0x0  }
0x99: {  	[sflag:s0] =	ssyncadd.s32 @!p0 s1  }
0x9a: {  	[bflag:$0x3] =	sbarrier.arrive $0xFFFF  }
0x9b: {  	_ =	shalt  }

// kernel: kernel.17.cloned.1.call-start
scs
__scs_entry_jumppad:
0x0: {  	(pc) =	sbr.rel $0x88, $3  }
0x1: {  	(tag) =	ssettag $0x0;
	lr =	simm.s32 $0x1  }
0x2: {  	[smem:$0x3F93] =	sst lr;
	_ =	strace $0xD0000000  }
0x3: {  	_ = 	snop  }
0x4: {  	_ = 	snop  }
0x5: {  	_ = 	snop  }
0x6: {  	_ = 	snop  }
0x7: {  	_ = 	snop  }
__scs_overlays_trampoline_lowered:
0x8: {  	[smem:$0x3FA2] =	sst s0  }
0x9: {  	[smem:$0x3FA3] =	sst s1  }
0xa: {  	[smem:$0x3FA4] =	sst s2  }
0xb: {  	[smem:$0x3FA5] =	sst s3  }
0xc: {  	[smem:$0x3FA6] =	sst s4  }
0xd: {  	[smem:$0x3FA7] =	sst s5  }
0xe: {  	[smem:$0x3FA8] =	sst s6  }
0xf: {  	[smem:$0x3FA9] =	sst s7  }
0x10: {  	[smem:$0x3FAA] =	sst s8  }
0x11: {  	[smem:$0x3FAB] =	sst s9;
	s0 =	simm.s32 @!p0 $0x0  }
0x12: {  	s1 =	sld [smem:$0x3F91];
	s0 =	simm.s32 @p0 $0x1  }
0x13: {  	[smem:$0x3FAC] =	sst s0;
	s0 =	simm.s32 @!p1 $0x0  }
0x14: {  	s2 =	sld [smem:$0x3F90];
	s0 =	simm.s32 @p1 $0x1  }
0x15: {  	[smem:$0x3FAD] =	sst s0;
	s0 =	simm.s32 @!p2 $0x0  }
0x16: {  	s3 =	sld [smem:$0x3FDB];
	s0 =	simm.s32 @p2 $0x1  }
0x17: {  	s4 =	simm.s32 $0x1BF5;
	[smem:$0x3FAF] =	sst s0  }
0x18: {  	s0 =	sld [smem:$0x3F92];
	_ =	swait.ge [sflag:s4], $0x0  }
0x19: {  	s7 =	sld [smem:$0x3F93]  }
0x1a: {  	s8 =	sadd.s32 $0xFFFFE003, lr  }
0x1b: {  	s9 =	sadd.s32 $0xFFFFFEF7, lr;
	s5 =	simm.s32 $0xFFFFFFFF;
	p2 =	slt.u32 s8, $0xFFFFF086  }
0x1c: {  	p1 =	slt.u32 s9, $0xF7A;
	s5 =	simm.s32 @!p2 $0x0  }
0x1d: {  	s5 =	simm.s32 @p1 $0x1;
	p0 =	seq.s32 s7, s2  }
0x1e: {  	s7 =	smul.u32 @!p0 $0xF7A, s2;
	p2 =	seq.s32 @!p0 s5, $0x0  }
0x1f: {  	s9 =	smul.u32 $0xF7A, s1;
	s8 =	simm.s32 @!p0 $0x1BF5;
	p2 =	por !p2, p0  }
0x20: {  	[sflag:s8] =	ssyncset.s32 @!p0 $0xFFFFF086;
	s6 =	sadd.s32 @!p0 s3, s7;
	s7 =	simm.s32 @!p0 $0x108  }
0x21: {  	s3 =	sadd.s32 s3, s9;
	s6 =	sadd.s32 @!p0 $0x88, s6;
	s7 =	simm.s32 @p2 $0x1082  }
0x22: {  	[simem:s7], [sflag:s8] =	dma.local @!p0 [hbm:s6], $0xF7A  }
0x23: {  	s9 =	sor.u32 $0xD0000000, s2;
	s6 =	simm.s32 $0x108;
	_ =	swait.ge @!p0 [sflag:s8], $0x0  }
0x24: {  	s3 =	sadd.s32 $0x88, s3;
	s6 =	simm.s32 @!p1 $0x1082;
	[sflag:s4] =	ssyncset.s32 $0xFFFFF086  }
0x25: {  	[simem:s6], [sflag:s4] =	dma.local [hbm:s3], $0xF7A  }
0x26: {  	[smem:$0x3F93] =	sst s1;
	(tag) =	ssettag s2;
	_ =	strace s9  }
0x27: {  	s1 =	sld [smem:$0x3FA3]  }
0x28: {  	s2 =	sld [smem:$0x3FA4]  }
0x29: {  	s4 =	sld [smem:$0x3FA6]  }
0x2a: {  	p0 =	seq.s32 s5, $0x0;
	s5 =	sld [smem:$0x3FA7]  }
0x2b: {  	s6 =	sld [smem:$0x3FA8]  }
0x2c: {  	s7 =	sld [smem:$0x3FA9]  }
0x2d: {  	s3 =	simm.s32 $0x108;
	s8 =	sld [smem:$0x3FAA]  }
0x2e: {  	s3 =	simm.s32 @!p0 $0x1082;
	s9 =	sld [smem:$0x3FAB]  }
0x2f: {  	lr =	sadd.s32 s0, s3;
	s0 =	sld [smem:$0x3FA2]  }
0x30: {  	s3 =	sld [smem:$0x3FA5]  }
0x31: {  	[smem:$0x3FAE] =	sst s10  }
0x32: {  	s10 =	sld [smem:$0x3FAC];
	_ =	sdelay $0x3  }
0x33: {  	p0 =	seq.s32 s10, $0x1;
	s10 =	sld [smem:$0x3FAE];
	_ =	sdelay $0x3  }
0x34: {  	[smem:$0x3FAE] =	sst s10  }
0x35: {  	s10 =	sld [smem:$0x3FAD];
	_ =	sdelay $0x3  }
0x36: {  	p1 =	seq.s32 s10, $0x1;
	s10 =	sld [smem:$0x3FAE];
	_ =	sdelay $0x3  }
0x37: {  	[smem:$0x3FAE] =	sst s10  }
0x38: {  	s10 =	sld [smem:$0x3FAF]  }
0x39: {  	_ = 	snop;
	(pc) =	sbr.ind lr, $3  }
0x3a: {  	_ = 	snop  }
0x3b: {  	_ = 	snop  }
0x3c: {  	p2 =	seq.s32 s10, $0x1;
	s10 =	sld [smem:$0x3FAE]  }
0x3d: {  	_ =	shalt  }
0x3e: {  	_ =	shalt  }
0x3f: {  	_ =	shalt  }
0x40: {  	_ =	shalt  }
0x41: {  	_ =	shalt  }
0x42: {  	_ =	shalt  }
0x43: {  	_ =	shalt  }
0x44: {  	_ =	shalt  }
0x45: {  	_ =	shalt  }
0x46: {  	_ =	shalt  }
0x47: {  	_ =	shalt  }
0x48: {  	_ =	shalt  }
0x49: {  	_ =	shalt  }
0x4a: {  	_ =	shalt  }
0x4b: {  	_ =	shalt  }
0x4c: {  	_ =	shalt  }
0x4d: {  	_ =	shalt  }
0x4e: {  	_ =	shalt  }
0x4f: {  	_ =	shalt  }
0x50: {  	_ =	shalt  }
0x51: {  	_ =	shalt  }
0x52: {  	_ =	shalt  }
0x53: {  	_ =	shalt  }
0x54: {  	_ =	shalt  }
0x55: {  	_ =	shalt  }
0x56: {  	_ =	shalt  }
0x57: {  	_ =	shalt  }
0x58: {  	_ =	shalt  }
0x59: {  	_ =	shalt  }
0x5a: {  	_ =	shalt  }
0x5b: {  	_ =	shalt  }
0x5c: {  	_ =	shalt  }
0x5d: {  	_ =	shalt  }
0x5e: {  	_ =	shalt  }
0x5f: {  	_ =	shalt  }
0x60: {  	_ =	shalt  }
0x61: {  	_ =	shalt  }
0x62: {  	_ =	shalt  }
0x63: {  	_ =	shalt  }
0x64: {  	_ =	shalt  }
0x65: {  	_ =	shalt  }
0x66: {  	_ =	shalt  }
0x67: {  	_ =	shalt  }
0x68: {  	_ =	shalt  }
0x69: {  	_ =	shalt  }
0x6a: {  	_ =	shalt  }
0x6b: {  	_ =	shalt  }
0x6c: {  	_ =	shalt  }
0x6d: {  	_ =	shalt  }
0x6e: {  	_ =	shalt  }
0x6f: {  	_ =	shalt  }
0x70: {  	_ =	shalt  }
0x71: {  	_ =	shalt  }
0x72: {  	_ =	shalt  }
0x73: {  	_ =	shalt  }
0x74: {  	_ =	shalt  }
0x75: {  	_ =	shalt  }
0x76: {  	_ =	shalt  }
0x77: {  	_ =	shalt  }
0x78: {  	_ =	shalt  }
0x79: {  	_ =	shalt  }
0x7a: {  	_ =	shalt  }
0x7b: {  	_ =	shalt  }
0x7c: {  	_ =	shalt  }
0x7d: {  	_ =	shalt  }
0x7e: {  	_ =	shalt  }
0x7f: {  	_ =	shalt  }
0x80: {  	_ =	shalt  }
0x81: {  	_ =	shalt  }
0x82: {  	_ =	shalt  }
0x83: {  	_ =	shalt  }
0x84: {  	_ =	shalt  }
0x85: {  	_ =	shalt  }
0x86: {  	_ =	shalt  }
0x87: {  	_ =	shalt  }
.Lfunc_end0:
.L_simem_size_0:
called_computation.1_lowered:
.L_overlay_start_0:
0x88: {  	s2 =	sld [smem:$0x3FD9]  }
0x89: {  	s3 =	sld [smem:$0x3FFE];
	_ =	sdelay $0x1  }
0x8a: {  	s1 =	srdreg.scid  }
0x8b: {  	s0 =	sand.u32 $0x1, s1  }
0x8c: {  	s16 =	sshll.u32 s0, $0xA;
	s2 =	sadd.s32 s3, s2  }
0x8d: {  	s2 =	sadd.s32 s2, s16  }
0x8e: {  	[smem:$0x3FBA] =	sst s2  }
0x8f: {  	_ = 	snop  }
0x90: {  	(tm) =	ssettm $0x1  }
0x91: {  	s17 =	sld [smem:$0x3FFB];
	_ =	sdelay $0x3  }
0x92: {  	_ =	strace s17  }
0x93: {  	s2 =	sld [smem:$0x3FFC];
	_ =	sdelay $0x3  }
0x94: {  	_ =	strace s2  }
0x95: {  	s2 =	sld [smem:$0x3FFD];
	_ =	sdelay $0x3  }
0x96: {  	_ =	strace s2  }
0x97: {  	_ =	strace $0x8FFFFFFF  }
0x98: {  	s18 =	sld [smem:$0x3FDB];
	_ =	sdelay $0x1  }
0x99: {  	s19 =	simm.s32 $_scs_section_size  }
0x9a: {  	s4 =	simm.s32 $_size__tile_overlayer_lowered;
	s5 =	simm.s32 $_tile_overlayer_lowered  }
0x9b: {  	s22 =	simm.s32 $0x1BFF;
	s21 =	sshll.u32 s5, $0x1;
	s2 =	sadd.s32 s19, s18  }
0x9c: {  	s6 =	simm.s32 $0x0;
	s20 =	sshll.u32 s4, $0x1;
	s4 =	sadd.s32 s21, s2  }
0x9d: {  	[timem:s6], [sflag:s22] =	dma.local [hbm:s4], s20  }
0x9e: {  	_ =	swait.ge [sflag:s22], s20  }
0x9f: {  	s3 =	ssub.s32 $0x0, s20;
	[sflag:s22] =	ssyncset.done $0x0  }
0xa0: {  	[sflag:s22] =	ssyncadd.s32 s3;
	_ =	sdelay $0x1  }
0xa1: {  	s23 =	simm.s32 $0x1B8B  }
0xa2: {  	_ =	swait.ge [sflag:s23], $0x1  }
0xa3: {  	[sflag:s23] =	ssyncset.done $0x0  }
0xa4: {  	s25 =	simm.s32 $0x1B8E;
	s24 =	sld [smem:$0x3FFE];
	[sflag:s23] =	ssyncadd.s32 $0xFFFFFFFF  }
0xa5: {  	s26 =	simm.s32 $execute0_lowered;
	[smem:$0x3FD2] =	sst s25  }
0xa6: {  	s4 =	sshll.u32 s26, $0x1;
	_ =	strace $0x80000049;
	[dreg:$0x1] =	wrdreg $0xFFFFFFFF  }
0xa7: {  	s28 =	simm.s32 $_size_execute0_lowered;
	s2 =	sadd.s32 s2, s4;
	[dreg:$0x0] =	wrdreg $0x0  }
0xa8: {  	s4 =	sshll.u32 s28, $0x1;
	[dreg:$0x2] =	wrdreg s2  }
0xa9: {  	[dreg:$0x3] =	wrdreg s4  }
0xaa: {  	[dreg:$0x4] =	wrdreg $0xC0  }
0xab: {  	_ =	task [dreg:s6], $0x5FFFF  }
0xac: {  	[dreg:$0x1] =	wrdreg $0xFFFFFFFF  }
0xad: {  	[dreg:$0x0] =	wrdreg $0x60  }
0xae: {  	[dreg:$0x2] =	wrdreg s24  }
0xaf: {  	[dreg:$0x3] =	wrdreg $0x0  }
0xb0: {  	[dreg:$0x4] =	wrdreg $0x9  }
0xb1: {  	_ =	task.clear_ibuf [dreg:s6], $0x5FFFF;
	_ =	strace $0x90000049  }
0xb2: {  	s29 =	simm.s32 $0x9;
	_ =	strace $0x8000004B  }
0xb3: {  	_ =	swait.ge [sflag:s29], $0x1  }
0xb4: {  	[sflag:s29] =	ssyncadd.s32 $0xFFFFFFFF  }
0xb5: {  	_ =	strace $0x9000004B  }
0xb6: {  	_ =	sfence  }
0xb7: {  	s30 =	sld [smem:$0x0];
	_ =	sdelay $0x2  }
0xb8: {  	s31 =	sshll.u32 s1, $0xD;
	s1 =	sshrl.u32 s1, $0x2  }
0xb9: {  	s3 =	sand.u32 $0x4000, s31;
	s1 =	sadd.s32 s1, s30  }
0xba: {  	s0 =	sor.u32 s3, s0;
	s1 =	sshll.u32 s1, $0x11  }
0xbb: {  	s0 =	sor.u32 s1, s0  }
0xbc: {  	s0 =	sadd.s32 $0x8F2B, s0  }
0xbd: {  	[sflag:s0] =	ssyncadd.remote.s32 $0x1  }
0xbe: {  	_ =	sfence.sel $0xFFFF  }
0xbf: {  	[dreg:$0x0] =	wrdreg $0xFFFFFFFF;
	(pc) =	sbr.abs _section_cstart, $3  }
0xc0: {  	[dreg:$0x1] =	wrdreg $0xFFFFFFFF  }
0xc1: {  	_ =	task.clear_ibuf [dreg:s6], $0x2FFFF;
	_ =	strace $0x9FFFFFFF  }
0xc2: {  	(tm) =	ssettm $0x7FFFFFFF  }
0xc3: {  	_ =	shalt  }
tec
execute0_lowered:
.L_overlay_start_1:
0x0: {  	(tag) =	ssettag $0x1  }
0x1: {  	s6 =	rddreg [dreg:$0x0]  }
0x2: {  	s0 =	srdreg.scid;
	s2 =	rddreg [dreg:$0x1]  }
0x3: {  	s1 =	rddreg [dreg:$0x2];
	s3 =	simm.s32 $0x0;
	s5 =	sand.u32 $0x1, s0  }
0x4: {  	s14 =	simm.s32 $0x14000;
	s0 =	stileid.u32;
	s4 =	smul.u32 $0x27100, s5  }
0x5: {  	s15 =	simm.s32 $0x2;
	s16 =	simm.s32 $0x18000;
	s7 =	smul.u32 $0x2710, s0  }
0x6: {  	s17 =	simm.s32 $0x18080;
	s18 =	simm.s32 $0x50;
	s8 =	smul.u32 $0x140000, s5  }
0x7: {  	s19 =	simm.s32 $0x18100;
	s20 =	simm.s32 $0x1;
	s26 =	smul.u32 $0x14000, s0  }
0x8: {  	[smem:$0x7FF] =	sst s3;
	s10 =	smul.u32 $0x50000, s0;
	s28 =	ssub.s32 $0x2, s5  }
0x9: {  	s21 =	simm.s32 $0x0;
	_ =	strace $0x8000004A;
	s30 =	sshrl.u32 s28, $0x1  }
0xa: {  	s4 =	sadd.s32 s7, s4;
	s7 =	sadd.s32 s26, s8;
	s29 =	sshrl.u32 s10, $0x2  }
0xb: {  	s11 =	ssub.s32 s28, s30;
	s9 =	sshrl.u32 s4, $0x3;
	s4 =	sadd.s32 $0x7A00, s6  }
0xc: {  	s7 =	sshrl.u32 s7, $0x3;
	s5 =	sadd.s32 s29, s2;
	s11 =	smax.u32 s11, $0x1  }
0xd: {  	s13 =	sadd.s32 s9, s6;
	s31 =	sadd.s32 s7, s6;
	s6 =	sadd.s32 $0x4000, s5  }
0xe: {  	s7 =	sadd.s32 $0x8000, s5;
	s8 =	sadd.s32 $0xC000, s5;
	s9 =	sadd.s32 $0x10000, s5  }
0xf: {  	v0 =	vimm.f32 $0.0e+00;
	s10 =	sadd.s32 $0x7D000, s31;
	s12 =	sadd.s32 $0xF7A00, s13;
	s13 =	sadd.s32 $0x101800, s13  }
.LBB2_1:
0x10: {  	s22 =	sand.u32 $0xFE00, s3  }
0x11: {  	s23 =	sand.u32 $0x70, s3;
	s24 =	sshrl.u32 s22, $0x2  }
0x12: {  	s22 =	simm.s32 $0x40;
	s24 =	sor.u32 s23, s24;
	s23 =	simm.s32 $0x0  }
.LBB2_2:
0x13: {  	p0 =	sne.s32 s22, $0xFFC0  }
0x14: {  	[tilespmem:s24+$0x14000] =	vst v0;
	s23 =	sadd.s32 $0x10, s23;
	s24 =	smov.u32 s22;
	s22 =	sadd.s32 $0x40, s22  }
.Ltmp0:
0x15: {  	(pc) =	sbr.rel @p0 .LBB2_2-.Ltmp0, $4  }
0x16: {  	_ = 	snop  }
0x17: {  	s24 =	sand.u32 $0xFE00, s24  }
0x18: {  	s25 =	sand.u32 $0x70, s23;
	s24 =	sshrl.u32 s24, $0x2  }
0x19: {  	s24 =	sor.u32 s25, s24  }
0x1a: {  	[tilespmem:s24+$0x14000] =	vst v0  }
0x1b: {  	[spmem:s5] =	stream.linear.scatter [tilespmem:s14], [sflag:$0x2], $0x4000, $0x38;
	[tilespmem:$0x1A900] =	vst v63  }
0x1c: {  	_ =	swait.ge [sflag:s15], $0x4000  }
0x1d: {  	[sflag:s15] =	ssyncset.done $0x0  }
0x1e: {  	[sflag:s15] =	ssyncadd.s32 $0xFFFFC000  }
0x1f: {  	[spmem:s6] =	stream.linear.scatter [tilespmem:s14], [sflag:$0x2], $0x4000, $0x38;
	[tilespmem:$0x1A900] =	vst v63  }
0x20: {  	_ =	swait.ge [sflag:s15], $0x4000  }
0x21: {  	[sflag:s15] =	ssyncset.done $0x0  }
0x22: {  	[sflag:s15] =	ssyncadd.s32 $0xFFFFC000  }
0x23: {  	[spmem:s7] =	stream.linear.scatter [tilespmem:s14], [sflag:$0x2], $0x4000, $0x38;
	[tilespmem:$0x1A900] =	vst v63  }
0x24: {  	_ =	swait.ge [sflag:s15], $0x4000  }
0x25: {  	[sflag:s15] =	ssyncset.done $0x0  }
0x26: {  	[sflag:s15] =	ssyncadd.s32 $0xFFFFC000  }
0x27: {  	[spmem:s8] =	stream.linear.scatter [tilespmem:s14], [sflag:$0x2], $0x4000, $0x38;
	[tilespmem:$0x1A900] =	vst v63  }
0x28: {  	_ =	swait.ge [sflag:s15], $0x4000  }
0x29: {  	[sflag:s15] =	ssyncset.done $0x0  }
0x2a: {  	[sflag:s15] =	ssyncadd.s32 $0xFFFFC000  }
0x2b: {  	[spmem:s9] =	stream.linear.scatter [tilespmem:s14], [sflag:$0x2], $0x4000, $0x38;
	[tilespmem:$0x1A900] =	vst v63  }
0x2c: {  	_ =	swait.ge [sflag:s15], $0x4000  }
0x2d: {  	[sflag:s15] =	ssyncset.done $0x0  }
0x2e: {  	[sflag:s15] =	ssyncadd.s32 $0xFFFFC000  }
0x2f: {  	s22 =	sadd.s32 $0x0, s13;
	[bflag:$0x0] =	sbarrier.arrive $0xFFFF  }
0x30: {  	[tilespmem:s16], [sflag:$0x2] =	stream.linear.gather [hbm4b:s22+s3], $0x50, $0x38;
	[tilespmem:$0x1A900] =	vst v63  }
0x31: {  	_ =	swait.ge [sflag:s15], $0x50  }
0x32: {  	[sflag:s15] =	ssyncset.done $0x0  }
0x33: {  	s31 =	sadd.s32 $0x0, s12;
	[sflag:s15] =	ssyncadd.s32 $0xFFFFFFB0  }
0x34: {  	[tilespmem:s17], [sflag:$0x2] =	stream.linear.gather [hbm4b:s31+s3], $0x50, $0x38;
	[tilespmem:$0x1A900] =	vst v63  }
0x35: {  	_ =	swait.ge [sflag:s15], $0x50  }
0x36: {  	[sflag:s15] =	ssyncset.done $0x0  }
0x37: {  	[sflag:s15] =	ssyncadd.s32 $0xFFFFFFB0  }
0x38: {  	[tilespmem:s19], [sflag:$0x1] =	stream.indirect.gather [hbm4b:s4+s18], $0x80, s16, s18, $0xb8;
	[tilespmem:$0x1A900] =	vst v63  }
0x39: {  	_ =	swait.ge [sflag:s20], $0x2800  }
0x3a: {  	[sflag:s20] =	ssyncset.done $0x0  }
0x3b: {  	[sflag:s20] =	ssyncadd.s32 $0xFFFFD800  }
0x3c: {  	[spmem:s2] =	stream.indirect.scatter.add.f32 [tilespmem:s19], [sflag:$0x2], $0x80, s17, s18, $0xb8;
	[tilespmem:$0x1A900] =	vst v63  }
0x3d: {  	_ =	swait.ge [sflag:s15], $0x2800  }
0x3e: {  	s23 =	simm.s32 $0x14;
	s22 =	simm.s32 $0xA;
	[sflag:s15] =	ssyncset.done $0x0  }
.LBB2_4:
0x3f: {  	s24 =	sadd.s32 s22, s13  }
0x40: {  	[sflag:s15] =	ssyncadd.s32 $0xFFFFD800;
	s25 =	smov.u32 s23;
	s26 =	sadd.s32 $0xA, s23  }
0x41: {  	[tilespmem:s16], [sflag:$0x2] =	stream.linear.gather [hbm4b:s24+s3], $0x50, $0x38;
	[tilespmem:$0x1A900] =	vst v63  }
0x42: {  	p0 =	sne.s32 s23, $0x4D8;
	_ =	swait.ge [sflag:s15], $0x50  }
0x43: {  	[sflag:s15] =	ssyncset.done $0x0  }
0x44: {  	s23 =	sadd.s32 s22, s12;
	s22 =	smov.u32 s25;
	[sflag:s15] =	ssyncadd.s32 $0xFFFFFFB0  }
0x45: {  	[tilespmem:s17], [sflag:$0x2] =	stream.linear.gather [hbm4b:s23+s3], $0x50, $0x38;
	[tilespmem:$0x1A900] =	vst v63  }
0x46: {  	_ =	swait.ge [sflag:s15], $0x50  }
0x47: {  	[sflag:s15] =	ssyncset.done $0x0  }
0x48: {  	[sflag:s15] =	ssyncadd.s32 $0xFFFFFFB0  }
0x49: {  	[tilespmem:s19], [sflag:$0x1] =	stream.indirect.gather [hbm4b:s4+s18], $0x80, s16, s18, $0xb8;
	[tilespmem:$0x1A900] =	vst v63  }
0x4a: {  	_ =	swait.ge [sflag:s20], $0x2800  }
.Ltmp1:
0x4b: {  	[sflag:s20] =	ssyncset.done $0x0;
	(pc) =	sbr.rel @p0 .LBB2_4-.Ltmp1, $4  }
0x4c: {  	[sflag:s20] =	ssyncadd.s32 $0xFFFFD800  }
0x4d: {  	[spmem:s2] =	stream.indirect.scatter.add.f32 [tilespmem:s19], [sflag:$0x2], $0x80, s17, s18, $0xb8;
	[tilespmem:$0x1A900] =	vst v63  }
0x4e: {  	_ =	swait.ge [sflag:s15], $0x2800  }
0x4f: {  	s23 =	smov.u32 s26;
	[sflag:s15] =	ssyncset.done $0x0  }
0x50: {  	s23 =	sadd.s32 s22, s13;
	[sflag:s15] =	ssyncadd.s32 $0xFFFFD800  }
0x51: {  	[tilespmem:s16], [sflag:$0x2] =	stream.linear.gather [hbm4b:s23+s3], $0x50, $0x38;
	[tilespmem:$0x1A900] =	vst v63  }
0x52: {  	_ =	swait.ge [sflag:s15], $0x50  }
0x53: {  	[sflag:s15] =	ssyncset.done $0x0  }
0x54: {  	s29 =	sadd.s32 s22, s12;
	[sflag:s15] =	ssyncadd.s32 $0xFFFFFFB0  }
0x55: {  	[tilespmem:s17], [sflag:$0x2] =	stream.linear.gather [hbm4b:s29+s3], $0x50, $0x38;
	[tilespmem:$0x1A900] =	vst v63  }
0x56: {  	_ =	swait.ge [sflag:s15], $0x50  }
0x57: {  	[sflag:s15] =	ssyncset.done $0x0  }
0x58: {  	[sflag:s15] =	ssyncadd.s32 $0xFFFFFFB0  }
0x59: {  	[tilespmem:s19], [sflag:$0x1] =	stream.indirect.gather [hbm4b:s4+s18], $0x80, s16, s18, $0xb8;
	[tilespmem:$0x1A900] =	vst v63  }
0x5a: {  	_ =	swait.ge [sflag:s20], $0x2800  }
0x5b: {  	[sflag:s20] =	ssyncset.done $0x0  }
0x5c: {  	[sflag:s20] =	ssyncadd.s32 $0xFFFFD800  }
0x5d: {  	[spmem:s2] =	stream.indirect.scatter.add.f32 [tilespmem:s19], [sflag:$0x2], $0x80, s17, s18, $0xb8;
	[tilespmem:$0x1A900] =	vst v63  }
0x5e: {  	_ =	swait.ge [sflag:s15], $0x2800  }
0x5f: {  	s30 =	sshll.u32 s0, $0x6;
	s21 =	sadd.s32 $0x1, s21;
	[sflag:s15] =	ssyncset.done $0x0  }
0x60: {  	s31 =	sshrl.u32 s5, $0x3;
	p0 =	sne.s32 s21, s11;
	[sflag:s15] =	ssyncadd.s32 $0xFFFFD800  }
.Ltmp2:
0x61: {  	s22 =	sor.u32 $0x1C02, s30;
	[bflag:$0x0] =	sbarrier.arrive $0xFFFF;
	(pc) =	sbr.rel @p0 .LBB2_1-.Ltmp2, $4  }
0x62: {  	[hbm:s10], [sflag:s22] =	dma.local [spmem:s31], $0x2800  }
0x63: {  	_ =	swait.ge [sflag:s15], $0x2800  }
0x64: {  	[sflag:s15] =	ssyncset.done $0x0  }
0x65: {  	[sflag:s15] =	ssyncadd.s32 $0xFFFFD800  }
0x66: {  	_ =	sfence.sel $0x180000  }
0x67: {  	[bflag:$0x0] =	sbarrier.arrive $0xFFFF  }
0x68: {  	p0 =	sne.s32 s0, $0x0;
	_ =	strace $0x9000004A  }
0x69: {  	s0 =	sadd.s32 @!p0 $0x100000, s1;
	[bflag:$0x2] =	sbarrier.arrive $0xFFFF  }
0x6a: {  	[sflag:s0] =	ssyncadd.tile.s32 @!p0 $0x1;
	_ =	shalt  }
.Lfunc_end2:
_tile_overlayer_lowered:
.L_overlay_start_2:
0x6b: {  	(tag) =	ssettag $0x2  }
0x6c: {  	s0 =	rddreg [dreg:$0x0];
	s2 =	stileid.u32  }
0x6d: {  	s1 =	rddreg [dreg:$0x1];
	p0 =	sne.s32 s2, $0x0  }
0x6e: {  	s3 =	rddreg [dreg:$0x2];
	[bflag:$0x3] =	sbarrier.arrive $0xFFFF;
	s2 =	simm.s32 @!p0 $0x1C02  }
0x6f: {  	[timem:s3], [sflag:s2] =	dma.local @!p0 [hbm:s0], s1  }
0x70: {  	s0 =	simm.s32 @!p0 $0x2  }
0x71: {  	_ =	swait.ge @!p0 [sflag:s0], s1  }
0x72: {  	s1 =	ssub.s32 @!p0 $0x0, s1;
	[sflag:s0] =	ssyncset.done @!p0 $0x0  }
0x73: {  	[sflag:s0] =	ssyncadd.s32 @!p0 s1  }
0x74: {  	[bflag:$0x3] =	sbarrier.arrive $0xFFFF  }
0x75: {  	_ =	shalt  }

// kernel: kernel.20.cloned.1.call-start
scs
__scs_entry_jumppad:
0x0: {  	(pc) =	sbr.rel $0x88, $3  }
0x1: {  	(tag) =	ssettag $0x0;
	lr =	simm.s32 $0x1  }
0x2: {  	[smem:$0x3F93] =	sst lr;
	_ =	strace $0xD0000000  }
0x3: {  	_ = 	snop  }
0x4: {  	_ = 	snop  }
0x5: {  	_ = 	snop  }
0x6: {  	_ = 	snop  }
0x7: {  	_ = 	snop  }
__scs_overlays_trampoline_lowered:
0x8: {  	[smem:$0x3FA2] =	sst s0  }
0x9: {  	[smem:$0x3FA3] =	sst s1  }
0xa: {  	[smem:$0x3FA4] =	sst s2  }
0xb: {  	[smem:$0x3FA5] =	sst s3  }
0xc: {  	[smem:$0x3FA6] =	sst s4  }
0xd: {  	[smem:$0x3FA7] =	sst s5  }
0xe: {  	[smem:$0x3FA8] =	sst s6  }
0xf: {  	[smem:$0x3FA9] =	sst s7  }
0x10: {  	[smem:$0x3FAA] =	sst s8  }
0x11: {  	[smem:$0x3FAB] =	sst s9;
	s0 =	simm.s32 @!p0 $0x0  }
0x12: {  	s1 =	sld [smem:$0x3F91];
	s0 =	simm.s32 @p0 $0x1  }
0x13: {  	[smem:$0x3FAC] =	sst s0;
	s0 =	simm.s32 @!p1 $0x0  }
0x14: {  	s2 =	sld [smem:$0x3F90];
	s0 =	simm.s32 @p1 $0x1  }
0x15: {  	[smem:$0x3FAD] =	sst s0;
	s0 =	simm.s32 @!p2 $0x0  }
0x16: {  	s3 =	sld [smem:$0x3FDB];
	s0 =	simm.s32 @p2 $0x1  }
0x17: {  	s4 =	simm.s32 $0x1BF5;
	[smem:$0x3FAF] =	sst s0  }
0x18: {  	s0 =	sld [smem:$0x3F92];
	_ =	swait.ge [sflag:s4], $0x0  }
0x19: {  	s7 =	sld [smem:$0x3F93]  }
0x1a: {  	s8 =	sadd.s32 $0xFFFFE003, lr  }
0x1b: {  	s9 =	sadd.s32 $0xFFFFFEF7, lr;
	s5 =	simm.s32 $0xFFFFFFFF;
	p2 =	slt.u32 s8, $0xFFFFF086  }
0x1c: {  	p1 =	slt.u32 s9, $0xF7A;
	s5 =	simm.s32 @!p2 $0x0  }
0x1d: {  	s5 =	simm.s32 @p1 $0x1;
	p0 =	seq.s32 s7, s2  }
0x1e: {  	s7 =	smul.u32 @!p0 $0xF7A, s2;
	p2 =	seq.s32 @!p0 s5, $0x0  }
0x1f: {  	s9 =	smul.u32 $0xF7A, s1;
	s8 =	simm.s32 @!p0 $0x1BF5;
	p2 =	por !p2, p0  }
0x20: {  	[sflag:s8] =	ssyncset.s32 @!p0 $0xFFFFF086;
	s6 =	sadd.s32 @!p0 s3, s7;
	s7 =	simm.s32 @!p0 $0x108  }
0x21: {  	s3 =	sadd.s32 s3, s9;
	s6 =	sadd.s32 @!p0 $0x88, s6;
	s7 =	simm.s32 @p2 $0x1082  }
0x22: {  	[simem:s7], [sflag:s8] =	dma.local @!p0 [hbm:s6], $0xF7A  }
0x23: {  	s9 =	sor.u32 $0xD0000000, s2;
	s6 =	simm.s32 $0x108;
	_ =	swait.ge @!p0 [sflag:s8], $0x0  }
0x24: {  	s3 =	sadd.s32 $0x88, s3;
	s6 =	simm.s32 @!p1 $0x1082;
	[sflag:s4] =	ssyncset.s32 $0xFFFFF086  }
0x25: {  	[simem:s6], [sflag:s4] =	dma.local [hbm:s3], $0xF7A  }
0x26: {  	[smem:$0x3F93] =	sst s1;
	(tag) =	ssettag s2;
	_ =	strace s9  }
0x27: {  	s1 =	sld [smem:$0x3FA3]  }
0x28: {  	s2 =	sld [smem:$0x3FA4]  }
0x29: {  	s4 =	sld [smem:$0x3FA6]  }
0x2a: {  	p0 =	seq.s32 s5, $0x0;
	s5 =	sld [smem:$0x3FA7]  }
0x2b: {  	s6 =	sld [smem:$0x3FA8]  }
0x2c: {  	s7 =	sld [smem:$0x3FA9]  }
0x2d: {  	s3 =	simm.s32 $0x108;
	s8 =	sld [smem:$0x3FAA]  }
0x2e: {  	s3 =	simm.s32 @!p0 $0x1082;
	s9 =	sld [smem:$0x3FAB]  }
0x2f: {  	lr =	sadd.s32 s0, s3;
	s0 =	sld [smem:$0x3FA2]  }
0x30: {  	s3 =	sld [smem:$0x3FA5]  }
0x31: {  	[smem:$0x3FAE] =	sst s10  }
0x32: {  	s10 =	sld [smem:$0x3FAC];
	_ =	sdelay $0x3  }
0x33: {  	p0 =	seq.s32 s10, $0x1;
	s10 =	sld [smem:$0x3FAE];
	_ =	sdelay $0x3  }
0x34: {  	[smem:$0x3FAE] =	sst s10  }
0x35: {  	s10 =	sld [smem:$0x3FAD];
	_ =	sdelay $0x3  }
0x36: {  	p1 =	seq.s32 s10, $0x1;
	s10 =	sld [smem:$0x3FAE];
	_ =	sdelay $0x3  }
0x37: {  	[smem:$0x3FAE] =	sst s10  }
0x38: {  	s10 =	sld [smem:$0x3FAF]  }
0x39: {  	_ = 	snop;
	(pc) =	sbr.ind lr, $3  }
0x3a: {  	_ = 	snop  }
0x3b: {  	_ = 	snop  }
0x3c: {  	p2 =	seq.s32 s10, $0x1;
	s10 =	sld [smem:$0x3FAE]  }
0x3d: {  	_ =	shalt  }
0x3e: {  	_ =	shalt  }
0x3f: {  	_ =	shalt  }
0x40: {  	_ =	shalt  }
0x41: {  	_ =	shalt  }
0x42: {  	_ =	shalt  }
0x43: {  	_ =	shalt  }
0x44: {  	_ =	shalt  }
0x45: {  	_ =	shalt  }
0x46: {  	_ =	shalt  }
0x47: {  	_ =	shalt  }
0x48: {  	_ =	shalt  }
0x49: {  	_ =	shalt  }
0x4a: {  	_ =	shalt  }
0x4b: {  	_ =	shalt  }
0x4c: {  	_ =	shalt  }
0x4d: {  	_ =	shalt  }
0x4e: {  	_ =	shalt  }
0x4f: {  	_ =	shalt  }
0x50: {  	_ =	shalt  }
0x51: {  	_ =	shalt  }
0x52: {  	_ =	shalt  }
0x53: {  	_ =	shalt  }
0x54: {  	_ =	shalt  }
0x55: {  	_ =	shalt  }
0x56: {  	_ =	shalt  }
0x57: {  	_ =	shalt  }
0x58: {  	_ =	shalt  }
0x59: {  	_ =	shalt  }
0x5a: {  	_ =	shalt  }
0x5b: {  	_ =	shalt  }
0x5c: {  	_ =	shalt  }
0x5d: {  	_ =	shalt  }
0x5e: {  	_ =	shalt  }
0x5f: {  	_ =	shalt  }
0x60: {  	_ =	shalt  }
0x61: {  	_ =	shalt  }
0x62: {  	_ =	shalt  }
0x63: {  	_ =	shalt  }
0x64: {  	_ =	shalt  }
0x65: {  	_ =	shalt  }
0x66: {  	_ =	shalt  }
0x67: {  	_ =	shalt  }
0x68: {  	_ =	shalt  }
0x69: {  	_ =	shalt  }
0x6a: {  	_ =	shalt  }
0x6b: {  	_ =	shalt  }
0x6c: {  	_ =	shalt  }
0x6d: {  	_ =	shalt  }
0x6e: {  	_ =	shalt  }
0x6f: {  	_ =	shalt  }
0x70: {  	_ =	shalt  }
0x71: {  	_ =	shalt  }
0x72: {  	_ =	shalt  }
0x73: {  	_ =	shalt  }
0x74: {  	_ =	shalt  }
0x75: {  	_ =	shalt  }
0x76: {  	_ =	shalt  }
0x77: {  	_ =	shalt  }
0x78: {  	_ =	shalt  }
0x79: {  	_ =	shalt  }
0x7a: {  	_ =	shalt  }
0x7b: {  	_ =	shalt  }
0x7c: {  	_ =	shalt  }
0x7d: {  	_ =	shalt  }
0x7e: {  	_ =	shalt  }
0x7f: {  	_ =	shalt  }
0x80: {  	_ =	shalt  }
0x81: {  	_ =	shalt  }
0x82: {  	_ =	shalt  }
0x83: {  	_ =	shalt  }
0x84: {  	_ =	shalt  }
0x85: {  	_ =	shalt  }
0x86: {  	_ =	shalt  }
0x87: {  	_ =	shalt  }
.Lfunc_end0:
.L_simem_size_0:
called_computation.2_lowered:
.L_overlay_start_0:
0x88: {  	s2 =	sld [smem:$0x3FD9]  }
0x89: {  	s3 =	sld [smem:$0x3FFE];
	_ =	sdelay $0x1  }
0x8a: {  	s1 =	srdreg.scid  }
0x8b: {  	s0 =	sand.u32 $0x1, s1  }
0x8c: {  	s17 =	sshll.u32 s0, $0xA;
	s2 =	sadd.s32 s3, s2  }
0x8d: {  	s2 =	sadd.s32 s2, s17  }
0x8e: {  	[smem:$0x3FBA] =	sst s2  }
0x8f: {  	_ = 	snop  }
0x90: {  	s2 =	sld [smem:$0x3FD0];
	(tm) =	ssettm $0x1  }
0x91: {  	s18 =	sld [smem:$0x3FFB];
	_ =	sdelay $0x3  }
0x92: {  	_ =	strace s18  }
0x93: {  	s3 =	sld [smem:$0x3FFC];
	_ =	sdelay $0x3  }
0x94: {  	_ =	strace s3  }
0x95: {  	s3 =	sld [smem:$0x3FFD];
	_ =	sdelay $0x3  }
0x96: {  	_ =	strace s3  }
0x97: {  	_ =	strace $0x8FFFFFFF  }
0x98: {  	s19 =	sld [smem:$0x3FDB];
	_ =	sdelay $0x1  }
0x99: {  	s4 =	simm.s32 $_scs_section_size  }
0x9a: {  	s5 =	simm.s32 $_size__tile_overlayer_lowered;
	s6 =	simm.s32 $_tile_overlayer_lowered  }
0x9b: {  	s22 =	simm.s32 $0x1BFF;
	s21 =	sshll.u32 s6, $0x1;
	s3 =	sadd.s32 s4, s19  }
0x9c: {  	s7 =	simm.s32 $0x0;
	s20 =	sshll.u32 s5, $0x1;
	s5 =	sadd.s32 s21, s3  }
0x9d: {  	[timem:s7], [sflag:s22] =	dma.local [hbm:s5], s20  }
0x9e: {  	_ =	swait.ge [sflag:s22], s20  }
0x9f: {  	s4 =	ssub.s32 $0x0, s20;
	[sflag:s22] =	ssyncset.done $0x0  }
0xa0: {  	[sflag:s22] =	ssyncadd.s32 s4;
	_ =	sdelay $0x1  }
0xa1: {  	s23 =	simm.s32 $0x1B8B  }
0xa2: {  	_ =	swait.ge [sflag:s23], $0x1  }
0xa3: {  	[sflag:s23] =	ssyncset.done $0x0  }
0xa4: {  	s25 =	simm.s32 $0x1B8E;
	s24 =	sld [smem:$0x3FFE];
	[sflag:s23] =	ssyncadd.s32 $0xFFFFFFFF  }
0xa5: {  	s26 =	simm.s32 $execute0_lowered;
	[smem:$0x3FD2] =	sst s25  }
0xa6: {  	s5 =	sshll.u32 s26, $0x1;
	_ =	strace $0x8000004C;
	[dreg:$0x1] =	wrdreg $0xFFFFFFFF  }
0xa7: {  	s28 =	simm.s32 $_size_execute0_lowered;
	s3 =	sadd.s32 s3, s5;
	[dreg:$0x0] =	wrdreg $0x0  }
0xa8: {  	s5 =	sshll.u32 s28, $0x1;
	[dreg:$0x2] =	wrdreg s3  }
0xa9: {  	[dreg:$0x3] =	wrdreg s5  }
0xaa: {  	[dreg:$0x4] =	wrdreg $0xC0  }
0xab: {  	_ =	task [dreg:s7], $0x5FFFF  }
0xac: {  	[dreg:$0x1] =	wrdreg $0xFFFFFFFF  }
0xad: {  	[dreg:$0x0] =	wrdreg $0x60  }
0xae: {  	[dreg:$0x2] =	wrdreg s24  }
0xaf: {  	[dreg:$0x3] =	wrdreg s2  }
0xb0: {  	[dreg:$0x4] =	wrdreg $0x0  }
0xb1: {  	[dreg:$0x5] =	wrdreg $0x9  }
0xb2: {  	_ =	task.clear_ibuf [dreg:s7], $0x6FFFF;
	_ =	strace $0x9000004C  }
0xb3: {  	s29 =	simm.s32 $0x9;
	_ =	strace $0x8000004E  }
0xb4: {  	_ =	swait.ge [sflag:s29], $0x1  }
0xb5: {  	[sflag:s29] =	ssyncadd.s32 $0xFFFFFFFF  }
0xb6: {  	_ =	strace $0x9000004E  }
0xb7: {  	_ =	sfence  }
0xb8: {  	s30 =	sld [smem:$0x0];
	_ =	sdelay $0x2  }
0xb9: {  	s31 =	sshll.u32 s1, $0xD;
	s1 =	sshrl.u32 s1, $0x2  }
0xba: {  	s3 =	sand.u32 $0x4000, s31;
	s1 =	sadd.s32 s1, s30  }
0xbb: {  	s0 =	sor.u32 s3, s0;
	s1 =	sshll.u32 s1, $0x11  }
0xbc: {  	s0 =	sor.u32 s1, s0  }
0xbd: {  	s0 =	sadd.s32 $0x8F2B, s0  }
0xbe: {  	[sflag:s0] =	ssyncadd.remote.s32 $0x1  }
0xbf: {  	_ =	sfence.sel $0xFFFF  }
0xc0: {  	[dreg:$0x0] =	wrdreg $0xFFFFFFFF;
	(pc) =	sbr.abs _section_cstart, $3  }
0xc1: {  	[dreg:$0x1] =	wrdreg $0xFFFFFFFF  }
0xc2: {  	_ =	task.clear_ibuf [dreg:s7], $0x2FFFF;
	_ =	strace $0x9FFFFFFF  }
0xc3: {  	(tm) =	ssettm $0x7FFFFFFF  }
tec
execute0_lowered:
.L_overlay_start_1:
0x0: {  	(tag) =	ssettag $0x1  }
0x1: {  	s7 =	rddreg [dreg:$0x0]  }
0x2: {  	s11 =	rddreg [dreg:$0x1]  }
0x3: {  	s1 =	rddreg [dreg:$0x2]  }
0x4: {  	s0 =	rddreg [dreg:$0x3];
	s3 =	simm.s32 $0x0;
	s2 =	stileid.u32  }
0x5: {  	s6 =	srdreg.scid;
	s17 =	simm.s32 $0x18000;
	s18 =	simm.s32 $0x18080  }
0x6: {  	s19 =	simm.s32 $0x50;
	s20 =	simm.s32 $0x18100;
	s21 =	simm.s32 $0x1  }
0x7: {  	s22 =	simm.s32 $0x0;
	[smem:$0x7FF] =	sst s3;
	s8 =	smul.u32 $0x50000, s2  }
0x8: {  	s4 =	sadd.s32 $0x2EC00, s7;
	s5 =	sadd.s32 $0x7A00, s7;
	s9 =	smul.u32 $0x9C4, s2  }
0x9: {  	s12 =	sand.u32 $0x1, s6;
	s14 =	smul.u32 $0x14000, s2;
	_ =	strace $0x8000004D  }
0xa: {  	s10 =	ssub.s32 $0x2, s12;
	s13 =	smul.u32 $0x140000, s12;
	p0 =	seq.s32 s12, $0x1  }
0xb: {  	s29 =	sshrl.u32 s8, $0x2;
	s30 =	sshrl.u32 s10, $0x1;
	s15 =	sadd.s32 s9, s7  }
.Ltmp0:
0xc: {  	s6 =	sadd.s32 s29, s1;
	s16 =	ssub.s32 s10, s30;
	(pc) =	sbr.rel .LBB2_1-.Ltmp0, $4  }
0xd: {  	s13 =	sadd.s32 s14, s13;
	s14 =	sadd.s32 $0xE0C00, s15;
	s7 =	sadd.s32 $0x4000, s6  }
0xe: {  	s8 =	sadd.s32 $0x8000, s6;
	s9 =	sadd.s32 $0xC000, s6;
	s10 =	sadd.s32 $0x10000, s6  }
0xf: {  	s31 =	sshrl.u32 s13, $0x3;
	s12 =	smax.u32 s16, $0x1;
	s13 =	sadd.s32 $0xCD000, s15  }
0x10: {  	v0 =	vimm.f32 $0.0e+00;
	s15 =	simm.s32 $0x14000;
	s16 =	simm.s32 $0x2;
	s11 =	sadd.s32 s11, s31  }
.LBB2_6:
0x11: {  	s24 =	sadd.s32 s23, s14;
	[sflag:s16] =	ssyncadd.s32 $0xFFFFD800  }
0x12: {  	[tilespmem:s17], [sflag:$0x2] =	stream.linear.gather [hbm4b:s24+s3], $0x50, $0x38;
	[tilespmem:$0x1A900] =	vst v63  }
0x13: {  	_ =	swait.ge [sflag:s16], $0x50  }
0x14: {  	[sflag:s16] =	ssyncset.done $0x0  }
0x15: {  	s31 =	sadd.s32 s23, s13;
	[sflag:s16] =	ssyncadd.s32 $0xFFFFFFB0  }
0x16: {  	[tilespmem:s18], [sflag:$0x2] =	stream.linear.gather [hbm4b:s31+s3], $0x50, $0x38;
	[tilespmem:$0x1A900] =	vst v63  }
0x17: {  	_ =	swait.ge [sflag:s16], $0x50  }
0x18: {  	[sflag:s16] =	ssyncset.done $0x0  }
0x19: {  	[sflag:s16] =	ssyncadd.s32 $0xFFFFFFB0  }
0x1a: {  	[tilespmem:s20], [sflag:$0x1] =	stream.indirect.gather [hbm4b:s4+s19], $0x80, s17, s19, $0xb8;
	[tilespmem:$0x1A900] =	vst v63  }
0x1b: {  	_ =	swait.ge [sflag:s21], $0x2800  }
0x1c: {  	[sflag:s21] =	ssyncset.done $0x0  }
0x1d: {  	[sflag:s21] =	ssyncadd.s32 $0xFFFFD800  }
0x1e: {  	[spmem:s1] =	stream.indirect.scatter.add.f32 [tilespmem:s20], [sflag:$0x2], $0x80, s18, s19, $0xb8;
	[tilespmem:$0x1A900] =	vst v63  }
0x1f: {  	_ =	swait.ge [sflag:s16], $0x2800  }
0x20: {  	[sflag:s16] =	ssyncset.done $0x0  }
0x21: {  	[sflag:s16] =	ssyncadd.s32 $0xFFFFD800  }
.LBB2_10:
0x22: {  	s22 =	sadd.s32 $0x1, s22  }
0x23: {  	s23 =	sshll.u32 s2, $0x6;
	[bflag:$0x0] =	sbarrier.arrive $0xFFFF;
	p1 =	sne.s32 s22, s12  }
.Ltmp1:
0x24: {  	s24 =	sshrl.u32 s6, $0x3;
	s23 =	sor.u32 $0x1C02, s23;
	(pc) =	sbr.rel @!p1 .LBB2_11-.Ltmp1, $4  }
0x25: {  	[hbm:s11], [sflag:s23] =	dma.local [spmem:s24], $0x2800  }
0x26: {  	_ =	swait.ge [sflag:s16], $0x2800  }
0x27: {  	[sflag:s16] =	ssyncset.done $0x0  }
0x28: {  	[sflag:s16] =	ssyncadd.s32 $0xFFFFD800  }
.LBB2_1:
0x29: {  	s23 =	sand.u32 $0xFE00, s3  }
0x2a: {  	s24 =	sand.u32 $0x70, s3;
	s25 =	sshrl.u32 s23, $0x2  }
0x2b: {  	s23 =	simm.s32 $0x40;
	s25 =	sor.u32 s24, s25;
	s24 =	simm.s32 $0x0  }
.LBB2_2:
0x2c: {  	p1 =	sne.s32 s23, $0xFFC0  }
0x2d: {  	[tilespmem:s25+$0x14000] =	vst v0;
	s24 =	sadd.s32 $0x10, s24;
	s25 =	smov.u32 s23;
	s23 =	sadd.s32 $0x40, s23  }
.Ltmp2:
0x2e: {  	(pc) =	sbr.rel @p1 .LBB2_2-.Ltmp2, $4  }
0x2f: {  	_ = 	snop  }
0x30: {  	s25 =	sand.u32 $0xFE00, s25  }
0x31: {  	s26 =	sand.u32 $0x70, s24;
	s25 =	sshrl.u32 s25, $0x2  }
0x32: {  	s25 =	sor.u32 s26, s25  }
0x33: {  	[tilespmem:s25+$0x14000] =	vst v0  }
0x34: {  	[spmem:s6] =	stream.linear.scatter [tilespmem:s15], [sflag:$0x2], $0x4000, $0x38;
	[tilespmem:$0x1A900] =	vst v63  }
0x35: {  	_ =	swait.ge [sflag:s16], $0x4000  }
0x36: {  	[sflag:s16] =	ssyncset.done $0x0  }
0x37: {  	[sflag:s16] =	ssyncadd.s32 $0xFFFFC000  }
0x38: {  	[spmem:s7] =	stream.linear.scatter [tilespmem:s15], [sflag:$0x2], $0x4000, $0x38;
	[tilespmem:$0x1A900] =	vst v63  }
0x39: {  	_ =	swait.ge [sflag:s16], $0x4000  }
0x3a: {  	[sflag:s16] =	ssyncset.done $0x0  }
0x3b: {  	[sflag:s16] =	ssyncadd.s32 $0xFFFFC000  }
0x3c: {  	[spmem:s8] =	stream.linear.scatter [tilespmem:s15], [sflag:$0x2], $0x4000, $0x38;
	[tilespmem:$0x1A900] =	vst v63  }
0x3d: {  	_ =	swait.ge [sflag:s16], $0x4000  }
0x3e: {  	[sflag:s16] =	ssyncset.done $0x0  }
0x3f: {  	[sflag:s16] =	ssyncadd.s32 $0xFFFFC000  }
0x40: {  	[spmem:s9] =	stream.linear.scatter [tilespmem:s15], [sflag:$0x2], $0x4000, $0x38;
	[tilespmem:$0x1A900] =	vst v63  }
0x41: {  	_ =	swait.ge [sflag:s16], $0x4000  }
0x42: {  	[sflag:s16] =	ssyncset.done $0x0  }
0x43: {  	[sflag:s16] =	ssyncadd.s32 $0xFFFFC000  }
0x44: {  	[spmem:s10] =	stream.linear.scatter [tilespmem:s15], [sflag:$0x2], $0x4000, $0x38;
	[tilespmem:$0x1A900] =	vst v63  }
.Ltmp3:
0x45: {  	_ =	swait.ge [sflag:s16], $0x4000;
	(pc) =	sbr.rel @!p0 .LBB2_4-.Ltmp3, $4  }
0x46: {  	[sflag:s16] =	ssyncset.done $0x0  }
0x47: {  	[sflag:s16] =	ssyncadd.s32 $0xFFFFC000  }
0x48: {  	[bflag:$0x0] =	sbarrier.arrive $0xFFFF  }
0x49: {  	s23 =	sadd.s32 $0x0, s14  }
0x4a: {  	[tilespmem:s17], [sflag:$0x2] =	stream.linear.gather [hbm4b:s23+s3], $0x50, $0x38;
	[tilespmem:$0x1A900] =	vst v63  }
0x4b: {  	_ =	swait.ge [sflag:s16], $0x50  }
0x4c: {  	[sflag:s16] =	ssyncset.done $0x0  }
0x4d: {  	s31 =	sadd.s32 $0x0, s13;
	[sflag:s16] =	ssyncadd.s32 $0xFFFFFFB0  }
0x4e: {  	[tilespmem:s18], [sflag:$0x2] =	stream.linear.gather [hbm4b:s31+s3], $0x50, $0x38;
	[tilespmem:$0x1A900] =	vst v63  }
0x4f: {  	_ =	swait.ge [sflag:s16], $0x50  }
0x50: {  	[sflag:s16] =	ssyncset.done $0x0  }
0x51: {  	[sflag:s16] =	ssyncadd.s32 $0xFFFFFFB0  }
0x52: {  	[tilespmem:s20], [sflag:$0x1] =	stream.indirect.gather [hbm4b:s5+s19], $0x80, s17, s19, $0xb8;
	[tilespmem:$0x1A900] =	vst v63  }
0x53: {  	_ =	swait.ge [sflag:s21], $0x2800  }
0x54: {  	[sflag:s21] =	ssyncset.done $0x0  }
0x55: {  	[sflag:s21] =	ssyncadd.s32 $0xFFFFD800  }
0x56: {  	[spmem:s1] =	stream.indirect.scatter.add.f32 [tilespmem:s20], [sflag:$0x2], $0x80, s18, s19, $0xb8;
	[tilespmem:$0x1A900] =	vst v63  }
0x57: {  	_ =	swait.ge [sflag:s16], $0x2800  }
0x58: {  	s23 =	simm.s32 $0xA;
	s24 =	simm.s32 $0x14;
	[sflag:s16] =	ssyncset.done $0x0  }
.LBB2_8:
0x59: {  	s25 =	sadd.s32 s23, s14  }
0x5a: {  	[sflag:s16] =	ssyncadd.s32 $0xFFFFD800;
	s26 =	smov.u32 s24;
	s28 =	sadd.s32 $0xA, s24  }
0x5b: {  	[tilespmem:s17], [sflag:$0x2] =	stream.linear.gather [hbm4b:s25+s3], $0x50, $0x38;
	[tilespmem:$0x1A900] =	vst v63  }
0x5c: {  	p1 =	sne.s32 s24, $0x9BA;
	_ =	swait.ge [sflag:s16], $0x50  }
0x5d: {  	[sflag:s16] =	ssyncset.done $0x0  }
0x5e: {  	s24 =	sadd.s32 s23, s13;
	s23 =	smov.u32 s26;
	[sflag:s16] =	ssyncadd.s32 $0xFFFFFFB0  }
0x5f: {  	[tilespmem:s18], [sflag:$0x2] =	stream.linear.gather [hbm4b:s24+s3], $0x50, $0x38;
	[tilespmem:$0x1A900] =	vst v63  }
0x60: {  	_ =	swait.ge [sflag:s16], $0x50  }
0x61: {  	[sflag:s16] =	ssyncset.done $0x0  }
0x62: {  	[sflag:s16] =	ssyncadd.s32 $0xFFFFFFB0  }
0x63: {  	[tilespmem:s20], [sflag:$0x1] =	stream.indirect.gather [hbm4b:s5+s19], $0x80, s17, s19, $0xb8;
	[tilespmem:$0x1A900] =	vst v63  }
0x64: {  	_ =	swait.ge [sflag:s21], $0x2800  }
.Ltmp4:
0x65: {  	[sflag:s21] =	ssyncset.done $0x0;
	(pc) =	sbr.rel @p1 .LBB2_8-.Ltmp4, $4  }
0x66: {  	[sflag:s21] =	ssyncadd.s32 $0xFFFFD800  }
0x67: {  	[spmem:s1] =	stream.indirect.scatter.add.f32 [tilespmem:s20], [sflag:$0x2], $0x80, s18, s19, $0xb8;
	[tilespmem:$0x1A900] =	vst v63  }
0x68: {  	_ =	swait.ge [sflag:s16], $0x2800  }
0x69: {  	s24 =	smov.u32 s28;
	[sflag:s16] =	ssyncset.done $0x0  }
0x6a: {  	s24 =	sadd.s32 s23, s14;
	[sflag:s16] =	ssyncadd.s32 $0xFFFFD800  }
0x6b: {  	[tilespmem:s17], [sflag:$0x2] =	stream.linear.gather [hbm4b:s24+s3], $0x50, $0x38;
	[tilespmem:$0x1A900] =	vst v63  }
0x6c: {  	_ =	swait.ge [sflag:s16], $0x50  }
0x6d: {  	[sflag:s16] =	ssyncset.done $0x0  }
0x6e: {  	s31 =	sadd.s32 s23, s13;
	[sflag:s16] =	ssyncadd.s32 $0xFFFFFFB0  }
0x6f: {  	[tilespmem:s18], [sflag:$0x2] =	stream.linear.gather [hbm4b:s31+s3], $0x50, $0x38;
	[tilespmem:$0x1A900] =	vst v63  }
0x70: {  	_ =	swait.ge [sflag:s16], $0x50  }
0x71: {  	[sflag:s16] =	ssyncset.done $0x0  }
0x72: {  	[sflag:s16] =	ssyncadd.s32 $0xFFFFFFB0  }
0x73: {  	[tilespmem:s20], [sflag:$0x1] =	stream.indirect.gather [hbm4b:s5+s19], $0x80, s17, s19, $0xb8;
	[tilespmem:$0x1A900] =	vst v63  }
0x74: {  	_ =	swait.ge [sflag:s21], $0x2800  }
0x75: {  	[sflag:s21] =	ssyncset.done $0x0  }
.Ltmp5:
0x76: {  	[sflag:s21] =	ssyncadd.s32 $0xFFFFD800;
	(pc) =	sbr.rel .LBB2_10-.Ltmp5, $4  }
0x77: {  	[spmem:s1] =	stream.indirect.scatter.add.f32 [tilespmem:s20], [sflag:$0x2], $0x80, s18, s19, $0xb8;
	[tilespmem:$0x1A900] =	vst v63  }
0x78: {  	_ =	swait.ge [sflag:s16], $0x2800  }
0x79: {  	[sflag:s16] =	ssyncset.done $0x0  }
0x7a: {  	[sflag:s16] =	ssyncadd.s32 $0xFFFFD800  }
.LBB2_4:
0x7b: {  	[tilespmem:s17], [sflag:$0x2] =	stream.linear.gather [hbm4b:s23+s3], $0x50, $0x38;
	[tilespmem:$0x1A900] =	vst v63  }
0x7c: {  	_ =	swait.ge [sflag:s16], $0x50  }
0x7d: {  	[sflag:s16] =	ssyncset.done $0x0  }
0x7e: {  	s31 =	sadd.s32 $0x0, s13;
	[sflag:s16] =	ssyncadd.s32 $0xFFFFFFB0  }
0x7f: {  	[tilespmem:s18], [sflag:$0x2] =	stream.linear.gather [hbm4b:s31+s3], $0x50, $0x38;
	[tilespmem:$0x1A900] =	vst v63  }
0x80: {  	_ =	swait.ge [sflag:s16], $0x50  }
0x81: {  	[sflag:s16] =	ssyncset.done $0x0  }
0x82: {  	[sflag:s16] =	ssyncadd.s32 $0xFFFFFFB0  }
0x83: {  	[tilespmem:s20], [sflag:$0x1] =	stream.indirect.gather [hbm4b:s4+s19], $0x80, s17, s19, $0xb8;
	[tilespmem:$0x1A900] =	vst v63  }
0x84: {  	_ =	swait.ge [sflag:s21], $0x2800  }
0x85: {  	[sflag:s21] =	ssyncset.done $0x0  }
0x86: {  	[sflag:s21] =	ssyncadd.s32 $0xFFFFD800  }
0x87: {  	[spmem:s1] =	stream.indirect.scatter.add.f32 [tilespmem:s20], [sflag:$0x2], $0x80, s18, s19, $0xb8;
	[tilespmem:$0x1A900] =	vst v63  }
0x88: {  	_ =	swait.ge [sflag:s16], $0x2800  }
0x89: {  	s23 =	simm.s32 $0xA;
	s24 =	simm.s32 $0x14;
	[sflag:s16] =	ssyncset.done $0x0  }
.LBB2_5:
0x8a: {  	s25 =	sadd.s32 s23, s14  }
0x8b: {  	[sflag:s16] =	ssyncadd.s32 $0xFFFFD800;
	s26 =	smov.u32 s24;
	s28 =	sadd.s32 $0xA, s24  }
0x8c: {  	[tilespmem:s17], [sflag:$0x2] =	stream.linear.gather [hbm4b:s25+s3], $0x50, $0x38;
	[tilespmem:$0x1A900] =	vst v63  }
0x8d: {  	p1 =	seq.s32 s24, $0x9BA;
	_ =	swait.ge [sflag:s16], $0x50  }
0x8e: {  	[sflag:s16] =	ssyncset.done $0x0  }
0x8f: {  	s24 =	sadd.s32 s23, s13;
	s23 =	smov.u32 s26;
	[sflag:s16] =	ssyncadd.s32 $0xFFFFFFB0  }
0x90: {  	[tilespmem:s18], [sflag:$0x2] =	stream.linear.gather [hbm4b:s24+s3], $0x50, $0x38;
	[tilespmem:$0x1A900] =	vst v63  }
0x91: {  	_ =	swait.ge [sflag:s16], $0x50  }
0x92: {  	[sflag:s16] =	ssyncset.done $0x0  }
0x93: {  	[sflag:s16] =	ssyncadd.s32 $0xFFFFFFB0  }
0x94: {  	[tilespmem:s20], [sflag:$0x1] =	stream.indirect.gather [hbm4b:s4+s19], $0x80, s17, s19, $0xb8;
	[tilespmem:$0x1A900] =	vst v63  }
0x95: {  	_ =	swait.ge [sflag:s21], $0x2800  }
.Ltmp6:
0x96: {  	[sflag:s21] =	ssyncset.done $0x0;
	(pc) =	sbr.rel @!p1 .LBB2_5-.Ltmp6, $4  }
0x97: {  	[sflag:s21] =	ssyncadd.s32 $0xFFFFD800  }
0x98: {  	[spmem:s1] =	stream.indirect.scatter.add.f32 [tilespmem:s20], [sflag:$0x2], $0x80, s18, s19, $0xb8;
	[tilespmem:$0x1A900] =	vst v63  }
0x99: {  	_ =	swait.ge [sflag:s16], $0x2800  }
0x9a: {  	s24 =	smov.u32 s28;
	[sflag:s16] =	ssyncset.done $0x0  }
.Ltmp7:
0x9b: {  	_ = 	snop;
	(pc) =	sbr.rel .LBB2_6-.Ltmp7, $1  }
0x9c: {  	_ =	sdelay $0x3  }
.LBB2_11:
0x9d: {  	_ =	sfence.sel $0x180000  }
0x9e: {  	[bflag:$0x0] =	sbarrier.arrive $0xFFFF  }
0x9f: {  	p0 =	sne.s32 s2, $0x0;
	_ =	strace $0x9000004D  }
0xa0: {  	s0 =	sadd.s32 @!p0 $0x100000, s0;
	[bflag:$0x2] =	sbarrier.arrive $0xFFFF  }
0xa1: {  	[sflag:s0] =	ssyncadd.tile.s32 @!p0 $0x1;
	_ =	shalt  }
.Lfunc_end2:
_tile_overlayer_lowered:
.L_overlay_start_2:
0xa2: {  	(tag) =	ssettag $0x2  }
0xa3: {  	s0 =	rddreg [dreg:$0x0];
	s2 =	stileid.u32  }
0xa4: {  	s1 =	rddreg [dreg:$0x1];
	p0 =	sne.s32 s2, $0x0  }
0xa5: {  	s3 =	rddreg [dreg:$0x2];
	[bflag:$0x3] =	sbarrier.arrive $0xFFFF;
	s2 =	simm.s32 @!p0 $0x1C02  }
0xa6: {  	[timem:s3], [sflag:s2] =	dma.local @!p0 [hbm:s0], s1  }
0xa7: {  	s0 =	simm.s32 @!p0 $0x2  }
0xa8: {  	_ =	swait.ge @!p0 [sflag:s0], s1  }
0xa9: {  	s1 =	ssub.s32 @!p0 $0x0, s1;
	[sflag:s0] =	ssyncset.done @!p0 $0x0  }
0xaa: {  	[sflag:s0] =	ssyncadd.s32 @!p0 s1  }
0xab: {  	[bflag:$0x3] =	sbarrier.arrive $0xFFFF  }
0xac: {  	_ =	shalt  }

// kernel: kernel.23.cloned.1.call-start
scs
__scs_entry_jumppad:
0x0: {  	(pc) =	sbr.rel $0x88, $3  }
0x1: {  	(tag) =	ssettag $0x0;
	lr =	simm.s32 $0x1  }
0x2: {  	[smem:$0x3F93] =	sst lr;
	_ =	strace $0xD0000000  }
0x3: {  	_ = 	snop  }
0x4: {  	_ = 	snop  }
0x5: {  	_ = 	snop  }
0x6: {  	_ = 	snop  }
0x7: {  	_ = 	snop  }
__scs_overlays_trampoline_lowered:
0x8: {  	[smem:$0x3FA2] =	sst s0  }
0x9: {  	[smem:$0x3FA3] =	sst s1  }
0xa: {  	[smem:$0x3FA4] =	sst s2  }
0xb: {  	[smem:$0x3FA5] =	sst s3  }
0xc: {  	[smem:$0x3FA6] =	sst s4  }
0xd: {  	[smem:$0x3FA7] =	sst s5  }
0xe: {  	[smem:$0x3FA8] =	sst s6  }
0xf: {  	[smem:$0x3FA9] =	sst s7  }
0x10: {  	[smem:$0x3FAA] =	sst s8  }
0x11: {  	[smem:$0x3FAB] =	sst s9;
	s0 =	simm.s32 @!p0 $0x0  }
0x12: {  	s1 =	sld [smem:$0x3F91];
	s0 =	simm.s32 @p0 $0x1  }
0x13: {  	[smem:$0x3FAC] =	sst s0;
	s0 =	simm.s32 @!p1 $0x0  }
0x14: {  	s2 =	sld [smem:$0x3F90];
	s0 =	simm.s32 @p1 $0x1  }
0x15: {  	[smem:$0x3FAD] =	sst s0;
	s0 =	simm.s32 @!p2 $0x0  }
0x16: {  	s3 =	sld [smem:$0x3FDB];
	s0 =	simm.s32 @p2 $0x1  }
0x17: {  	s4 =	simm.s32 $0x1BF5;
	[smem:$0x3FAF] =	sst s0  }
0x18: {  	s0 =	sld [smem:$0x3F92];
	_ =	swait.ge [sflag:s4], $0x0  }
0x19: {  	s7 =	sld [smem:$0x3F93]  }
0x1a: {  	s8 =	sadd.s32 $0xFFFFE003, lr  }
0x1b: {  	s9 =	sadd.s32 $0xFFFFFEF7, lr;
	s5 =	simm.s32 $0xFFFFFFFF;
	p2 =	slt.u32 s8, $0xFFFFF086  }
0x1c: {  	p1 =	slt.u32 s9, $0xF7A;
	s5 =	simm.s32 @!p2 $0x0  }
0x1d: {  	s5 =	simm.s32 @p1 $0x1;
	p0 =	seq.s32 s7, s2  }
0x1e: {  	s7 =	smul.u32 @!p0 $0xF7A, s2;
	p2 =	seq.s32 @!p0 s5, $0x0  }
0x1f: {  	s9 =	smul.u32 $0xF7A, s1;
	s8 =	simm.s32 @!p0 $0x1BF5;
	p2 =	por !p2, p0  }
0x20: {  	[sflag:s8] =	ssyncset.s32 @!p0 $0xFFFFF086;
	s6 =	sadd.s32 @!p0 s3, s7;
	s7 =	simm.s32 @!p0 $0x108  }
0x21: {  	s3 =	sadd.s32 s3, s9;
	s6 =	sadd.s32 @!p0 $0x88, s6;
	s7 =	simm.s32 @p2 $0x1082  }
0x22: {  	[simem:s7], [sflag:s8] =	dma.local @!p0 [hbm:s6], $0xF7A  }
0x23: {  	s9 =	sor.u32 $0xD0000000, s2;
	s6 =	simm.s32 $0x108;
	_ =	swait.ge @!p0 [sflag:s8], $0x0  }
0x24: {  	s3 =	sadd.s32 $0x88, s3;
	s6 =	simm.s32 @!p1 $0x1082;
	[sflag:s4] =	ssyncset.s32 $0xFFFFF086  }
0x25: {  	[simem:s6], [sflag:s4] =	dma.local [hbm:s3], $0xF7A  }
0x26: {  	[smem:$0x3F93] =	sst s1;
	(tag) =	ssettag s2;
	_ =	strace s9  }
0x27: {  	s1 =	sld [smem:$0x3FA3]  }
0x28: {  	s2 =	sld [smem:$0x3FA4]  }
0x29: {  	s4 =	sld [smem:$0x3FA6]  }
0x2a: {  	p0 =	seq.s32 s5, $0x0;
	s5 =	sld [smem:$0x3FA7]  }
0x2b: {  	s6 =	sld [smem:$0x3FA8]  }
0x2c: {  	s7 =	sld [smem:$0x3FA9]  }
0x2d: {  	s3 =	simm.s32 $0x108;
	s8 =	sld [smem:$0x3FAA]  }
0x2e: {  	s3 =	simm.s32 @!p0 $0x1082;
	s9 =	sld [smem:$0x3FAB]  }
0x2f: {  	lr =	sadd.s32 s0, s3;
	s0 =	sld [smem:$0x3FA2]  }
0x30: {  	s3 =	sld [smem:$0x3FA5]  }
0x31: {  	[smem:$0x3FAE] =	sst s10  }
0x32: {  	s10 =	sld [smem:$0x3FAC];
	_ =	sdelay $0x3  }
0x33: {  	p0 =	seq.s32 s10, $0x1;
	s10 =	sld [smem:$0x3FAE];
	_ =	sdelay $0x3  }
0x34: {  	[smem:$0x3FAE] =	sst s10  }
0x35: {  	s10 =	sld [smem:$0x3FAD];
	_ =	sdelay $0x3  }
0x36: {  	p1 =	seq.s32 s10, $0x1;
	s10 =	sld [smem:$0x3FAE];
	_ =	sdelay $0x3  }
0x37: {  	[smem:$0x3FAE] =	sst s10  }
0x38: {  	s10 =	sld [smem:$0x3FAF]  }
0x39: {  	_ = 	snop;
	(pc) =	sbr.ind lr, $3  }
0x3a: {  	_ = 	snop  }
0x3b: {  	_ = 	snop  }
0x3c: {  	p2 =	seq.s32 s10, $0x1;
	s10 =	sld [smem:$0x3FAE]  }
0x3d: {  	_ =	shalt  }
0x3e: {  	_ =	shalt  }
0x3f: {  	_ =	shalt  }
0x40: {  	_ =	shalt  }
0x41: {  	_ =	shalt  }
0x42: {  	_ =	shalt  }
0x43: {  	_ =	shalt  }
0x44: {  	_ =	shalt  }
0x45: {  	_ =	shalt  }
0x46: {  	_ =	shalt  }
0x47: {  	_ =	shalt  }
0x48: {  	_ =	shalt  }
0x49: {  	_ =	shalt  }
0x4a: {  	_ =	shalt  }
0x4b: {  	_ =	shalt  }
0x4c: {  	_ =	shalt  }
0x4d: {  	_ =	shalt  }
0x4e: {  	_ =	shalt  }
0x4f: {  	_ =	shalt  }
0x50: {  	_ =	shalt  }
0x51: {  	_ =	shalt  }
0x52: {  	_ =	shalt  }
0x53: {  	_ =	shalt  }
0x54: {  	_ =	shalt  }
0x55: {  	_ =	shalt  }
0x56: {  	_ =	shalt  }
0x57: {  	_ =	shalt  }
0x58: {  	_ =	shalt  }
0x59: {  	_ =	shalt  }
0x5a: {  	_ =	shalt  }
0x5b: {  	_ =	shalt  }
0x5c: {  	_ =	shalt  }
0x5d: {  	_ =	shalt  }
0x5e: {  	_ =	shalt  }
0x5f: {  	_ =	shalt  }
0x60: {  	_ =	shalt  }
0x61: {  	_ =	shalt  }
0x62: {  	_ =	shalt  }
0x63: {  	_ =	shalt  }
0x64: {  	_ =	shalt  }
0x65: {  	_ =	shalt  }
0x66: {  	_ =	shalt  }
0x67: {  	_ =	shalt  }
0x68: {  	_ =	shalt  }
0x69: {  	_ =	shalt  }
0x6a: {  	_ =	shalt  }
0x6b: {  	_ =	shalt  }
0x6c: {  	_ =	shalt  }
0x6d: {  	_ =	shalt  }
0x6e: {  	_ =	shalt  }
0x6f: {  	_ =	shalt  }
0x70: {  	_ =	shalt  }
0x71: {  	_ =	shalt  }
0x72: {  	_ =	shalt  }
0x73: {  	_ =	shalt  }
0x74: {  	_ =	shalt  }
0x75: {  	_ =	shalt  }
0x76: {  	_ =	shalt  }
0x77: {  	_ =	shalt  }
0x78: {  	_ =	shalt  }
0x79: {  	_ =	shalt  }
0x7a: {  	_ =	shalt  }
0x7b: {  	_ =	shalt  }
0x7c: {  	_ =	shalt  }
0x7d: {  	_ =	shalt  }
0x7e: {  	_ =	shalt  }
0x7f: {  	_ =	shalt  }
0x80: {  	_ =	shalt  }
0x81: {  	_ =	shalt  }
0x82: {  	_ =	shalt  }
0x83: {  	_ =	shalt  }
0x84: {  	_ =	shalt  }
0x85: {  	_ =	shalt  }
0x86: {  	_ =	shalt  }
0x87: {  	_ =	shalt  }
.Lfunc_end0:
.L_simem_size_0:
called_computation.3_lowered:
.L_overlay_start_0:
0x88: {  	s2 =	sld [smem:$0x3FD9]  }
0x89: {  	s3 =	sld [smem:$0x3FFE];
	_ =	sdelay $0x1  }
0x8a: {  	s1 =	srdreg.scid  }
0x8b: {  	s0 =	sand.u32 $0x1, s1  }
0x8c: {  	s17 =	sshll.u32 s0, $0xA;
	s2 =	sadd.s32 s3, s2  }
0x8d: {  	s2 =	sadd.s32 s2, s17  }
0x8e: {  	[smem:$0x3FBA] =	sst s2  }
0x8f: {  	_ = 	snop  }
0x90: {  	s2 =	sld [smem:$0x3FD0];
	(tm) =	ssettm $0x1  }
0x91: {  	s18 =	sld [smem:$0x3FFB];
	_ =	sdelay $0x3  }
0x92: {  	_ =	strace s18  }
0x93: {  	s3 =	sld [smem:$0x3FFC];
	_ =	sdelay $0x3  }
0x94: {  	_ =	strace s3  }
0x95: {  	s3 =	sld [smem:$0x3FFD];
	_ =	sdelay $0x3  }
0x96: {  	_ =	strace s3  }
0x97: {  	_ =	strace $0x8FFFFFFF  }
0x98: {  	s19 =	sld [smem:$0x3FDB];
	_ =	sdelay $0x1  }
0x99: {  	s4 =	simm.s32 $_scs_section_size  }
0x9a: {  	s5 =	simm.s32 $_size__tile_overlayer_lowered;
	s6 =	simm.s32 $_tile_overlayer_lowered  }
0x9b: {  	s22 =	simm.s32 $0x1BFF;
	s21 =	sshll.u32 s6, $0x1;
	s3 =	sadd.s32 s4, s19  }
0x9c: {  	s7 =	simm.s32 $0x0;
	s20 =	sshll.u32 s5, $0x1;
	s5 =	sadd.s32 s21, s3  }
0x9d: {  	[timem:s7], [sflag:s22] =	dma.local [hbm:s5], s20  }
0x9e: {  	_ =	swait.ge [sflag:s22], s20  }
0x9f: {  	s4 =	ssub.s32 $0x0, s20;
	[sflag:s22] =	ssyncset.done $0x0  }
0xa0: {  	[sflag:s22] =	ssyncadd.s32 s4;
	_ =	sdelay $0x1  }
0xa1: {  	s23 =	simm.s32 $0x1B8B  }
0xa2: {  	_ =	swait.ge [sflag:s23], $0x1  }
0xa3: {  	[sflag:s23] =	ssyncset.done $0x0  }
0xa4: {  	s25 =	simm.s32 $0x1B8E;
	s24 =	sld [smem:$0x3FFE];
	[sflag:s23] =	ssyncadd.s32 $0xFFFFFFFF  }
0xa5: {  	s26 =	simm.s32 $execute0_lowered;
	[smem:$0x3FD2] =	sst s25  }
0xa6: {  	s5 =	sshll.u32 s26, $0x1;
	_ =	strace $0x8000004F;
	[dreg:$0x1] =	wrdreg $0xFFFFFFFF  }
0xa7: {  	s28 =	simm.s32 $_size_execute0_lowered;
	s3 =	sadd.s32 s3, s5;
	[dreg:$0x0] =	wrdreg $0x0  }
0xa8: {  	s5 =	sshll.u32 s28, $0x1;
	[dreg:$0x2] =	wrdreg s3  }
0xa9: {  	[dreg:$0x3] =	wrdreg s5  }
0xaa: {  	[dreg:$0x4] =	wrdreg $0xC0  }
0xab: {  	_ =	task [dreg:s7], $0x5FFFF  }
0xac: {  	[dreg:$0x1] =	wrdreg $0xFFFFFFFF  }
0xad: {  	[dreg:$0x0] =	wrdreg $0x60  }
0xae: {  	[dreg:$0x2] =	wrdreg s24  }
0xaf: {  	[dreg:$0x3] =	wrdreg s2  }
0xb0: {  	[dreg:$0x4] =	wrdreg $0x0  }
0xb1: {  	[dreg:$0x5] =	wrdreg $0x9  }
0xb2: {  	_ =	task.clear_ibuf [dreg:s7], $0x6FFFF;
	_ =	strace $0x9000004F  }
0xb3: {  	s29 =	simm.s32 $0x9;
	_ =	strace $0x80000051  }
0xb4: {  	_ =	swait.ge [sflag:s29], $0x1  }
0xb5: {  	[sflag:s29] =	ssyncadd.s32 $0xFFFFFFFF  }
0xb6: {  	_ =	strace $0x90000051  }
0xb7: {  	_ =	sfence  }
0xb8: {  	s30 =	sld [smem:$0x0];
	_ =	sdelay $0x2  }
0xb9: {  	s31 =	sshll.u32 s1, $0xD;
	s1 =	sshrl.u32 s1, $0x2  }
0xba: {  	s3 =	sand.u32 $0x4000, s31;
	s1 =	sadd.s32 s1, s30  }
0xbb: {  	s0 =	sor.u32 s3, s0;
	s1 =	sshll.u32 s1, $0x11  }
0xbc: {  	s0 =	sor.u32 s1, s0  }
0xbd: {  	s0 =	sadd.s32 $0x8F2B, s0  }
0xbe: {  	[sflag:s0] =	ssyncadd.remote.s32 $0x1  }
0xbf: {  	_ =	sfence.sel $0xFFFF  }
0xc0: {  	[dreg:$0x0] =	wrdreg $0xFFFFFFFF;
	(pc) =	sbr.abs _section_cstart, $3  }
0xc1: {  	[dreg:$0x1] =	wrdreg $0xFFFFFFFF  }
0xc2: {  	_ =	task.clear_ibuf [dreg:s7], $0x2FFFF;
	_ =	strace $0x9FFFFFFF  }
0xc3: {  	(tm) =	ssettm $0x7FFFFFFF  }
tec
execute0_lowered:
.L_overlay_start_1:
0x0: {  	(tag) =	ssettag $0x1  }
0x1: {  	s5 =	rddreg [dreg:$0x0]  }
0x2: {  	s10 =	rddreg [dreg:$0x1]  }
0x3: {  	s1 =	rddreg [dreg:$0x2]  }
0x4: {  	s2 =	srdreg.scid;
	s0 =	rddreg [dreg:$0x3];
	s3 =	simm.s32 $0x0  }
0x5: {  	s15 =	simm.s32 $0x2;
	s16 =	simm.s32 $0x18000;
	s6 =	sand.u32 $0x1, s2  }
0x6: {  	s17 =	simm.s32 $0x18080;
	s2 =	stileid.u32;
	s7 =	smul.u32 $0x27100, s6  }
0x7: {  	s18 =	simm.s32 $0x50;
	s19 =	simm.s32 $0x18100;
	s8 =	smul.u32 $0x2710, s2  }
0x8: {  	s20 =	simm.s32 $0x1;
	s21 =	simm.s32 $0x0;
	s30 =	smul.u32 $0x50000, s2  }
0x9: {  	[smem:$0x7FF] =	sst s3;
	s4 =	sadd.s32 $0xA4200, s5;
	s11 =	smul.u32 $0x140000, s6  }
0xa: {  	_ =	strace $0x80000050;
	s9 =	ssub.s32 $0x2, s6;
	s12 =	smul.u32 $0x14000, s2  }
0xb: {  	s31 =	sshrl.u32 s9, $0x1;
	s7 =	sadd.s32 s8, s7;
	s8 =	sshrl.u32 s30, $0x2  }
0xc: {  	s14 =	ssub.s32 s9, s31;
	s11 =	sadd.s32 s12, s11;
	s7 =	sshrl.u32 s7, $0x3  }
0xd: {  	s11 =	sshrl.u32 s11, $0x3;
	s13 =	sadd.s32 s7, s5;
	s5 =	sadd.s32 s8, s1  }
0xe: {  	s10 =	sadd.s32 s10, s11;
	s11 =	smax.u32 s14, $0x1;
	s14 =	simm.s32 $0x14000  }
0xf: {  	s6 =	sadd.s32 $0x4000, s5;
	s7 =	sadd.s32 $0x8000, s5;
	s8 =	sadd.s32 $0xC000, s5  }
0x10: {  	v0 =	vimm.f32 $0.0e+00;
	s9 =	sadd.s32 $0x10000, s5;
	s12 =	sadd.s32 $0xCD000, s13;
	s13 =	sadd.s32 $0xE0C00, s13  }
.LBB2_1:
0x11: {  	s22 =	sand.u32 $0xFE00, s3  }
0x12: {  	s23 =	sand.u32 $0x70, s3;
	s24 =	sshrl.u32 s22, $0x2  }
0x13: {  	s22 =	simm.s32 $0x40;
	s24 =	sor.u32 s23, s24;
	s23 =	simm.s32 $0x0  }
.LBB2_2:
0x14: {  	p0 =	sne.s32 s22, $0xFFC0  }
0x15: {  	[tilespmem:s24+$0x14000] =	vst v0;
	s23 =	sadd.s32 $0x10, s23;
	s24 =	smov.u32 s22;
	s22 =	sadd.s32 $0x40, s22  }
.Ltmp0:
0x16: {  	(pc) =	sbr.rel @p0 .LBB2_2-.Ltmp0, $4  }
0x17: {  	_ = 	snop  }
0x18: {  	s24 =	sand.u32 $0xFE00, s24  }
0x19: {  	s25 =	sand.u32 $0x70, s23;
	s24 =	sshrl.u32 s24, $0x2  }
0x1a: {  	s24 =	sor.u32 s25, s24  }
0x1b: {  	[tilespmem:s24+$0x14000] =	vst v0  }
0x1c: {  	[spmem:s5] =	stream.linear.scatter [tilespmem:s14], [sflag:$0x2], $0x4000, $0x38;
	[tilespmem:$0x1A900] =	vst v63  }
0x1d: {  	_ =	swait.ge [sflag:s15], $0x4000  }
0x1e: {  	[sflag:s15] =	ssyncset.done $0x0  }
0x1f: {  	[sflag:s15] =	ssyncadd.s32 $0xFFFFC000  }
0x20: {  	[spmem:s6] =	stream.linear.scatter [tilespmem:s14], [sflag:$0x2], $0x4000, $0x38;
	[tilespmem:$0x1A900] =	vst v63  }
0x21: {  	_ =	swait.ge [sflag:s15], $0x4000  }
0x22: {  	[sflag:s15] =	ssyncset.done $0x0  }
0x23: {  	[sflag:s15] =	ssyncadd.s32 $0xFFFFC000  }
0x24: {  	[spmem:s7] =	stream.linear.scatter [tilespmem:s14], [sflag:$0x2], $0x4000, $0x38;
	[tilespmem:$0x1A900] =	vst v63  }
0x25: {  	_ =	swait.ge [sflag:s15], $0x4000  }
0x26: {  	[sflag:s15] =	ssyncset.done $0x0  }
0x27: {  	[sflag:s15] =	ssyncadd.s32 $0xFFFFC000  }
0x28: {  	[spmem:s8] =	stream.linear.scatter [tilespmem:s14], [sflag:$0x2], $0x4000, $0x38;
	[tilespmem:$0x1A900] =	vst v63  }
0x29: {  	_ =	swait.ge [sflag:s15], $0x4000  }
0x2a: {  	[sflag:s15] =	ssyncset.done $0x0  }
0x2b: {  	[sflag:s15] =	ssyncadd.s32 $0xFFFFC000  }
0x2c: {  	[spmem:s9] =	stream.linear.scatter [tilespmem:s14], [sflag:$0x2], $0x4000, $0x38;
	[tilespmem:$0x1A900] =	vst v63  }
0x2d: {  	_ =	swait.ge [sflag:s15], $0x4000  }
0x2e: {  	[sflag:s15] =	ssyncset.done $0x0  }
0x2f: {  	[sflag:s15] =	ssyncadd.s32 $0xFFFFC000  }
0x30: {  	s22 =	sadd.s32 $0x0, s13;
	[bflag:$0x0] =	sbarrier.arrive $0xFFFF  }
0x31: {  	[tilespmem:s16], [sflag:$0x2] =	stream.linear.gather [hbm4b:s22+s3], $0x50, $0x38;
	[tilespmem:$0x1A900] =	vst v63  }
0x32: {  	_ =	swait.ge [sflag:s15], $0x50  }
0x33: {  	[sflag:s15] =	ssyncset.done $0x0  }
0x34: {  	s31 =	sadd.s32 $0x0, s12;
	[sflag:s15] =	ssyncadd.s32 $0xFFFFFFB0  }
0x35: {  	[tilespmem:s17], [sflag:$0x2] =	stream.linear.gather [hbm4b:s31+s3], $0x50, $0x38;
	[tilespmem:$0x1A900] =	vst v63  }
0x36: {  	_ =	swait.ge [sflag:s15], $0x50  }
0x37: {  	[sflag:s15] =	ssyncset.done $0x0  }
0x38: {  	[sflag:s15] =	ssyncadd.s32 $0xFFFFFFB0  }
0x39: {  	[tilespmem:s19], [sflag:$0x1] =	stream.indirect.gather [hbm4b:s4+s18], $0x80, s16, s18, $0xb8;
	[tilespmem:$0x1A900] =	vst v63  }
0x3a: {  	_ =	swait.ge [sflag:s20], $0x2800  }
0x3b: {  	[sflag:s20] =	ssyncset.done $0x0  }
0x3c: {  	[sflag:s20] =	ssyncadd.s32 $0xFFFFD800  }
0x3d: {  	[spmem:s1] =	stream.indirect.scatter.add.f32 [tilespmem:s19], [sflag:$0x2], $0x80, s17, s18, $0xb8;
	[tilespmem:$0x1A900] =	vst v63  }
0x3e: {  	_ =	swait.ge [sflag:s15], $0x2800  }
0x3f: {  	s23 =	simm.s32 $0x14;
	s22 =	simm.s32 $0xA;
	[sflag:s15] =	ssyncset.done $0x0  }
.LBB2_4:
0x40: {  	s24 =	sadd.s32 s22, s13  }
0x41: {  	[sflag:s15] =	ssyncadd.s32 $0xFFFFD800;
	s25 =	smov.u32 s23;
	s26 =	sadd.s32 $0xA, s23  }
0x42: {  	[tilespmem:s16], [sflag:$0x2] =	stream.linear.gather [hbm4b:s24+s3], $0x50, $0x38;
	[tilespmem:$0x1A900] =	vst v63  }
0x43: {  	p0 =	sne.s32 s23, $0x4D8;
	_ =	swait.ge [sflag:s15], $0x50  }
0x44: {  	[sflag:s15] =	ssyncset.done $0x0  }
0x45: {  	s23 =	sadd.s32 s22, s12;
	s22 =	smov.u32 s25;
	[sflag:s15] =	ssyncadd.s32 $0xFFFFFFB0  }
0x46: {  	[tilespmem:s17], [sflag:$0x2] =	stream.linear.gather [hbm4b:s23+s3], $0x50, $0x38;
	[tilespmem:$0x1A900] =	vst v63  }
0x47: {  	_ =	swait.ge [sflag:s15], $0x50  }
0x48: {  	[sflag:s15] =	ssyncset.done $0x0  }
0x49: {  	[sflag:s15] =	ssyncadd.s32 $0xFFFFFFB0  }
0x4a: {  	[tilespmem:s19], [sflag:$0x1] =	stream.indirect.gather [hbm4b:s4+s18], $0x80, s16, s18, $0xb8;
	[tilespmem:$0x1A900] =	vst v63  }
0x4b: {  	_ =	swait.ge [sflag:s20], $0x2800  }
.Ltmp1:
0x4c: {  	[sflag:s20] =	ssyncset.done $0x0;
	(pc) =	sbr.rel @p0 .LBB2_4-.Ltmp1, $4  }
0x4d: {  	[sflag:s20] =	ssyncadd.s32 $0xFFFFD800  }
0x4e: {  	[spmem:s1] =	stream.indirect.scatter.add.f32 [tilespmem:s19], [sflag:$0x2], $0x80, s17, s18, $0xb8;
	[tilespmem:$0x1A900] =	vst v63  }
0x4f: {  	_ =	swait.ge [sflag:s15], $0x2800  }
0x50: {  	s23 =	smov.u32 s26;
	[sflag:s15] =	ssyncset.done $0x0  }
0x51: {  	s23 =	sadd.s32 s22, s13;
	[sflag:s15] =	ssyncadd.s32 $0xFFFFD800  }
0x52: {  	[tilespmem:s16], [sflag:$0x2] =	stream.linear.gather [hbm4b:s23+s3], $0x50, $0x38;
	[tilespmem:$0x1A900] =	vst v63  }
0x53: {  	_ =	swait.ge [sflag:s15], $0x50  }
0x54: {  	[sflag:s15] =	ssyncset.done $0x0  }
0x55: {  	s29 =	sadd.s32 s22, s12;
	[sflag:s15] =	ssyncadd.s32 $0xFFFFFFB0  }
0x56: {  	[tilespmem:s17], [sflag:$0x2] =	stream.linear.gather [hbm4b:s29+s3], $0x50, $0x38;
	[tilespmem:$0x1A900] =	vst v63  }
0x57: {  	_ =	swait.ge [sflag:s15], $0x50  }
0x58: {  	[sflag:s15] =	ssyncset.done $0x0  }
0x59: {  	[sflag:s15] =	ssyncadd.s32 $0xFFFFFFB0  }
0x5a: {  	[tilespmem:s19], [sflag:$0x1] =	stream.indirect.gather [hbm4b:s4+s18], $0x80, s16, s18, $0xb8;
	[tilespmem:$0x1A900] =	vst v63  }
0x5b: {  	_ =	swait.ge [sflag:s20], $0x2800  }
0x5c: {  	[sflag:s20] =	ssyncset.done $0x0  }
0x5d: {  	[sflag:s20] =	ssyncadd.s32 $0xFFFFD800  }
0x5e: {  	[spmem:s1] =	stream.indirect.scatter.add.f32 [tilespmem:s19], [sflag:$0x2], $0x80, s17, s18, $0xb8;
	[tilespmem:$0x1A900] =	vst v63  }
0x5f: {  	_ =	swait.ge [sflag:s15], $0x2800  }
0x60: {  	s30 =	sshll.u32 s2, $0x6;
	s21 =	sadd.s32 $0x1, s21;
	[sflag:s15] =	ssyncset.done $0x0  }
0x61: {  	s31 =	sshrl.u32 s5, $0x3;
	p0 =	sne.s32 s21, s11;
	[sflag:s15] =	ssyncadd.s32 $0xFFFFD800  }
.Ltmp2:
0x62: {  	s22 =	sor.u32 $0x1C02, s30;
	[bflag:$0x0] =	sbarrier.arrive $0xFFFF;
	(pc) =	sbr.rel @p0 .LBB2_1-.Ltmp2, $4  }
0x63: {  	[hbm:s10], [sflag:s22] =	dma.local [spmem:s31], $0x2800  }
0x64: {  	_ =	swait.ge [sflag:s15], $0x2800  }
0x65: {  	[sflag:s15] =	ssyncset.done $0x0  }
0x66: {  	[sflag:s15] =	ssyncadd.s32 $0xFFFFD800  }
0x67: {  	_ =	sfence.sel $0x180000  }
0x68: {  	[bflag:$0x0] =	sbarrier.arrive $0xFFFF  }
0x69: {  	p0 =	sne.s32 s2, $0x0;
	_ =	strace $0x90000050  }
0x6a: {  	s0 =	sadd.s32 @!p0 $0x100000, s0;
	[bflag:$0x2] =	sbarrier.arrive $0xFFFF  }
0x6b: {  	[sflag:s0] =	ssyncadd.tile.s32 @!p0 $0x1;
	_ =	shalt  }
.Lfunc_end2:
_tile_overlayer_lowered:
.L_overlay_start_2:
0x6c: {  	(tag) =	ssettag $0x2  }
0x6d: {  	s0 =	rddreg [dreg:$0x0];
	s2 =	stileid.u32  }
0x6e: {  	s1 =	rddreg [dreg:$0x1];
	p0 =	sne.s32 s2, $0x0  }
0x6f: {  	s3 =	rddreg [dreg:$0x2];
	[bflag:$0x3] =	sbarrier.arrive $0xFFFF;
	s2 =	simm.s32 @!p0 $0x1C02  }
0x70: {  	[timem:s3], [sflag:s2] =	dma.local @!p0 [hbm:s0], s1  }
0x71: {  	s0 =	simm.s32 @!p0 $0x2  }
0x72: {  	_ =	swait.ge @!p0 [sflag:s0], s1  }
0x73: {  	s1 =	ssub.s32 @!p0 $0x0, s1;
	[sflag:s0] =	ssyncset.done @!p0 $0x0  }
0x74: {  	[sflag:s0] =	ssyncadd.s32 @!p0 s1  }
0x75: {  	[bflag:$0x3] =	sbarrier.arrive $0xFFFF  }
0x76: {  	_ =	shalt  }

// kernel: kernel.26.cloned.1.call-start
scs
__scs_entry_jumppad:
0x0: {  	(pc) =	sbr.rel $0x88, $3  }
0x1: {  	(tag) =	ssettag $0x0;
	lr =	simm.s32 $0x1  }
0x2: {  	[smem:$0x3F93] =	sst lr;
	_ =	strace $0xD0000000  }
0x3: {  	_ = 	snop  }
0x4: {  	_ = 	snop  }
0x5: {  	_ = 	snop  }
0x6: {  	_ = 	snop  }
0x7: {  	_ = 	snop  }
__scs_overlays_trampoline_lowered:
0x8: {  	[smem:$0x3FA2] =	sst s0  }
0x9: {  	[smem:$0x3FA3] =	sst s1  }
0xa: {  	[smem:$0x3FA4] =	sst s2  }
0xb: {  	[smem:$0x3FA5] =	sst s3  }
0xc: {  	[smem:$0x3FA6] =	sst s4  }
0xd: {  	[smem:$0x3FA7] =	sst s5  }
0xe: {  	[smem:$0x3FA8] =	sst s6  }
0xf: {  	[smem:$0x3FA9] =	sst s7  }
0x10: {  	[smem:$0x3FAA] =	sst s8  }
0x11: {  	[smem:$0x3FAB] =	sst s9;
	s0 =	simm.s32 @!p0 $0x0  }
0x12: {  	s1 =	sld [smem:$0x3F91];
	s0 =	simm.s32 @p0 $0x1  }
0x13: {  	[smem:$0x3FAC] =	sst s0;
	s0 =	simm.s32 @!p1 $0x0  }
0x14: {  	s2 =	sld [smem:$0x3F90];
	s0 =	simm.s32 @p1 $0x1  }
0x15: {  	[smem:$0x3FAD] =	sst s0;
	s0 =	simm.s32 @!p2 $0x0  }
0x16: {  	s3 =	sld [smem:$0x3FDB];
	s0 =	simm.s32 @p2 $0x1  }
0x17: {  	s4 =	simm.s32 $0x1BF5;
	[smem:$0x3FAF] =	sst s0  }
0x18: {  	s0 =	sld [smem:$0x3F92];
	_ =	swait.ge [sflag:s4], $0x0  }
0x19: {  	s7 =	sld [smem:$0x3F93]  }
0x1a: {  	s8 =	sadd.s32 $0xFFFFE003, lr  }
0x1b: {  	s9 =	sadd.s32 $0xFFFFFEF7, lr;
	s5 =	simm.s32 $0xFFFFFFFF;
	p2 =	slt.u32 s8, $0xFFFFF086  }
0x1c: {  	p1 =	slt.u32 s9, $0xF7A;
	s5 =	simm.s32 @!p2 $0x0  }
0x1d: {  	s5 =	simm.s32 @p1 $0x1;
	p0 =	seq.s32 s7, s2  }
0x1e: {  	s7 =	smul.u32 @!p0 $0xF7A, s2;
	p2 =	seq.s32 @!p0 s5, $0x0  }
0x1f: {  	s9 =	smul.u32 $0xF7A, s1;
	s8 =	simm.s32 @!p0 $0x1BF5;
	p2 =	por !p2, p0  }
0x20: {  	[sflag:s8] =	ssyncset.s32 @!p0 $0xFFFFF086;
	s6 =	sadd.s32 @!p0 s3, s7;
	s7 =	simm.s32 @!p0 $0x108  }
0x21: {  	s3 =	sadd.s32 s3, s9;
	s6 =	sadd.s32 @!p0 $0x88, s6;
	s7 =	simm.s32 @p2 $0x1082  }
0x22: {  	[simem:s7], [sflag:s8] =	dma.local @!p0 [hbm:s6], $0xF7A  }
0x23: {  	s9 =	sor.u32 $0xD0000000, s2;
	s6 =	simm.s32 $0x108;
	_ =	swait.ge @!p0 [sflag:s8], $0x0  }
0x24: {  	s3 =	sadd.s32 $0x88, s3;
	s6 =	simm.s32 @!p1 $0x1082;
	[sflag:s4] =	ssyncset.s32 $0xFFFFF086  }
0x25: {  	[simem:s6], [sflag:s4] =	dma.local [hbm:s3], $0xF7A  }
0x26: {  	[smem:$0x3F93] =	sst s1;
	(tag) =	ssettag s2;
	_ =	strace s9  }
0x27: {  	s1 =	sld [smem:$0x3FA3]  }
0x28: {  	s2 =	sld [smem:$0x3FA4]  }
0x29: {  	s4 =	sld [smem:$0x3FA6]  }
0x2a: {  	p0 =	seq.s32 s5, $0x0;
	s5 =	sld [smem:$0x3FA7]  }
0x2b: {  	s6 =	sld [smem:$0x3FA8]  }
0x2c: {  	s7 =	sld [smem:$0x3FA9]  }
0x2d: {  	s3 =	simm.s32 $0x108;
	s8 =	sld [smem:$0x3FAA]  }
0x2e: {  	s3 =	simm.s32 @!p0 $0x1082;
	s9 =	sld [smem:$0x3FAB]  }
0x2f: {  	lr =	sadd.s32 s0, s3;
	s0 =	sld [smem:$0x3FA2]  }
0x30: {  	s3 =	sld [smem:$0x3FA5]  }
0x31: {  	[smem:$0x3FAE] =	sst s10  }
0x32: {  	s10 =	sld [smem:$0x3FAC];
	_ =	sdelay $0x3  }
0x33: {  	p0 =	seq.s32 s10, $0x1;
	s10 =	sld [smem:$0x3FAE];
	_ =	sdelay $0x3  }
0x34: {  	[smem:$0x3FAE] =	sst s10  }
0x35: {  	s10 =	sld [smem:$0x3FAD];
	_ =	sdelay $0x3  }
0x36: {  	p1 =	seq.s32 s10, $0x1;
	s10 =	sld [smem:$0x3FAE];
	_ =	sdelay $0x3  }
0x37: {  	[smem:$0x3FAE] =	sst s10  }
0x38: {  	s10 =	sld [smem:$0x3FAF]  }
0x39: {  	_ = 	snop;
	(pc) =	sbr.ind lr, $3  }
0x3a: {  	_ = 	snop  }
0x3b: {  	_ = 	snop  }
0x3c: {  	p2 =	seq.s32 s10, $0x1;
	s10 =	sld [smem:$0x3FAE]  }
0x3d: {  	_ =	shalt  }
0x3e: {  	_ =	shalt  }
0x3f: {  	_ =	shalt  }
0x40: {  	_ =	shalt  }
0x41: {  	_ =	shalt  }
0x42: {  	_ =	shalt  }
0x43: {  	_ =	shalt  }
0x44: {  	_ =	shalt  }
0x45: {  	_ =	shalt  }
0x46: {  	_ =	shalt  }
0x47: {  	_ =	shalt  }
0x48: {  	_ =	shalt  }
0x49: {  	_ =	shalt  }
0x4a: {  	_ =	shalt  }
0x4b: {  	_ =	shalt  }
0x4c: {  	_ =	shalt  }
0x4d: {  	_ =	shalt  }
0x4e: {  	_ =	shalt  }
0x4f: {  	_ =	shalt  }
0x50: {  	_ =	shalt  }
0x51: {  	_ =	shalt  }
0x52: {  	_ =	shalt  }
0x53: {  	_ =	shalt  }
0x54: {  	_ =	shalt  }
0x55: {  	_ =	shalt  }
0x56: {  	_ =	shalt  }
0x57: {  	_ =	shalt  }
0x58: {  	_ =	shalt  }
0x59: {  	_ =	shalt  }
0x5a: {  	_ =	shalt  }
0x5b: {  	_ =	shalt  }
0x5c: {  	_ =	shalt  }
0x5d: {  	_ =	shalt  }
0x5e: {  	_ =	shalt  }
0x5f: {  	_ =	shalt  }
0x60: {  	_ =	shalt  }
0x61: {  	_ =	shalt  }
0x62: {  	_ =	shalt  }
0x63: {  	_ =	shalt  }
0x64: {  	_ =	shalt  }
0x65: {  	_ =	shalt  }
0x66: {  	_ =	shalt  }
0x67: {  	_ =	shalt  }
0x68: {  	_ =	shalt  }
0x69: {  	_ =	shalt  }
0x6a: {  	_ =	shalt  }
0x6b: {  	_ =	shalt  }
0x6c: {  	_ =	shalt  }
0x6d: {  	_ =	shalt  }
0x6e: {  	_ =	shalt  }
0x6f: {  	_ =	shalt  }
0x70: {  	_ =	shalt  }
0x71: {  	_ =	shalt  }
0x72: {  	_ =	shalt  }
0x73: {  	_ =	shalt  }
0x74: {  	_ =	shalt  }
0x75: {  	_ =	shalt  }
0x76: {  	_ =	shalt  }
0x77: {  	_ =	shalt  }
0x78: {  	_ =	shalt  }
0x79: {  	_ =	shalt  }
0x7a: {  	_ =	shalt  }
0x7b: {  	_ =	shalt  }
0x7c: {  	_ =	shalt  }
0x7d: {  	_ =	shalt  }
0x7e: {  	_ =	shalt  }
0x7f: {  	_ =	shalt  }
0x80: {  	_ =	shalt  }
0x81: {  	_ =	shalt  }
0x82: {  	_ =	shalt  }
0x83: {  	_ =	shalt  }
0x84: {  	_ =	shalt  }
0x85: {  	_ =	shalt  }
0x86: {  	_ =	shalt  }
0x87: {  	_ =	shalt  }
.Lfunc_end0:
.L_simem_size_0:
called_computation.4_lowered:
.L_overlay_start_0:
0x88: {  	s2 =	sld [smem:$0x3FD9]  }
0x89: {  	s3 =	sld [smem:$0x3FFE];
	_ =	sdelay $0x1  }
0x8a: {  	s1 =	srdreg.scid  }
0x8b: {  	s0 =	sand.u32 $0x1, s1  }
0x8c: {  	s17 =	sshll.u32 s0, $0xA;
	s2 =	sadd.s32 s3, s2  }
0x8d: {  	s2 =	sadd.s32 s2, s17  }
0x8e: {  	[smem:$0x3FBA] =	sst s2  }
0x8f: {  	_ = 	snop  }
0x90: {  	s2 =	sld [smem:$0x3FD0];
	(tm) =	ssettm $0x1  }
0x91: {  	s18 =	sld [smem:$0x3FFB];
	_ =	sdelay $0x3  }
0x92: {  	_ =	strace s18  }
0x93: {  	s3 =	sld [smem:$0x3FFC];
	_ =	sdelay $0x3  }
0x94: {  	_ =	strace s3  }
0x95: {  	s3 =	sld [smem:$0x3FFD];
	_ =	sdelay $0x3  }
0x96: {  	_ =	strace s3  }
0x97: {  	_ =	strace $0x8FFFFFFF  }
0x98: {  	s19 =	sld [smem:$0x3FDB];
	_ =	sdelay $0x1  }
0x99: {  	s4 =	simm.s32 $_scs_section_size  }
0x9a: {  	s5 =	simm.s32 $_size__tile_overlayer_lowered;
	s6 =	simm.s32 $_tile_overlayer_lowered  }
0x9b: {  	s22 =	simm.s32 $0x1BFF;
	s21 =	sshll.u32 s6, $0x1;
	s3 =	sadd.s32 s4, s19  }
0x9c: {  	s7 =	simm.s32 $0x0;
	s20 =	sshll.u32 s5, $0x1;
	s5 =	sadd.s32 s21, s3  }
0x9d: {  	[timem:s7], [sflag:s22] =	dma.local [hbm:s5], s20  }
0x9e: {  	_ =	swait.ge [sflag:s22], s20  }
0x9f: {  	s4 =	ssub.s32 $0x0, s20;
	[sflag:s22] =	ssyncset.done $0x0  }
0xa0: {  	[sflag:s22] =	ssyncadd.s32 s4;
	_ =	sdelay $0x1  }
0xa1: {  	s23 =	simm.s32 $0x1B8B  }
0xa2: {  	_ =	swait.ge [sflag:s23], $0x1  }
0xa3: {  	[sflag:s23] =	ssyncset.done $0x0  }
0xa4: {  	s25 =	simm.s32 $0x1B8E;
	s24 =	sld [smem:$0x3FFE];
	[sflag:s23] =	ssyncadd.s32 $0xFFFFFFFF  }
0xa5: {  	s26 =	simm.s32 $execute0_lowered;
	[smem:$0x3FD2] =	sst s25  }
0xa6: {  	s5 =	sshll.u32 s26, $0x1;
	_ =	strace $0x80000052;
	[dreg:$0x1] =	wrdreg $0xFFFFFFFF  }
0xa7: {  	s28 =	simm.s32 $_size_execute0_lowered;
	s3 =	sadd.s32 s3, s5;
	[dreg:$0x0] =	wrdreg $0x0  }
0xa8: {  	s5 =	sshll.u32 s28, $0x1;
	[dreg:$0x2] =	wrdreg s3  }
0xa9: {  	[dreg:$0x3] =	wrdreg s5  }
0xaa: {  	[dreg:$0x4] =	wrdreg $0xC0  }
0xab: {  	_ =	task [dreg:s7], $0x5FFFF  }
0xac: {  	[dreg:$0x1] =	wrdreg $0xFFFFFFFF  }
0xad: {  	[dreg:$0x0] =	wrdreg $0x60  }
0xae: {  	[dreg:$0x2] =	wrdreg s24  }
0xaf: {  	[dreg:$0x3] =	wrdreg s2  }
0xb0: {  	[dreg:$0x4] =	wrdreg $0x0  }
0xb1: {  	[dreg:$0x5] =	wrdreg $0x9  }
0xb2: {  	_ =	task.clear_ibuf [dreg:s7], $0x6FFFF;
	_ =	strace $0x90000052  }
0xb3: {  	s29 =	simm.s32 $0x9;
	_ =	strace $0x80000054  }
0xb4: {  	_ =	swait.ge [sflag:s29], $0x1  }
0xb5: {  	[sflag:s29] =	ssyncadd.s32 $0xFFFFFFFF  }
0xb6: {  	_ =	strace $0x90000054  }
0xb7: {  	_ =	sfence  }
0xb8: {  	s30 =	sld [smem:$0x0];
	_ =	sdelay $0x2  }
0xb9: {  	s31 =	sshll.u32 s1, $0xD;
	s1 =	sshrl.u32 s1, $0x2  }
0xba: {  	s3 =	sand.u32 $0x4000, s31;
	s1 =	sadd.s32 s1, s30  }
0xbb: {  	s0 =	sor.u32 s3, s0;
	s1 =	sshll.u32 s1, $0x11  }
0xbc: {  	s0 =	sor.u32 s1, s0  }
0xbd: {  	s0 =	sadd.s32 $0x8F2B, s0  }
0xbe: {  	[sflag:s0] =	ssyncadd.remote.s32 $0x1  }
0xbf: {  	_ =	sfence.sel $0xFFFF  }
0xc0: {  	[dreg:$0x0] =	wrdreg $0xFFFFFFFF;
	(pc) =	sbr.abs _section_cstart, $3  }
0xc1: {  	[dreg:$0x1] =	wrdreg $0xFFFFFFFF  }
0xc2: {  	_ =	task.clear_ibuf [dreg:s7], $0x2FFFF;
	_ =	strace $0x9FFFFFFF  }
0xc3: {  	(tm) =	ssettm $0x7FFFFFFF  }
tec
execute0_lowered:
.L_overlay_start_1:
0x0: {  	(tag) =	ssettag $0x1  }
0x1: {  	s7 =	rddreg [dreg:$0x0]  }
0x2: {  	s11 =	rddreg [dreg:$0x1]  }
0x3: {  	s1 =	rddreg [dreg:$0x2]  }
0x4: {  	s0 =	rddreg [dreg:$0x3];
	s3 =	simm.s32 $0x0;
	s2 =	stileid.u32  }
0x5: {  	s6 =	srdreg.scid;
	s17 =	simm.s32 $0x18000;
	s18 =	simm.s32 $0x18080  }
0x6: {  	s19 =	simm.s32 $0x50;
	s20 =	simm.s32 $0x18100;
	s21 =	simm.s32 $0x1  }
0x7: {  	s22 =	simm.s32 $0x0;
	[smem:$0x7FF] =	sst s3;
	s8 =	smul.u32 $0x50000, s2  }
0x8: {  	s4 =	sadd.s32 $0x55E00, s7;
	s5 =	sadd.s32 $0xF4800, s7;
	s9 =	smul.u32 $0x9C4, s2  }
0x9: {  	s12 =	sand.u32 $0x1, s6;
	s14 =	smul.u32 $0x14000, s2;
	_ =	strace $0x80000053  }
0xa: {  	s10 =	ssub.s32 $0x2, s12;
	s13 =	smul.u32 $0x140000, s12;
	p0 =	seq.s32 s12, $0x1  }
0xb: {  	s29 =	sshrl.u32 s8, $0x2;
	s30 =	sshrl.u32 s10, $0x1;
	s15 =	sadd.s32 s9, s7  }
.Ltmp0:
0xc: {  	s6 =	sadd.s32 s29, s1;
	s16 =	ssub.s32 s10, s30;
	(pc) =	sbr.rel .LBB2_1-.Ltmp0, $4  }
0xd: {  	s13 =	sadd.s32 s14, s13;
	s14 =	sadd.s32 $0xEAA00, s15;
	s7 =	sadd.s32 $0x4000, s6  }
0xe: {  	s8 =	sadd.s32 $0x8000, s6;
	s9 =	sadd.s32 $0xC000, s6;
	s10 =	sadd.s32 $0x10000, s6  }
0xf: {  	s31 =	sshrl.u32 s13, $0x3;
	s12 =	smax.u32 s16, $0x1;
	s13 =	sadd.s32 $0xD6E00, s15  }
0x10: {  	v0 =	vimm.f32 $0.0e+00;
	s15 =	simm.s32 $0x14000;
	s16 =	simm.s32 $0x2;
	s11 =	sadd.s32 s11, s31  }
.LBB2_6:
0x11: {  	s24 =	sadd.s32 s23, s14;
	[sflag:s16] =	ssyncadd.s32 $0xFFFFD800  }
0x12: {  	[tilespmem:s17], [sflag:$0x2] =	stream.linear.gather [hbm4b:s24+s3], $0x50, $0x38;
	[tilespmem:$0x1A900] =	vst v63  }
0x13: {  	_ =	swait.ge [sflag:s16], $0x50  }
0x14: {  	[sflag:s16] =	ssyncset.done $0x0  }
0x15: {  	s31 =	sadd.s32 s23, s13;
	[sflag:s16] =	ssyncadd.s32 $0xFFFFFFB0  }
0x16: {  	[tilespmem:s18], [sflag:$0x2] =	stream.linear.gather [hbm4b:s31+s3], $0x50, $0x38;
	[tilespmem:$0x1A900] =	vst v63  }
0x17: {  	_ =	swait.ge [sflag:s16], $0x50  }
0x18: {  	[sflag:s16] =	ssyncset.done $0x0  }
0x19: {  	[sflag:s16] =	ssyncadd.s32 $0xFFFFFFB0  }
0x1a: {  	[tilespmem:s20], [sflag:$0x1] =	stream.indirect.gather [hbm4b:s4+s19], $0x80, s17, s19, $0xb8;
	[tilespmem:$0x1A900] =	vst v63  }
0x1b: {  	_ =	swait.ge [sflag:s21], $0x2800  }
0x1c: {  	[sflag:s21] =	ssyncset.done $0x0  }
0x1d: {  	[sflag:s21] =	ssyncadd.s32 $0xFFFFD800  }
0x1e: {  	[spmem:s1] =	stream.indirect.scatter.add.f32 [tilespmem:s20], [sflag:$0x2], $0x80, s18, s19, $0xb8;
	[tilespmem:$0x1A900] =	vst v63  }
0x1f: {  	_ =	swait.ge [sflag:s16], $0x2800  }
0x20: {  	[sflag:s16] =	ssyncset.done $0x0  }
0x21: {  	[sflag:s16] =	ssyncadd.s32 $0xFFFFD800  }
.LBB2_10:
0x22: {  	s22 =	sadd.s32 $0x1, s22  }
0x23: {  	s23 =	sshll.u32 s2, $0x6;
	[bflag:$0x0] =	sbarrier.arrive $0xFFFF;
	p1 =	sne.s32 s22, s12  }
.Ltmp1:
0x24: {  	s24 =	sshrl.u32 s6, $0x3;
	s23 =	sor.u32 $0x1C02, s23;
	(pc) =	sbr.rel @!p1 .LBB2_11-.Ltmp1, $4  }
0x25: {  	[hbm:s11], [sflag:s23] =	dma.local [spmem:s24], $0x2800  }
0x26: {  	_ =	swait.ge [sflag:s16], $0x2800  }
0x27: {  	[sflag:s16] =	ssyncset.done $0x0  }
0x28: {  	[sflag:s16] =	ssyncadd.s32 $0xFFFFD800  }
.LBB2_1:
0x29: {  	s23 =	sand.u32 $0xFE00, s3  }
0x2a: {  	s24 =	sand.u32 $0x70, s3;
	s25 =	sshrl.u32 s23, $0x2  }
0x2b: {  	s23 =	simm.s32 $0x40;
	s25 =	sor.u32 s24, s25;
	s24 =	simm.s32 $0x0  }
.LBB2_2:
0x2c: {  	p1 =	sne.s32 s23, $0xFFC0  }
0x2d: {  	[tilespmem:s25+$0x14000] =	vst v0;
	s24 =	sadd.s32 $0x10, s24;
	s25 =	smov.u32 s23;
	s23 =	sadd.s32 $0x40, s23  }
.Ltmp2:
0x2e: {  	(pc) =	sbr.rel @p1 .LBB2_2-.Ltmp2, $4  }
0x2f: {  	_ = 	snop  }
0x30: {  	s25 =	sand.u32 $0xFE00, s25  }
0x31: {  	s26 =	sand.u32 $0x70, s24;
	s25 =	sshrl.u32 s25, $0x2  }
0x32: {  	s25 =	sor.u32 s26, s25  }
0x33: {  	[tilespmem:s25+$0x14000] =	vst v0  }
0x34: {  	[spmem:s6] =	stream.linear.scatter [tilespmem:s15], [sflag:$0x2], $0x4000, $0x38;
	[tilespmem:$0x1A900] =	vst v63  }
0x35: {  	_ =	swait.ge [sflag:s16], $0x4000  }
0x36: {  	[sflag:s16] =	ssyncset.done $0x0  }
0x37: {  	[sflag:s16] =	ssyncadd.s32 $0xFFFFC000  }
0x38: {  	[spmem:s7] =	stream.linear.scatter [tilespmem:s15], [sflag:$0x2], $0x4000, $0x38;
	[tilespmem:$0x1A900] =	vst v63  }
0x39: {  	_ =	swait.ge [sflag:s16], $0x4000  }
0x3a: {  	[sflag:s16] =	ssyncset.done $0x0  }
0x3b: {  	[sflag:s16] =	ssyncadd.s32 $0xFFFFC000  }
0x3c: {  	[spmem:s8] =	stream.linear.scatter [tilespmem:s15], [sflag:$0x2], $0x4000, $0x38;
	[tilespmem:$0x1A900] =	vst v63  }
0x3d: {  	_ =	swait.ge [sflag:s16], $0x4000  }
0x3e: {  	[sflag:s16] =	ssyncset.done $0x0  }
0x3f: {  	[sflag:s16] =	ssyncadd.s32 $0xFFFFC000  }
0x40: {  	[spmem:s9] =	stream.linear.scatter [tilespmem:s15], [sflag:$0x2], $0x4000, $0x38;
	[tilespmem:$0x1A900] =	vst v63  }
0x41: {  	_ =	swait.ge [sflag:s16], $0x4000  }
0x42: {  	[sflag:s16] =	ssyncset.done $0x0  }
0x43: {  	[sflag:s16] =	ssyncadd.s32 $0xFFFFC000  }
0x44: {  	[spmem:s10] =	stream.linear.scatter [tilespmem:s15], [sflag:$0x2], $0x4000, $0x38;
	[tilespmem:$0x1A900] =	vst v63  }
.Ltmp3:
0x45: {  	_ =	swait.ge [sflag:s16], $0x4000;
	(pc) =	sbr.rel @!p0 .LBB2_4-.Ltmp3, $4  }
0x46: {  	[sflag:s16] =	ssyncset.done $0x0  }
0x47: {  	[sflag:s16] =	ssyncadd.s32 $0xFFFFC000  }
0x48: {  	[bflag:$0x0] =	sbarrier.arrive $0xFFFF  }
0x49: {  	s23 =	sadd.s32 $0x0, s14  }
0x4a: {  	[tilespmem:s17], [sflag:$0x2] =	stream.linear.gather [hbm4b:s23+s3], $0x50, $0x38;
	[tilespmem:$0x1A900] =	vst v63  }
0x4b: {  	_ =	swait.ge [sflag:s16], $0x50  }
0x4c: {  	[sflag:s16] =	ssyncset.done $0x0  }
0x4d: {  	s31 =	sadd.s32 $0x0, s13;
	[sflag:s16] =	ssyncadd.s32 $0xFFFFFFB0  }
0x4e: {  	[tilespmem:s18], [sflag:$0x2] =	stream.linear.gather [hbm4b:s31+s3], $0x50, $0x38;
	[tilespmem:$0x1A900] =	vst v63  }
0x4f: {  	_ =	swait.ge [sflag:s16], $0x50  }
0x50: {  	[sflag:s16] =	ssyncset.done $0x0  }
0x51: {  	[sflag:s16] =	ssyncadd.s32 $0xFFFFFFB0  }
0x52: {  	[tilespmem:s20], [sflag:$0x1] =	stream.indirect.gather [hbm4b:s5+s19], $0x80, s17, s19, $0xb8;
	[tilespmem:$0x1A900] =	vst v63  }
0x53: {  	_ =	swait.ge [sflag:s21], $0x2800  }
0x54: {  	[sflag:s21] =	ssyncset.done $0x0  }
0x55: {  	[sflag:s21] =	ssyncadd.s32 $0xFFFFD800  }
0x56: {  	[spmem:s1] =	stream.indirect.scatter.add.f32 [tilespmem:s20], [sflag:$0x2], $0x80, s18, s19, $0xb8;
	[tilespmem:$0x1A900] =	vst v63  }
0x57: {  	_ =	swait.ge [sflag:s16], $0x2800  }
0x58: {  	s23 =	simm.s32 $0xA;
	s24 =	simm.s32 $0x14;
	[sflag:s16] =	ssyncset.done $0x0  }
.LBB2_8:
0x59: {  	s25 =	sadd.s32 s23, s14  }
0x5a: {  	[sflag:s16] =	ssyncadd.s32 $0xFFFFD800;
	s26 =	smov.u32 s24;
	s28 =	sadd.s32 $0xA, s24  }
0x5b: {  	[tilespmem:s17], [sflag:$0x2] =	stream.linear.gather [hbm4b:s25+s3], $0x50, $0x38;
	[tilespmem:$0x1A900] =	vst v63  }
0x5c: {  	p1 =	sne.s32 s24, $0x9BA;
	_ =	swait.ge [sflag:s16], $0x50  }
0x5d: {  	[sflag:s16] =	ssyncset.done $0x0  }
0x5e: {  	s24 =	sadd.s32 s23, s13;
	s23 =	smov.u32 s26;
	[sflag:s16] =	ssyncadd.s32 $0xFFFFFFB0  }
0x5f: {  	[tilespmem:s18], [sflag:$0x2] =	stream.linear.gather [hbm4b:s24+s3], $0x50, $0x38;
	[tilespmem:$0x1A900] =	vst v63  }
0x60: {  	_ =	swait.ge [sflag:s16], $0x50  }
0x61: {  	[sflag:s16] =	ssyncset.done $0x0  }
0x62: {  	[sflag:s16] =	ssyncadd.s32 $0xFFFFFFB0  }
0x63: {  	[tilespmem:s20], [sflag:$0x1] =	stream.indirect.gather [hbm4b:s5+s19], $0x80, s17, s19, $0xb8;
	[tilespmem:$0x1A900] =	vst v63  }
0x64: {  	_ =	swait.ge [sflag:s21], $0x2800  }
.Ltmp4:
0x65: {  	[sflag:s21] =	ssyncset.done $0x0;
	(pc) =	sbr.rel @p1 .LBB2_8-.Ltmp4, $4  }
0x66: {  	[sflag:s21] =	ssyncadd.s32 $0xFFFFD800  }
0x67: {  	[spmem:s1] =	stream.indirect.scatter.add.f32 [tilespmem:s20], [sflag:$0x2], $0x80, s18, s19, $0xb8;
	[tilespmem:$0x1A900] =	vst v63  }
0x68: {  	_ =	swait.ge [sflag:s16], $0x2800  }
0x69: {  	s24 =	smov.u32 s28;
	[sflag:s16] =	ssyncset.done $0x0  }
0x6a: {  	s24 =	sadd.s32 s23, s14;
	[sflag:s16] =	ssyncadd.s32 $0xFFFFD800  }
0x6b: {  	[tilespmem:s17], [sflag:$0x2] =	stream.linear.gather [hbm4b:s24+s3], $0x50, $0x38;
	[tilespmem:$0x1A900] =	vst v63  }
0x6c: {  	_ =	swait.ge [sflag:s16], $0x50  }
0x6d: {  	[sflag:s16] =	ssyncset.done $0x0  }
0x6e: {  	s31 =	sadd.s32 s23, s13;
	[sflag:s16] =	ssyncadd.s32 $0xFFFFFFB0  }
0x6f: {  	[tilespmem:s18], [sflag:$0x2] =	stream.linear.gather [hbm4b:s31+s3], $0x50, $0x38;
	[tilespmem:$0x1A900] =	vst v63  }
0x70: {  	_ =	swait.ge [sflag:s16], $0x50  }
0x71: {  	[sflag:s16] =	ssyncset.done $0x0  }
0x72: {  	[sflag:s16] =	ssyncadd.s32 $0xFFFFFFB0  }
0x73: {  	[tilespmem:s20], [sflag:$0x1] =	stream.indirect.gather [hbm4b:s5+s19], $0x80, s17, s19, $0xb8;
	[tilespmem:$0x1A900] =	vst v63  }
0x74: {  	_ =	swait.ge [sflag:s21], $0x2800  }
0x75: {  	[sflag:s21] =	ssyncset.done $0x0  }
.Ltmp5:
0x76: {  	[sflag:s21] =	ssyncadd.s32 $0xFFFFD800;
	(pc) =	sbr.rel .LBB2_10-.Ltmp5, $4  }
0x77: {  	[spmem:s1] =	stream.indirect.scatter.add.f32 [tilespmem:s20], [sflag:$0x2], $0x80, s18, s19, $0xb8;
	[tilespmem:$0x1A900] =	vst v63  }
0x78: {  	_ =	swait.ge [sflag:s16], $0x2800  }
0x79: {  	[sflag:s16] =	ssyncset.done $0x0  }
0x7a: {  	[sflag:s16] =	ssyncadd.s32 $0xFFFFD800  }
.LBB2_4:
0x7b: {  	[tilespmem:s17], [sflag:$0x2] =	stream.linear.gather [hbm4b:s23+s3], $0x50, $0x38;
	[tilespmem:$0x1A900] =	vst v63  }
0x7c: {  	_ =	swait.ge [sflag:s16], $0x50  }
0x7d: {  	[sflag:s16] =	ssyncset.done $0x0  }
0x7e: {  	s31 =	sadd.s32 $0x0, s13;
	[sflag:s16] =	ssyncadd.s32 $0xFFFFFFB0  }
0x7f: {  	[tilespmem:s18], [sflag:$0x2] =	stream.linear.gather [hbm4b:s31+s3], $0x50, $0x38;
	[tilespmem:$0x1A900] =	vst v63  }
0x80: {  	_ =	swait.ge [sflag:s16], $0x50  }
0x81: {  	[sflag:s16] =	ssyncset.done $0x0  }
0x82: {  	[sflag:s16] =	ssyncadd.s32 $0xFFFFFFB0  }
0x83: {  	[tilespmem:s20], [sflag:$0x1] =	stream.indirect.gather [hbm4b:s4+s19], $0x80, s17, s19, $0xb8;
	[tilespmem:$0x1A900] =	vst v63  }
0x84: {  	_ =	swait.ge [sflag:s21], $0x2800  }
0x85: {  	[sflag:s21] =	ssyncset.done $0x0  }
0x86: {  	[sflag:s21] =	ssyncadd.s32 $0xFFFFD800  }
0x87: {  	[spmem:s1] =	stream.indirect.scatter.add.f32 [tilespmem:s20], [sflag:$0x2], $0x80, s18, s19, $0xb8;
	[tilespmem:$0x1A900] =	vst v63  }
0x88: {  	_ =	swait.ge [sflag:s16], $0x2800  }
0x89: {  	s23 =	simm.s32 $0xA;
	s24 =	simm.s32 $0x14;
	[sflag:s16] =	ssyncset.done $0x0  }
.LBB2_5:
0x8a: {  	s25 =	sadd.s32 s23, s14  }
0x8b: {  	[sflag:s16] =	ssyncadd.s32 $0xFFFFD800;
	s26 =	smov.u32 s24;
	s28 =	sadd.s32 $0xA, s24  }
0x8c: {  	[tilespmem:s17], [sflag:$0x2] =	stream.linear.gather [hbm4b:s25+s3], $0x50, $0x38;
	[tilespmem:$0x1A900] =	vst v63  }
0x8d: {  	p1 =	seq.s32 s24, $0x9BA;
	_ =	swait.ge [sflag:s16], $0x50  }
0x8e: {  	[sflag:s16] =	ssyncset.done $0x0  }
0x8f: {  	s24 =	sadd.s32 s23, s13;
	s23 =	smov.u32 s26;
	[sflag:s16] =	ssyncadd.s32 $0xFFFFFFB0  }
0x90: {  	[tilespmem:s18], [sflag:$0x2] =	stream.linear.gather [hbm4b:s24+s3], $0x50, $0x38;
	[tilespmem:$0x1A900] =	vst v63  }
0x91: {  	_ =	swait.ge [sflag:s16], $0x50  }
0x92: {  	[sflag:s16] =	ssyncset.done $0x0  }
0x93: {  	[sflag:s16] =	ssyncadd.s32 $0xFFFFFFB0  }
0x94: {  	[tilespmem:s20], [sflag:$0x1] =	stream.indirect.gather [hbm4b:s4+s19], $0x80, s17, s19, $0xb8;
	[tilespmem:$0x1A900] =	vst v63  }
0x95: {  	_ =	swait.ge [sflag:s21], $0x2800  }
.Ltmp6:
0x96: {  	[sflag:s21] =	ssyncset.done $0x0;
	(pc) =	sbr.rel @!p1 .LBB2_5-.Ltmp6, $4  }
0x97: {  	[sflag:s21] =	ssyncadd.s32 $0xFFFFD800  }
0x98: {  	[spmem:s1] =	stream.indirect.scatter.add.f32 [tilespmem:s20], [sflag:$0x2], $0x80, s18, s19, $0xb8;
	[tilespmem:$0x1A900] =	vst v63  }
0x99: {  	_ =	swait.ge [sflag:s16], $0x2800  }
0x9a: {  	s24 =	smov.u32 s28;
	[sflag:s16] =	ssyncset.done $0x0  }
.Ltmp7:
0x9b: {  	_ = 	snop;
	(pc) =	sbr.rel .LBB2_6-.Ltmp7, $1  }
0x9c: {  	_ =	sdelay $0x3  }
.LBB2_11:
0x9d: {  	_ =	sfence.sel $0x180000  }
0x9e: {  	[bflag:$0x0] =	sbarrier.arrive $0xFFFF  }
0x9f: {  	p0 =	sne.s32 s2, $0x0;
	_ =	strace $0x90000053  }
0xa0: {  	s0 =	sadd.s32 @!p0 $0x100000, s0;
	[bflag:$0x2] =	sbarrier.arrive $0xFFFF  }
0xa1: {  	[sflag:s0] =	ssyncadd.tile.s32 @!p0 $0x1;
	_ =	shalt  }
.Lfunc_end2:
_tile_overlayer_lowered:
.L_overlay_start_2:
0xa2: {  	(tag) =	ssettag $0x2  }
0xa3: {  	s0 =	rddreg [dreg:$0x0];
	s2 =	stileid.u32  }
0xa4: {  	s1 =	rddreg [dreg:$0x1];
	p0 =	sne.s32 s2, $0x0  }
0xa5: {  	s3 =	rddreg [dreg:$0x2];
	[bflag:$0x3] =	sbarrier.arrive $0xFFFF;
	s2 =	simm.s32 @!p0 $0x1C02  }
0xa6: {  	[timem:s3], [sflag:s2] =	dma.local @!p0 [hbm:s0], s1  }
0xa7: {  	s0 =	simm.s32 @!p0 $0x2  }
0xa8: {  	_ =	swait.ge @!p0 [sflag:s0], s1  }
0xa9: {  	s1 =	ssub.s32 @!p0 $0x0, s1;
	[sflag:s0] =	ssyncset.done @!p0 $0x0  }
0xaa: {  	[sflag:s0] =	ssyncadd.s32 @!p0 s1  }
0xab: {  	[bflag:$0x3] =	sbarrier.arrive $0xFFFF  }
0xac: {  	_ =	shalt  }

// kernel: kernel.29.cloned.1.call-start
scs
__scs_entry_jumppad:
0x0: {  	(pc) =	sbr.rel $0x88, $3  }
0x1: {  	(tag) =	ssettag $0x0;
	lr =	simm.s32 $0x1  }
0x2: {  	[smem:$0x3F93] =	sst lr;
	_ =	strace $0xD0000000  }
0x3: {  	_ = 	snop  }
0x4: {  	_ = 	snop  }
0x5: {  	_ = 	snop  }
0x6: {  	_ = 	snop  }
0x7: {  	_ = 	snop  }
__scs_overlays_trampoline_lowered:
0x8: {  	[smem:$0x3FA2] =	sst s0  }
0x9: {  	[smem:$0x3FA3] =	sst s1  }
0xa: {  	[smem:$0x3FA4] =	sst s2  }
0xb: {  	[smem:$0x3FA5] =	sst s3  }
0xc: {  	[smem:$0x3FA6] =	sst s4  }
0xd: {  	[smem:$0x3FA7] =	sst s5  }
0xe: {  	[smem:$0x3FA8] =	sst s6  }
0xf: {  	[smem:$0x3FA9] =	sst s7  }
0x10: {  	[smem:$0x3FAA] =	sst s8  }
0x11: {  	[smem:$0x3FAB] =	sst s9;
	s0 =	simm.s32 @!p0 $0x0  }
0x12: {  	s1 =	sld [smem:$0x3F91];
	s0 =	simm.s32 @p0 $0x1  }
0x13: {  	[smem:$0x3FAC] =	sst s0;
	s0 =	simm.s32 @!p1 $0x0  }
0x14: {  	s2 =	sld [smem:$0x3F90];
	s0 =	simm.s32 @p1 $0x1  }
0x15: {  	[smem:$0x3FAD] =	sst s0;
	s0 =	simm.s32 @!p2 $0x0  }
0x16: {  	s3 =	sld [smem:$0x3FDB];
	s0 =	simm.s32 @p2 $0x1  }
0x17: {  	s4 =	simm.s32 $0x1BF5;
	[smem:$0x3FAF] =	sst s0  }
0x18: {  	s0 =	sld [smem:$0x3F92];
	_ =	swait.ge [sflag:s4], $0x0  }
0x19: {  	s7 =	sld [smem:$0x3F93]  }
0x1a: {  	s8 =	sadd.s32 $0xFFFFE003, lr  }
0x1b: {  	s9 =	sadd.s32 $0xFFFFFEF7, lr;
	s5 =	simm.s32 $0xFFFFFFFF;
	p2 =	slt.u32 s8, $0xFFFFF086  }
0x1c: {  	p1 =	slt.u32 s9, $0xF7A;
	s5 =	simm.s32 @!p2 $0x0  }
0x1d: {  	s5 =	simm.s32 @p1 $0x1;
	p0 =	seq.s32 s7, s2  }
0x1e: {  	s7 =	smul.u32 @!p0 $0xF7A, s2;
	p2 =	seq.s32 @!p0 s5, $0x0  }
0x1f: {  	s9 =	smul.u32 $0xF7A, s1;
	s8 =	simm.s32 @!p0 $0x1BF5;
	p2 =	por !p2, p0  }
0x20: {  	[sflag:s8] =	ssyncset.s32 @!p0 $0xFFFFF086;
	s6 =	sadd.s32 @!p0 s3, s7;
	s7 =	simm.s32 @!p0 $0x108  }
0x21: {  	s3 =	sadd.s32 s3, s9;
	s6 =	sadd.s32 @!p0 $0x88, s6;
	s7 =	simm.s32 @p2 $0x1082  }
0x22: {  	[simem:s7], [sflag:s8] =	dma.local @!p0 [hbm:s6], $0xF7A  }
0x23: {  	s9 =	sor.u32 $0xD0000000, s2;
	s6 =	simm.s32 $0x108;
	_ =	swait.ge @!p0 [sflag:s8], $0x0  }
0x24: {  	s3 =	sadd.s32 $0x88, s3;
	s6 =	simm.s32 @!p1 $0x1082;
	[sflag:s4] =	ssyncset.s32 $0xFFFFF086  }
0x25: {  	[simem:s6], [sflag:s4] =	dma.local [hbm:s3], $0xF7A  }
0x26: {  	[smem:$0x3F93] =	sst s1;
	(tag) =	ssettag s2;
	_ =	strace s9  }
0x27: {  	s1 =	sld [smem:$0x3FA3]  }
0x28: {  	s2 =	sld [smem:$0x3FA4]  }
0x29: {  	s4 =	sld [smem:$0x3FA6]  }
0x2a: {  	p0 =	seq.s32 s5, $0x0;
	s5 =	sld [smem:$0x3FA7]  }
0x2b: {  	s6 =	sld [smem:$0x3FA8]  }
0x2c: {  	s7 =	sld [smem:$0x3FA9]  }
0x2d: {  	s3 =	simm.s32 $0x108;
	s8 =	sld [smem:$0x3FAA]  }
0x2e: {  	s3 =	simm.s32 @!p0 $0x1082;
	s9 =	sld [smem:$0x3FAB]  }
0x2f: {  	lr =	sadd.s32 s0, s3;
	s0 =	sld [smem:$0x3FA2]  }
0x30: {  	s3 =	sld [smem:$0x3FA5]  }
0x31: {  	[smem:$0x3FAE] =	sst s10  }
0x32: {  	s10 =	sld [smem:$0x3FAC];
	_ =	sdelay $0x3  }
0x33: {  	p0 =	seq.s32 s10, $0x1;
	s10 =	sld [smem:$0x3FAE];
	_ =	sdelay $0x3  }
0x34: {  	[smem:$0x3FAE] =	sst s10  }
0x35: {  	s10 =	sld [smem:$0x3FAD];
	_ =	sdelay $0x3  }
0x36: {  	p1 =	seq.s32 s10, $0x1;
	s10 =	sld [smem:$0x3FAE];
	_ =	sdelay $0x3  }
0x37: {  	[smem:$0x3FAE] =	sst s10  }
0x38: {  	s10 =	sld [smem:$0x3FAF]  }
0x39: {  	_ = 	snop;
	(pc) =	sbr.ind lr, $3  }
0x3a: {  	_ = 	snop  }
0x3b: {  	_ = 	snop  }
0x3c: {  	p2 =	seq.s32 s10, $0x1;
	s10 =	sld [smem:$0x3FAE]  }
0x3d: {  	_ =	shalt  }
0x3e: {  	_ =	shalt  }
0x3f: {  	_ =	shalt  }
0x40: {  	_ =	shalt  }
0x41: {  	_ =	shalt  }
0x42: {  	_ =	shalt  }
0x43: {  	_ =	shalt  }
0x44: {  	_ =	shalt  }
0x45: {  	_ =	shalt  }
0x46: {  	_ =	shalt  }
0x47: {  	_ =	shalt  }
0x48: {  	_ =	shalt  }
0x49: {  	_ =	shalt  }
0x4a: {  	_ =	shalt  }
0x4b: {  	_ =	shalt  }
0x4c: {  	_ =	shalt  }
0x4d: {  	_ =	shalt  }
0x4e: {  	_ =	shalt  }
0x4f: {  	_ =	shalt  }
0x50: {  	_ =	shalt  }
0x51: {  	_ =	shalt  }
0x52: {  	_ =	shalt  }
0x53: {  	_ =	shalt  }
0x54: {  	_ =	shalt  }
0x55: {  	_ =	shalt  }
0x56: {  	_ =	shalt  }
0x57: {  	_ =	shalt  }
0x58: {  	_ =	shalt  }
0x59: {  	_ =	shalt  }
0x5a: {  	_ =	shalt  }
0x5b: {  	_ =	shalt  }
0x5c: {  	_ =	shalt  }
0x5d: {  	_ =	shalt  }
0x5e: {  	_ =	shalt  }
0x5f: {  	_ =	shalt  }
0x60: {  	_ =	shalt  }
0x61: {  	_ =	shalt  }
0x62: {  	_ =	shalt  }
0x63: {  	_ =	shalt  }
0x64: {  	_ =	shalt  }
0x65: {  	_ =	shalt  }
0x66: {  	_ =	shalt  }
0x67: {  	_ =	shalt  }
0x68: {  	_ =	shalt  }
0x69: {  	_ =	shalt  }
0x6a: {  	_ =	shalt  }
0x6b: {  	_ =	shalt  }
0x6c: {  	_ =	shalt  }
0x6d: {  	_ =	shalt  }
0x6e: {  	_ =	shalt  }
0x6f: {  	_ =	shalt  }
0x70: {  	_ =	shalt  }
0x71: {  	_ =	shalt  }
0x72: {  	_ =	shalt  }
0x73: {  	_ =	shalt  }
0x74: {  	_ =	shalt  }
0x75: {  	_ =	shalt  }
0x76: {  	_ =	shalt  }
0x77: {  	_ =	shalt  }
0x78: {  	_ =	shalt  }
0x79: {  	_ =	shalt  }
0x7a: {  	_ =	shalt  }
0x7b: {  	_ =	shalt  }
0x7c: {  	_ =	shalt  }
0x7d: {  	_ =	shalt  }
0x7e: {  	_ =	shalt  }
0x7f: {  	_ =	shalt  }
0x80: {  	_ =	shalt  }
0x81: {  	_ =	shalt  }
0x82: {  	_ =	shalt  }
0x83: {  	_ =	shalt  }
0x84: {  	_ =	shalt  }
0x85: {  	_ =	shalt  }
0x86: {  	_ =	shalt  }
0x87: {  	_ =	shalt  }
.Lfunc_end0:
.L_simem_size_0:
called_computation.5_lowered:
.L_overlay_start_0:
0x88: {  	s2 =	sld [smem:$0x3FD9]  }
0x89: {  	s3 =	sld [smem:$0x3FFE];
	_ =	sdelay $0x1  }
0x8a: {  	s1 =	srdreg.scid  }
0x8b: {  	s0 =	sand.u32 $0x1, s1  }
0x8c: {  	s17 =	sshll.u32 s0, $0xA;
	s2 =	sadd.s32 s3, s2  }
0x8d: {  	s2 =	sadd.s32 s2, s17  }
0x8e: {  	[smem:$0x3FBA] =	sst s2  }
0x8f: {  	_ = 	snop  }
0x90: {  	s2 =	sld [smem:$0x3FD0];
	(tm) =	ssettm $0x1  }
0x91: {  	s18 =	sld [smem:$0x3FFB];
	_ =	sdelay $0x3  }
0x92: {  	_ =	strace s18  }
0x93: {  	s3 =	sld [smem:$0x3FFC];
	_ =	sdelay $0x3  }
0x94: {  	_ =	strace s3  }
0x95: {  	s3 =	sld [smem:$0x3FFD];
	_ =	sdelay $0x3  }
0x96: {  	_ =	strace s3  }
0x97: {  	_ =	strace $0x8FFFFFFF  }
0x98: {  	s19 =	sld [smem:$0x3FDB];
	_ =	sdelay $0x1  }
0x99: {  	s4 =	simm.s32 $_scs_section_size  }
0x9a: {  	s5 =	simm.s32 $_size__tile_overlayer_lowered;
	s6 =	simm.s32 $_tile_overlayer_lowered  }
0x9b: {  	s22 =	simm.s32 $0x1BFF;
	s21 =	sshll.u32 s6, $0x1;
	s3 =	sadd.s32 s4, s19  }
0x9c: {  	s7 =	simm.s32 $0x0;
	s20 =	sshll.u32 s5, $0x1;
	s5 =	sadd.s32 s21, s3  }
0x9d: {  	[timem:s7], [sflag:s22] =	dma.local [hbm:s5], s20  }
0x9e: {  	_ =	swait.ge [sflag:s22], s20  }
0x9f: {  	s4 =	ssub.s32 $0x0, s20;
	[sflag:s22] =	ssyncset.done $0x0  }
0xa0: {  	[sflag:s22] =	ssyncadd.s32 s4;
	_ =	sdelay $0x1  }
0xa1: {  	s23 =	simm.s32 $0x1B8B  }
0xa2: {  	_ =	swait.ge [sflag:s23], $0x1  }
0xa3: {  	[sflag:s23] =	ssyncset.done $0x0  }
0xa4: {  	s25 =	simm.s32 $0x1B8E;
	s24 =	sld [smem:$0x3FFE];
	[sflag:s23] =	ssyncadd.s32 $0xFFFFFFFF  }
0xa5: {  	s26 =	simm.s32 $execute0_lowered;
	[smem:$0x3FD2] =	sst s25  }
0xa6: {  	s5 =	sshll.u32 s26, $0x1;
	_ =	strace $0x80000055;
	[dreg:$0x1] =	wrdreg $0xFFFFFFFF  }
0xa7: {  	s28 =	simm.s32 $_size_execute0_lowered;
	s3 =	sadd.s32 s3, s5;
	[dreg:$0x0] =	wrdreg $0x0  }
0xa8: {  	s5 =	sshll.u32 s28, $0x1;
	[dreg:$0x2] =	wrdreg s3  }
0xa9: {  	[dreg:$0x3] =	wrdreg s5  }
0xaa: {  	[dreg:$0x4] =	wrdreg $0xC0  }
0xab: {  	_ =	task [dreg:s7], $0x5FFFF  }
0xac: {  	[dreg:$0x1] =	wrdreg $0xFFFFFFFF  }
0xad: {  	[dreg:$0x0] =	wrdreg $0x60  }
0xae: {  	[dreg:$0x2] =	wrdreg s24  }
0xaf: {  	[dreg:$0x3] =	wrdreg s2  }
0xb0: {  	[dreg:$0x4] =	wrdreg $0x0  }
0xb1: {  	[dreg:$0x5] =	wrdreg $0x9  }
0xb2: {  	_ =	task.clear_ibuf [dreg:s7], $0x6FFFF;
	_ =	strace $0x90000055  }
0xb3: {  	s29 =	simm.s32 $0x9;
	_ =	strace $0x80000057  }
0xb4: {  	_ =	swait.ge [sflag:s29], $0x1  }
0xb5: {  	[sflag:s29] =	ssyncadd.s32 $0xFFFFFFFF  }
0xb6: {  	_ =	strace $0x90000057  }
0xb7: {  	_ =	sfence  }
0xb8: {  	s30 =	sld [smem:$0x0];
	_ =	sdelay $0x2  }
0xb9: {  	s31 =	sshll.u32 s1, $0xD;
	s1 =	sshrl.u32 s1, $0x2  }
0xba: {  	s3 =	sand.u32 $0x4000, s31;
	s1 =	sadd.s32 s1, s30  }
0xbb: {  	s0 =	sor.u32 s3, s0;
	s1 =	sshll.u32 s1, $0x11  }
0xbc: {  	s0 =	sor.u32 s1, s0  }
0xbd: {  	s0 =	sadd.s32 $0x8F2B, s0  }
0xbe: {  	[sflag:s0] =	ssyncadd.remote.s32 $0x1  }
0xbf: {  	_ =	sfence.sel $0xFFFF  }
0xc0: {  	[dreg:$0x0] =	wrdreg $0xFFFFFFFF;
	(pc) =	sbr.abs _section_cstart, $3  }
0xc1: {  	[dreg:$0x1] =	wrdreg $0xFFFFFFFF  }
0xc2: {  	_ =	task.clear_ibuf [dreg:s7], $0x2FFFF;
	_ =	strace $0x9FFFFFFF  }
0xc3: {  	(tm) =	ssettm $0x7FFFFFFF  }
tec
execute0_lowered:
.L_overlay_start_1:
0x0: {  	(tag) =	ssettag $0x1  }
0x1: {  	s5 =	rddreg [dreg:$0x0]  }
0x2: {  	s10 =	rddreg [dreg:$0x1]  }
0x3: {  	s1 =	rddreg [dreg:$0x2]  }
0x4: {  	s2 =	srdreg.scid;
	s0 =	rddreg [dreg:$0x3];
	s3 =	simm.s32 $0x0  }
0x5: {  	s15 =	simm.s32 $0x2;
	s16 =	simm.s32 $0x18000;
	s6 =	sand.u32 $0x1, s2  }
0x6: {  	s17 =	simm.s32 $0x18080;
	s2 =	stileid.u32;
	s7 =	smul.u32 $0x27100, s6  }
0x7: {  	s18 =	simm.s32 $0x50;
	s19 =	simm.s32 $0x18100;
	s8 =	smul.u32 $0x2710, s2  }
0x8: {  	s20 =	simm.s32 $0x1;
	s21 =	simm.s32 $0x0;
	s30 =	smul.u32 $0x50000, s2  }
0x9: {  	[smem:$0x7FF] =	sst s3;
	s4 =	sadd.s32 $0xF4800, s5;
	s11 =	smul.u32 $0x140000, s6  }
0xa: {  	_ =	strace $0x80000056;
	s9 =	ssub.s32 $0x2, s6;
	s12 =	smul.u32 $0x14000, s2  }
0xb: {  	s31 =	sshrl.u32 s9, $0x1;
	s7 =	sadd.s32 s8, s7;
	s8 =	sshrl.u32 s30, $0x2  }
0xc: {  	s14 =	ssub.s32 s9, s31;
	s11 =	sadd.s32 s12, s11;
	s7 =	sshrl.u32 s7, $0x3  }
0xd: {  	s11 =	sshrl.u32 s11, $0x3;
	s13 =	sadd.s32 s7, s5;
	s5 =	sadd.s32 s8, s1  }
0xe: {  	s10 =	sadd.s32 s10, s11;
	s11 =	smax.u32 s14, $0x1;
	s14 =	simm.s32 $0x14000  }
0xf: {  	s6 =	sadd.s32 $0x4000, s5;
	s7 =	sadd.s32 $0x8000, s5;
	s8 =	sadd.s32 $0xC000, s5  }
0x10: {  	v0 =	vimm.f32 $0.0e+00;
	s9 =	sadd.s32 $0x10000, s5;
	s12 =	sadd.s32 $0xD6E00, s13;
	s13 =	sadd.s32 $0xEAA00, s13  }
.LBB2_1:
0x11: {  	s22 =	sand.u32 $0xFE00, s3  }
0x12: {  	s23 =	sand.u32 $0x70, s3;
	s24 =	sshrl.u32 s22, $0x2  }
0x13: {  	s22 =	simm.s32 $0x40;
	s24 =	sor.u32 s23, s24;
	s23 =	simm.s32 $0x0  }
.LBB2_2:
0x14: {  	p0 =	sne.s32 s22, $0xFFC0  }
0x15: {  	[tilespmem:s24+$0x14000] =	vst v0;
	s23 =	sadd.s32 $0x10, s23;
	s24 =	smov.u32 s22;
	s22 =	sadd.s32 $0x40, s22  }
.Ltmp0:
0x16: {  	(pc) =	sbr.rel @p0 .LBB2_2-.Ltmp0, $4  }
0x17: {  	_ = 	snop  }
0x18: {  	s24 =	sand.u32 $0xFE00, s24  }
0x19: {  	s25 =	sand.u32 $0x70, s23;
	s24 =	sshrl.u32 s24, $0x2  }
0x1a: {  	s24 =	sor.u32 s25, s24  }
0x1b: {  	[tilespmem:s24+$0x14000] =	vst v0  }
0x1c: {  	[spmem:s5] =	stream.linear.scatter [tilespmem:s14], [sflag:$0x2], $0x4000, $0x38;
	[tilespmem:$0x1A900] =	vst v63  }
0x1d: {  	_ =	swait.ge [sflag:s15], $0x4000  }
0x1e: {  	[sflag:s15] =	ssyncset.done $0x0  }
0x1f: {  	[sflag:s15] =	ssyncadd.s32 $0xFFFFC000  }
0x20: {  	[spmem:s6] =	stream.linear.scatter [tilespmem:s14], [sflag:$0x2], $0x4000, $0x38;
	[tilespmem:$0x1A900] =	vst v63  }
0x21: {  	_ =	swait.ge [sflag:s15], $0x4000  }
0x22: {  	[sflag:s15] =	ssyncset.done $0x0  }
0x23: {  	[sflag:s15] =	ssyncadd.s32 $0xFFFFC000  }
0x24: {  	[spmem:s7] =	stream.linear.scatter [tilespmem:s14], [sflag:$0x2], $0x4000, $0x38;
	[tilespmem:$0x1A900] =	vst v63  }
0x25: {  	_ =	swait.ge [sflag:s15], $0x4000  }
0x26: {  	[sflag:s15] =	ssyncset.done $0x0  }
0x27: {  	[sflag:s15] =	ssyncadd.s32 $0xFFFFC000  }
0x28: {  	[spmem:s8] =	stream.linear.scatter [tilespmem:s14], [sflag:$0x2], $0x4000, $0x38;
	[tilespmem:$0x1A900] =	vst v63  }
0x29: {  	_ =	swait.ge [sflag:s15], $0x4000  }
0x2a: {  	[sflag:s15] =	ssyncset.done $0x0  }
0x2b: {  	[sflag:s15] =	ssyncadd.s32 $0xFFFFC000  }
0x2c: {  	[spmem:s9] =	stream.linear.scatter [tilespmem:s14], [sflag:$0x2], $0x4000, $0x38;
	[tilespmem:$0x1A900] =	vst v63  }
0x2d: {  	_ =	swait.ge [sflag:s15], $0x4000  }
0x2e: {  	[sflag:s15] =	ssyncset.done $0x0  }
0x2f: {  	[sflag:s15] =	ssyncadd.s32 $0xFFFFC000  }
0x30: {  	s22 =	sadd.s32 $0x0, s13;
	[bflag:$0x0] =	sbarrier.arrive $0xFFFF  }
0x31: {  	[tilespmem:s16], [sflag:$0x2] =	stream.linear.gather [hbm4b:s22+s3], $0x50, $0x38;
	[tilespmem:$0x1A900] =	vst v63  }
0x32: {  	_ =	swait.ge [sflag:s15], $0x50  }
0x33: {  	[sflag:s15] =	ssyncset.done $0x0  }
0x34: {  	s31 =	sadd.s32 $0x0, s12;
	[sflag:s15] =	ssyncadd.s32 $0xFFFFFFB0  }
0x35: {  	[tilespmem:s17], [sflag:$0x2] =	stream.linear.gather [hbm4b:s31+s3], $0x50, $0x38;
	[tilespmem:$0x1A900] =	vst v63  }
0x36: {  	_ =	swait.ge [sflag:s15], $0x50  }
0x37: {  	[sflag:s15] =	ssyncset.done $0x0  }
0x38: {  	[sflag:s15] =	ssyncadd.s32 $0xFFFFFFB0  }
0x39: {  	[tilespmem:s19], [sflag:$0x1] =	stream.indirect.gather [hbm4b:s4+s18], $0x80, s16, s18, $0xb8;
	[tilespmem:$0x1A900] =	vst v63  }
0x3a: {  	_ =	swait.ge [sflag:s20], $0x2800  }
0x3b: {  	[sflag:s20] =	ssyncset.done $0x0  }
0x3c: {  	[sflag:s20] =	ssyncadd.s32 $0xFFFFD800  }
0x3d: {  	[spmem:s1] =	stream.indirect.scatter.add.f32 [tilespmem:s19], [sflag:$0x2], $0x80, s17, s18, $0xb8;
	[tilespmem:$0x1A900] =	vst v63  }
0x3e: {  	_ =	swait.ge [sflag:s15], $0x2800  }
0x3f: {  	s23 =	simm.s32 $0x14;
	s22 =	simm.s32 $0xA;
	[sflag:s15] =	ssyncset.done $0x0  }
.LBB2_4:
0x40: {  	s24 =	sadd.s32 s22, s13  }
0x41: {  	[sflag:s15] =	ssyncadd.s32 $0xFFFFD800;
	s25 =	smov.u32 s23;
	s26 =	sadd.s32 $0xA, s23  }
0x42: {  	[tilespmem:s16], [sflag:$0x2] =	stream.linear.gather [hbm4b:s24+s3], $0x50, $0x38;
	[tilespmem:$0x1A900] =	vst v63  }
0x43: {  	p0 =	sne.s32 s23, $0x4D8;
	_ =	swait.ge [sflag:s15], $0x50  }
0x44: {  	[sflag:s15] =	ssyncset.done $0x0  }
0x45: {  	s23 =	sadd.s32 s22, s12;
	s22 =	smov.u32 s25;
	[sflag:s15] =	ssyncadd.s32 $0xFFFFFFB0  }
0x46: {  	[tilespmem:s17], [sflag:$0x2] =	stream.linear.gather [hbm4b:s23+s3], $0x50, $0x38;
	[tilespmem:$0x1A900] =	vst v63  }
0x47: {  	_ =	swait.ge [sflag:s15], $0x50  }
0x48: {  	[sflag:s15] =	ssyncset.done $0x0  }
0x49: {  	[sflag:s15] =	ssyncadd.s32 $0xFFFFFFB0  }
0x4a: {  	[tilespmem:s19], [sflag:$0x1] =	stream.indirect.gather [hbm4b:s4+s18], $0x80, s16, s18, $0xb8;
	[tilespmem:$0x1A900] =	vst v63  }
0x4b: {  	_ =	swait.ge [sflag:s20], $0x2800  }
.Ltmp1:
0x4c: {  	[sflag:s20] =	ssyncset.done $0x0;
	(pc) =	sbr.rel @p0 .LBB2_4-.Ltmp1, $4  }
0x4d: {  	[sflag:s20] =	ssyncadd.s32 $0xFFFFD800  }
0x4e: {  	[spmem:s1] =	stream.indirect.scatter.add.f32 [tilespmem:s19], [sflag:$0x2], $0x80, s17, s18, $0xb8;
	[tilespmem:$0x1A900] =	vst v63  }
0x4f: {  	_ =	swait.ge [sflag:s15], $0x2800  }
0x50: {  	s23 =	smov.u32 s26;
	[sflag:s15] =	ssyncset.done $0x0  }
0x51: {  	s23 =	sadd.s32 s22, s13;
	[sflag:s15] =	ssyncadd.s32 $0xFFFFD800  }
0x52: {  	[tilespmem:s16], [sflag:$0x2] =	stream.linear.gather [hbm4b:s23+s3], $0x50, $0x38;
	[tilespmem:$0x1A900] =	vst v63  }
0x53: {  	_ =	swait.ge [sflag:s15], $0x50  }
0x54: {  	[sflag:s15] =	ssyncset.done $0x0  }
0x55: {  	s29 =	sadd.s32 s22, s12;
	[sflag:s15] =	ssyncadd.s32 $0xFFFFFFB0  }
0x56: {  	[tilespmem:s17], [sflag:$0x2] =	stream.linear.gather [hbm4b:s29+s3], $0x50, $0x38;
	[tilespmem:$0x1A900] =	vst v63  }
0x57: {  	_ =	swait.ge [sflag:s15], $0x50  }
0x58: {  	[sflag:s15] =	ssyncset.done $0x0  }
0x59: {  	[sflag:s15] =	ssyncadd.s32 $0xFFFFFFB0  }
0x5a: {  	[tilespmem:s19], [sflag:$0x1] =	stream.indirect.gather [hbm4b:s4+s18], $0x80, s16, s18, $0xb8;
	[tilespmem:$0x1A900] =	vst v63  }
0x5b: {  	_ =	swait.ge [sflag:s20], $0x2800  }
0x5c: {  	[sflag:s20] =	ssyncset.done $0x0  }
0x5d: {  	[sflag:s20] =	ssyncadd.s32 $0xFFFFD800  }
0x5e: {  	[spmem:s1] =	stream.indirect.scatter.add.f32 [tilespmem:s19], [sflag:$0x2], $0x80, s17, s18, $0xb8;
	[tilespmem:$0x1A900] =	vst v63  }
0x5f: {  	_ =	swait.ge [sflag:s15], $0x2800  }
0x60: {  	s30 =	sshll.u32 s2, $0x6;
	s21 =	sadd.s32 $0x1, s21;
	[sflag:s15] =	ssyncset.done $0x0  }
0x61: {  	s31 =	sshrl.u32 s5, $0x3;
	p0 =	sne.s32 s21, s11;
	[sflag:s15] =	ssyncadd.s32 $0xFFFFD800  }
.Ltmp2:
0x62: {  	s22 =	sor.u32 $0x1C02, s30;
	[bflag:$0x0] =	sbarrier.arrive $0xFFFF;
	(pc) =	sbr.rel @p0 .LBB2_1-.Ltmp2, $4  }
0x63: {  	[hbm:s10], [sflag:s22] =	dma.local [spmem:s31], $0x2800  }
0x64: {  	_ =	swait.ge [sflag:s15], $0x2800  }
0x65: {  	[sflag:s15] =	ssyncset.done $0x0  }
0x66: {  	[sflag:s15] =	ssyncadd.s32 $0xFFFFD800  }
0x67: {  	_ =	sfence.sel $0x180000  }
0x68: {  	[bflag:$0x0] =	sbarrier.arrive $0xFFFF  }
0x69: {  	p0 =	sne.s32 s2, $0x0;
	_ =	strace $0x90000056  }
0x6a: {  	s0 =	sadd.s32 @!p0 $0x100000, s0;
	[bflag:$0x2] =	sbarrier.arrive $0xFFFF  }
0x6b: {  	[sflag:s0] =	ssyncadd.tile.s32 @!p0 $0x1;
	_ =	shalt  }
.Lfunc_end2:
_tile_overlayer_lowered:
.L_overlay_start_2:
0x6c: {  	(tag) =	ssettag $0x2  }
0x6d: {  	s0 =	rddreg [dreg:$0x0];
	s2 =	stileid.u32  }
0x6e: {  	s1 =	rddreg [dreg:$0x1];
	p0 =	sne.s32 s2, $0x0  }
0x6f: {  	s3 =	rddreg [dreg:$0x2];
	[bflag:$0x3] =	sbarrier.arrive $0xFFFF;
	s2 =	simm.s32 @!p0 $0x1C02  }
0x70: {  	[timem:s3], [sflag:s2] =	dma.local @!p0 [hbm:s0], s1  }
0x71: {  	s0 =	simm.s32 @!p0 $0x2  }
0x72: {  	_ =	swait.ge @!p0 [sflag:s0], s1  }
0x73: {  	s1 =	ssub.s32 @!p0 $0x0, s1;
	[sflag:s0] =	ssyncset.done @!p0 $0x0  }
0x74: {  	[sflag:s0] =	ssyncadd.s32 @!p0 s1  }
0x75: {  	[bflag:$0x3] =	sbarrier.arrive $0xFFFF  }
0x76: {  	_ =	shalt  }

</sc_bundles>
